<compile_context>
chip_gen: v7x
topology: tpu7x:2x2x1
jax: 0.10.2.dev20260603
libtpu: 0.0.44.dev20260713+nightly
codegen_flags: <defaults>
</compile_context>

<pallas_src>
import functools

import jax
import jax.numpy as jnp
from jax import lax
from jax.experimental import pallas as pl
from jax.experimental.pallas import tpu as pltpu
from jax.experimental.pallas import tpu_sc as plsc

_ROWS = 16384
_COLS = 200
_N = _ROWS * _COLS
_NBINS = 10
_LANES = 16

_TC_ROWS = 9216
_SC_ROWS = _ROWS - _TC_ROWS
_TC_BLOCK = 1536
_TC_GRID = _TC_ROWS // _TC_BLOCK

_NW = 32
_ROWS_W = _SC_ROWS // _NW
_CH_ROWS = 32
_NCH = _ROWS_W // _CH_ROWS
_FULL_OFFS = (0, 16, 32, 48, 64, 80, 96, 112, 128, 144, 160, 176)
_TAIL_OFF = 184


def _tc_body(p_ref, t_ref, bins_ref, bw_ref, out_ref):
    p = p_ref[...]
    t = t_ref[...]
    l = (p - t) * (p - t)
    w = jnp.full_like(t, bw_ref[0])
    for j in range(1, _NBINS):
        w = jnp.where(t >= bins_ref[j], bw_ref[j], w)

    @pl.when(pl.program_id(0) == 0)
    def _init():
        out_ref[0, 0] = 0.0

    out_ref[0, 0] += jnp.sum(l * w)


def _sc_body(p_hbm, t_hbm, tbl_hbm, prm_hbm, out_hbm,
             pbuf, tbuf, tblv, prmv, accv, sp0, sp1, st0, st1):
    wid = lax.axis_index("s") * 2 + lax.axis_index("c")
    base = _TC_ROWS + wid * _ROWS_W
    pltpu.sync_copy(tbl_hbm, tblv)
    pltpu.sync_copy(prm_hbm, prmv)
    offset = prmv[pl.ds(0, _LANES)]
    scale = prmv[pl.ds(_LANES, _LANES)]
    tail_keep = jnp.where(lax.iota(jnp.int32, _LANES) < 8, 0.0, 1.0)

    sems_p = (sp0, sp1)
    sems_t = (st0, st1)
    copies = {}

    def start(k):
        slot = k % 2
        r0 = base + k * _CH_ROWS
        copies[("p", k)] = pltpu.async_copy(
            p_hbm.at[pl.ds(r0, _CH_ROWS), :], pbuf.at[slot], sems_p[slot])
        copies[("t", k)] = pltpu.async_copy(
            t_hbm.at[pl.ds(r0, _CH_ROWS), :], tbuf.at[slot], sems_t[slot])

    start(0)
    acc = jnp.zeros((_LANES,), jnp.float32)
    for k in range(_NCH):
        if k + 1 < _NCH:
            start(k + 1)
        copies[("p", k)].wait()
        copies[("t", k)].wait()
        slot = k % 2

        def body(r, acc):
            for c in _FULL_OFFS + (_TAIL_OFF,):
                p = pbuf[slot, r, pl.ds(c, _LANES)]
                t = tbuf[slot, r, pl.ds(c, _LANES)]
                d = p - t
                l = d * d
                idx = ((t - offset) * scale).astype(jnp.int32)
                idx = jnp.minimum(jnp.maximum(idx, 0), 9)
                w = plsc.load_gather(tblv, [idx])
                if c == _TAIL_OFF:
                    w = w * tail_keep
                acc = acc + l * w
            return acc

        acc = lax.fori_loop(0, _CH_ROWS, body, acc)
    accv[...] = acc
    pltpu.sync_copy(accv, out_hbm.at[wid])


def _combine_body(parts_ref, tc_ref, out_ref):
    out_ref[0, 0] = jnp.sum(parts_ref[...]) + tc_ref[0, 0]


def kernel(predictions, targets, bins, bin_weights):
    bw_scaled = bin_weights * (100.0 / _N)
    tbl = jnp.pad(bw_scaled, (0, _LANES - bin_weights.shape[0]))
    params = jnp.concatenate([
        jnp.full((_LANES,), bins[0], jnp.float32),
        jnp.full((_LANES,), 1.0 / (bins[1] - bins[0]), jnp.float32),
    ])
    mesh = plsc.VectorSubcoreMesh(core_axis_name="c", subcore_axis_name="s")
    sc_call = functools.partial(
        pl.kernel,
        mesh=mesh,
        compiler_params=pltpu.CompilerParams(
            needs_layout_passes=False, use_tc_tiling_on_sc=True),
        out_type=jax.ShapeDtypeStruct((_NW, _LANES), jnp.float32),
        scratch_types=[
            pltpu.VMEM((2, _CH_ROWS, _COLS), jnp.float32),
            pltpu.VMEM((2, _CH_ROWS, _COLS), jnp.float32),
            pltpu.VMEM((_LANES,), jnp.float32),
            pltpu.VMEM((2 * _LANES,), jnp.float32),
            pltpu.VMEM((_LANES,), jnp.float32),
            pltpu.SemaphoreType.DMA,
            pltpu.SemaphoreType.DMA,
            pltpu.SemaphoreType.DMA,
            pltpu.SemaphoreType.DMA,
        ],
    )(_sc_body)
    partials = sc_call(predictions, targets, tbl, params)

    tc_out = pl.pallas_call(
        _tc_body,
        grid=(_TC_GRID,),
        in_specs=[
            pl.BlockSpec((_TC_BLOCK, _COLS), lambda i: (i, 0)),
            pl.BlockSpec((_TC_BLOCK, _COLS), lambda i: (i, 0)),
            pl.BlockSpec(memory_space=pltpu.SMEM),
            pl.BlockSpec(memory_space=pltpu.SMEM),
        ],
        out_specs=pl.BlockSpec((1, 1), lambda i: (0, 0), memory_space=pltpu.SMEM),
        out_shape=jax.ShapeDtypeStruct((1, 1), jnp.float32),
    )(predictions, targets, bins, bw_scaled)

    out = pl.pallas_call(
        _combine_body,
        in_specs=[
            pl.BlockSpec((_NW, _LANES), lambda: (0, 0)),
            pl.BlockSpec(memory_space=pltpu.SMEM),
        ],
        out_specs=pl.BlockSpec(memory_space=pltpu.SMEM),
        out_shape=jax.ShapeDtypeStruct((1, 1), jnp.float32),
    )(partials, tc_out)
    return out[0, 0]

# --- scband reference (transcript-rebuilt; emitter-appended) ---
"""Pipeline reference for scband-weighted-mseloss-40200893890883 (READ-ONLY COPY).

The authoritative reference and input builder live on the scoring server;
editing this copy changes nothing except your own understanding.
"""

import jax, jax.numpy as jnp
import numpy as np

BINS = [0.0, 0.1, 0.2, 0.3, 0.4, 0.5, 0.6, 0.7, 0.8, 0.9]
BIN_WEIGHTS = [0.5, 0.8, 1.0, 1.2, 1.5, 1.5, 1.2, 1.0, 0.8, 0.5]


def setup_inputs(seed: int = 0) -> dict:
    key = jax.random.key(seed)
    k1, k2 = jax.random.split(key)
    predictions = jax.random.uniform(k1, (16384, 200), dtype=jnp.float32)
    targets = jax.random.uniform(k2, (16384, 200), dtype=jnp.float32)
    bins = jnp.array(BINS, dtype=jnp.float32)
    bin_weights = jnp.array(BIN_WEIGHTS, dtype=jnp.float32)
    return {"predictions": predictions, "targets": targets, "bins": bins, "bin_weights": bin_weights}


def reference(predictions, targets, bins, bin_weights):
    # nn.MSELoss(reduction='none') -> elementwise squared error
    loss = (predictions - targets) ** 2 * 100.0
    # torch.bucketize(targets, bins, right=True) == jnp.searchsorted(bins, targets, side='right')
    bin_indices = jnp.searchsorted(bins, targets, side='right') - 1
    batch_weights = bin_weights[bin_indices]
    weighted_loss = (loss * batch_weights).mean()
    return weighted_loss

if __name__ == "__main__":
    import jax
    _d = setup_inputs()
    print(jax.jit(kernel)(*tuple(_d.values())))

</pallas_src>

<mosaic_0001>
#map = affine_map<(d0, d1) -> (0, 0)>
#map1 = affine_map<(d0, d1) -> (0)>
module attributes {stable_mosaic.version = 14 : i64} {
  func.func @_sc_body(%arg0: i32, %arg1: i32, %arg2: memref<16384x200xf32, #tpu.memory_space<hbm>>, %arg3: memref<16384x200xf32, #tpu.memory_space<hbm>>, %arg4: memref<16xf32, #tpu.memory_space<hbm>>, %arg5: memref<32xf32, #tpu.memory_space<hbm>>, %arg6: memref<32x16xf32, #tpu.memory_space<hbm>>, %arg7: memref<2x32x200xf32, #tpu.memory_space<vmem>>, %arg8: memref<2x32x200xf32, #tpu.memory_space<vmem>>, %arg9: memref<16xf32, #tpu.memory_space<vmem>>, %arg10: memref<32xf32, #tpu.memory_space<vmem>>, %arg11: memref<16xf32, #tpu.memory_space<vmem>>, %arg12: memref<!tpu.dma_semaphore, #tpu.memory_space<semaphore_mem>>, %arg13: memref<!tpu.dma_semaphore, #tpu.memory_space<semaphore_mem>>, %arg14: memref<!tpu.dma_semaphore, #tpu.memory_space<semaphore_mem>>, %arg15: memref<!tpu.dma_semaphore, #tpu.memory_space<semaphore_mem>>) attributes {dimension_semantics = [#tpu.dimension_semantics<core_parallel>, #tpu.dimension_semantics<subcore_parallel>], iteration_bounds = array<i64: 2, 16>, scalar_prefetch = 0 : i64, scratch_operands = 9 : i64, tpu.core_type = #tpu.core_type<sc_vector_subcore>, window_params = [{transform_indices = #map}, {transform_indices = #map}, {transform_indices = #map1}, {transform_indices = #map1}, {transform_indices = #map}]} {
    %mul3A = arith.constant 2 : i32
    %mul3A_0 = arith.muli %arg1, %mul3A : i32
    %add3A = arith.addi %mul3A_0, %arg0 : i32
    %mul3A_1 = arith.constant 224 : i32
    %mul3A_2 = arith.muli %add3A, %mul3A_1 : i32
    %add3A_3 = arith.constant 9216 : i32
    %add3A_4 = arith.addi %add3A_3, %mul3A_2 : i32
    "tpu.region"() ({
      %run_scoped3A = tpu.sem_alloc : memref<!tpu.dma_semaphore, #tpu.memory_space<semaphore_mem>>
      tpu.enqueue_dma source(%arg4 : memref<16xf32, #tpu.memory_space<hbm>>) target(%arg9 : memref<16xf32, #tpu.memory_space<vmem>>) target_semaphore(%run_scoped3A : memref<!tpu.dma_semaphore, #tpu.memory_space<semaphore_mem>>)
      tpu.wait_dma2 semaphore(%run_scoped3A : memref<!tpu.dma_semaphore, #tpu.memory_space<semaphore_mem>>) src(%arg4 : memref<16xf32, #tpu.memory_space<hbm>>) dst(%arg9 : memref<16xf32, #tpu.memory_space<vmem>>)
      tpu.yield
    }) : () -> ()
    "tpu.region"() ({
      %run_scoped3A = tpu.sem_alloc : memref<!tpu.dma_semaphore, #tpu.memory_space<semaphore_mem>>
      tpu.enqueue_dma source(%arg5 : memref<32xf32, #tpu.memory_space<hbm>>) target(%arg10 : memref<32xf32, #tpu.memory_space<vmem>>) target_semaphore(%run_scoped3A : memref<!tpu.dma_semaphore, #tpu.memory_space<semaphore_mem>>)
      tpu.wait_dma2 semaphore(%run_scoped3A : memref<!tpu.dma_semaphore, #tpu.memory_space<semaphore_mem>>) src(%arg5 : memref<32xf32, #tpu.memory_space<hbm>>) dst(%arg10 : memref<32xf32, #tpu.memory_space<vmem>>)
      tpu.yield
    }) : () -> ()
    %get3A = arith.constant 0 : index
    %get3A_5 = tpu.vector_load %arg10[%get3A] {strides = array<i32>} : memref<32xf32, #tpu.memory_space<vmem>>, vector<16xf32>,
    %get3A_6 = arith.constant 16 : index
    %get3A_7 = tpu.vector_load %arg10[%get3A_6] {strides = array<i32>} : memref<32xf32, #tpu.memory_space<vmem>>, vector<16xf32>,
    %iota3A = tpu.iota {dimensions = array<i32: 0>} : vector<16xi32>
    %lt3A = arith.constant 8 : i32
    %lt3A_8 = vector.broadcast %lt3A : i32 to vector<16xi32>
    %lt3A_9 = arith.cmpi slt, %iota3A, %lt3A_8 : vector<16xi32>
    %jit3A = arith.constant 0.000000e+00 : f32
    %jit3A_10 = arith.constant 1.000000e+00 : f32
    %broadcast_in_dim3A = vector.broadcast %jit3A : f32 to vector<16xf32>
    %broadcast_in_dim3A_11 = vector.broadcast %jit3A_10 : f32 to vector<16xf32>
    %select_n3A = arith.select %lt3A_9, %broadcast_in_dim3A, %broadcast_in_dim3A_11 : vector<16xi1>, vector<16xf32>
    %add3A_12 = arith.constant 0 : i32
    %add3A_13 = arith.addi %add3A_4, %add3A_12 : i32
    %dma_start3A = arith.constant 0 : i32
    %dma_start3A_14 = arith.constant 0 : i32
    %dma_start3A_15 = arith.constant 0 : i32
    %dma_start3A_16 = tpu.memref_slice %arg7[%dma_start3A, %dma_start3A_14, %dma_start3A_15] : memref<2x32x200xf32, #tpu.memory_space<vmem>> -> memref<1x32x200xf32, #tpu.memory_space<vmem>>
    %dma_start3A_17 = tpu.memref_squeeze %dma_start3A_16 : memref<1x32x200xf32, #tpu.memory_space<vmem>> -> memref<32x200xf32, #tpu.memory_space<vmem>>
    %dma_start3A_18 = arith.constant 0 : i32
    %dma_start3A_19 = tpu.memref_slice %arg2[%add3A_13, %dma_start3A_18] : memref<16384x200xf32, #tpu.memory_space<hbm>> -> memref<32x200xf32, #tpu.memory_space<hbm>>
    %dma_start3A_20 = arith.constant 0 : i32
    %dma_start3A_21 = arith.constant 0 : i32
    %dma_start3A_22 = tpu.memref_slice %arg7[%dma_start3A, %dma_start3A_20, %dma_start3A_21] : memref<2x32x200xf32, #tpu.memory_space<vmem>> -> memref<1x32x200xf32, #tpu.memory_space<vmem>>
    %dma_start3A_23 = tpu.memref_squeeze %dma_start3A_22 : memref<1x32x200xf32, #tpu.memory_space<vmem>> -> memref<32x200xf32, #tpu.memory_space<vmem>>
    %dma_start3A_24 = arith.constant 0 : i32
    %dma_start3A_25 = tpu.memref_slice %arg2[%add3A_13, %dma_start3A_24] : memref<16384x200xf32, #tpu.memory_space<hbm>> -> memref<32x200xf32, #tpu.memory_space<hbm>>
    tpu.enqueue_dma source(%dma_start3A_25 : memref<32x200xf32, #tpu.memory_space<hbm>>) target(%dma_start3A_23 : memref<32x200xf32, #tpu.memory_space<vmem>>) target_semaphore(%arg12 : memref<!tpu.dma_semaphore, #tpu.memory_space<semaphore_mem>>)
    %dma_start3A_26 = arith.constant 0 : i32
    %dma_start3A_27 = arith.constant 0 : i32
    %dma_start3A_28 = arith.constant 0 : i32
    %dma_start3A_29 = tpu.memref_slice %arg8[%dma_start3A_26, %dma_start3A_27, %dma_start3A_28] : memref<2x32x200xf32, #tpu.memory_space<vmem>> -> memref<1x32x200xf32, #tpu.memory_space<vmem>>
    %dma_start3A_30 = tpu.memref_squeeze %dma_start3A_29 : memref<1x32x200xf32, #tpu.memory_space<vmem>> -> memref<32x200xf32, #tpu.memory_space<vmem>>
    %dma_start3A_31 = arith.constant 0 : i32
    %dma_start3A_32 = tpu.memref_slice %arg3[%add3A_13, %dma_start3A_31] : memref<16384x200xf32, #tpu.memory_space<hbm>> -> memref<32x200xf32, #tpu.memory_space<hbm>>
    %dma_start3A_33 = arith.constant 0 : i32
    %dma_start3A_34 = arith.constant 0 : i32
    %dma_start3A_35 = tpu.memref_slice %arg8[%dma_start3A_26, %dma_start3A_33, %dma_start3A_34] : memref<2x32x200xf32, #tpu.memory_space<vmem>> -> memref<1x32x200xf32, #tpu.memory_space<vmem>>
    %dma_start3A_36 = tpu.memref_squeeze %dma_start3A_35 : memref<1x32x200xf32, #tpu.memory_space<vmem>> -> memref<32x200xf32, #tpu.memory_space<vmem>>
    %dma_start3A_37 = arith.constant 0 : i32
    %dma_start3A_38 = tpu.memref_slice %arg3[%add3A_13, %dma_start3A_37] : memref<16384x200xf32, #tpu.memory_space<hbm>> -> memref<32x200xf32, #tpu.memory_space<hbm>>
    tpu.enqueue_dma source(%dma_start3A_38 : memref<32x200xf32, #tpu.memory_space<hbm>>) target(%dma_start3A_36 : memref<32x200xf32, #tpu.memory_space<vmem>>) target_semaphore(%arg14 : memref<!tpu.dma_semaphore, #tpu.memory_space<semaphore_mem>>)
    %broadcast_in_dim3A_39 = arith.constant 0.000000e+00 : f32
    %broadcast_in_dim3A_40 = vector.broadcast %broadcast_in_dim3A_39 : f32 to vector<16xf32>
    %add3A_41 = arith.constant 32 : i32
    %add3A_42 = arith.addi %add3A_4, %add3A_41 : i32
    %dma_start3A_43 = arith.constant 1 : i32
    %dma_start3A_44 = arith.constant 0 : i32
    %dma_start3A_45 = arith.constant 0 : i32
    %dma_start3A_46 = tpu.memref_slice %arg7[%dma_start3A_43, %dma_start3A_44, %dma_start3A_45] : memref<2x32x200xf32, #tpu.memory_space<vmem>> -> memref<1x32x200xf32, #tpu.memory_space<vmem>>
    %dma_start3A_47 = tpu.memref_squeeze %dma_start3A_46 : memref<1x32x200xf32, #tpu.memory_space<vmem>> -> memref<32x200xf32, #tpu.memory_space<vmem>>
    %dma_start3A_48 = arith.constant 0 : i32
    %dma_start3A_49 = tpu.memref_slice %arg2[%add3A_42, %dma_start3A_48] : memref<16384x200xf32, #tpu.memory_space<hbm>> -> memref<32x200xf32, #tpu.memory_space<hbm>>
    %dma_start3A_50 = arith.constant 0 : i32
    %dma_start3A_51 = arith.constant 0 : i32
    %dma_start3A_52 = tpu.memref_slice %arg7[%dma_start3A_43, %dma_start3A_50, %dma_start3A_51] : memref<2x32x200xf32, #tpu.memory_space<vmem>> -> memref<1x32x200xf32, #tpu.memory_space<vmem>>
    %dma_start3A_53 = tpu.memref_squeeze %dma_start3A_52 : memref<1x32x200xf32, #tpu.memory_space<vmem>> -> memref<32x200xf32, #tpu.memory_space<vmem>>
    %dma_start3A_54 = arith.constant 0 : i32
    %dma_start3A_55 = tpu.memref_slice %arg2[%add3A_42, %dma_start3A_54] : memref<16384x200xf32, #tpu.memory_space<hbm>> -> memref<32x200xf32, #tpu.memory_space<hbm>>
    tpu.enqueue_dma source(%dma_start3A_55 : memref<32x200xf32, #tpu.memory_space<hbm>>) target(%dma_start3A_53 : memref<32x200xf32, #tpu.memory_space<vmem>>) target_semaphore(%arg13 : memref<!tpu.dma_semaphore, #tpu.memory_space<semaphore_mem>>)
    %dma_start3A_56 = arith.constant 1 : i32
    %dma_start3A_57 = arith.constant 0 : i32
    %dma_start3A_58 = arith.constant 0 : i32
    %dma_start3A_59 = tpu.memref_slice %arg8[%dma_start3A_56, %dma_start3A_57, %dma_start3A_58] : memref<2x32x200xf32, #tpu.memory_space<vmem>> -> memref<1x32x200xf32, #tpu.memory_space<vmem>>
    %dma_start3A_60 = tpu.memref_squeeze %dma_start3A_59 : memref<1x32x200xf32, #tpu.memory_space<vmem>> -> memref<32x200xf32, #tpu.memory_space<vmem>>
    %dma_start3A_61 = arith.constant 0 : i32
    %dma_start3A_62 = tpu.memref_slice %arg3[%add3A_42, %dma_start3A_61] : memref<16384x200xf32, #tpu.memory_space<hbm>> -> memref<32x200xf32, #tpu.memory_space<hbm>>
    %dma_start3A_63 = arith.constant 0 : i32
    %dma_start3A_64 = arith.constant 0 : i32
    %dma_start3A_65 = tpu.memref_slice %arg8[%dma_start3A_56, %dma_start3A_63, %dma_start3A_64] : memref<2x32x200xf32, #tpu.memory_space<vmem>> -> memref<1x32x200xf32, #tpu.memory_space<vmem>>
    %dma_start3A_66 = tpu.memref_squeeze %dma_start3A_65 : memref<1x32x200xf32, #tpu.memory_space<vmem>> -> memref<32x200xf32, #tpu.memory_space<vmem>>
    %dma_start3A_67 = arith.constant 0 : i32
    %dma_start3A_68 = tpu.memref_slice %arg3[%add3A_42, %dma_start3A_67] : memref<16384x200xf32, #tpu.memory_space<hbm>> -> memref<32x200xf32, #tpu.memory_space<hbm>>
    tpu.enqueue_dma source(%dma_start3A_68 : memref<32x200xf32, #tpu.memory_space<hbm>>) target(%dma_start3A_66 : memref<32x200xf32, #tpu.memory_space<vmem>>) target_semaphore(%arg15 : memref<!tpu.dma_semaphore, #tpu.memory_space<semaphore_mem>>)
    %dma_wait3A = arith.constant 0 : i32
    %dma_wait3A_69 = arith.constant 0 : i32
    %dma_wait3A_70 = arith.constant 0 : i32
    %dma_wait3A_71 = tpu.memref_slice %arg7[%dma_wait3A, %dma_wait3A_69, %dma_wait3A_70] : memref<2x32x200xf32, #tpu.memory_space<vmem>> -> memref<1x32x200xf32, #tpu.memory_space<vmem>>
    %dma_wait3A_72 = tpu.memref_squeeze %dma_wait3A_71 : memref<1x32x200xf32, #tpu.memory_space<vmem>> -> memref<32x200xf32, #tpu.memory_space<vmem>>
    %dma_wait3A_73 = arith.constant 0 : i32
    %dma_wait3A_74 = tpu.memref_slice %arg2[%add3A_13, %dma_wait3A_73] : memref<16384x200xf32, #tpu.memory_space<hbm>> -> memref<32x200xf32, #tpu.memory_space<hbm>>
    %dma_wait3A_75 = arith.constant 0 : i32
    %dma_wait3A_76 = arith.constant 0 : i32
    %dma_wait3A_77 = tpu.memref_slice %arg7[%dma_wait3A, %dma_wait3A_75, %dma_wait3A_76] : memref<2x32x200xf32, #tpu.memory_space<vmem>> -> memref<1x32x200xf32, #tpu.memory_space<vmem>>
    %dma_wait3A_78 = tpu.memref_squeeze %dma_wait3A_77 : memref<1x32x200xf32, #tpu.memory_space<vmem>> -> memref<32x200xf32, #tpu.memory_space<vmem>>
    %dma_wait3A_79 = arith.constant 0 : i32
    %dma_wait3A_80 = tpu.memref_slice %arg2[%add3A_13, %dma_wait3A_79] : memref<16384x200xf32, #tpu.memory_space<hbm>> -> memref<32x200xf32, #tpu.memory_space<hbm>>
    tpu.wait_dma2 semaphore(%arg12 : memref<!tpu.dma_semaphore, #tpu.memory_space<semaphore_mem>>) src(%dma_wait3A_80 : memref<32x200xf32, #tpu.memory_space<hbm>>) dst(%dma_wait3A_78 : memref<32x200xf32, #tpu.memory_space<vmem>>)
    %dma_wait3A_81 = arith.constant 0 : i32
    %dma_wait3A_82 = arith.constant 0 : i32
    %dma_wait3A_83 = arith.constant 0 : i32
    %dma_wait3A_84 = tpu.memref_slice %arg8[%dma_wait3A_81, %dma_wait3A_82, %dma_wait3A_83] : memref<2x32x200xf32, #tpu.memory_space<vmem>> -> memref<1x32x200xf32, #tpu.memory_space<vmem>>
    %dma_wait3A_85 = tpu.memref_squeeze %dma_wait3A_84 : memref<1x32x200xf32, #tpu.memory_space<vmem>> -> memref<32x200xf32, #tpu.memory_space<vmem>>
    %dma_wait3A_86 = arith.constant 0 : i32
    %dma_wait3A_87 = tpu.memref_slice %arg3[%add3A_13, %dma_wait3A_86] : memref<16384x200xf32, #tpu.memory_space<hbm>> -> memref<32x200xf32, #tpu.memory_space<hbm>>
    %dma_wait3A_88 = arith.constant 0 : i32
    %dma_wait3A_89 = arith.constant 0 : i32
    %dma_wait3A_90 = tpu.memref_slice %arg8[%dma_wait3A_81, %dma_wait3A_88, %dma_wait3A_89] : memref<2x32x200xf32, #tpu.memory_space<vmem>> -> memref<1x32x200xf32, #tpu.memory_space<vmem>>
    %dma_wait3A_91 = tpu.memref_squeeze %dma_wait3A_90 : memref<1x32x200xf32, #tpu.memory_space<vmem>> -> memref<32x200xf32, #tpu.memory_space<vmem>>
    %dma_wait3A_92 = arith.constant 0 : i32
    %dma_wait3A_93 = tpu.memref_slice %arg3[%add3A_13, %dma_wait3A_92] : memref<16384x200xf32, #tpu.memory_space<hbm>> -> memref<32x200xf32, #tpu.memory_space<hbm>>
    tpu.wait_dma2 semaphore(%arg14 : memref<!tpu.dma_semaphore, #tpu.memory_space<semaphore_mem>>) src(%dma_wait3A_93 : memref<32x200xf32, #tpu.memory_space<hbm>>) dst(%dma_wait3A_91 : memref<32x200xf32, #tpu.memory_space<vmem>>)
    %scan3A = arith.constant 0 : i32
    %scan3A_94 = arith.constant 32 : i32
    %scan3A_95 = arith.addi %scan3A, %scan3A_94 : i32
    %scan3A_96 = arith.constant 1 : i32
    %scan3A_97 = scf.for %scan3A_432 = %scan3A to %scan3A_95 step %scan3A_96 iter_args(%scan3A_433 = %broadcast_in_dim3A_40) -> (vector<16xf32>)  : i32 {
      %get3A_434 = arith.constant 0 : i32
      %get3A_435 = arith.index_cast %get3A_434 : i32 to index
      %get3A_436 = arith.index_cast %scan3A_432 : i32 to index
      %get3A_437 = arith.constant 0 : index
      %get3A_438 = tpu.vector_load %arg7[%get3A_435, %get3A_436, %get3A_437] {strides = array<i32>} : memref<2x32x200xf32, #tpu.memory_space<vmem>>, vector<16xf32>,
      %get3A_439 = arith.constant 0 : i32
      %get3A_440 = arith.index_cast %get3A_439 : i32 to index
      %get3A_441 = arith.index_cast %scan3A_432 : i32 to index
      %get3A_442 = arith.constant 0 : index
      %get3A_443 = tpu.vector_load %arg8[%get3A_440, %get3A_441, %get3A_442] {strides = array<i32>} : memref<2x32x200xf32, #tpu.memory_space<vmem>>, vector<16xf32>,
      %sub3A = arith.subf %get3A_438, %get3A_443 : vector<16xf32>
      %mul3A_444 = arith.mulf %sub3A, %sub3A : vector<16xf32>
      %sub3A_445 = arith.subf %get3A_443, %get3A_5 : vector<16xf32>
      %mul3A_446 = arith.mulf %sub3A_445, %get3A_7 : vector<16xf32>
      %convert_element_type3A = arith.fptosi %mul3A_446 : vector<16xf32> to vector<16xi32>
      %max3A = arith.constant 0 : i32
      %max3A_447 = vector.broadcast %max3A : i32 to vector<16xi32>
      %max3A_448 = arith.maxsi %convert_element_type3A, %max3A_447 : vector<16xi32>
      %min3A = arith.constant 9 : i32
      %min3A_449 = vector.broadcast %min3A : i32 to vector<16xi32>
      %min3A_450 = arith.minsi %max3A_448, %min3A_449 : vector<16xi32>
      %gather3A = tpu.vector_load_idx %arg9[%min3A_450] : memref<16xf32, #tpu.memory_space<vmem>>[vector<16xi32>], vector<16xf32>,
      %mul3A_451 = arith.mulf %mul3A_444, %gather3A : vector<16xf32>
      %add3A_452 = arith.addf %scan3A_433, %mul3A_451 : vector<16xf32>
      %get3A_453 = arith.constant 0 : i32
      %get3A_454 = arith.index_cast %get3A_453 : i32 to index
      %get3A_455 = arith.index_cast %scan3A_432 : i32 to index
      %get3A_456 = arith.constant 16 : index
      %get3A_457 = tpu.vector_load %arg7[%get3A_454, %get3A_455, %get3A_456] {strides = array<i32>} : memref<2x32x200xf32, #tpu.memory_space<vmem>>, vector<16xf32>,
      %get3A_458 = arith.constant 0 : i32
      %get3A_459 = arith.index_cast %get3A_458 : i32 to index
      %get3A_460 = arith.index_cast %scan3A_432 : i32 to index
      %get3A_461 = arith.constant 16 : index
      %get3A_462 = tpu.vector_load %arg8[%get3A_459, %get3A_460, %get3A_461] {strides = array<i32>} : memref<2x32x200xf32, #tpu.memory_space<vmem>>, vector<16xf32>,
      %sub3A_463 = arith.subf %get3A_457, %get3A_462 : vector<16xf32>
      %mul3A_464 = arith.mulf %sub3A_463, %sub3A_463 : vector<16xf32>
      %sub3A_465 = arith.subf %get3A_462, %get3A_5 : vector<16xf32>
      %mul3A_466 = arith.mulf %sub3A_465, %get3A_7 : vector<16xf32>
      %convert_element_type3A_467 = arith.fptosi %mul3A_466 : vector<16xf32> to vector<16xi32>
      %max3A_468 = arith.constant 0 : i32
      %max3A_469 = vector.broadcast %max3A_468 : i32 to vector<16xi32>
      %max3A_470 = arith.maxsi %convert_element_type3A_467, %max3A_469 : vector<16xi32>
      %min3A_471 = arith.constant 9 : i32
      %min3A_472 = vector.broadcast %min3A_471 : i32 to vector<16xi32>
      %min3A_473 = arith.minsi %max3A_470, %min3A_472 : vector<16xi32>
      %gather3A_474 = tpu.vector_load_idx %arg9[%min3A_473] : memref<16xf32, #tpu.memory_space<vmem>>[vector<16xi32>], vector<16xf32>,
      %mul3A_475 = arith.mulf %mul3A_464, %gather3A_474 : vector<16xf32>
      %add3A_476 = arith.addf %add3A_452, %mul3A_475 : vector<16xf32>
      %get3A_477 = arith.constant 0 : i32
      %get3A_478 = arith.index_cast %get3A_477 : i32 to index
      %get3A_479 = arith.index_cast %scan3A_432 : i32 to index
      %get3A_480 = arith.constant 32 : index
      %get3A_481 = tpu.vector_load %arg7[%get3A_478, %get3A_479, %get3A_480] {strides = array<i32>} : memref<2x32x200xf32, #tpu.memory_space<vmem>>, vector<16xf32>,
      %get3A_482 = arith.constant 0 : i32
      %get3A_483 = arith.index_cast %get3A_482 : i32 to index
      %get3A_484 = arith.index_cast %scan3A_432 : i32 to index
      %get3A_485 = arith.constant 32 : index
      %get3A_486 = tpu.vector_load %arg8[%get3A_483, %get3A_484, %get3A_485] {strides = array<i32>} : memref<2x32x200xf32, #tpu.memory_space<vmem>>, vector<16xf32>,
      %sub3A_487 = arith.subf %get3A_481, %get3A_486 : vector<16xf32>
      %mul3A_488 = arith.mulf %sub3A_487, %sub3A_487 : vector<16xf32>
      %sub3A_489 = arith.subf %get3A_486, %get3A_5 : vector<16xf32>
      %mul3A_490 = arith.mulf %sub3A_489, %get3A_7 : vector<16xf32>
      %convert_element_type3A_491 = arith.fptosi %mul3A_490 : vector<16xf32> to vector<16xi32>
      %max3A_492 = arith.constant 0 : i32
      %max3A_493 = vector.broadcast %max3A_492 : i32 to vector<16xi32>
      %max3A_494 = arith.maxsi %convert_element_type3A_491, %max3A_493 : vector<16xi32>
      %min3A_495 = arith.constant 9 : i32
      %min3A_496 = vector.broadcast %min3A_495 : i32 to vector<16xi32>
      %min3A_497 = arith.minsi %max3A_494, %min3A_496 : vector<16xi32>
      %gather3A_498 = tpu.vector_load_idx %arg9[%min3A_497] : memref<16xf32, #tpu.memory_space<vmem>>[vector<16xi32>], vector<16xf32>,
      %mul3A_499 = arith.mulf %mul3A_488, %gather3A_498 : vector<16xf32>
      %add3A_500 = arith.addf %add3A_476, %mul3A_499 : vector<16xf32>
      %get3A_501 = arith.constant 0 : i32
      %get3A_502 = arith.index_cast %get3A_501 : i32 to index
      %get3A_503 = arith.index_cast %scan3A_432 : i32 to index
      %get3A_504 = arith.constant 48 : index
      %get3A_505 = tpu.vector_load %arg7[%get3A_502, %get3A_503, %get3A_504] {strides = array<i32>} : memref<2x32x200xf32, #tpu.memory_space<vmem>>, vector<16xf32>,
      %get3A_506 = arith.constant 0 : i32
      %get3A_507 = arith.index_cast %get3A_506 : i32 to index
      %get3A_508 = arith.index_cast %scan3A_432 : i32 to index
      %get3A_509 = arith.constant 48 : index
      %get3A_510 = tpu.vector_load %arg8[%get3A_507, %get3A_508, %get3A_509] {strides = array<i32>} : memref<2x32x200xf32, #tpu.memory_space<vmem>>, vector<16xf32>,
      %sub3A_511 = arith.subf %get3A_505, %get3A_510 : vector<16xf32>
      %mul3A_512 = arith.mulf %sub3A_511, %sub3A_511 : vector<16xf32>
      %sub3A_513 = arith.subf %get3A_510, %get3A_5 : vector<16xf32>
      %mul3A_514 = arith.mulf %sub3A_513, %get3A_7 : vector<16xf32>
      %convert_element_type3A_515 = arith.fptosi %mul3A_514 : vector<16xf32> to vector<16xi32>
      %max3A_516 = arith.constant 0 : i32
      %max3A_517 = vector.broadcast %max3A_516 : i32 to vector<16xi32>
      %max3A_518 = arith.maxsi %convert_element_type3A_515, %max3A_517 : vector<16xi32>
      %min3A_519 = arith.constant 9 : i32
      %min3A_520 = vector.broadcast %min3A_519 : i32 to vector<16xi32>
      %min3A_521 = arith.minsi %max3A_518, %min3A_520 : vector<16xi32>
      %gather3A_522 = tpu.vector_load_idx %arg9[%min3A_521] : memref<16xf32, #tpu.memory_space<vmem>>[vector<16xi32>], vector<16xf32>,
      %mul3A_523 = arith.mulf %mul3A_512, %gather3A_522 : vector<16xf32>
      %add3A_524 = arith.addf %add3A_500, %mul3A_523 : vector<16xf32>
      %get3A_525 = arith.constant 0 : i32
      %get3A_526 = arith.index_cast %get3A_525 : i32 to index
      %get3A_527 = arith.index_cast %scan3A_432 : i32 to index
      %get3A_528 = arith.constant 64 : index
      %get3A_529 = tpu.vector_load %arg7[%get3A_526, %get3A_527, %get3A_528] {strides = array<i32>} : memref<2x32x200xf32, #tpu.memory_space<vmem>>, vector<16xf32>,
      %get3A_530 = arith.constant 0 : i32
      %get3A_531 = arith.index_cast %get3A_530 : i32 to index
      %get3A_532 = arith.index_cast %scan3A_432 : i32 to index
      %get3A_533 = arith.constant 64 : index
      %get3A_534 = tpu.vector_load %arg8[%get3A_531, %get3A_532, %get3A_533] {strides = array<i32>} : memref<2x32x200xf32, #tpu.memory_space<vmem>>, vector<16xf32>,
      %sub3A_535 = arith.subf %get3A_529, %get3A_534 : vector<16xf32>
      %mul3A_536 = arith.mulf %sub3A_535, %sub3A_535 : vector<16xf32>
      %sub3A_537 = arith.subf %get3A_534, %get3A_5 : vector<16xf32>
      %mul3A_538 = arith.mulf %sub3A_537, %get3A_7 : vector<16xf32>
      %convert_element_type3A_539 = arith.fptosi %mul3A_538 : vector<16xf32> to vector<16xi32>
      %max3A_540 = arith.constant 0 : i32
      %max3A_541 = vector.broadcast %max3A_540 : i32 to vector<16xi32>
      %max3A_542 = arith.maxsi %convert_element_type3A_539, %max3A_541 : vector<16xi32>
      %min3A_543 = arith.constant 9 : i32
      %min3A_544 = vector.broadcast %min3A_543 : i32 to vector<16xi32>
      %min3A_545 = arith.minsi %max3A_542, %min3A_544 : vector<16xi32>
      %gather3A_546 = tpu.vector_load_idx %arg9[%min3A_545] : memref<16xf32, #tpu.memory_space<vmem>>[vector<16xi32>], vector<16xf32>,
      %mul3A_547 = arith.mulf %mul3A_536, %gather3A_546 : vector<16xf32>
      %add3A_548 = arith.addf %add3A_524, %mul3A_547 : vector<16xf32>
      %get3A_549 = arith.constant 0 : i32
      %get3A_550 = arith.index_cast %get3A_549 : i32 to index
      %get3A_551 = arith.index_cast %scan3A_432 : i32 to index
      %get3A_552 = arith.constant 80 : index
      %get3A_553 = tpu.vector_load %arg7[%get3A_550, %get3A_551, %get3A_552] {strides = array<i32>} : memref<2x32x200xf32, #tpu.memory_space<vmem>>, vector<16xf32>,
      %get3A_554 = arith.constant 0 : i32
      %get3A_555 = arith.index_cast %get3A_554 : i32 to index
      %get3A_556 = arith.index_cast %scan3A_432 : i32 to index
      %get3A_557 = arith.constant 80 : index
      %get3A_558 = tpu.vector_load %arg8[%get3A_555, %get3A_556, %get3A_557] {strides = array<i32>} : memref<2x32x200xf32, #tpu.memory_space<vmem>>, vector<16xf32>,
      %sub3A_559 = arith.subf %get3A_553, %get3A_558 : vector<16xf32>
      %mul3A_560 = arith.mulf %sub3A_559, %sub3A_559 : vector<16xf32>
      %sub3A_561 = arith.subf %get3A_558, %get3A_5 : vector<16xf32>
      %mul3A_562 = arith.mulf %sub3A_561, %get3A_7 : vector<16xf32>
      %convert_element_type3A_563 = arith.fptosi %mul3A_562 : vector<16xf32> to vector<16xi32>
      %max3A_564 = arith.constant 0 : i32
      %max3A_565 = vector.broadcast %max3A_564 : i32 to vector<16xi32>
      %max3A_566 = arith.maxsi %convert_element_type3A_563, %max3A_565 : vector<16xi32>
      %min3A_567 = arith.constant 9 : i32
      %min3A_568 = vector.broadcast %min3A_567 : i32 to vector<16xi32>
      %min3A_569 = arith.minsi %max3A_566, %min3A_568 : vector<16xi32>
      %gather3A_570 = tpu.vector_load_idx %arg9[%min3A_569] : memref<16xf32, #tpu.memory_space<vmem>>[vector<16xi32>], vector<16xf32>,
      %mul3A_571 = arith.mulf %mul3A_560, %gather3A_570 : vector<16xf32>
      %add3A_572 = arith.addf %add3A_548, %mul3A_571 : vector<16xf32>
      %get3A_573 = arith.constant 0 : i32
      %get3A_574 = arith.index_cast %get3A_573 : i32 to index
      %get3A_575 = arith.index_cast %scan3A_432 : i32 to index
      %get3A_576 = arith.constant 96 : index
      %get3A_577 = tpu.vector_load %arg7[%get3A_574, %get3A_575, %get3A_576] {strides = array<i32>} : memref<2x32x200xf32, #tpu.memory_space<vmem>>, vector<16xf32>,
      %get3A_578 = arith.constant 0 : i32
      %get3A_579 = arith.index_cast %get3A_578 : i32 to index
      %get3A_580 = arith.index_cast %scan3A_432 : i32 to index
      %get3A_581 = arith.constant 96 : index
      %get3A_582 = tpu.vector_load %arg8[%get3A_579, %get3A_580, %get3A_581] {strides = array<i32>} : memref<2x32x200xf32, #tpu.memory_space<vmem>>, vector<16xf32>,
      %sub3A_583 = arith.subf %get3A_577, %get3A_582 : vector<16xf32>
      %mul3A_584 = arith.mulf %sub3A_583, %sub3A_583 : vector<16xf32>
      %sub3A_585 = arith.subf %get3A_582, %get3A_5 : vector<16xf32>
      %mul3A_586 = arith.mulf %sub3A_585, %get3A_7 : vector<16xf32>
      %convert_element_type3A_587 = arith.fptosi %mul3A_586 : vector<16xf32> to vector<16xi32>
      %max3A_588 = arith.constant 0 : i32
      %max3A_589 = vector.broadcast %max3A_588 : i32 to vector<16xi32>
      %max3A_590 = arith.maxsi %convert_element_type3A_587, %max3A_589 : vector<16xi32>
      %min3A_591 = arith.constant 9 : i32
      %min3A_592 = vector.broadcast %min3A_591 : i32 to vector<16xi32>
      %min3A_593 = arith.minsi %max3A_590, %min3A_592 : vector<16xi32>
      %gather3A_594 = tpu.vector_load_idx %arg9[%min3A_593] : memref<16xf32, #tpu.memory_space<vmem>>[vector<16xi32>], vector<16xf32>,
      %mul3A_595 = arith.mulf %mul3A_584, %gather3A_594 : vector<16xf32>
      %add3A_596 = arith.addf %add3A_572, %mul3A_595 : vector<16xf32>
      %get3A_597 = arith.constant 0 : i32
      %get3A_598 = arith.index_cast %get3A_597 : i32 to index
      %get3A_599 = arith.index_cast %scan3A_432 : i32 to index
      %get3A_600 = arith.constant 112 : index
      %get3A_601 = tpu.vector_load %arg7[%get3A_598, %get3A_599, %get3A_600] {strides = array<i32>} : memref<2x32x200xf32, #tpu.memory_space<vmem>>, vector<16xf32>,
      %get3A_602 = arith.constant 0 : i32
      %get3A_603 = arith.index_cast %get3A_602 : i32 to index
      %get3A_604 = arith.index_cast %scan3A_432 : i32 to index
      %get3A_605 = arith.constant 112 : index
      %get3A_606 = tpu.vector_load %arg8[%get3A_603, %get3A_604, %get3A_605] {strides = array<i32>} : memref<2x32x200xf32, #tpu.memory_space<vmem>>, vector<16xf32>,
      %sub3A_607 = arith.subf %get3A_601, %get3A_606 : vector<16xf32>
      %mul3A_608 = arith.mulf %sub3A_607, %sub3A_607 : vector<16xf32>
      %sub3A_609 = arith.subf %get3A_606, %get3A_5 : vector<16xf32>
      %mul3A_610 = arith.mulf %sub3A_609, %get3A_7 : vector<16xf32>
      %convert_element_type3A_611 = arith.fptosi %mul3A_610 : vector<16xf32> to vector<16xi32>
      %max3A_612 = arith.constant 0 : i32
      %max3A_613 = vector.broadcast %max3A_612 : i32 to vector<16xi32>
      %max3A_614 = arith.maxsi %convert_element_type3A_611, %max3A_613 : vector<16xi32>
      %min3A_615 = arith.constant 9 : i32
      %min3A_616 = vector.broadcast %min3A_615 : i32 to vector<16xi32>
      %min3A_617 = arith.minsi %max3A_614, %min3A_616 : vector<16xi32>
      %gather3A_618 = tpu.vector_load_idx %arg9[%min3A_617] : memref<16xf32, #tpu.memory_space<vmem>>[vector<16xi32>], vector<16xf32>,
      %mul3A_619 = arith.mulf %mul3A_608, %gather3A_618 : vector<16xf32>
      %add3A_620 = arith.addf %add3A_596, %mul3A_619 : vector<16xf32>
      %get3A_621 = arith.constant 0 : i32
      %get3A_622 = arith.index_cast %get3A_621 : i32 to index
      %get3A_623 = arith.index_cast %scan3A_432 : i32 to index
      %get3A_624 = arith.constant 128 : index
      %get3A_625 = tpu.vector_load %arg7[%get3A_622, %get3A_623, %get3A_624] {strides = array<i32>} : memref<2x32x200xf32, #tpu.memory_space<vmem>>, vector<16xf32>,
      %get3A_626 = arith.constant 0 : i32
      %get3A_627 = arith.index_cast %get3A_626 : i32 to index
      %get3A_628 = arith.index_cast %scan3A_432 : i32 to index
      %get3A_629 = arith.constant 128 : index
      %get3A_630 = tpu.vector_load %arg8[%get3A_627, %get3A_628, %get3A_629] {strides = array<i32>} : memref<2x32x200xf32, #tpu.memory_space<vmem>>, vector<16xf32>,
      %sub3A_631 = arith.subf %get3A_625, %get3A_630 : vector<16xf32>
      %mul3A_632 = arith.mulf %sub3A_631, %sub3A_631 : vector<16xf32>
      %sub3A_633 = arith.subf %get3A_630, %get3A_5 : vector<16xf32>
      %mul3A_634 = arith.mulf %sub3A_633, %get3A_7 : vector<16xf32>
      %convert_element_type3A_635 = arith.fptosi %mul3A_634 : vector<16xf32> to vector<16xi32>
      %max3A_636 = arith.constant 0 : i32
      %max3A_637 = vector.broadcast %max3A_636 : i32 to vector<16xi32>
      %max3A_638 = arith.maxsi %convert_element_type3A_635, %max3A_637 : vector<16xi32>
      %min3A_639 = arith.constant 9 : i32
      %min3A_640 = vector.broadcast %min3A_639 : i32 to vector<16xi32>
      %min3A_641 = arith.minsi %max3A_638, %min3A_640 : vector<16xi32>
      %gather3A_642 = tpu.vector_load_idx %arg9[%min3A_641] : memref<16xf32, #tpu.memory_space<vmem>>[vector<16xi32>], vector<16xf32>,
      %mul3A_643 = arith.mulf %mul3A_632, %gather3A_642 : vector<16xf32>
      %add3A_644 = arith.addf %add3A_620, %mul3A_643 : vector<16xf32>
      %get3A_645 = arith.constant 0 : i32
      %get3A_646 = arith.index_cast %get3A_645 : i32 to index
      %get3A_647 = arith.index_cast %scan3A_432 : i32 to index
      %get3A_648 = arith.constant 144 : index
      %get3A_649 = tpu.vector_load %arg7[%get3A_646, %get3A_647, %get3A_648] {strides = array<i32>} : memref<2x32x200xf32, #tpu.memory_space<vmem>>, vector<16xf32>,
      %get3A_650 = arith.constant 0 : i32
      %get3A_651 = arith.index_cast %get3A_650 : i32 to index
      %get3A_652 = arith.index_cast %scan3A_432 : i32 to index
      %get3A_653 = arith.constant 144 : index
      %get3A_654 = tpu.vector_load %arg8[%get3A_651, %get3A_652, %get3A_653] {strides = array<i32>} : memref<2x32x200xf32, #tpu.memory_space<vmem>>, vector<16xf32>,
      %sub3A_655 = arith.subf %get3A_649, %get3A_654 : vector<16xf32>
      %mul3A_656 = arith.mulf %sub3A_655, %sub3A_655 : vector<16xf32>
      %sub3A_657 = arith.subf %get3A_654, %get3A_5 : vector<16xf32>
      %mul3A_658 = arith.mulf %sub3A_657, %get3A_7 : vector<16xf32>
      %convert_element_type3A_659 = arith.fptosi %mul3A_658 : vector<16xf32> to vector<16xi32>
      %max3A_660 = arith.constant 0 : i32
      %max3A_661 = vector.broadcast %max3A_660 : i32 to vector<16xi32>
      %max3A_662 = arith.maxsi %convert_element_type3A_659, %max3A_661 : vector<16xi32>
      %min3A_663 = arith.constant 9 : i32
      %min3A_664 = vector.broadcast %min3A_663 : i32 to vector<16xi32>
      %min3A_665 = arith.minsi %max3A_662, %min3A_664 : vector<16xi32>
      %gather3A_666 = tpu.vector_load_idx %arg9[%min3A_665] : memref<16xf32, #tpu.memory_space<vmem>>[vector<16xi32>], vector<16xf32>,
      %mul3A_667 = arith.mulf %mul3A_656, %gather3A_666 : vector<16xf32>
      %add3A_668 = arith.addf %add3A_644, %mul3A_667 : vector<16xf32>
      %get3A_669 = arith.constant 0 : i32
      %get3A_670 = arith.index_cast %get3A_669 : i32 to index
      %get3A_671 = arith.index_cast %scan3A_432 : i32 to index
      %get3A_672 = arith.constant 160 : index
      %get3A_673 = tpu.vector_load %arg7[%get3A_670, %get3A_671, %get3A_672] {strides = array<i32>} : memref<2x32x200xf32, #tpu.memory_space<vmem>>, vector<16xf32>,
      %get3A_674 = arith.constant 0 : i32
      %get3A_675 = arith.index_cast %get3A_674 : i32 to index
      %get3A_676 = arith.index_cast %scan3A_432 : i32 to index
      %get3A_677 = arith.constant 160 : index
      %get3A_678 = tpu.vector_load %arg8[%get3A_675, %get3A_676, %get3A_677] {strides = array<i32>} : memref<2x32x200xf32, #tpu.memory_space<vmem>>, vector<16xf32>,
      %sub3A_679 = arith.subf %get3A_673, %get3A_678 : vector<16xf32>
      %mul3A_680 = arith.mulf %sub3A_679, %sub3A_679 : vector<16xf32>
      %sub3A_681 = arith.subf %get3A_678, %get3A_5 : vector<16xf32>
      %mul3A_682 = arith.mulf %sub3A_681, %get3A_7 : vector<16xf32>
      %convert_element_type3A_683 = arith.fptosi %mul3A_682 : vector<16xf32> to vector<16xi32>
      %max3A_684 = arith.constant 0 : i32
      %max3A_685 = vector.broadcast %max3A_684 : i32 to vector<16xi32>
      %max3A_686 = arith.maxsi %convert_element_type3A_683, %max3A_685 : vector<16xi32>
      %min3A_687 = arith.constant 9 : i32
      %min3A_688 = vector.broadcast %min3A_687 : i32 to vector<16xi32>
      %min3A_689 = arith.minsi %max3A_686, %min3A_688 : vector<16xi32>
      %gather3A_690 = tpu.vector_load_idx %arg9[%min3A_689] : memref<16xf32, #tpu.memory_space<vmem>>[vector<16xi32>], vector<16xf32>,
      %mul3A_691 = arith.mulf %mul3A_680, %gather3A_690 : vector<16xf32>
      %add3A_692 = arith.addf %add3A_668, %mul3A_691 : vector<16xf32>
      %get3A_693 = arith.constant 0 : i32
      %get3A_694 = arith.index_cast %get3A_693 : i32 to index
      %get3A_695 = arith.index_cast %scan3A_432 : i32 to index
      %get3A_696 = arith.constant 176 : index
      %get3A_697 = tpu.vector_load %arg7[%get3A_694, %get3A_695, %get3A_696] {strides = array<i32>} : memref<2x32x200xf32, #tpu.memory_space<vmem>>, vector<16xf32>,
      %get3A_698 = arith.constant 0 : i32
      %get3A_699 = arith.index_cast %get3A_698 : i32 to index
      %get3A_700 = arith.index_cast %scan3A_432 : i32 to index
      %get3A_701 = arith.constant 176 : index
      %get3A_702 = tpu.vector_load %arg8[%get3A_699, %get3A_700, %get3A_701] {strides = array<i32>} : memref<2x32x200xf32, #tpu.memory_space<vmem>>, vector<16xf32>,
      %sub3A_703 = arith.subf %get3A_697, %get3A_702 : vector<16xf32>
      %mul3A_704 = arith.mulf %sub3A_703, %sub3A_703 : vector<16xf32>
      %sub3A_705 = arith.subf %get3A_702, %get3A_5 : vector<16xf32>
      %mul3A_706 = arith.mulf %sub3A_705, %get3A_7 : vector<16xf32>
      %convert_element_type3A_707 = arith.fptosi %mul3A_706 : vector<16xf32> to vector<16xi32>
      %max3A_708 = arith.constant 0 : i32
      %max3A_709 = vector.broadcast %max3A_708 : i32 to vector<16xi32>
      %max3A_710 = arith.maxsi %convert_element_type3A_707, %max3A_709 : vector<16xi32>
      %min3A_711 = arith.constant 9 : i32
      %min3A_712 = vector.broadcast %min3A_711 : i32 to vector<16xi32>
      %min3A_713 = arith.minsi %max3A_710, %min3A_712 : vector<16xi32>
      %gather3A_714 = tpu.vector_load_idx %arg9[%min3A_713] : memref<16xf32, #tpu.memory_space<vmem>>[vector<16xi32>], vector<16xf32>,
      %mul3A_715 = arith.mulf %mul3A_704, %gather3A_714 : vector<16xf32>
      %add3A_716 = arith.addf %add3A_692, %mul3A_715 : vector<16xf32>
      %get3A_717 = arith.constant 0 : i32
      %get3A_718 = arith.index_cast %get3A_717 : i32 to index
      %get3A_719 = arith.index_cast %scan3A_432 : i32 to index
      %get3A_720 = arith.constant 184 : index
      %get3A_721 = tpu.vector_load %arg7[%get3A_718, %get3A_719, %get3A_720] {strides = array<i32>} : memref<2x32x200xf32, #tpu.memory_space<vmem>>, vector<16xf32>,
      %get3A_722 = arith.constant 0 : i32
      %get3A_723 = arith.index_cast %get3A_722 : i32 to index
      %get3A_724 = arith.index_cast %scan3A_432 : i32 to index
      %get3A_725 = arith.constant 184 : index
      %get3A_726 = tpu.vector_load %arg8[%get3A_723, %get3A_724, %get3A_725] {strides = array<i32>} : memref<2x32x200xf32, #tpu.memory_space<vmem>>, vector<16xf32>,
      %sub3A_727 = arith.subf %get3A_721, %get3A_726 : vector<16xf32>
      %mul3A_728 = arith.mulf %sub3A_727, %sub3A_727 : vector<16xf32>
      %sub3A_729 = arith.subf %get3A_726, %get3A_5 : vector<16xf32>
      %mul3A_730 = arith.mulf %sub3A_729, %get3A_7 : vector<16xf32>
      %convert_element_type3A_731 = arith.fptosi %mul3A_730 : vector<16xf32> to vector<16xi32>
      %max3A_732 = arith.constant 0 : i32
      %max3A_733 = vector.broadcast %max3A_732 : i32 to vector<16xi32>
      %max3A_734 = arith.maxsi %convert_element_type3A_731, %max3A_733 : vector<16xi32>
      %min3A_735 = arith.constant 9 : i32
      %min3A_736 = vector.broadcast %min3A_735 : i32 to vector<16xi32>
      %min3A_737 = arith.minsi %max3A_734, %min3A_736 : vector<16xi32>
      %gather3A_738 = tpu.vector_load_idx %arg9[%min3A_737] : memref<16xf32, #tpu.memory_space<vmem>>[vector<16xi32>], vector<16xf32>,
      %mul3A_739 = arith.mulf %gather3A_738, %select_n3A : vector<16xf32>
      %mul3A_740 = arith.mulf %mul3A_728, %mul3A_739 : vector<16xf32>
      %add3A_741 = arith.addf %add3A_716, %mul3A_740 : vector<16xf32>
      scf.yield %add3A_741 : vector<16xf32>
    }
    %scan3A_98 = arith.constant 32 : i32
    %add3A_99 = arith.constant 64 : i32
    %add3A_100 = arith.addi %add3A_4, %add3A_99 : i32
    %dma_start3A_101 = arith.constant 0 : i32
    %dma_start3A_102 = arith.constant 0 : i32
    %dma_start3A_103 = arith.constant 0 : i32
    %dma_start3A_104 = tpu.memref_slice %arg7[%dma_start3A_101, %dma_start3A_102, %dma_start3A_103] : memref<2x32x200xf32, #tpu.memory_space<vmem>> -> memref<1x32x200xf32, #tpu.memory_space<vmem>>
    %dma_start3A_105 = tpu.memref_squeeze %dma_start3A_104 : memref<1x32x200xf32, #tpu.memory_space<vmem>> -> memref<32x200xf32, #tpu.memory_space<vmem>>
    %dma_start3A_106 = arith.constant 0 : i32
    %dma_start3A_107 = tpu.memref_slice %arg2[%add3A_100, %dma_start3A_106] : memref<16384x200xf32, #tpu.memory_space<hbm>> -> memref<32x200xf32, #tpu.memory_space<hbm>>
    %dma_start3A_108 = arith.constant 0 : i32
    %dma_start3A_109 = arith.constant 0 : i32
    %dma_start3A_110 = tpu.memref_slice %arg7[%dma_start3A_101, %dma_start3A_108, %dma_start3A_109] : memref<2x32x200xf32, #tpu.memory_space<vmem>> -> memref<1x32x200xf32, #tpu.memory_space<vmem>>
    %dma_start3A_111 = tpu.memref_squeeze %dma_start3A_110 : memref<1x32x200xf32, #tpu.memory_space<vmem>> -> memref<32x200xf32, #tpu.memory_space<vmem>>
    %dma_start3A_112 = arith.constant 0 : i32
    %dma_start3A_113 = tpu.memref_slice %arg2[%add3A_100, %dma_start3A_112] : memref<16384x200xf32, #tpu.memory_space<hbm>> -> memref<32x200xf32, #tpu.memory_space<hbm>>
    tpu.enqueue_dma source(%dma_start3A_113 : memref<32x200xf32, #tpu.memory_space<hbm>>) target(%dma_start3A_111 : memref<32x200xf32, #tpu.memory_space<vmem>>) target_semaphore(%arg12 : memref<!tpu.dma_semaphore, #tpu.memory_space<semaphore_mem>>)
    %dma_start3A_114 = arith.constant 0 : i32
    %dma_start3A_115 = arith.constant 0 : i32
    %dma_start3A_116 = arith.constant 0 : i32
    %dma_start3A_117 = tpu.memref_slice %arg8[%dma_start3A_114, %dma_start3A_115, %dma_start3A_116] : memref<2x32x200xf32, #tpu.memory_space<vmem>> -> memref<1x32x200xf32, #tpu.memory_space<vmem>>
    %dma_start3A_118 = tpu.memref_squeeze %dma_start3A_117 : memref<1x32x200xf32, #tpu.memory_space<vmem>> -> memref<32x200xf32, #tpu.memory_space<vmem>>
    %dma_start3A_119 = arith.constant 0 : i32
    %dma_start3A_120 = tpu.memref_slice %arg3[%add3A_100, %dma_start3A_119] : memref<16384x200xf32, #tpu.memory_space<hbm>> -> memref<32x200xf32, #tpu.memory_space<hbm>>
    %dma_start3A_121 = arith.constant 0 : i32
    %dma_start3A_122 = arith.constant 0 : i32
    %dma_start3A_123 = tpu.memref_slice %arg8[%dma_start3A_114, %dma_start3A_121, %dma_start3A_122] : memref<2x32x200xf32, #tpu.memory_space<vmem>> -> memref<1x32x200xf32, #tpu.memory_space<vmem>>
    %dma_start3A_124 = tpu.memref_squeeze %dma_start3A_123 : memref<1x32x200xf32, #tpu.memory_space<vmem>> -> memref<32x200xf32, #tpu.memory_space<vmem>>
    %dma_start3A_125 = arith.constant 0 : i32
    %dma_start3A_126 = tpu.memref_slice %arg3[%add3A_100, %dma_start3A_125] : memref<16384x200xf32, #tpu.memory_space<hbm>> -> memref<32x200xf32, #tpu.memory_space<hbm>>
    tpu.enqueue_dma source(%dma_start3A_126 : memref<32x200xf32, #tpu.memory_space<hbm>>) target(%dma_start3A_124 : memref<32x200xf32, #tpu.memory_space<vmem>>) target_semaphore(%arg14 : memref<!tpu.dma_semaphore, #tpu.memory_space<semaphore_mem>>)
    %dma_wait3A_127 = arith.constant 1 : i32
    %dma_wait3A_128 = arith.constant 0 : i32
    %dma_wait3A_129 = arith.constant 0 : i32
    %dma_wait3A_130 = tpu.memref_slice %arg7[%dma_wait3A_127, %dma_wait3A_128, %dma_wait3A_129] : memref<2x32x200xf32, #tpu.memory_space<vmem>> -> memref<1x32x200xf32, #tpu.memory_space<vmem>>
    %dma_wait3A_131 = tpu.memref_squeeze %dma_wait3A_130 : memref<1x32x200xf32, #tpu.memory_space<vmem>> -> memref<32x200xf32, #tpu.memory_space<vmem>>
    %dma_wait3A_132 = arith.constant 0 : i32
    %dma_wait3A_133 = tpu.memref_slice %arg2[%add3A_42, %dma_wait3A_132] : memref<16384x200xf32, #tpu.memory_space<hbm>> -> memref<32x200xf32, #tpu.memory_space<hbm>>
    %dma_wait3A_134 = arith.constant 0 : i32
    %dma_wait3A_135 = arith.constant 0 : i32
    %dma_wait3A_136 = tpu.memref_slice %arg7[%dma_wait3A_127, %dma_wait3A_134, %dma_wait3A_135] : memref<2x32x200xf32, #tpu.memory_space<vmem>> -> memref<1x32x200xf32, #tpu.memory_space<vmem>>
    %dma_wait3A_137 = tpu.memref_squeeze %dma_wait3A_136 : memref<1x32x200xf32, #tpu.memory_space<vmem>> -> memref<32x200xf32, #tpu.memory_space<vmem>>
    %dma_wait3A_138 = arith.constant 0 : i32
    %dma_wait3A_139 = tpu.memref_slice %arg2[%add3A_42, %dma_wait3A_138] : memref<16384x200xf32, #tpu.memory_space<hbm>> -> memref<32x200xf32, #tpu.memory_space<hbm>>
    tpu.wait_dma2 semaphore(%arg13 : memref<!tpu.dma_semaphore, #tpu.memory_space<semaphore_mem>>) src(%dma_wait3A_139 : memref<32x200xf32, #tpu.memory_space<hbm>>) dst(%dma_wait3A_137 : memref<32x200xf32, #tpu.memory_space<vmem>>)
    %dma_wait3A_140 = arith.constant 1 : i32
    %dma_wait3A_141 = arith.constant 0 : i32
    %dma_wait3A_142 = arith.constant 0 : i32
    %dma_wait3A_143 = tpu.memref_slice %arg8[%dma_wait3A_140, %dma_wait3A_141, %dma_wait3A_142] : memref<2x32x200xf32, #tpu.memory_space<vmem>> -> memref<1x32x200xf32, #tpu.memory_space<vmem>>
    %dma_wait3A_144 = tpu.memref_squeeze %dma_wait3A_143 : memref<1x32x200xf32, #tpu.memory_space<vmem>> -> memref<32x200xf32, #tpu.memory_space<vmem>>
    %dma_wait3A_145 = arith.constant 0 : i32
    %dma_wait3A_146 = tpu.memref_slice %arg3[%add3A_42, %dma_wait3A_145] : memref<16384x200xf32, #tpu.memory_space<hbm>> -> memref<32x200xf32, #tpu.memory_space<hbm>>
    %dma_wait3A_147 = arith.constant 0 : i32
    %dma_wait3A_148 = arith.constant 0 : i32
    %dma_wait3A_149 = tpu.memref_slice %arg8[%dma_wait3A_140, %dma_wait3A_147, %dma_wait3A_148] : memref<2x32x200xf32, #tpu.memory_space<vmem>> -> memref<1x32x200xf32, #tpu.memory_space<vmem>>
    %dma_wait3A_150 = tpu.memref_squeeze %dma_wait3A_149 : memref<1x32x200xf32, #tpu.memory_space<vmem>> -> memref<32x200xf32, #tpu.memory_space<vmem>>
    %dma_wait3A_151 = arith.constant 0 : i32
    %dma_wait3A_152 = tpu.memref_slice %arg3[%add3A_42, %dma_wait3A_151] : memref<16384x200xf32, #tpu.memory_space<hbm>> -> memref<32x200xf32, #tpu.memory_space<hbm>>
    tpu.wait_dma2 semaphore(%arg15 : memref<!tpu.dma_semaphore, #tpu.memory_space<semaphore_mem>>) src(%dma_wait3A_152 : memref<32x200xf32, #tpu.memory_space<hbm>>) dst(%dma_wait3A_150 : memref<32x200xf32, #tpu.memory_space<vmem>>)
    %scan3A_153 = arith.constant 0 : i32
    %scan3A_154 = arith.constant 32 : i32
    %scan3A_155 = arith.addi %scan3A_153, %scan3A_154 : i32
    %scan3A_156 = arith.constant 1 : i32
    %scan3A_157 = scf.for %scan3A_432 = %scan3A_153 to %scan3A_155 step %scan3A_156 iter_args(%scan3A_433 = %scan3A_97) -> (vector<16xf32>)  : i32 {
      %get3A_434 = arith.constant 1 : i32
      %get3A_435 = arith.index_cast %get3A_434 : i32 to index
      %get3A_436 = arith.index_cast %scan3A_432 : i32 to index
      %get3A_437 = arith.constant 0 : index
      %get3A_438 = tpu.vector_load %arg7[%get3A_435, %get3A_436, %get3A_437] {strides = array<i32>} : memref<2x32x200xf32, #tpu.memory_space<vmem>>, vector<16xf32>,
      %get3A_439 = arith.constant 1 : i32
      %get3A_440 = arith.index_cast %get3A_439 : i32 to index
      %get3A_441 = arith.index_cast %scan3A_432 : i32 to index
      %get3A_442 = arith.constant 0 : index
      %get3A_443 = tpu.vector_load %arg8[%get3A_440, %get3A_441, %get3A_442] {strides = array<i32>} : memref<2x32x200xf32, #tpu.memory_space<vmem>>, vector<16xf32>,
      %sub3A = arith.subf %get3A_438, %get3A_443 : vector<16xf32>
      %mul3A_444 = arith.mulf %sub3A, %sub3A : vector<16xf32>
      %sub3A_445 = arith.subf %get3A_443, %get3A_5 : vector<16xf32>
      %mul3A_446 = arith.mulf %sub3A_445, %get3A_7 : vector<16xf32>
      %convert_element_type3A = arith.fptosi %mul3A_446 : vector<16xf32> to vector<16xi32>
      %max3A = arith.constant 0 : i32
      %max3A_447 = vector.broadcast %max3A : i32 to vector<16xi32>
      %max3A_448 = arith.maxsi %convert_element_type3A, %max3A_447 : vector<16xi32>
      %min3A = arith.constant 9 : i32
      %min3A_449 = vector.broadcast %min3A : i32 to vector<16xi32>
      %min3A_450 = arith.minsi %max3A_448, %min3A_449 : vector<16xi32>
      %gather3A = tpu.vector_load_idx %arg9[%min3A_450] : memref<16xf32, #tpu.memory_space<vmem>>[vector<16xi32>], vector<16xf32>,
      %mul3A_451 = arith.mulf %mul3A_444, %gather3A : vector<16xf32>
      %add3A_452 = arith.addf %scan3A_433, %mul3A_451 : vector<16xf32>
      %get3A_453 = arith.constant 1 : i32
      %get3A_454 = arith.index_cast %get3A_453 : i32 to index
      %get3A_455 = arith.index_cast %scan3A_432 : i32 to index
      %get3A_456 = arith.constant 16 : index
      %get3A_457 = tpu.vector_load %arg7[%get3A_454, %get3A_455, %get3A_456] {strides = array<i32>} : memref<2x32x200xf32, #tpu.memory_space<vmem>>, vector<16xf32>,
      %get3A_458 = arith.constant 1 : i32
      %get3A_459 = arith.index_cast %get3A_458 : i32 to index
      %get3A_460 = arith.index_cast %scan3A_432 : i32 to index
      %get3A_461 = arith.constant 16 : index
      %get3A_462 = tpu.vector_load %arg8[%get3A_459, %get3A_460, %get3A_461] {strides = array<i32>} : memref<2x32x200xf32, #tpu.memory_space<vmem>>, vector<16xf32>,
      %sub3A_463 = arith.subf %get3A_457, %get3A_462 : vector<16xf32>
      %mul3A_464 = arith.mulf %sub3A_463, %sub3A_463 : vector<16xf32>
      %sub3A_465 = arith.subf %get3A_462, %get3A_5 : vector<16xf32>
      %mul3A_466 = arith.mulf %sub3A_465, %get3A_7 : vector<16xf32>
      %convert_element_type3A_467 = arith.fptosi %mul3A_466 : vector<16xf32> to vector<16xi32>
      %max3A_468 = arith.constant 0 : i32
      %max3A_469 = vector.broadcast %max3A_468 : i32 to vector<16xi32>
      %max3A_470 = arith.maxsi %convert_element_type3A_467, %max3A_469 : vector<16xi32>
      %min3A_471 = arith.constant 9 : i32
      %min3A_472 = vector.broadcast %min3A_471 : i32 to vector<16xi32>
      %min3A_473 = arith.minsi %max3A_470, %min3A_472 : vector<16xi32>
      %gather3A_474 = tpu.vector_load_idx %arg9[%min3A_473] : memref<16xf32, #tpu.memory_space<vmem>>[vector<16xi32>], vector<16xf32>,
      %mul3A_475 = arith.mulf %mul3A_464, %gather3A_474 : vector<16xf32>
      %add3A_476 = arith.addf %add3A_452, %mul3A_475 : vector<16xf32>
      %get3A_477 = arith.constant 1 : i32
      %get3A_478 = arith.index_cast %get3A_477 : i32 to index
      %get3A_479 = arith.index_cast %scan3A_432 : i32 to index
      %get3A_480 = arith.constant 32 : index
      %get3A_481 = tpu.vector_load %arg7[%get3A_478, %get3A_479, %get3A_480] {strides = array<i32>} : memref<2x32x200xf32, #tpu.memory_space<vmem>>, vector<16xf32>,
      %get3A_482 = arith.constant 1 : i32
      %get3A_483 = arith.index_cast %get3A_482 : i32 to index
      %get3A_484 = arith.index_cast %scan3A_432 : i32 to index
      %get3A_485 = arith.constant 32 : index
      %get3A_486 = tpu.vector_load %arg8[%get3A_483, %get3A_484, %get3A_485] {strides = array<i32>} : memref<2x32x200xf32, #tpu.memory_space<vmem>>, vector<16xf32>,
      %sub3A_487 = arith.subf %get3A_481, %get3A_486 : vector<16xf32>
      %mul3A_488 = arith.mulf %sub3A_487, %sub3A_487 : vector<16xf32>
      %sub3A_489 = arith.subf %get3A_486, %get3A_5 : vector<16xf32>
      %mul3A_490 = arith.mulf %sub3A_489, %get3A_7 : vector<16xf32>
      %convert_element_type3A_491 = arith.fptosi %mul3A_490 : vector<16xf32> to vector<16xi32>
      %max3A_492 = arith.constant 0 : i32
      %max3A_493 = vector.broadcast %max3A_492 : i32 to vector<16xi32>
      %max3A_494 = arith.maxsi %convert_element_type3A_491, %max3A_493 : vector<16xi32>
      %min3A_495 = arith.constant 9 : i32
      %min3A_496 = vector.broadcast %min3A_495 : i32 to vector<16xi32>
      %min3A_497 = arith.minsi %max3A_494, %min3A_496 : vector<16xi32>
      %gather3A_498 = tpu.vector_load_idx %arg9[%min3A_497] : memref<16xf32, #tpu.memory_space<vmem>>[vector<16xi32>], vector<16xf32>,
      %mul3A_499 = arith.mulf %mul3A_488, %gather3A_498 : vector<16xf32>
      %add3A_500 = arith.addf %add3A_476, %mul3A_499 : vector<16xf32>
      %get3A_501 = arith.constant 1 : i32
      %get3A_502 = arith.index_cast %get3A_501 : i32 to index
      %get3A_503 = arith.index_cast %scan3A_432 : i32 to index
      %get3A_504 = arith.constant 48 : index
      %get3A_505 = tpu.vector_load %arg7[%get3A_502, %get3A_503, %get3A_504] {strides = array<i32>} : memref<2x32x200xf32, #tpu.memory_space<vmem>>, vector<16xf32>,
      %get3A_506 = arith.constant 1 : i32
      %get3A_507 = arith.index_cast %get3A_506 : i32 to index
      %get3A_508 = arith.index_cast %scan3A_432 : i32 to index
      %get3A_509 = arith.constant 48 : index
      %get3A_510 = tpu.vector_load %arg8[%get3A_507, %get3A_508, %get3A_509] {strides = array<i32>} : memref<2x32x200xf32, #tpu.memory_space<vmem>>, vector<16xf32>,
      %sub3A_511 = arith.subf %get3A_505, %get3A_510 : vector<16xf32>
      %mul3A_512 = arith.mulf %sub3A_511, %sub3A_511 : vector<16xf32>
      %sub3A_513 = arith.subf %get3A_510, %get3A_5 : vector<16xf32>
      %mul3A_514 = arith.mulf %sub3A_513, %get3A_7 : vector<16xf32>
      %convert_element_type3A_515 = arith.fptosi %mul3A_514 : vector<16xf32> to vector<16xi32>
      %max3A_516 = arith.constant 0 : i32
      %max3A_517 = vector.broadcast %max3A_516 : i32 to vector<16xi32>
      %max3A_518 = arith.maxsi %convert_element_type3A_515, %max3A_517 : vector<16xi32>
      %min3A_519 = arith.constant 9 : i32
      %min3A_520 = vector.broadcast %min3A_519 : i32 to vector<16xi32>
      %min3A_521 = arith.minsi %max3A_518, %min3A_520 : vector<16xi32>
      %gather3A_522 = tpu.vector_load_idx %arg9[%min3A_521] : memref<16xf32, #tpu.memory_space<vmem>>[vector<16xi32>], vector<16xf32>,
      %mul3A_523 = arith.mulf %mul3A_512, %gather3A_522 : vector<16xf32>
      %add3A_524 = arith.addf %add3A_500, %mul3A_523 : vector<16xf32>
      %get3A_525 = arith.constant 1 : i32
      %get3A_526 = arith.index_cast %get3A_525 : i32 to index
      %get3A_527 = arith.index_cast %scan3A_432 : i32 to index
      %get3A_528 = arith.constant 64 : index
      %get3A_529 = tpu.vector_load %arg7[%get3A_526, %get3A_527, %get3A_528] {strides = array<i32>} : memref<2x32x200xf32, #tpu.memory_space<vmem>>, vector<16xf32>,
      %get3A_530 = arith.constant 1 : i32
      %get3A_531 = arith.index_cast %get3A_530 : i32 to index
      %get3A_532 = arith.index_cast %scan3A_432 : i32 to index
      %get3A_533 = arith.constant 64 : index
      %get3A_534 = tpu.vector_load %arg8[%get3A_531, %get3A_532, %get3A_533] {strides = array<i32>} : memref<2x32x200xf32, #tpu.memory_space<vmem>>, vector<16xf32>,
      %sub3A_535 = arith.subf %get3A_529, %get3A_534 : vector<16xf32>
      %mul3A_536 = arith.mulf %sub3A_535, %sub3A_535 : vector<16xf32>
      %sub3A_537 = arith.subf %get3A_534, %get3A_5 : vector<16xf32>
      %mul3A_538 = arith.mulf %sub3A_537, %get3A_7 : vector<16xf32>
      %convert_element_type3A_539 = arith.fptosi %mul3A_538 : vector<16xf32> to vector<16xi32>
      %max3A_540 = arith.constant 0 : i32
      %max3A_541 = vector.broadcast %max3A_540 : i32 to vector<16xi32>
      %max3A_542 = arith.maxsi %convert_element_type3A_539, %max3A_541 : vector<16xi32>
      %min3A_543 = arith.constant 9 : i32
      %min3A_544 = vector.broadcast %min3A_543 : i32 to vector<16xi32>
      %min3A_545 = arith.minsi %max3A_542, %min3A_544 : vector<16xi32>
      %gather3A_546 = tpu.vector_load_idx %arg9[%min3A_545] : memref<16xf32, #tpu.memory_space<vmem>>[vector<16xi32>], vector<16xf32>,
      %mul3A_547 = arith.mulf %mul3A_536, %gather3A_546 : vector<16xf32>
      %add3A_548 = arith.addf %add3A_524, %mul3A_547 : vector<16xf32>
      %get3A_549 = arith.constant 1 : i32
      %get3A_550 = arith.index_cast %get3A_549 : i32 to index
      %get3A_551 = arith.index_cast %scan3A_432 : i32 to index
      %get3A_552 = arith.constant 80 : index
      %get3A_553 = tpu.vector_load %arg7[%get3A_550, %get3A_551, %get3A_552] {strides = array<i32>} : memref<2x32x200xf32, #tpu.memory_space<vmem>>, vector<16xf32>,
      %get3A_554 = arith.constant 1 : i32
      %get3A_555 = arith.index_cast %get3A_554 : i32 to index
      %get3A_556 = arith.index_cast %scan3A_432 : i32 to index
      %get3A_557 = arith.constant 80 : index
      %get3A_558 = tpu.vector_load %arg8[%get3A_555, %get3A_556, %get3A_557] {strides = array<i32>} : memref<2x32x200xf32, #tpu.memory_space<vmem>>, vector<16xf32>,
      %sub3A_559 = arith.subf %get3A_553, %get3A_558 : vector<16xf32>
      %mul3A_560 = arith.mulf %sub3A_559, %sub3A_559 : vector<16xf32>
      %sub3A_561 = arith.subf %get3A_558, %get3A_5 : vector<16xf32>
      %mul3A_562 = arith.mulf %sub3A_561, %get3A_7 : vector<16xf32>
      %convert_element_type3A_563 = arith.fptosi %mul3A_562 : vector<16xf32> to vector<16xi32>
      %max3A_564 = arith.constant 0 : i32
      %max3A_565 = vector.broadcast %max3A_564 : i32 to vector<16xi32>
      %max3A_566 = arith.maxsi %convert_element_type3A_563, %max3A_565 : vector<16xi32>
      %min3A_567 = arith.constant 9 : i32
      %min3A_568 = vector.broadcast %min3A_567 : i32 to vector<16xi32>
      %min3A_569 = arith.minsi %max3A_566, %min3A_568 : vector<16xi32>
      %gather3A_570 = tpu.vector_load_idx %arg9[%min3A_569] : memref<16xf32, #tpu.memory_space<vmem>>[vector<16xi32>], vector<16xf32>,
      %mul3A_571 = arith.mulf %mul3A_560, %gather3A_570 : vector<16xf32>
      %add3A_572 = arith.addf %add3A_548, %mul3A_571 : vector<16xf32>
      %get3A_573 = arith.constant 1 : i32
      %get3A_574 = arith.index_cast %get3A_573 : i32 to index
      %get3A_575 = arith.index_cast %scan3A_432 : i32 to index
      %get3A_576 = arith.constant 96 : index
      %get3A_577 = tpu.vector_load %arg7[%get3A_574, %get3A_575, %get3A_576] {strides = array<i32>} : memref<2x32x200xf32, #tpu.memory_space<vmem>>, vector<16xf32>,
      %get3A_578 = arith.constant 1 : i32
      %get3A_579 = arith.index_cast %get3A_578 : i32 to index
      %get3A_580 = arith.index_cast %scan3A_432 : i32 to index
      %get3A_581 = arith.constant 96 : index
      %get3A_582 = tpu.vector_load %arg8[%get3A_579, %get3A_580, %get3A_581] {strides = array<i32>} : memref<2x32x200xf32, #tpu.memory_space<vmem>>, vector<16xf32>,
      %sub3A_583 = arith.subf %get3A_577, %get3A_582 : vector<16xf32>
      %mul3A_584 = arith.mulf %sub3A_583, %sub3A_583 : vector<16xf32>
      %sub3A_585 = arith.subf %get3A_582, %get3A_5 : vector<16xf32>
      %mul3A_586 = arith.mulf %sub3A_585, %get3A_7 : vector<16xf32>
      %convert_element_type3A_587 = arith.fptosi %mul3A_586 : vector<16xf32> to vector<16xi32>
      %max3A_588 = arith.constant 0 : i32
      %max3A_589 = vector.broadcast %max3A_588 : i32 to vector<16xi32>
      %max3A_590 = arith.maxsi %convert_element_type3A_587, %max3A_589 : vector<16xi32>
      %min3A_591 = arith.constant 9 : i32
      %min3A_592 = vector.broadcast %min3A_591 : i32 to vector<16xi32>
      %min3A_593 = arith.minsi %max3A_590, %min3A_592 : vector<16xi32>
      %gather3A_594 = tpu.vector_load_idx %arg9[%min3A_593] : memref<16xf32, #tpu.memory_space<vmem>>[vector<16xi32>], vector<16xf32>,
      %mul3A_595 = arith.mulf %mul3A_584, %gather3A_594 : vector<16xf32>
      %add3A_596 = arith.addf %add3A_572, %mul3A_595 : vector<16xf32>
      %get3A_597 = arith.constant 1 : i32
      %get3A_598 = arith.index_cast %get3A_597 : i32 to index
      %get3A_599 = arith.index_cast %scan3A_432 : i32 to index
      %get3A_600 = arith.constant 112 : index
      %get3A_601 = tpu.vector_load %arg7[%get3A_598, %get3A_599, %get3A_600] {strides = array<i32>} : memref<2x32x200xf32, #tpu.memory_space<vmem>>, vector<16xf32>,
      %get3A_602 = arith.constant 1 : i32
      %get3A_603 = arith.index_cast %get3A_602 : i32 to index
      %get3A_604 = arith.index_cast %scan3A_432 : i32 to index
      %get3A_605 = arith.constant 112 : index
      %get3A_606 = tpu.vector_load %arg8[%get3A_603, %get3A_604, %get3A_605] {strides = array<i32>} : memref<2x32x200xf32, #tpu.memory_space<vmem>>, vector<16xf32>,
      %sub3A_607 = arith.subf %get3A_601, %get3A_606 : vector<16xf32>
      %mul3A_608 = arith.mulf %sub3A_607, %sub3A_607 : vector<16xf32>
      %sub3A_609 = arith.subf %get3A_606, %get3A_5 : vector<16xf32>
      %mul3A_610 = arith.mulf %sub3A_609, %get3A_7 : vector<16xf32>
      %convert_element_type3A_611 = arith.fptosi %mul3A_610 : vector<16xf32> to vector<16xi32>
      %max3A_612 = arith.constant 0 : i32
      %max3A_613 = vector.broadcast %max3A_612 : i32 to vector<16xi32>
      %max3A_614 = arith.maxsi %convert_element_type3A_611, %max3A_613 : vector<16xi32>
      %min3A_615 = arith.constant 9 : i32
      %min3A_616 = vector.broadcast %min3A_615 : i32 to vector<16xi32>
      %min3A_617 = arith.minsi %max3A_614, %min3A_616 : vector<16xi32>
      %gather3A_618 = tpu.vector_load_idx %arg9[%min3A_617] : memref<16xf32, #tpu.memory_space<vmem>>[vector<16xi32>], vector<16xf32>,
      %mul3A_619 = arith.mulf %mul3A_608, %gather3A_618 : vector<16xf32>
      %add3A_620 = arith.addf %add3A_596, %mul3A_619 : vector<16xf32>
      %get3A_621 = arith.constant 1 : i32
      %get3A_622 = arith.index_cast %get3A_621 : i32 to index
      %get3A_623 = arith.index_cast %scan3A_432 : i32 to index
      %get3A_624 = arith.constant 128 : index
      %get3A_625 = tpu.vector_load %arg7[%get3A_622, %get3A_623, %get3A_624] {strides = array<i32>} : memref<2x32x200xf32, #tpu.memory_space<vmem>>, vector<16xf32>,
      %get3A_626 = arith.constant 1 : i32
      %get3A_627 = arith.index_cast %get3A_626 : i32 to index
      %get3A_628 = arith.index_cast %scan3A_432 : i32 to index
      %get3A_629 = arith.constant 128 : index
      %get3A_630 = tpu.vector_load %arg8[%get3A_627, %get3A_628, %get3A_629] {strides = array<i32>} : memref<2x32x200xf32, #tpu.memory_space<vmem>>, vector<16xf32>,
      %sub3A_631 = arith.subf %get3A_625, %get3A_630 : vector<16xf32>
      %mul3A_632 = arith.mulf %sub3A_631, %sub3A_631 : vector<16xf32>
      %sub3A_633 = arith.subf %get3A_630, %get3A_5 : vector<16xf32>
      %mul3A_634 = arith.mulf %sub3A_633, %get3A_7 : vector<16xf32>
      %convert_element_type3A_635 = arith.fptosi %mul3A_634 : vector<16xf32> to vector<16xi32>
      %max3A_636 = arith.constant 0 : i32
      %max3A_637 = vector.broadcast %max3A_636 : i32 to vector<16xi32>
      %max3A_638 = arith.maxsi %convert_element_type3A_635, %max3A_637 : vector<16xi32>
      %min3A_639 = arith.constant 9 : i32
      %min3A_640 = vector.broadcast %min3A_639 : i32 to vector<16xi32>
      %min3A_641 = arith.minsi %max3A_638, %min3A_640 : vector<16xi32>
      %gather3A_642 = tpu.vector_load_idx %arg9[%min3A_641] : memref<16xf32, #tpu.memory_space<vmem>>[vector<16xi32>], vector<16xf32>,
      %mul3A_643 = arith.mulf %mul3A_632, %gather3A_642 : vector<16xf32>
      %add3A_644 = arith.addf %add3A_620, %mul3A_643 : vector<16xf32>
      %get3A_645 = arith.constant 1 : i32
      %get3A_646 = arith.index_cast %get3A_645 : i32 to index
      %get3A_647 = arith.index_cast %scan3A_432 : i32 to index
      %get3A_648 = arith.constant 144 : index
      %get3A_649 = tpu.vector_load %arg7[%get3A_646, %get3A_647, %get3A_648] {strides = array<i32>} : memref<2x32x200xf32, #tpu.memory_space<vmem>>, vector<16xf32>,
      %get3A_650 = arith.constant 1 : i32
      %get3A_651 = arith.index_cast %get3A_650 : i32 to index
      %get3A_652 = arith.index_cast %scan3A_432 : i32 to index
      %get3A_653 = arith.constant 144 : index
      %get3A_654 = tpu.vector_load %arg8[%get3A_651, %get3A_652, %get3A_653] {strides = array<i32>} : memref<2x32x200xf32, #tpu.memory_space<vmem>>, vector<16xf32>,
      %sub3A_655 = arith.subf %get3A_649, %get3A_654 : vector<16xf32>
      %mul3A_656 = arith.mulf %sub3A_655, %sub3A_655 : vector<16xf32>
      %sub3A_657 = arith.subf %get3A_654, %get3A_5 : vector<16xf32>
      %mul3A_658 = arith.mulf %sub3A_657, %get3A_7 : vector<16xf32>
      %convert_element_type3A_659 = arith.fptosi %mul3A_658 : vector<16xf32> to vector<16xi32>
      %max3A_660 = arith.constant 0 : i32
      %max3A_661 = vector.broadcast %max3A_660 : i32 to vector<16xi32>
      %max3A_662 = arith.maxsi %convert_element_type3A_659, %max3A_661 : vector<16xi32>
      %min3A_663 = arith.constant 9 : i32
      %min3A_664 = vector.broadcast %min3A_663 : i32 to vector<16xi32>
      %min3A_665 = arith.minsi %max3A_662, %min3A_664 : vector<16xi32>
      %gather3A_666 = tpu.vector_load_idx %arg9[%min3A_665] : memref<16xf32, #tpu.memory_space<vmem>>[vector<16xi32>], vector<16xf32>,
      %mul3A_667 = arith.mulf %mul3A_656, %gather3A_666 : vector<16xf32>
      %add3A_668 = arith.addf %add3A_644, %mul3A_667 : vector<16xf32>
      %get3A_669 = arith.constant 1 : i32
      %get3A_670 = arith.index_cast %get3A_669 : i32 to index
      %get3A_671 = arith.index_cast %scan3A_432 : i32 to index
      %get3A_672 = arith.constant 160 : index
      %get3A_673 = tpu.vector_load %arg7[%get3A_670, %get3A_671, %get3A_672] {strides = array<i32>} : memref<2x32x200xf32, #tpu.memory_space<vmem>>, vector<16xf32>,
      %get3A_674 = arith.constant 1 : i32
      %get3A_675 = arith.index_cast %get3A_674 : i32 to index
      %get3A_676 = arith.index_cast %scan3A_432 : i32 to index
      %get3A_677 = arith.constant 160 : index
      %get3A_678 = tpu.vector_load %arg8[%get3A_675, %get3A_676, %get3A_677] {strides = array<i32>} : memref<2x32x200xf32, #tpu.memory_space<vmem>>, vector<16xf32>,
      %sub3A_679 = arith.subf %get3A_673, %get3A_678 : vector<16xf32>
      %mul3A_680 = arith.mulf %sub3A_679, %sub3A_679 : vector<16xf32>
      %sub3A_681 = arith.subf %get3A_678, %get3A_5 : vector<16xf32>
      %mul3A_682 = arith.mulf %sub3A_681, %get3A_7 : vector<16xf32>
      %convert_element_type3A_683 = arith.fptosi %mul3A_682 : vector<16xf32> to vector<16xi32>
      %max3A_684 = arith.constant 0 : i32
      %max3A_685 = vector.broadcast %max3A_684 : i32 to vector<16xi32>
      %max3A_686 = arith.maxsi %convert_element_type3A_683, %max3A_685 : vector<16xi32>
      %min3A_687 = arith.constant 9 : i32
      %min3A_688 = vector.broadcast %min3A_687 : i32 to vector<16xi32>
      %min3A_689 = arith.minsi %max3A_686, %min3A_688 : vector<16xi32>
      %gather3A_690 = tpu.vector_load_idx %arg9[%min3A_689] : memref<16xf32, #tpu.memory_space<vmem>>[vector<16xi32>], vector<16xf32>,
      %mul3A_691 = arith.mulf %mul3A_680, %gather3A_690 : vector<16xf32>
      %add3A_692 = arith.addf %add3A_668, %mul3A_691 : vector<16xf32>
      %get3A_693 = arith.constant 1 : i32
      %get3A_694 = arith.index_cast %get3A_693 : i32 to index
      %get3A_695 = arith.index_cast %scan3A_432 : i32 to index
      %get3A_696 = arith.constant 176 : index
      %get3A_697 = tpu.vector_load %arg7[%get3A_694, %get3A_695, %get3A_696] {strides = array<i32>} : memref<2x32x200xf32, #tpu.memory_space<vmem>>, vector<16xf32>,
      %get3A_698 = arith.constant 1 : i32
      %get3A_699 = arith.index_cast %get3A_698 : i32 to index
      %get3A_700 = arith.index_cast %scan3A_432 : i32 to index
      %get3A_701 = arith.constant 176 : index
      %get3A_702 = tpu.vector_load %arg8[%get3A_699, %get3A_700, %get3A_701] {strides = array<i32>} : memref<2x32x200xf32, #tpu.memory_space<vmem>>, vector<16xf32>,
      %sub3A_703 = arith.subf %get3A_697, %get3A_702 : vector<16xf32>
      %mul3A_704 = arith.mulf %sub3A_703, %sub3A_703 : vector<16xf32>
      %sub3A_705 = arith.subf %get3A_702, %get3A_5 : vector<16xf32>
      %mul3A_706 = arith.mulf %sub3A_705, %get3A_7 : vector<16xf32>
      %convert_element_type3A_707 = arith.fptosi %mul3A_706 : vector<16xf32> to vector<16xi32>
      %max3A_708 = arith.constant 0 : i32
      %max3A_709 = vector.broadcast %max3A_708 : i32 to vector<16xi32>
      %max3A_710 = arith.maxsi %convert_element_type3A_707, %max3A_709 : vector<16xi32>
      %min3A_711 = arith.constant 9 : i32
      %min3A_712 = vector.broadcast %min3A_711 : i32 to vector<16xi32>
      %min3A_713 = arith.minsi %max3A_710, %min3A_712 : vector<16xi32>
      %gather3A_714 = tpu.vector_load_idx %arg9[%min3A_713] : memref<16xf32, #tpu.memory_space<vmem>>[vector<16xi32>], vector<16xf32>,
      %mul3A_715 = arith.mulf %mul3A_704, %gather3A_714 : vector<16xf32>
      %add3A_716 = arith.addf %add3A_692, %mul3A_715 : vector<16xf32>
      %get3A_717 = arith.constant 1 : i32
      %get3A_718 = arith.index_cast %get3A_717 : i32 to index
      %get3A_719 = arith.index_cast %scan3A_432 : i32 to index
      %get3A_720 = arith.constant 184 : index
      %get3A_721 = tpu.vector_load %arg7[%get3A_718, %get3A_719, %get3A_720] {strides = array<i32>} : memref<2x32x200xf32, #tpu.memory_space<vmem>>, vector<16xf32>,
      %get3A_722 = arith.constant 1 : i32
      %get3A_723 = arith.index_cast %get3A_722 : i32 to index
      %get3A_724 = arith.index_cast %scan3A_432 : i32 to index
      %get3A_725 = arith.constant 184 : index
      %get3A_726 = tpu.vector_load %arg8[%get3A_723, %get3A_724, %get3A_725] {strides = array<i32>} : memref<2x32x200xf32, #tpu.memory_space<vmem>>, vector<16xf32>,
      %sub3A_727 = arith.subf %get3A_721, %get3A_726 : vector<16xf32>
      %mul3A_728 = arith.mulf %sub3A_727, %sub3A_727 : vector<16xf32>
      %sub3A_729 = arith.subf %get3A_726, %get3A_5 : vector<16xf32>
      %mul3A_730 = arith.mulf %sub3A_729, %get3A_7 : vector<16xf32>
      %convert_element_type3A_731 = arith.fptosi %mul3A_730 : vector<16xf32> to vector<16xi32>
      %max3A_732 = arith.constant 0 : i32
      %max3A_733 = vector.broadcast %max3A_732 : i32 to vector<16xi32>
      %max3A_734 = arith.maxsi %convert_element_type3A_731, %max3A_733 : vector<16xi32>
      %min3A_735 = arith.constant 9 : i32
      %min3A_736 = vector.broadcast %min3A_735 : i32 to vector<16xi32>
      %min3A_737 = arith.minsi %max3A_734, %min3A_736 : vector<16xi32>
      %gather3A_738 = tpu.vector_load_idx %arg9[%min3A_737] : memref<16xf32, #tpu.memory_space<vmem>>[vector<16xi32>], vector<16xf32>,
      %mul3A_739 = arith.mulf %gather3A_738, %select_n3A : vector<16xf32>
      %mul3A_740 = arith.mulf %mul3A_728, %mul3A_739 : vector<16xf32>
      %add3A_741 = arith.addf %add3A_716, %mul3A_740 : vector<16xf32>
      scf.yield %add3A_741 : vector<16xf32>
    }
    %scan3A_158 = arith.constant 32 : i32
    %add3A_159 = arith.constant 96 : i32
    %add3A_160 = arith.addi %add3A_4, %add3A_159 : i32
    %dma_start3A_161 = arith.constant 1 : i32
    %dma_start3A_162 = arith.constant 0 : i32
    %dma_start3A_163 = arith.constant 0 : i32
    %dma_start3A_164 = tpu.memref_slice %arg7[%dma_start3A_161, %dma_start3A_162, %dma_start3A_163] : memref<2x32x200xf32, #tpu.memory_space<vmem>> -> memref<1x32x200xf32, #tpu.memory_space<vmem>>
    %dma_start3A_165 = tpu.memref_squeeze %dma_start3A_164 : memref<1x32x200xf32, #tpu.memory_space<vmem>> -> memref<32x200xf32, #tpu.memory_space<vmem>>
    %dma_start3A_166 = arith.constant 0 : i32
    %dma_start3A_167 = tpu.memref_slice %arg2[%add3A_160, %dma_start3A_166] : memref<16384x200xf32, #tpu.memory_space<hbm>> -> memref<32x200xf32, #tpu.memory_space<hbm>>
    %dma_start3A_168 = arith.constant 0 : i32
    %dma_start3A_169 = arith.constant 0 : i32
    %dma_start3A_170 = tpu.memref_slice %arg7[%dma_start3A_161, %dma_start3A_168, %dma_start3A_169] : memref<2x32x200xf32, #tpu.memory_space<vmem>> -> memref<1x32x200xf32, #tpu.memory_space<vmem>>
    %dma_start3A_171 = tpu.memref_squeeze %dma_start3A_170 : memref<1x32x200xf32, #tpu.memory_space<vmem>> -> memref<32x200xf32, #tpu.memory_space<vmem>>
    %dma_start3A_172 = arith.constant 0 : i32
    %dma_start3A_173 = tpu.memref_slice %arg2[%add3A_160, %dma_start3A_172] : memref<16384x200xf32, #tpu.memory_space<hbm>> -> memref<32x200xf32, #tpu.memory_space<hbm>>
    tpu.enqueue_dma source(%dma_start3A_173 : memref<32x200xf32, #tpu.memory_space<hbm>>) target(%dma_start3A_171 : memref<32x200xf32, #tpu.memory_space<vmem>>) target_semaphore(%arg13 : memref<!tpu.dma_semaphore, #tpu.memory_space<semaphore_mem>>)
    %dma_start3A_174 = arith.constant 1 : i32
    %dma_start3A_175 = arith.constant 0 : i32
    %dma_start3A_176 = arith.constant 0 : i32
    %dma_start3A_177 = tpu.memref_slice %arg8[%dma_start3A_174, %dma_start3A_175, %dma_start3A_176] : memref<2x32x200xf32, #tpu.memory_space<vmem>> -> memref<1x32x200xf32, #tpu.memory_space<vmem>>
    %dma_start3A_178 = tpu.memref_squeeze %dma_start3A_177 : memref<1x32x200xf32, #tpu.memory_space<vmem>> -> memref<32x200xf32, #tpu.memory_space<vmem>>
    %dma_start3A_179 = arith.constant 0 : i32
    %dma_start3A_180 = tpu.memref_slice %arg3[%add3A_160, %dma_start3A_179] : memref<16384x200xf32, #tpu.memory_space<hbm>> -> memref<32x200xf32, #tpu.memory_space<hbm>>
    %dma_start3A_181 = arith.constant 0 : i32
    %dma_start3A_182 = arith.constant 0 : i32
    %dma_start3A_183 = tpu.memref_slice %arg8[%dma_start3A_174, %dma_start3A_181, %dma_start3A_182] : memref<2x32x200xf32, #tpu.memory_space<vmem>> -> memref<1x32x200xf32, #tpu.memory_space<vmem>>
    %dma_start3A_184 = tpu.memref_squeeze %dma_start3A_183 : memref<1x32x200xf32, #tpu.memory_space<vmem>> -> memref<32x200xf32, #tpu.memory_space<vmem>>
    %dma_start3A_185 = arith.constant 0 : i32
    %dma_start3A_186 = tpu.memref_slice %arg3[%add3A_160, %dma_start3A_185] : memref<16384x200xf32, #tpu.memory_space<hbm>> -> memref<32x200xf32, #tpu.memory_space<hbm>>
    tpu.enqueue_dma source(%dma_start3A_186 : memref<32x200xf32, #tpu.memory_space<hbm>>) target(%dma_start3A_184 : memref<32x200xf32, #tpu.memory_space<vmem>>) target_semaphore(%arg15 : memref<!tpu.dma_semaphore, #tpu.memory_space<semaphore_mem>>)
    %dma_wait3A_187 = arith.constant 0 : i32
    %dma_wait3A_188 = arith.constant 0 : i32
    %dma_wait3A_189 = arith.constant 0 : i32
    %dma_wait3A_190 = tpu.memref_slice %arg7[%dma_wait3A_187, %dma_wait3A_188, %dma_wait3A_189] : memref<2x32x200xf32, #tpu.memory_space<vmem>> -> memref<1x32x200xf32, #tpu.memory_space<vmem>>
    %dma_wait3A_191 = tpu.memref_squeeze %dma_wait3A_190 : memref<1x32x200xf32, #tpu.memory_space<vmem>> -> memref<32x200xf32, #tpu.memory_space<vmem>>
    %dma_wait3A_192 = arith.constant 0 : i32
    %dma_wait3A_193 = tpu.memref_slice %arg2[%add3A_100, %dma_wait3A_192] : memref<16384x200xf32, #tpu.memory_space<hbm>> -> memref<32x200xf32, #tpu.memory_space<hbm>>
    %dma_wait3A_194 = arith.constant 0 : i32
    %dma_wait3A_195 = arith.constant 0 : i32
    %dma_wait3A_196 = tpu.memref_slice %arg7[%dma_wait3A_187, %dma_wait3A_194, %dma_wait3A_195] : memref<2x32x200xf32, #tpu.memory_space<vmem>> -> memref<1x32x200xf32, #tpu.memory_space<vmem>>
    %dma_wait3A_197 = tpu.memref_squeeze %dma_wait3A_196 : memref<1x32x200xf32, #tpu.memory_space<vmem>> -> memref<32x200xf32, #tpu.memory_space<vmem>>
    %dma_wait3A_198 = arith.constant 0 : i32
    %dma_wait3A_199 = tpu.memref_slice %arg2[%add3A_100, %dma_wait3A_198] : memref<16384x200xf32, #tpu.memory_space<hbm>> -> memref<32x200xf32, #tpu.memory_space<hbm>>
    tpu.wait_dma2 semaphore(%arg12 : memref<!tpu.dma_semaphore, #tpu.memory_space<semaphore_mem>>) src(%dma_wait3A_199 : memref<32x200xf32, #tpu.memory_space<hbm>>) dst(%dma_wait3A_197 : memref<32x200xf32, #tpu.memory_space<vmem>>)
    %dma_wait3A_200 = arith.constant 0 : i32
    %dma_wait3A_201 = arith.constant 0 : i32
    %dma_wait3A_202 = arith.constant 0 : i32
    %dma_wait3A_203 = tpu.memref_slice %arg8[%dma_wait3A_200, %dma_wait3A_201, %dma_wait3A_202] : memref<2x32x200xf32, #tpu.memory_space<vmem>> -> memref<1x32x200xf32, #tpu.memory_space<vmem>>
    %dma_wait3A_204 = tpu.memref_squeeze %dma_wait3A_203 : memref<1x32x200xf32, #tpu.memory_space<vmem>> -> memref<32x200xf32, #tpu.memory_space<vmem>>
    %dma_wait3A_205 = arith.constant 0 : i32
    %dma_wait3A_206 = tpu.memref_slice %arg3[%add3A_100, %dma_wait3A_205] : memref<16384x200xf32, #tpu.memory_space<hbm>> -> memref<32x200xf32, #tpu.memory_space<hbm>>
    %dma_wait3A_207 = arith.constant 0 : i32
    %dma_wait3A_208 = arith.constant 0 : i32
    %dma_wait3A_209 = tpu.memref_slice %arg8[%dma_wait3A_200, %dma_wait3A_207, %dma_wait3A_208] : memref<2x32x200xf32, #tpu.memory_space<vmem>> -> memref<1x32x200xf32, #tpu.memory_space<vmem>>
    %dma_wait3A_210 = tpu.memref_squeeze %dma_wait3A_209 : memref<1x32x200xf32, #tpu.memory_space<vmem>> -> memref<32x200xf32, #tpu.memory_space<vmem>>
    %dma_wait3A_211 = arith.constant 0 : i32
    %dma_wait3A_212 = tpu.memref_slice %arg3[%add3A_100, %dma_wait3A_211] : memref<16384x200xf32, #tpu.memory_space<hbm>> -> memref<32x200xf32, #tpu.memory_space<hbm>>
    tpu.wait_dma2 semaphore(%arg14 : memref<!tpu.dma_semaphore, #tpu.memory_space<semaphore_mem>>) src(%dma_wait3A_212 : memref<32x200xf32, #tpu.memory_space<hbm>>) dst(%dma_wait3A_210 : memref<32x200xf32, #tpu.memory_space<vmem>>)
    %scan3A_213 = arith.constant 0 : i32
    %scan3A_214 = arith.constant 32 : i32
    %scan3A_215 = arith.addi %scan3A_213, %scan3A_214 : i32
    %scan3A_216 = arith.constant 1 : i32
    %scan3A_217 = scf.for %scan3A_432 = %scan3A_213 to %scan3A_215 step %scan3A_216 iter_args(%scan3A_433 = %scan3A_157) -> (vector<16xf32>)  : i32 {
      %get3A_434 = arith.constant 0 : i32
      %get3A_435 = arith.index_cast %get3A_434 : i32 to index
      %get3A_436 = arith.index_cast %scan3A_432 : i32 to index
      %get3A_437 = arith.constant 0 : index
      %get3A_438 = tpu.vector_load %arg7[%get3A_435, %get3A_436, %get3A_437] {strides = array<i32>} : memref<2x32x200xf32, #tpu.memory_space<vmem>>, vector<16xf32>,
      %get3A_439 = arith.constant 0 : i32
      %get3A_440 = arith.index_cast %get3A_439 : i32 to index
      %get3A_441 = arith.index_cast %scan3A_432 : i32 to index
      %get3A_442 = arith.constant 0 : index
      %get3A_443 = tpu.vector_load %arg8[%get3A_440, %get3A_441, %get3A_442] {strides = array<i32>} : memref<2x32x200xf32, #tpu.memory_space<vmem>>, vector<16xf32>,
      %sub3A = arith.subf %get3A_438, %get3A_443 : vector<16xf32>
      %mul3A_444 = arith.mulf %sub3A, %sub3A : vector<16xf32>
      %sub3A_445 = arith.subf %get3A_443, %get3A_5 : vector<16xf32>
      %mul3A_446 = arith.mulf %sub3A_445, %get3A_7 : vector<16xf32>
      %convert_element_type3A = arith.fptosi %mul3A_446 : vector<16xf32> to vector<16xi32>
      %max3A = arith.constant 0 : i32
      %max3A_447 = vector.broadcast %max3A : i32 to vector<16xi32>
      %max3A_448 = arith.maxsi %convert_element_type3A, %max3A_447 : vector<16xi32>
      %min3A = arith.constant 9 : i32
      %min3A_449 = vector.broadcast %min3A : i32 to vector<16xi32>
      %min3A_450 = arith.minsi %max3A_448, %min3A_449 : vector<16xi32>
      %gather3A = tpu.vector_load_idx %arg9[%min3A_450] : memref<16xf32, #tpu.memory_space<vmem>>[vector<16xi32>], vector<16xf32>,
      %mul3A_451 = arith.mulf %mul3A_444, %gather3A : vector<16xf32>
      %add3A_452 = arith.addf %scan3A_433, %mul3A_451 : vector<16xf32>
      %get3A_453 = arith.constant 0 : i32
      %get3A_454 = arith.index_cast %get3A_453 : i32 to index
      %get3A_455 = arith.index_cast %scan3A_432 : i32 to index
      %get3A_456 = arith.constant 16 : index
      %get3A_457 = tpu.vector_load %arg7[%get3A_454, %get3A_455, %get3A_456] {strides = array<i32>} : memref<2x32x200xf32, #tpu.memory_space<vmem>>, vector<16xf32>,
      %get3A_458 = arith.constant 0 : i32
      %get3A_459 = arith.index_cast %get3A_458 : i32 to index
      %get3A_460 = arith.index_cast %scan3A_432 : i32 to index
      %get3A_461 = arith.constant 16 : index
      %get3A_462 = tpu.vector_load %arg8[%get3A_459, %get3A_460, %get3A_461] {strides = array<i32>} : memref<2x32x200xf32, #tpu.memory_space<vmem>>, vector<16xf32>,
      %sub3A_463 = arith.subf %get3A_457, %get3A_462 : vector<16xf32>
      %mul3A_464 = arith.mulf %sub3A_463, %sub3A_463 : vector<16xf32>
      %sub3A_465 = arith.subf %get3A_462, %get3A_5 : vector<16xf32>
      %mul3A_466 = arith.mulf %sub3A_465, %get3A_7 : vector<16xf32>
      %convert_element_type3A_467 = arith.fptosi %mul3A_466 : vector<16xf32> to vector<16xi32>
      %max3A_468 = arith.constant 0 : i32
      %max3A_469 = vector.broadcast %max3A_468 : i32 to vector<16xi32>
      %max3A_470 = arith.maxsi %convert_element_type3A_467, %max3A_469 : vector<16xi32>
      %min3A_471 = arith.constant 9 : i32
      %min3A_472 = vector.broadcast %min3A_471 : i32 to vector<16xi32>
      %min3A_473 = arith.minsi %max3A_470, %min3A_472 : vector<16xi32>
      %gather3A_474 = tpu.vector_load_idx %arg9[%min3A_473] : memref<16xf32, #tpu.memory_space<vmem>>[vector<16xi32>], vector<16xf32>,
      %mul3A_475 = arith.mulf %mul3A_464, %gather3A_474 : vector<16xf32>
      %add3A_476 = arith.addf %add3A_452, %mul3A_475 : vector<16xf32>
      %get3A_477 = arith.constant 0 : i32
      %get3A_478 = arith.index_cast %get3A_477 : i32 to index
      %get3A_479 = arith.index_cast %scan3A_432 : i32 to index
      %get3A_480 = arith.constant 32 : index
      %get3A_481 = tpu.vector_load %arg7[%get3A_478, %get3A_479, %get3A_480] {strides = array<i32>} : memref<2x32x200xf32, #tpu.memory_space<vmem>>, vector<16xf32>,
      %get3A_482 = arith.constant 0 : i32
      %get3A_483 = arith.index_cast %get3A_482 : i32 to index
      %get3A_484 = arith.index_cast %scan3A_432 : i32 to index
      %get3A_485 = arith.constant 32 : index
      %get3A_486 = tpu.vector_load %arg8[%get3A_483, %get3A_484, %get3A_485] {strides = array<i32>} : memref<2x32x200xf32, #tpu.memory_space<vmem>>, vector<16xf32>,
      %sub3A_487 = arith.subf %get3A_481, %get3A_486 : vector<16xf32>
      %mul3A_488 = arith.mulf %sub3A_487, %sub3A_487 : vector<16xf32>
      %sub3A_489 = arith.subf %get3A_486, %get3A_5 : vector<16xf32>
      %mul3A_490 = arith.mulf %sub3A_489, %get3A_7 : vector<16xf32>
      %convert_element_type3A_491 = arith.fptosi %mul3A_490 : vector<16xf32> to vector<16xi32>
      %max3A_492 = arith.constant 0 : i32
      %max3A_493 = vector.broadcast %max3A_492 : i32 to vector<16xi32>
      %max3A_494 = arith.maxsi %convert_element_type3A_491, %max3A_493 : vector<16xi32>
      %min3A_495 = arith.constant 9 : i32
      %min3A_496 = vector.broadcast %min3A_495 : i32 to vector<16xi32>
      %min3A_497 = arith.minsi %max3A_494, %min3A_496 : vector<16xi32>
      %gather3A_498 = tpu.vector_load_idx %arg9[%min3A_497] : memref<16xf32, #tpu.memory_space<vmem>>[vector<16xi32>], vector<16xf32>,
      %mul3A_499 = arith.mulf %mul3A_488, %gather3A_498 : vector<16xf32>
      %add3A_500 = arith.addf %add3A_476, %mul3A_499 : vector<16xf32>
      %get3A_501 = arith.constant 0 : i32
      %get3A_502 = arith.index_cast %get3A_501 : i32 to index
      %get3A_503 = arith.index_cast %scan3A_432 : i32 to index
      %get3A_504 = arith.constant 48 : index
      %get3A_505 = tpu.vector_load %arg7[%get3A_502, %get3A_503, %get3A_504] {strides = array<i32>} : memref<2x32x200xf32, #tpu.memory_space<vmem>>, vector<16xf32>,
      %get3A_506 = arith.constant 0 : i32
      %get3A_507 = arith.index_cast %get3A_506 : i32 to index
      %get3A_508 = arith.index_cast %scan3A_432 : i32 to index
      %get3A_509 = arith.constant 48 : index
      %get3A_510 = tpu.vector_load %arg8[%get3A_507, %get3A_508, %get3A_509] {strides = array<i32>} : memref<2x32x200xf32, #tpu.memory_space<vmem>>, vector<16xf32>,
      %sub3A_511 = arith.subf %get3A_505, %get3A_510 : vector<16xf32>
      %mul3A_512 = arith.mulf %sub3A_511, %sub3A_511 : vector<16xf32>
      %sub3A_513 = arith.subf %get3A_510, %get3A_5 : vector<16xf32>
      %mul3A_514 = arith.mulf %sub3A_513, %get3A_7 : vector<16xf32>
      %convert_element_type3A_515 = arith.fptosi %mul3A_514 : vector<16xf32> to vector<16xi32>
      %max3A_516 = arith.constant 0 : i32
      %max3A_517 = vector.broadcast %max3A_516 : i32 to vector<16xi32>
      %max3A_518 = arith.maxsi %convert_element_type3A_515, %max3A_517 : vector<16xi32>
      %min3A_519 = arith.constant 9 : i32
      %min3A_520 = vector.broadcast %min3A_519 : i32 to vector<16xi32>
      %min3A_521 = arith.minsi %max3A_518, %min3A_520 : vector<16xi32>
      %gather3A_522 = tpu.vector_load_idx %arg9[%min3A_521] : memref<16xf32, #tpu.memory_space<vmem>>[vector<16xi32>], vector<16xf32>,
      %mul3A_523 = arith.mulf %mul3A_512, %gather3A_522 : vector<16xf32>
      %add3A_524 = arith.addf %add3A_500, %mul3A_523 : vector<16xf32>
      %get3A_525 = arith.constant 0 : i32
      %get3A_526 = arith.index_cast %get3A_525 : i32 to index
      %get3A_527 = arith.index_cast %scan3A_432 : i32 to index
      %get3A_528 = arith.constant 64 : index
      %get3A_529 = tpu.vector_load %arg7[%get3A_526, %get3A_527, %get3A_528] {strides = array<i32>} : memref<2x32x200xf32, #tpu.memory_space<vmem>>, vector<16xf32>,
      %get3A_530 = arith.constant 0 : i32
      %get3A_531 = arith.index_cast %get3A_530 : i32 to index
      %get3A_532 = arith.index_cast %scan3A_432 : i32 to index
      %get3A_533 = arith.constant 64 : index
      %get3A_534 = tpu.vector_load %arg8[%get3A_531, %get3A_532, %get3A_533] {strides = array<i32>} : memref<2x32x200xf32, #tpu.memory_space<vmem>>, vector<16xf32>,
      %sub3A_535 = arith.subf %get3A_529, %get3A_534 : vector<16xf32>
      %mul3A_536 = arith.mulf %sub3A_535, %sub3A_535 : vector<16xf32>
      %sub3A_537 = arith.subf %get3A_534, %get3A_5 : vector<16xf32>
      %mul3A_538 = arith.mulf %sub3A_537, %get3A_7 : vector<16xf32>
      %convert_element_type3A_539 = arith.fptosi %mul3A_538 : vector<16xf32> to vector<16xi32>
      %max3A_540 = arith.constant 0 : i32
      %max3A_541 = vector.broadcast %max3A_540 : i32 to vector<16xi32>
      %max3A_542 = arith.maxsi %convert_element_type3A_539, %max3A_541 : vector<16xi32>
      %min3A_543 = arith.constant 9 : i32
      %min3A_544 = vector.broadcast %min3A_543 : i32 to vector<16xi32>
      %min3A_545 = arith.minsi %max3A_542, %min3A_544 : vector<16xi32>
      %gather3A_546 = tpu.vector_load_idx %arg9[%min3A_545] : memref<16xf32, #tpu.memory_space<vmem>>[vector<16xi32>], vector<16xf32>,
      %mul3A_547 = arith.mulf %mul3A_536, %gather3A_546 : vector<16xf32>
      %add3A_548 = arith.addf %add3A_524, %mul3A_547 : vector<16xf32>
      %get3A_549 = arith.constant 0 : i32
      %get3A_550 = arith.index_cast %get3A_549 : i32 to index
      %get3A_551 = arith.index_cast %scan3A_432 : i32 to index
      %get3A_552 = arith.constant 80 : index
      %get3A_553 = tpu.vector_load %arg7[%get3A_550, %get3A_551, %get3A_552] {strides = array<i32>} : memref<2x32x200xf32, #tpu.memory_space<vmem>>, vector<16xf32>,
      %get3A_554 = arith.constant 0 : i32
      %get3A_555 = arith.index_cast %get3A_554 : i32 to index
      %get3A_556 = arith.index_cast %scan3A_432 : i32 to index
      %get3A_557 = arith.constant 80 : index
      %get3A_558 = tpu.vector_load %arg8[%get3A_555, %get3A_556, %get3A_557] {strides = array<i32>} : memref<2x32x200xf32, #tpu.memory_space<vmem>>, vector<16xf32>,
      %sub3A_559 = arith.subf %get3A_553, %get3A_558 : vector<16xf32>
      %mul3A_560 = arith.mulf %sub3A_559, %sub3A_559 : vector<16xf32>
      %sub3A_561 = arith.subf %get3A_558, %get3A_5 : vector<16xf32>
      %mul3A_562 = arith.mulf %sub3A_561, %get3A_7 : vector<16xf32>
      %convert_element_type3A_563 = arith.fptosi %mul3A_562 : vector<16xf32> to vector<16xi32>
      %max3A_564 = arith.constant 0 : i32
      %max3A_565 = vector.broadcast %max3A_564 : i32 to vector<16xi32>
      %max3A_566 = arith.maxsi %convert_element_type3A_563, %max3A_565 : vector<16xi32>
      %min3A_567 = arith.constant 9 : i32
      %min3A_568 = vector.broadcast %min3A_567 : i32 to vector<16xi32>
      %min3A_569 = arith.minsi %max3A_566, %min3A_568 : vector<16xi32>
      %gather3A_570 = tpu.vector_load_idx %arg9[%min3A_569] : memref<16xf32, #tpu.memory_space<vmem>>[vector<16xi32>], vector<16xf32>,
      %mul3A_571 = arith.mulf %mul3A_560, %gather3A_570 : vector<16xf32>
      %add3A_572 = arith.addf %add3A_548, %mul3A_571 : vector<16xf32>
      %get3A_573 = arith.constant 0 : i32
      %get3A_574 = arith.index_cast %get3A_573 : i32 to index
      %get3A_575 = arith.index_cast %scan3A_432 : i32 to index
      %get3A_576 = arith.constant 96 : index
      %get3A_577 = tpu.vector_load %arg7[%get3A_574, %get3A_575, %get3A_576] {strides = array<i32>} : memref<2x32x200xf32, #tpu.memory_space<vmem>>, vector<16xf32>,
      %get3A_578 = arith.constant 0 : i32
      %get3A_579 = arith.index_cast %get3A_578 : i32 to index
      %get3A_580 = arith.index_cast %scan3A_432 : i32 to index
      %get3A_581 = arith.constant 96 : index
      %get3A_582 = tpu.vector_load %arg8[%get3A_579, %get3A_580, %get3A_581] {strides = array<i32>} : memref<2x32x200xf32, #tpu.memory_space<vmem>>, vector<16xf32>,
      %sub3A_583 = arith.subf %get3A_577, %get3A_582 : vector<16xf32>
      %mul3A_584 = arith.mulf %sub3A_583, %sub3A_583 : vector<16xf32>
      %sub3A_585 = arith.subf %get3A_582, %get3A_5 : vector<16xf32>
      %mul3A_586 = arith.mulf %sub3A_585, %get3A_7 : vector<16xf32>
      %convert_element_type3A_587 = arith.fptosi %mul3A_586 : vector<16xf32> to vector<16xi32>
      %max3A_588 = arith.constant 0 : i32
      %max3A_589 = vector.broadcast %max3A_588 : i32 to vector<16xi32>
      %max3A_590 = arith.maxsi %convert_element_type3A_587, %max3A_589 : vector<16xi32>
      %min3A_591 = arith.constant 9 : i32
      %min3A_592 = vector.broadcast %min3A_591 : i32 to vector<16xi32>
      %min3A_593 = arith.minsi %max3A_590, %min3A_592 : vector<16xi32>
      %gather3A_594 = tpu.vector_load_idx %arg9[%min3A_593] : memref<16xf32, #tpu.memory_space<vmem>>[vector<16xi32>], vector<16xf32>,
      %mul3A_595 = arith.mulf %mul3A_584, %gather3A_594 : vector<16xf32>
      %add3A_596 = arith.addf %add3A_572, %mul3A_595 : vector<16xf32>
      %get3A_597 = arith.constant 0 : i32
      %get3A_598 = arith.index_cast %get3A_597 : i32 to index
      %get3A_599 = arith.index_cast %scan3A_432 : i32 to index
      %get3A_600 = arith.constant 112 : index
      %get3A_601 = tpu.vector_load %arg7[%get3A_598, %get3A_599, %get3A_600] {strides = array<i32>} : memref<2x32x200xf32, #tpu.memory_space<vmem>>, vector<16xf32>,
      %get3A_602 = arith.constant 0 : i32
      %get3A_603 = arith.index_cast %get3A_602 : i32 to index
      %get3A_604 = arith.index_cast %scan3A_432 : i32 to index
      %get3A_605 = arith.constant 112 : index
      %get3A_606 = tpu.vector_load %arg8[%get3A_603, %get3A_604, %get3A_605] {strides = array<i32>} : memref<2x32x200xf32, #tpu.memory_space<vmem>>, vector<16xf32>,
      %sub3A_607 = arith.subf %get3A_601, %get3A_606 : vector<16xf32>
      %mul3A_608 = arith.mulf %sub3A_607, %sub3A_607 : vector<16xf32>
      %sub3A_609 = arith.subf %get3A_606, %get3A_5 : vector<16xf32>
      %mul3A_610 = arith.mulf %sub3A_609, %get3A_7 : vector<16xf32>
      %convert_element_type3A_611 = arith.fptosi %mul3A_610 : vector<16xf32> to vector<16xi32>
      %max3A_612 = arith.constant 0 : i32
      %max3A_613 = vector.broadcast %max3A_612 : i32 to vector<16xi32>
      %max3A_614 = arith.maxsi %convert_element_type3A_611, %max3A_613 : vector<16xi32>
      %min3A_615 = arith.constant 9 : i32
      %min3A_616 = vector.broadcast %min3A_615 : i32 to vector<16xi32>
      %min3A_617 = arith.minsi %max3A_614, %min3A_616 : vector<16xi32>
      %gather3A_618 = tpu.vector_load_idx %arg9[%min3A_617] : memref<16xf32, #tpu.memory_space<vmem>>[vector<16xi32>], vector<16xf32>,
      %mul3A_619 = arith.mulf %mul3A_608, %gather3A_618 : vector<16xf32>
      %add3A_620 = arith.addf %add3A_596, %mul3A_619 : vector<16xf32>
      %get3A_621 = arith.constant 0 : i32
      %get3A_622 = arith.index_cast %get3A_621 : i32 to index
      %get3A_623 = arith.index_cast %scan3A_432 : i32 to index
      %get3A_624 = arith.constant 128 : index
      %get3A_625 = tpu.vector_load %arg7[%get3A_622, %get3A_623, %get3A_624] {strides = array<i32>} : memref<2x32x200xf32, #tpu.memory_space<vmem>>, vector<16xf32>,
      %get3A_626 = arith.constant 0 : i32
      %get3A_627 = arith.index_cast %get3A_626 : i32 to index
      %get3A_628 = arith.index_cast %scan3A_432 : i32 to index
      %get3A_629 = arith.constant 128 : index
      %get3A_630 = tpu.vector_load %arg8[%get3A_627, %get3A_628, %get3A_629] {strides = array<i32>} : memref<2x32x200xf32, #tpu.memory_space<vmem>>, vector<16xf32>,
      %sub3A_631 = arith.subf %get3A_625, %get3A_630 : vector<16xf32>
      %mul3A_632 = arith.mulf %sub3A_631, %sub3A_631 : vector<16xf32>
      %sub3A_633 = arith.subf %get3A_630, %get3A_5 : vector<16xf32>
      %mul3A_634 = arith.mulf %sub3A_633, %get3A_7 : vector<16xf32>
      %convert_element_type3A_635 = arith.fptosi %mul3A_634 : vector<16xf32> to vector<16xi32>
      %max3A_636 = arith.constant 0 : i32
      %max3A_637 = vector.broadcast %max3A_636 : i32 to vector<16xi32>
      %max3A_638 = arith.maxsi %convert_element_type3A_635, %max3A_637 : vector<16xi32>
      %min3A_639 = arith.constant 9 : i32
      %min3A_640 = vector.broadcast %min3A_639 : i32 to vector<16xi32>
      %min3A_641 = arith.minsi %max3A_638, %min3A_640 : vector<16xi32>
      %gather3A_642 = tpu.vector_load_idx %arg9[%min3A_641] : memref<16xf32, #tpu.memory_space<vmem>>[vector<16xi32>], vector<16xf32>,
      %mul3A_643 = arith.mulf %mul3A_632, %gather3A_642 : vector<16xf32>
      %add3A_644 = arith.addf %add3A_620, %mul3A_643 : vector<16xf32>
      %get3A_645 = arith.constant 0 : i32
      %get3A_646 = arith.index_cast %get3A_645 : i32 to index
      %get3A_647 = arith.index_cast %scan3A_432 : i32 to index
      %get3A_648 = arith.constant 144 : index
      %get3A_649 = tpu.vector_load %arg7[%get3A_646, %get3A_647, %get3A_648] {strides = array<i32>} : memref<2x32x200xf32, #tpu.memory_space<vmem>>, vector<16xf32>,
      %get3A_650 = arith.constant 0 : i32
      %get3A_651 = arith.index_cast %get3A_650 : i32 to index
      %get3A_652 = arith.index_cast %scan3A_432 : i32 to index
      %get3A_653 = arith.constant 144 : index
      %get3A_654 = tpu.vector_load %arg8[%get3A_651, %get3A_652, %get3A_653] {strides = array<i32>} : memref<2x32x200xf32, #tpu.memory_space<vmem>>, vector<16xf32>,
      %sub3A_655 = arith.subf %get3A_649, %get3A_654 : vector<16xf32>
      %mul3A_656 = arith.mulf %sub3A_655, %sub3A_655 : vector<16xf32>
      %sub3A_657 = arith.subf %get3A_654, %get3A_5 : vector<16xf32>
      %mul3A_658 = arith.mulf %sub3A_657, %get3A_7 : vector<16xf32>
      %convert_element_type3A_659 = arith.fptosi %mul3A_658 : vector<16xf32> to vector<16xi32>
      %max3A_660 = arith.constant 0 : i32
      %max3A_661 = vector.broadcast %max3A_660 : i32 to vector<16xi32>
      %max3A_662 = arith.maxsi %convert_element_type3A_659, %max3A_661 : vector<16xi32>
      %min3A_663 = arith.constant 9 : i32
      %min3A_664 = vector.broadcast %min3A_663 : i32 to vector<16xi32>
      %min3A_665 = arith.minsi %max3A_662, %min3A_664 : vector<16xi32>
      %gather3A_666 = tpu.vector_load_idx %arg9[%min3A_665] : memref<16xf32, #tpu.memory_space<vmem>>[vector<16xi32>], vector<16xf32>,
      %mul3A_667 = arith.mulf %mul3A_656, %gather3A_666 : vector<16xf32>
      %add3A_668 = arith.addf %add3A_644, %mul3A_667 : vector<16xf32>
      %get3A_669 = arith.constant 0 : i32
      %get3A_670 = arith.index_cast %get3A_669 : i32 to index
      %get3A_671 = arith.index_cast %scan3A_432 : i32 to index
      %get3A_672 = arith.constant 160 : index
      %get3A_673 = tpu.vector_load %arg7[%get3A_670, %get3A_671, %get3A_672] {strides = array<i32>} : memref<2x32x200xf32, #tpu.memory_space<vmem>>, vector<16xf32>,
      %get3A_674 = arith.constant 0 : i32
      %get3A_675 = arith.index_cast %get3A_674 : i32 to index
      %get3A_676 = arith.index_cast %scan3A_432 : i32 to index
      %get3A_677 = arith.constant 160 : index
      %get3A_678 = tpu.vector_load %arg8[%get3A_675, %get3A_676, %get3A_677] {strides = array<i32>} : memref<2x32x200xf32, #tpu.memory_space<vmem>>, vector<16xf32>,
      %sub3A_679 = arith.subf %get3A_673, %get3A_678 : vector<16xf32>
      %mul3A_680 = arith.mulf %sub3A_679, %sub3A_679 : vector<16xf32>
      %sub3A_681 = arith.subf %get3A_678, %get3A_5 : vector<16xf32>
      %mul3A_682 = arith.mulf %sub3A_681, %get3A_7 : vector<16xf32>
      %convert_element_type3A_683 = arith.fptosi %mul3A_682 : vector<16xf32> to vector<16xi32>
      %max3A_684 = arith.constant 0 : i32
      %max3A_685 = vector.broadcast %max3A_684 : i32 to vector<16xi32>
      %max3A_686 = arith.maxsi %convert_element_type3A_683, %max3A_685 : vector<16xi32>
      %min3A_687 = arith.constant 9 : i32
      %min3A_688 = vector.broadcast %min3A_687 : i32 to vector<16xi32>
      %min3A_689 = arith.minsi %max3A_686, %min3A_688 : vector<16xi32>
      %gather3A_690 = tpu.vector_load_idx %arg9[%min3A_689] : memref<16xf32, #tpu.memory_space<vmem>>[vector<16xi32>], vector<16xf32>,
      %mul3A_691 = arith.mulf %mul3A_680, %gather3A_690 : vector<16xf32>
      %add3A_692 = arith.addf %add3A_668, %mul3A_691 : vector<16xf32>
      %get3A_693 = arith.constant 0 : i32
      %get3A_694 = arith.index_cast %get3A_693 : i32 to index
      %get3A_695 = arith.index_cast %scan3A_432 : i32 to index
      %get3A_696 = arith.constant 176 : index
      %get3A_697 = tpu.vector_load %arg7[%get3A_694, %get3A_695, %get3A_696] {strides = array<i32>} : memref<2x32x200xf32, #tpu.memory_space<vmem>>, vector<16xf32>,
      %get3A_698 = arith.constant 0 : i32
      %get3A_699 = arith.index_cast %get3A_698 : i32 to index
      %get3A_700 = arith.index_cast %scan3A_432 : i32 to index
      %get3A_701 = arith.constant 176 : index
      %get3A_702 = tpu.vector_load %arg8[%get3A_699, %get3A_700, %get3A_701] {strides = array<i32>} : memref<2x32x200xf32, #tpu.memory_space<vmem>>, vector<16xf32>,
      %sub3A_703 = arith.subf %get3A_697, %get3A_702 : vector<16xf32>
      %mul3A_704 = arith.mulf %sub3A_703, %sub3A_703 : vector<16xf32>
      %sub3A_705 = arith.subf %get3A_702, %get3A_5 : vector<16xf32>
      %mul3A_706 = arith.mulf %sub3A_705, %get3A_7 : vector<16xf32>
      %convert_element_type3A_707 = arith.fptosi %mul3A_706 : vector<16xf32> to vector<16xi32>
      %max3A_708 = arith.constant 0 : i32
      %max3A_709 = vector.broadcast %max3A_708 : i32 to vector<16xi32>
      %max3A_710 = arith.maxsi %convert_element_type3A_707, %max3A_709 : vector<16xi32>
      %min3A_711 = arith.constant 9 : i32
      %min3A_712 = vector.broadcast %min3A_711 : i32 to vector<16xi32>
      %min3A_713 = arith.minsi %max3A_710, %min3A_712 : vector<16xi32>
      %gather3A_714 = tpu.vector_load_idx %arg9[%min3A_713] : memref<16xf32, #tpu.memory_space<vmem>>[vector<16xi32>], vector<16xf32>,
      %mul3A_715 = arith.mulf %mul3A_704, %gather3A_714 : vector<16xf32>
      %add3A_716 = arith.addf %add3A_692, %mul3A_715 : vector<16xf32>
      %get3A_717 = arith.constant 0 : i32
      %get3A_718 = arith.index_cast %get3A_717 : i32 to index
      %get3A_719 = arith.index_cast %scan3A_432 : i32 to index
      %get3A_720 = arith.constant 184 : index
      %get3A_721 = tpu.vector_load %arg7[%get3A_718, %get3A_719, %get3A_720] {strides = array<i32>} : memref<2x32x200xf32, #tpu.memory_space<vmem>>, vector<16xf32>,
      %get3A_722 = arith.constant 0 : i32
      %get3A_723 = arith.index_cast %get3A_722 : i32 to index
      %get3A_724 = arith.index_cast %scan3A_432 : i32 to index
      %get3A_725 = arith.constant 184 : index
      %get3A_726 = tpu.vector_load %arg8[%get3A_723, %get3A_724, %get3A_725] {strides = array<i32>} : memref<2x32x200xf32, #tpu.memory_space<vmem>>, vector<16xf32>,
      %sub3A_727 = arith.subf %get3A_721, %get3A_726 : vector<16xf32>
      %mul3A_728 = arith.mulf %sub3A_727, %sub3A_727 : vector<16xf32>
      %sub3A_729 = arith.subf %get3A_726, %get3A_5 : vector<16xf32>
      %mul3A_730 = arith.mulf %sub3A_729, %get3A_7 : vector<16xf32>
      %convert_element_type3A_731 = arith.fptosi %mul3A_730 : vector<16xf32> to vector<16xi32>
      %max3A_732 = arith.constant 0 : i32
      %max3A_733 = vector.broadcast %max3A_732 : i32 to vector<16xi32>
      %max3A_734 = arith.maxsi %convert_element_type3A_731, %max3A_733 : vector<16xi32>
      %min3A_735 = arith.constant 9 : i32
      %min3A_736 = vector.broadcast %min3A_735 : i32 to vector<16xi32>
      %min3A_737 = arith.minsi %max3A_734, %min3A_736 : vector<16xi32>
      %gather3A_738 = tpu.vector_load_idx %arg9[%min3A_737] : memref<16xf32, #tpu.memory_space<vmem>>[vector<16xi32>], vector<16xf32>,
      %mul3A_739 = arith.mulf %gather3A_738, %select_n3A : vector<16xf32>
      %mul3A_740 = arith.mulf %mul3A_728, %mul3A_739 : vector<16xf32>
      %add3A_741 = arith.addf %add3A_716, %mul3A_740 : vector<16xf32>
      scf.yield %add3A_741 : vector<16xf32>
    }
    %scan3A_218 = arith.constant 32 : i32
    %add3A_219 = arith.constant 128 : i32
    %add3A_220 = arith.addi %add3A_4, %add3A_219 : i32
    %dma_start3A_221 = arith.constant 0 : i32
    %dma_start3A_222 = arith.constant 0 : i32
    %dma_start3A_223 = arith.constant 0 : i32
    %dma_start3A_224 = tpu.memref_slice %arg7[%dma_start3A_221, %dma_start3A_222, %dma_start3A_223] : memref<2x32x200xf32, #tpu.memory_space<vmem>> -> memref<1x32x200xf32, #tpu.memory_space<vmem>>
    %dma_start3A_225 = tpu.memref_squeeze %dma_start3A_224 : memref<1x32x200xf32, #tpu.memory_space<vmem>> -> memref<32x200xf32, #tpu.memory_space<vmem>>
    %dma_start3A_226 = arith.constant 0 : i32
    %dma_start3A_227 = tpu.memref_slice %arg2[%add3A_220, %dma_start3A_226] : memref<16384x200xf32, #tpu.memory_space<hbm>> -> memref<32x200xf32, #tpu.memory_space<hbm>>
    %dma_start3A_228 = arith.constant 0 : i32
    %dma_start3A_229 = arith.constant 0 : i32
    %dma_start3A_230 = tpu.memref_slice %arg7[%dma_start3A_221, %dma_start3A_228, %dma_start3A_229] : memref<2x32x200xf32, #tpu.memory_space<vmem>> -> memref<1x32x200xf32, #tpu.memory_space<vmem>>
    %dma_start3A_231 = tpu.memref_squeeze %dma_start3A_230 : memref<1x32x200xf32, #tpu.memory_space<vmem>> -> memref<32x200xf32, #tpu.memory_space<vmem>>
    %dma_start3A_232 = arith.constant 0 : i32
    %dma_start3A_233 = tpu.memref_slice %arg2[%add3A_220, %dma_start3A_232] : memref<16384x200xf32, #tpu.memory_space<hbm>> -> memref<32x200xf32, #tpu.memory_space<hbm>>
    tpu.enqueue_dma source(%dma_start3A_233 : memref<32x200xf32, #tpu.memory_space<hbm>>) target(%dma_start3A_231 : memref<32x200xf32, #tpu.memory_space<vmem>>) target_semaphore(%arg12 : memref<!tpu.dma_semaphore, #tpu.memory_space<semaphore_mem>>)
    %dma_start3A_234 = arith.constant 0 : i32
    %dma_start3A_235 = arith.constant 0 : i32
    %dma_start3A_236 = arith.constant 0 : i32
    %dma_start3A_237 = tpu.memref_slice %arg8[%dma_start3A_234, %dma_start3A_235, %dma_start3A_236] : memref<2x32x200xf32, #tpu.memory_space<vmem>> -> memref<1x32x200xf32, #tpu.memory_space<vmem>>
    %dma_start3A_238 = tpu.memref_squeeze %dma_start3A_237 : memref<1x32x200xf32, #tpu.memory_space<vmem>> -> memref<32x200xf32, #tpu.memory_space<vmem>>
    %dma_start3A_239 = arith.constant 0 : i32
    %dma_start3A_240 = tpu.memref_slice %arg3[%add3A_220, %dma_start3A_239] : memref<16384x200xf32, #tpu.memory_space<hbm>> -> memref<32x200xf32, #tpu.memory_space<hbm>>
    %dma_start3A_241 = arith.constant 0 : i32
    %dma_start3A_242 = arith.constant 0 : i32
    %dma_start3A_243 = tpu.memref_slice %arg8[%dma_start3A_234, %dma_start3A_241, %dma_start3A_242] : memref<2x32x200xf32, #tpu.memory_space<vmem>> -> memref<1x32x200xf32, #tpu.memory_space<vmem>>
    %dma_start3A_244 = tpu.memref_squeeze %dma_start3A_243 : memref<1x32x200xf32, #tpu.memory_space<vmem>> -> memref<32x200xf32, #tpu.memory_space<vmem>>
    %dma_start3A_245 = arith.constant 0 : i32
    %dma_start3A_246 = tpu.memref_slice %arg3[%add3A_220, %dma_start3A_245] : memref<16384x200xf32, #tpu.memory_space<hbm>> -> memref<32x200xf32, #tpu.memory_space<hbm>>
    tpu.enqueue_dma source(%dma_start3A_246 : memref<32x200xf32, #tpu.memory_space<hbm>>) target(%dma_start3A_244 : memref<32x200xf32, #tpu.memory_space<vmem>>) target_semaphore(%arg14 : memref<!tpu.dma_semaphore, #tpu.memory_space<semaphore_mem>>)
    %dma_wait3A_247 = arith.constant 1 : i32
    %dma_wait3A_248 = arith.constant 0 : i32
    %dma_wait3A_249 = arith.constant 0 : i32
    %dma_wait3A_250 = tpu.memref_slice %arg7[%dma_wait3A_247, %dma_wait3A_248, %dma_wait3A_249] : memref<2x32x200xf32, #tpu.memory_space<vmem>> -> memref<1x32x200xf32, #tpu.memory_space<vmem>>
    %dma_wait3A_251 = tpu.memref_squeeze %dma_wait3A_250 : memref<1x32x200xf32, #tpu.memory_space<vmem>> -> memref<32x200xf32, #tpu.memory_space<vmem>>
    %dma_wait3A_252 = arith.constant 0 : i32
    %dma_wait3A_253 = tpu.memref_slice %arg2[%add3A_160, %dma_wait3A_252] : memref<16384x200xf32, #tpu.memory_space<hbm>> -> memref<32x200xf32, #tpu.memory_space<hbm>>
    %dma_wait3A_254 = arith.constant 0 : i32
    %dma_wait3A_255 = arith.constant 0 : i32
    %dma_wait3A_256 = tpu.memref_slice %arg7[%dma_wait3A_247, %dma_wait3A_254, %dma_wait3A_255] : memref<2x32x200xf32, #tpu.memory_space<vmem>> -> memref<1x32x200xf32, #tpu.memory_space<vmem>>
    %dma_wait3A_257 = tpu.memref_squeeze %dma_wait3A_256 : memref<1x32x200xf32, #tpu.memory_space<vmem>> -> memref<32x200xf32, #tpu.memory_space<vmem>>
    %dma_wait3A_258 = arith.constant 0 : i32
    %dma_wait3A_259 = tpu.memref_slice %arg2[%add3A_160, %dma_wait3A_258] : memref<16384x200xf32, #tpu.memory_space<hbm>> -> memref<32x200xf32, #tpu.memory_space<hbm>>
    tpu.wait_dma2 semaphore(%arg13 : memref<!tpu.dma_semaphore, #tpu.memory_space<semaphore_mem>>) src(%dma_wait3A_259 : memref<32x200xf32, #tpu.memory_space<hbm>>) dst(%dma_wait3A_257 : memref<32x200xf32, #tpu.memory_space<vmem>>)
    %dma_wait3A_260 = arith.constant 1 : i32
    %dma_wait3A_261 = arith.constant 0 : i32
    %dma_wait3A_262 = arith.constant 0 : i32
    %dma_wait3A_263 = tpu.memref_slice %arg8[%dma_wait3A_260, %dma_wait3A_261, %dma_wait3A_262] : memref<2x32x200xf32, #tpu.memory_space<vmem>> -> memref<1x32x200xf32, #tpu.memory_space<vmem>>
    %dma_wait3A_264 = tpu.memref_squeeze %dma_wait3A_263 : memref<1x32x200xf32, #tpu.memory_space<vmem>> -> memref<32x200xf32, #tpu.memory_space<vmem>>
    %dma_wait3A_265 = arith.constant 0 : i32
    %dma_wait3A_266 = tpu.memref_slice %arg3[%add3A_160, %dma_wait3A_265] : memref<16384x200xf32, #tpu.memory_space<hbm>> -> memref<32x200xf32, #tpu.memory_space<hbm>>
    %dma_wait3A_267 = arith.constant 0 : i32
    %dma_wait3A_268 = arith.constant 0 : i32
    %dma_wait3A_269 = tpu.memref_slice %arg8[%dma_wait3A_260, %dma_wait3A_267, %dma_wait3A_268] : memref<2x32x200xf32, #tpu.memory_space<vmem>> -> memref<1x32x200xf32, #tpu.memory_space<vmem>>
    %dma_wait3A_270 = tpu.memref_squeeze %dma_wait3A_269 : memref<1x32x200xf32, #tpu.memory_space<vmem>> -> memref<32x200xf32, #tpu.memory_space<vmem>>
    %dma_wait3A_271 = arith.constant 0 : i32
    %dma_wait3A_272 = tpu.memref_slice %arg3[%add3A_160, %dma_wait3A_271] : memref<16384x200xf32, #tpu.memory_space<hbm>> -> memref<32x200xf32, #tpu.memory_space<hbm>>
    tpu.wait_dma2 semaphore(%arg15 : memref<!tpu.dma_semaphore, #tpu.memory_space<semaphore_mem>>) src(%dma_wait3A_272 : memref<32x200xf32, #tpu.memory_space<hbm>>) dst(%dma_wait3A_270 : memref<32x200xf32, #tpu.memory_space<vmem>>)
    %scan3A_273 = arith.constant 0 : i32
    %scan3A_274 = arith.constant 32 : i32
    %scan3A_275 = arith.addi %scan3A_273, %scan3A_274 : i32
    %scan3A_276 = arith.constant 1 : i32
    %scan3A_277 = scf.for %scan3A_432 = %scan3A_273 to %scan3A_275 step %scan3A_276 iter_args(%scan3A_433 = %scan3A_217) -> (vector<16xf32>)  : i32 {
      %get3A_434 = arith.constant 1 : i32
      %get3A_435 = arith.index_cast %get3A_434 : i32 to index
      %get3A_436 = arith.index_cast %scan3A_432 : i32 to index
      %get3A_437 = arith.constant 0 : index
      %get3A_438 = tpu.vector_load %arg7[%get3A_435, %get3A_436, %get3A_437] {strides = array<i32>} : memref<2x32x200xf32, #tpu.memory_space<vmem>>, vector<16xf32>,
      %get3A_439 = arith.constant 1 : i32
      %get3A_440 = arith.index_cast %get3A_439 : i32 to index
      %get3A_441 = arith.index_cast %scan3A_432 : i32 to index
      %get3A_442 = arith.constant 0 : index
      %get3A_443 = tpu.vector_load %arg8[%get3A_440, %get3A_441, %get3A_442] {strides = array<i32>} : memref<2x32x200xf32, #tpu.memory_space<vmem>>, vector<16xf32>,
      %sub3A = arith.subf %get3A_438, %get3A_443 : vector<16xf32>
      %mul3A_444 = arith.mulf %sub3A, %sub3A : vector<16xf32>
      %sub3A_445 = arith.subf %get3A_443, %get3A_5 : vector<16xf32>
      %mul3A_446 = arith.mulf %sub3A_445, %get3A_7 : vector<16xf32>
      %convert_element_type3A = arith.fptosi %mul3A_446 : vector<16xf32> to vector<16xi32>
      %max3A = arith.constant 0 : i32
      %max3A_447 = vector.broadcast %max3A : i32 to vector<16xi32>
      %max3A_448 = arith.maxsi %convert_element_type3A, %max3A_447 : vector<16xi32>
      %min3A = arith.constant 9 : i32
      %min3A_449 = vector.broadcast %min3A : i32 to vector<16xi32>
      %min3A_450 = arith.minsi %max3A_448, %min3A_449 : vector<16xi32>
      %gather3A = tpu.vector_load_idx %arg9[%min3A_450] : memref<16xf32, #tpu.memory_space<vmem>>[vector<16xi32>], vector<16xf32>,
      %mul3A_451 = arith.mulf %mul3A_444, %gather3A : vector<16xf32>
      %add3A_452 = arith.addf %scan3A_433, %mul3A_451 : vector<16xf32>
      %get3A_453 = arith.constant 1 : i32
      %get3A_454 = arith.index_cast %get3A_453 : i32 to index
      %get3A_455 = arith.index_cast %scan3A_432 : i32 to index
      %get3A_456 = arith.constant 16 : index
      %get3A_457 = tpu.vector_load %arg7[%get3A_454, %get3A_455, %get3A_456] {strides = array<i32>} : memref<2x32x200xf32, #tpu.memory_space<vmem>>, vector<16xf32>,
      %get3A_458 = arith.constant 1 : i32
      %get3A_459 = arith.index_cast %get3A_458 : i32 to index
      %get3A_460 = arith.index_cast %scan3A_432 : i32 to index
      %get3A_461 = arith.constant 16 : index
      %get3A_462 = tpu.vector_load %arg8[%get3A_459, %get3A_460, %get3A_461] {strides = array<i32>} : memref<2x32x200xf32, #tpu.memory_space<vmem>>, vector<16xf32>,
      %sub3A_463 = arith.subf %get3A_457, %get3A_462 : vector<16xf32>
      %mul3A_464 = arith.mulf %sub3A_463, %sub3A_463 : vector<16xf32>
      %sub3A_465 = arith.subf %get3A_462, %get3A_5 : vector<16xf32>
      %mul3A_466 = arith.mulf %sub3A_465, %get3A_7 : vector<16xf32>
      %convert_element_type3A_467 = arith.fptosi %mul3A_466 : vector<16xf32> to vector<16xi32>
      %max3A_468 = arith.constant 0 : i32
      %max3A_469 = vector.broadcast %max3A_468 : i32 to vector<16xi32>
      %max3A_470 = arith.maxsi %convert_element_type3A_467, %max3A_469 : vector<16xi32>
      %min3A_471 = arith.constant 9 : i32
      %min3A_472 = vector.broadcast %min3A_471 : i32 to vector<16xi32>
      %min3A_473 = arith.minsi %max3A_470, %min3A_472 : vector<16xi32>
      %gather3A_474 = tpu.vector_load_idx %arg9[%min3A_473] : memref<16xf32, #tpu.memory_space<vmem>>[vector<16xi32>], vector<16xf32>,
      %mul3A_475 = arith.mulf %mul3A_464, %gather3A_474 : vector<16xf32>
      %add3A_476 = arith.addf %add3A_452, %mul3A_475 : vector<16xf32>
      %get3A_477 = arith.constant 1 : i32
      %get3A_478 = arith.index_cast %get3A_477 : i32 to index
      %get3A_479 = arith.index_cast %scan3A_432 : i32 to index
      %get3A_480 = arith.constant 32 : index
      %get3A_481 = tpu.vector_load %arg7[%get3A_478, %get3A_479, %get3A_480] {strides = array<i32>} : memref<2x32x200xf32, #tpu.memory_space<vmem>>, vector<16xf32>,
      %get3A_482 = arith.constant 1 : i32
      %get3A_483 = arith.index_cast %get3A_482 : i32 to index
      %get3A_484 = arith.index_cast %scan3A_432 : i32 to index
      %get3A_485 = arith.constant 32 : index
      %get3A_486 = tpu.vector_load %arg8[%get3A_483, %get3A_484, %get3A_485] {strides = array<i32>} : memref<2x32x200xf32, #tpu.memory_space<vmem>>, vector<16xf32>,
      %sub3A_487 = arith.subf %get3A_481, %get3A_486 : vector<16xf32>
      %mul3A_488 = arith.mulf %sub3A_487, %sub3A_487 : vector<16xf32>
      %sub3A_489 = arith.subf %get3A_486, %get3A_5 : vector<16xf32>
      %mul3A_490 = arith.mulf %sub3A_489, %get3A_7 : vector<16xf32>
      %convert_element_type3A_491 = arith.fptosi %mul3A_490 : vector<16xf32> to vector<16xi32>
      %max3A_492 = arith.constant 0 : i32
      %max3A_493 = vector.broadcast %max3A_492 : i32 to vector<16xi32>
      %max3A_494 = arith.maxsi %convert_element_type3A_491, %max3A_493 : vector<16xi32>
      %min3A_495 = arith.constant 9 : i32
      %min3A_496 = vector.broadcast %min3A_495 : i32 to vector<16xi32>
      %min3A_497 = arith.minsi %max3A_494, %min3A_496 : vector<16xi32>
      %gather3A_498 = tpu.vector_load_idx %arg9[%min3A_497] : memref<16xf32, #tpu.memory_space<vmem>>[vector<16xi32>], vector<16xf32>,
      %mul3A_499 = arith.mulf %mul3A_488, %gather3A_498 : vector<16xf32>
      %add3A_500 = arith.addf %add3A_476, %mul3A_499 : vector<16xf32>
      %get3A_501 = arith.constant 1 : i32
      %get3A_502 = arith.index_cast %get3A_501 : i32 to index
      %get3A_503 = arith.index_cast %scan3A_432 : i32 to index
      %get3A_504 = arith.constant 48 : index
      %get3A_505 = tpu.vector_load %arg7[%get3A_502, %get3A_503, %get3A_504] {strides = array<i32>} : memref<2x32x200xf32, #tpu.memory_space<vmem>>, vector<16xf32>,
      %get3A_506 = arith.constant 1 : i32
      %get3A_507 = arith.index_cast %get3A_506 : i32 to index
      %get3A_508 = arith.index_cast %scan3A_432 : i32 to index
      %get3A_509 = arith.constant 48 : index
      %get3A_510 = tpu.vector_load %arg8[%get3A_507, %get3A_508, %get3A_509] {strides = array<i32>} : memref<2x32x200xf32, #tpu.memory_space<vmem>>, vector<16xf32>,
      %sub3A_511 = arith.subf %get3A_505, %get3A_510 : vector<16xf32>
      %mul3A_512 = arith.mulf %sub3A_511, %sub3A_511 : vector<16xf32>
      %sub3A_513 = arith.subf %get3A_510, %get3A_5 : vector<16xf32>
      %mul3A_514 = arith.mulf %sub3A_513, %get3A_7 : vector<16xf32>
      %convert_element_type3A_515 = arith.fptosi %mul3A_514 : vector<16xf32> to vector<16xi32>
      %max3A_516 = arith.constant 0 : i32
      %max3A_517 = vector.broadcast %max3A_516 : i32 to vector<16xi32>
      %max3A_518 = arith.maxsi %convert_element_type3A_515, %max3A_517 : vector<16xi32>
      %min3A_519 = arith.constant 9 : i32
      %min3A_520 = vector.broadcast %min3A_519 : i32 to vector<16xi32>
      %min3A_521 = arith.minsi %max3A_518, %min3A_520 : vector<16xi32>
      %gather3A_522 = tpu.vector_load_idx %arg9[%min3A_521] : memref<16xf32, #tpu.memory_space<vmem>>[vector<16xi32>], vector<16xf32>,
      %mul3A_523 = arith.mulf %mul3A_512, %gather3A_522 : vector<16xf32>
      %add3A_524 = arith.addf %add3A_500, %mul3A_523 : vector<16xf32>
      %get3A_525 = arith.constant 1 : i32
      %get3A_526 = arith.index_cast %get3A_525 : i32 to index
      %get3A_527 = arith.index_cast %scan3A_432 : i32 to index
      %get3A_528 = arith.constant 64 : index
      %get3A_529 = tpu.vector_load %arg7[%get3A_526, %get3A_527, %get3A_528] {strides = array<i32>} : memref<2x32x200xf32, #tpu.memory_space<vmem>>, vector<16xf32>,
      %get3A_530 = arith.constant 1 : i32
      %get3A_531 = arith.index_cast %get3A_530 : i32 to index
      %get3A_532 = arith.index_cast %scan3A_432 : i32 to index
      %get3A_533 = arith.constant 64 : index
      %get3A_534 = tpu.vector_load %arg8[%get3A_531, %get3A_532, %get3A_533] {strides = array<i32>} : memref<2x32x200xf32, #tpu.memory_space<vmem>>, vector<16xf32>,
      %sub3A_535 = arith.subf %get3A_529, %get3A_534 : vector<16xf32>
      %mul3A_536 = arith.mulf %sub3A_535, %sub3A_535 : vector<16xf32>
      %sub3A_537 = arith.subf %get3A_534, %get3A_5 : vector<16xf32>
      %mul3A_538 = arith.mulf %sub3A_537, %get3A_7 : vector<16xf32>
      %convert_element_type3A_539 = arith.fptosi %mul3A_538 : vector<16xf32> to vector<16xi32>
      %max3A_540 = arith.constant 0 : i32
      %max3A_541 = vector.broadcast %max3A_540 : i32 to vector<16xi32>
      %max3A_542 = arith.maxsi %convert_element_type3A_539, %max3A_541 : vector<16xi32>
      %min3A_543 = arith.constant 9 : i32
      %min3A_544 = vector.broadcast %min3A_543 : i32 to vector<16xi32>
      %min3A_545 = arith.minsi %max3A_542, %min3A_544 : vector<16xi32>
      %gather3A_546 = tpu.vector_load_idx %arg9[%min3A_545] : memref<16xf32, #tpu.memory_space<vmem>>[vector<16xi32>], vector<16xf32>,
      %mul3A_547 = arith.mulf %mul3A_536, %gather3A_546 : vector<16xf32>
      %add3A_548 = arith.addf %add3A_524, %mul3A_547 : vector<16xf32>
      %get3A_549 = arith.constant 1 : i32
      %get3A_550 = arith.index_cast %get3A_549 : i32 to index
      %get3A_551 = arith.index_cast %scan3A_432 : i32 to index
      %get3A_552 = arith.constant 80 : index
      %get3A_553 = tpu.vector_load %arg7[%get3A_550, %get3A_551, %get3A_552] {strides = array<i32>} : memref<2x32x200xf32, #tpu.memory_space<vmem>>, vector<16xf32>,
      %get3A_554 = arith.constant 1 : i32
      %get3A_555 = arith.index_cast %get3A_554 : i32 to index
      %get3A_556 = arith.index_cast %scan3A_432 : i32 to index
      %get3A_557 = arith.constant 80 : index
      %get3A_558 = tpu.vector_load %arg8[%get3A_555, %get3A_556, %get3A_557] {strides = array<i32>} : memref<2x32x200xf32, #tpu.memory_space<vmem>>, vector<16xf32>,
      %sub3A_559 = arith.subf %get3A_553, %get3A_558 : vector<16xf32>
      %mul3A_560 = arith.mulf %sub3A_559, %sub3A_559 : vector<16xf32>
      %sub3A_561 = arith.subf %get3A_558, %get3A_5 : vector<16xf32>
      %mul3A_562 = arith.mulf %sub3A_561, %get3A_7 : vector<16xf32>
      %convert_element_type3A_563 = arith.fptosi %mul3A_562 : vector<16xf32> to vector<16xi32>
      %max3A_564 = arith.constant 0 : i32
      %max3A_565 = vector.broadcast %max3A_564 : i32 to vector<16xi32>
      %max3A_566 = arith.maxsi %convert_element_type3A_563, %max3A_565 : vector<16xi32>
      %min3A_567 = arith.constant 9 : i32
      %min3A_568 = vector.broadcast %min3A_567 : i32 to vector<16xi32>
      %min3A_569 = arith.minsi %max3A_566, %min3A_568 : vector<16xi32>
      %gather3A_570 = tpu.vector_load_idx %arg9[%min3A_569] : memref<16xf32, #tpu.memory_space<vmem>>[vector<16xi32>], vector<16xf32>,
      %mul3A_571 = arith.mulf %mul3A_560, %gather3A_570 : vector<16xf32>
      %add3A_572 = arith.addf %add3A_548, %mul3A_571 : vector<16xf32>
      %get3A_573 = arith.constant 1 : i32
      %get3A_574 = arith.index_cast %get3A_573 : i32 to index
      %get3A_575 = arith.index_cast %scan3A_432 : i32 to index
      %get3A_576 = arith.constant 96 : index
      %get3A_577 = tpu.vector_load %arg7[%get3A_574, %get3A_575, %get3A_576] {strides = array<i32>} : memref<2x32x200xf32, #tpu.memory_space<vmem>>, vector<16xf32>,
      %get3A_578 = arith.constant 1 : i32
      %get3A_579 = arith.index_cast %get3A_578 : i32 to index
      %get3A_580 = arith.index_cast %scan3A_432 : i32 to index
      %get3A_581 = arith.constant 96 : index
      %get3A_582 = tpu.vector_load %arg8[%get3A_579, %get3A_580, %get3A_581] {strides = array<i32>} : memref<2x32x200xf32, #tpu.memory_space<vmem>>, vector<16xf32>,
      %sub3A_583 = arith.subf %get3A_577, %get3A_582 : vector<16xf32>
      %mul3A_584 = arith.mulf %sub3A_583, %sub3A_583 : vector<16xf32>
      %sub3A_585 = arith.subf %get3A_582, %get3A_5 : vector<16xf32>
      %mul3A_586 = arith.mulf %sub3A_585, %get3A_7 : vector<16xf32>
      %convert_element_type3A_587 = arith.fptosi %mul3A_586 : vector<16xf32> to vector<16xi32>
      %max3A_588 = arith.constant 0 : i32
      %max3A_589 = vector.broadcast %max3A_588 : i32 to vector<16xi32>
      %max3A_590 = arith.maxsi %convert_element_type3A_587, %max3A_589 : vector<16xi32>
      %min3A_591 = arith.constant 9 : i32
      %min3A_592 = vector.broadcast %min3A_591 : i32 to vector<16xi32>
      %min3A_593 = arith.minsi %max3A_590, %min3A_592 : vector<16xi32>
      %gather3A_594 = tpu.vector_load_idx %arg9[%min3A_593] : memref<16xf32, #tpu.memory_space<vmem>>[vector<16xi32>], vector<16xf32>,
      %mul3A_595 = arith.mulf %mul3A_584, %gather3A_594 : vector<16xf32>
      %add3A_596 = arith.addf %add3A_572, %mul3A_595 : vector<16xf32>
      %get3A_597 = arith.constant 1 : i32
      %get3A_598 = arith.index_cast %get3A_597 : i32 to index
      %get3A_599 = arith.index_cast %scan3A_432 : i32 to index
      %get3A_600 = arith.constant 112 : index
      %get3A_601 = tpu.vector_load %arg7[%get3A_598, %get3A_599, %get3A_600] {strides = array<i32>} : memref<2x32x200xf32, #tpu.memory_space<vmem>>, vector<16xf32>,
      %get3A_602 = arith.constant 1 : i32
      %get3A_603 = arith.index_cast %get3A_602 : i32 to index
      %get3A_604 = arith.index_cast %scan3A_432 : i32 to index
      %get3A_605 = arith.constant 112 : index
      %get3A_606 = tpu.vector_load %arg8[%get3A_603, %get3A_604, %get3A_605] {strides = array<i32>} : memref<2x32x200xf32, #tpu.memory_space<vmem>>, vector<16xf32>,
      %sub3A_607 = arith.subf %get3A_601, %get3A_606 : vector<16xf32>
      %mul3A_608 = arith.mulf %sub3A_607, %sub3A_607 : vector<16xf32>
      %sub3A_609 = arith.subf %get3A_606, %get3A_5 : vector<16xf32>
      %mul3A_610 = arith.mulf %sub3A_609, %get3A_7 : vector<16xf32>
      %convert_element_type3A_611 = arith.fptosi %mul3A_610 : vector<16xf32> to vector<16xi32>
      %max3A_612 = arith.constant 0 : i32
      %max3A_613 = vector.broadcast %max3A_612 : i32 to vector<16xi32>
      %max3A_614 = arith.maxsi %convert_element_type3A_611, %max3A_613 : vector<16xi32>
      %min3A_615 = arith.constant 9 : i32
      %min3A_616 = vector.broadcast %min3A_615 : i32 to vector<16xi32>
      %min3A_617 = arith.minsi %max3A_614, %min3A_616 : vector<16xi32>
      %gather3A_618 = tpu.vector_load_idx %arg9[%min3A_617] : memref<16xf32, #tpu.memory_space<vmem>>[vector<16xi32>], vector<16xf32>,
      %mul3A_619 = arith.mulf %mul3A_608, %gather3A_618 : vector<16xf32>
      %add3A_620 = arith.addf %add3A_596, %mul3A_619 : vector<16xf32>
      %get3A_621 = arith.constant 1 : i32
      %get3A_622 = arith.index_cast %get3A_621 : i32 to index
      %get3A_623 = arith.index_cast %scan3A_432 : i32 to index
      %get3A_624 = arith.constant 128 : index
      %get3A_625 = tpu.vector_load %arg7[%get3A_622, %get3A_623, %get3A_624] {strides = array<i32>} : memref<2x32x200xf32, #tpu.memory_space<vmem>>, vector<16xf32>,
      %get3A_626 = arith.constant 1 : i32
      %get3A_627 = arith.index_cast %get3A_626 : i32 to index
      %get3A_628 = arith.index_cast %scan3A_432 : i32 to index
      %get3A_629 = arith.constant 128 : index
      %get3A_630 = tpu.vector_load %arg8[%get3A_627, %get3A_628, %get3A_629] {strides = array<i32>} : memref<2x32x200xf32, #tpu.memory_space<vmem>>, vector<16xf32>,
      %sub3A_631 = arith.subf %get3A_625, %get3A_630 : vector<16xf32>
      %mul3A_632 = arith.mulf %sub3A_631, %sub3A_631 : vector<16xf32>
      %sub3A_633 = arith.subf %get3A_630, %get3A_5 : vector<16xf32>
      %mul3A_634 = arith.mulf %sub3A_633, %get3A_7 : vector<16xf32>
      %convert_element_type3A_635 = arith.fptosi %mul3A_634 : vector<16xf32> to vector<16xi32>
      %max3A_636 = arith.constant 0 : i32
      %max3A_637 = vector.broadcast %max3A_636 : i32 to vector<16xi32>
      %max3A_638 = arith.maxsi %convert_element_type3A_635, %max3A_637 : vector<16xi32>
      %min3A_639 = arith.constant 9 : i32
      %min3A_640 = vector.broadcast %min3A_639 : i32 to vector<16xi32>
      %min3A_641 = arith.minsi %max3A_638, %min3A_640 : vector<16xi32>
      %gather3A_642 = tpu.vector_load_idx %arg9[%min3A_641] : memref<16xf32, #tpu.memory_space<vmem>>[vector<16xi32>], vector<16xf32>,
      %mul3A_643 = arith.mulf %mul3A_632, %gather3A_642 : vector<16xf32>
      %add3A_644 = arith.addf %add3A_620, %mul3A_643 : vector<16xf32>
      %get3A_645 = arith.constant 1 : i32
      %get3A_646 = arith.index_cast %get3A_645 : i32 to index
      %get3A_647 = arith.index_cast %scan3A_432 : i32 to index
      %get3A_648 = arith.constant 144 : index
      %get3A_649 = tpu.vector_load %arg7[%get3A_646, %get3A_647, %get3A_648] {strides = array<i32>} : memref<2x32x200xf32, #tpu.memory_space<vmem>>, vector<16xf32>,
      %get3A_650 = arith.constant 1 : i32
      %get3A_651 = arith.index_cast %get3A_650 : i32 to index
      %get3A_652 = arith.index_cast %scan3A_432 : i32 to index
      %get3A_653 = arith.constant 144 : index
      %get3A_654 = tpu.vector_load %arg8[%get3A_651, %get3A_652, %get3A_653] {strides = array<i32>} : memref<2x32x200xf32, #tpu.memory_space<vmem>>, vector<16xf32>,
      %sub3A_655 = arith.subf %get3A_649, %get3A_654 : vector<16xf32>
      %mul3A_656 = arith.mulf %sub3A_655, %sub3A_655 : vector<16xf32>
      %sub3A_657 = arith.subf %get3A_654, %get3A_5 : vector<16xf32>
      %mul3A_658 = arith.mulf %sub3A_657, %get3A_7 : vector<16xf32>
      %convert_element_type3A_659 = arith.fptosi %mul3A_658 : vector<16xf32> to vector<16xi32>
      %max3A_660 = arith.constant 0 : i32
      %max3A_661 = vector.broadcast %max3A_660 : i32 to vector<16xi32>
      %max3A_662 = arith.maxsi %convert_element_type3A_659, %max3A_661 : vector<16xi32>
      %min3A_663 = arith.constant 9 : i32
      %min3A_664 = vector.broadcast %min3A_663 : i32 to vector<16xi32>
      %min3A_665 = arith.minsi %max3A_662, %min3A_664 : vector<16xi32>
      %gather3A_666 = tpu.vector_load_idx %arg9[%min3A_665] : memref<16xf32, #tpu.memory_space<vmem>>[vector<16xi32>], vector<16xf32>,
      %mul3A_667 = arith.mulf %mul3A_656, %gather3A_666 : vector<16xf32>
      %add3A_668 = arith.addf %add3A_644, %mul3A_667 : vector<16xf32>
      %get3A_669 = arith.constant 1 : i32
      %get3A_670 = arith.index_cast %get3A_669 : i32 to index
      %get3A_671 = arith.index_cast %scan3A_432 : i32 to index
      %get3A_672 = arith.constant 160 : index
      %get3A_673 = tpu.vector_load %arg7[%get3A_670, %get3A_671, %get3A_672] {strides = array<i32>} : memref<2x32x200xf32, #tpu.memory_space<vmem>>, vector<16xf32>,
      %get3A_674 = arith.constant 1 : i32
      %get3A_675 = arith.index_cast %get3A_674 : i32 to index
      %get3A_676 = arith.index_cast %scan3A_432 : i32 to index
      %get3A_677 = arith.constant 160 : index
      %get3A_678 = tpu.vector_load %arg8[%get3A_675, %get3A_676, %get3A_677] {strides = array<i32>} : memref<2x32x200xf32, #tpu.memory_space<vmem>>, vector<16xf32>,
      %sub3A_679 = arith.subf %get3A_673, %get3A_678 : vector<16xf32>
      %mul3A_680 = arith.mulf %sub3A_679, %sub3A_679 : vector<16xf32>
      %sub3A_681 = arith.subf %get3A_678, %get3A_5 : vector<16xf32>
      %mul3A_682 = arith.mulf %sub3A_681, %get3A_7 : vector<16xf32>
      %convert_element_type3A_683 = arith.fptosi %mul3A_682 : vector<16xf32> to vector<16xi32>
      %max3A_684 = arith.constant 0 : i32
      %max3A_685 = vector.broadcast %max3A_684 : i32 to vector<16xi32>
      %max3A_686 = arith.maxsi %convert_element_type3A_683, %max3A_685 : vector<16xi32>
      %min3A_687 = arith.constant 9 : i32
      %min3A_688 = vector.broadcast %min3A_687 : i32 to vector<16xi32>
      %min3A_689 = arith.minsi %max3A_686, %min3A_688 : vector<16xi32>
      %gather3A_690 = tpu.vector_load_idx %arg9[%min3A_689] : memref<16xf32, #tpu.memory_space<vmem>>[vector<16xi32>], vector<16xf32>,
      %mul3A_691 = arith.mulf %mul3A_680, %gather3A_690 : vector<16xf32>
      %add3A_692 = arith.addf %add3A_668, %mul3A_691 : vector<16xf32>
      %get3A_693 = arith.constant 1 : i32
      %get3A_694 = arith.index_cast %get3A_693 : i32 to index
      %get3A_695 = arith.index_cast %scan3A_432 : i32 to index
      %get3A_696 = arith.constant 176 : index
      %get3A_697 = tpu.vector_load %arg7[%get3A_694, %get3A_695, %get3A_696] {strides = array<i32>} : memref<2x32x200xf32, #tpu.memory_space<vmem>>, vector<16xf32>,
      %get3A_698 = arith.constant 1 : i32
      %get3A_699 = arith.index_cast %get3A_698 : i32 to index
      %get3A_700 = arith.index_cast %scan3A_432 : i32 to index
      %get3A_701 = arith.constant 176 : index
      %get3A_702 = tpu.vector_load %arg8[%get3A_699, %get3A_700, %get3A_701] {strides = array<i32>} : memref<2x32x200xf32, #tpu.memory_space<vmem>>, vector<16xf32>,
      %sub3A_703 = arith.subf %get3A_697, %get3A_702 : vector<16xf32>
      %mul3A_704 = arith.mulf %sub3A_703, %sub3A_703 : vector<16xf32>
      %sub3A_705 = arith.subf %get3A_702, %get3A_5 : vector<16xf32>
      %mul3A_706 = arith.mulf %sub3A_705, %get3A_7 : vector<16xf32>
      %convert_element_type3A_707 = arith.fptosi %mul3A_706 : vector<16xf32> to vector<16xi32>
      %max3A_708 = arith.constant 0 : i32
      %max3A_709 = vector.broadcast %max3A_708 : i32 to vector<16xi32>
      %max3A_710 = arith.maxsi %convert_element_type3A_707, %max3A_709 : vector<16xi32>
      %min3A_711 = arith.constant 9 : i32
      %min3A_712 = vector.broadcast %min3A_711 : i32 to vector<16xi32>
      %min3A_713 = arith.minsi %max3A_710, %min3A_712 : vector<16xi32>
      %gather3A_714 = tpu.vector_load_idx %arg9[%min3A_713] : memref<16xf32, #tpu.memory_space<vmem>>[vector<16xi32>], vector<16xf32>,
      %mul3A_715 = arith.mulf %mul3A_704, %gather3A_714 : vector<16xf32>
      %add3A_716 = arith.addf %add3A_692, %mul3A_715 : vector<16xf32>
      %get3A_717 = arith.constant 1 : i32
      %get3A_718 = arith.index_cast %get3A_717 : i32 to index
      %get3A_719 = arith.index_cast %scan3A_432 : i32 to index
      %get3A_720 = arith.constant 184 : index
      %get3A_721 = tpu.vector_load %arg7[%get3A_718, %get3A_719, %get3A_720] {strides = array<i32>} : memref<2x32x200xf32, #tpu.memory_space<vmem>>, vector<16xf32>,
      %get3A_722 = arith.constant 1 : i32
      %get3A_723 = arith.index_cast %get3A_722 : i32 to index
      %get3A_724 = arith.index_cast %scan3A_432 : i32 to index
      %get3A_725 = arith.constant 184 : index
      %get3A_726 = tpu.vector_load %arg8[%get3A_723, %get3A_724, %get3A_725] {strides = array<i32>} : memref<2x32x200xf32, #tpu.memory_space<vmem>>, vector<16xf32>,
      %sub3A_727 = arith.subf %get3A_721, %get3A_726 : vector<16xf32>
      %mul3A_728 = arith.mulf %sub3A_727, %sub3A_727 : vector<16xf32>
      %sub3A_729 = arith.subf %get3A_726, %get3A_5 : vector<16xf32>
      %mul3A_730 = arith.mulf %sub3A_729, %get3A_7 : vector<16xf32>
      %convert_element_type3A_731 = arith.fptosi %mul3A_730 : vector<16xf32> to vector<16xi32>
      %max3A_732 = arith.constant 0 : i32
      %max3A_733 = vector.broadcast %max3A_732 : i32 to vector<16xi32>
      %max3A_734 = arith.maxsi %convert_element_type3A_731, %max3A_733 : vector<16xi32>
      %min3A_735 = arith.constant 9 : i32
      %min3A_736 = vector.broadcast %min3A_735 : i32 to vector<16xi32>
      %min3A_737 = arith.minsi %max3A_734, %min3A_736 : vector<16xi32>
      %gather3A_738 = tpu.vector_load_idx %arg9[%min3A_737] : memref<16xf32, #tpu.memory_space<vmem>>[vector<16xi32>], vector<16xf32>,
      %mul3A_739 = arith.mulf %gather3A_738, %select_n3A : vector<16xf32>
      %mul3A_740 = arith.mulf %mul3A_728, %mul3A_739 : vector<16xf32>
      %add3A_741 = arith.addf %add3A_716, %mul3A_740 : vector<16xf32>
      scf.yield %add3A_741 : vector<16xf32>
    }
    %scan3A_278 = arith.constant 32 : i32
    %add3A_279 = arith.constant 160 : i32
    %add3A_280 = arith.addi %add3A_4, %add3A_279 : i32
    %dma_start3A_281 = arith.constant 1 : i32
    %dma_start3A_282 = arith.constant 0 : i32
    %dma_start3A_283 = arith.constant 0 : i32
    %dma_start3A_284 = tpu.memref_slice %arg7[%dma_start3A_281, %dma_start3A_282, %dma_start3A_283] : memref<2x32x200xf32, #tpu.memory_space<vmem>> -> memref<1x32x200xf32, #tpu.memory_space<vmem>>
    %dma_start3A_285 = tpu.memref_squeeze %dma_start3A_284 : memref<1x32x200xf32, #tpu.memory_space<vmem>> -> memref<32x200xf32, #tpu.memory_space<vmem>>
    %dma_start3A_286 = arith.constant 0 : i32
    %dma_start3A_287 = tpu.memref_slice %arg2[%add3A_280, %dma_start3A_286] : memref<16384x200xf32, #tpu.memory_space<hbm>> -> memref<32x200xf32, #tpu.memory_space<hbm>>
    %dma_start3A_288 = arith.constant 0 : i32
    %dma_start3A_289 = arith.constant 0 : i32
    %dma_start3A_290 = tpu.memref_slice %arg7[%dma_start3A_281, %dma_start3A_288, %dma_start3A_289] : memref<2x32x200xf32, #tpu.memory_space<vmem>> -> memref<1x32x200xf32, #tpu.memory_space<vmem>>
    %dma_start3A_291 = tpu.memref_squeeze %dma_start3A_290 : memref<1x32x200xf32, #tpu.memory_space<vmem>> -> memref<32x200xf32, #tpu.memory_space<vmem>>
    %dma_start3A_292 = arith.constant 0 : i32
    %dma_start3A_293 = tpu.memref_slice %arg2[%add3A_280, %dma_start3A_292] : memref<16384x200xf32, #tpu.memory_space<hbm>> -> memref<32x200xf32, #tpu.memory_space<hbm>>
    tpu.enqueue_dma source(%dma_start3A_293 : memref<32x200xf32, #tpu.memory_space<hbm>>) target(%dma_start3A_291 : memref<32x200xf32, #tpu.memory_space<vmem>>) target_semaphore(%arg13 : memref<!tpu.dma_semaphore, #tpu.memory_space<semaphore_mem>>)
    %dma_start3A_294 = arith.constant 1 : i32
    %dma_start3A_295 = arith.constant 0 : i32
    %dma_start3A_296 = arith.constant 0 : i32
    %dma_start3A_297 = tpu.memref_slice %arg8[%dma_start3A_294, %dma_start3A_295, %dma_start3A_296] : memref<2x32x200xf32, #tpu.memory_space<vmem>> -> memref<1x32x200xf32, #tpu.memory_space<vmem>>
    %dma_start3A_298 = tpu.memref_squeeze %dma_start3A_297 : memref<1x32x200xf32, #tpu.memory_space<vmem>> -> memref<32x200xf32, #tpu.memory_space<vmem>>
    %dma_start3A_299 = arith.constant 0 : i32
    %dma_start3A_300 = tpu.memref_slice %arg3[%add3A_280, %dma_start3A_299] : memref<16384x200xf32, #tpu.memory_space<hbm>> -> memref<32x200xf32, #tpu.memory_space<hbm>>
    %dma_start3A_301 = arith.constant 0 : i32
    %dma_start3A_302 = arith.constant 0 : i32
    %dma_start3A_303 = tpu.memref_slice %arg8[%dma_start3A_294, %dma_start3A_301, %dma_start3A_302] : memref<2x32x200xf32, #tpu.memory_space<vmem>> -> memref<1x32x200xf32, #tpu.memory_space<vmem>>
    %dma_start3A_304 = tpu.memref_squeeze %dma_start3A_303 : memref<1x32x200xf32, #tpu.memory_space<vmem>> -> memref<32x200xf32, #tpu.memory_space<vmem>>
    %dma_start3A_305 = arith.constant 0 : i32
    %dma_start3A_306 = tpu.memref_slice %arg3[%add3A_280, %dma_start3A_305] : memref<16384x200xf32, #tpu.memory_space<hbm>> -> memref<32x200xf32, #tpu.memory_space<hbm>>
    tpu.enqueue_dma source(%dma_start3A_306 : memref<32x200xf32, #tpu.memory_space<hbm>>) target(%dma_start3A_304 : memref<32x200xf32, #tpu.memory_space<vmem>>) target_semaphore(%arg15 : memref<!tpu.dma_semaphore, #tpu.memory_space<semaphore_mem>>)
    %dma_wait3A_307 = arith.constant 0 : i32
    %dma_wait3A_308 = arith.constant 0 : i32
    %dma_wait3A_309 = arith.constant 0 : i32
    %dma_wait3A_310 = tpu.memref_slice %arg7[%dma_wait3A_307, %dma_wait3A_308, %dma_wait3A_309] : memref<2x32x200xf32, #tpu.memory_space<vmem>> -> memref<1x32x200xf32, #tpu.memory_space<vmem>>
    %dma_wait3A_311 = tpu.memref_squeeze %dma_wait3A_310 : memref<1x32x200xf32, #tpu.memory_space<vmem>> -> memref<32x200xf32, #tpu.memory_space<vmem>>
    %dma_wait3A_312 = arith.constant 0 : i32
    %dma_wait3A_313 = tpu.memref_slice %arg2[%add3A_220, %dma_wait3A_312] : memref<16384x200xf32, #tpu.memory_space<hbm>> -> memref<32x200xf32, #tpu.memory_space<hbm>>
    %dma_wait3A_314 = arith.constant 0 : i32
    %dma_wait3A_315 = arith.constant 0 : i32
    %dma_wait3A_316 = tpu.memref_slice %arg7[%dma_wait3A_307, %dma_wait3A_314, %dma_wait3A_315] : memref<2x32x200xf32, #tpu.memory_space<vmem>> -> memref<1x32x200xf32, #tpu.memory_space<vmem>>
    %dma_wait3A_317 = tpu.memref_squeeze %dma_wait3A_316 : memref<1x32x200xf32, #tpu.memory_space<vmem>> -> memref<32x200xf32, #tpu.memory_space<vmem>>
    %dma_wait3A_318 = arith.constant 0 : i32
    %dma_wait3A_319 = tpu.memref_slice %arg2[%add3A_220, %dma_wait3A_318] : memref<16384x200xf32, #tpu.memory_space<hbm>> -> memref<32x200xf32, #tpu.memory_space<hbm>>
    tpu.wait_dma2 semaphore(%arg12 : memref<!tpu.dma_semaphore, #tpu.memory_space<semaphore_mem>>) src(%dma_wait3A_319 : memref<32x200xf32, #tpu.memory_space<hbm>>) dst(%dma_wait3A_317 : memref<32x200xf32, #tpu.memory_space<vmem>>)
    %dma_wait3A_320 = arith.constant 0 : i32
    %dma_wait3A_321 = arith.constant 0 : i32
    %dma_wait3A_322 = arith.constant 0 : i32
    %dma_wait3A_323 = tpu.memref_slice %arg8[%dma_wait3A_320, %dma_wait3A_321, %dma_wait3A_322] : memref<2x32x200xf32, #tpu.memory_space<vmem>> -> memref<1x32x200xf32, #tpu.memory_space<vmem>>
    %dma_wait3A_324 = tpu.memref_squeeze %dma_wait3A_323 : memref<1x32x200xf32, #tpu.memory_space<vmem>> -> memref<32x200xf32, #tpu.memory_space<vmem>>
    %dma_wait3A_325 = arith.constant 0 : i32
    %dma_wait3A_326 = tpu.memref_slice %arg3[%add3A_220, %dma_wait3A_325] : memref<16384x200xf32, #tpu.memory_space<hbm>> -> memref<32x200xf32, #tpu.memory_space<hbm>>
    %dma_wait3A_327 = arith.constant 0 : i32
    %dma_wait3A_328 = arith.constant 0 : i32
    %dma_wait3A_329 = tpu.memref_slice %arg8[%dma_wait3A_320, %dma_wait3A_327, %dma_wait3A_328] : memref<2x32x200xf32, #tpu.memory_space<vmem>> -> memref<1x32x200xf32, #tpu.memory_space<vmem>>
    %dma_wait3A_330 = tpu.memref_squeeze %dma_wait3A_329 : memref<1x32x200xf32, #tpu.memory_space<vmem>> -> memref<32x200xf32, #tpu.memory_space<vmem>>
    %dma_wait3A_331 = arith.constant 0 : i32
    %dma_wait3A_332 = tpu.memref_slice %arg3[%add3A_220, %dma_wait3A_331] : memref<16384x200xf32, #tpu.memory_space<hbm>> -> memref<32x200xf32, #tpu.memory_space<hbm>>
    tpu.wait_dma2 semaphore(%arg14 : memref<!tpu.dma_semaphore, #tpu.memory_space<semaphore_mem>>) src(%dma_wait3A_332 : memref<32x200xf32, #tpu.memory_space<hbm>>) dst(%dma_wait3A_330 : memref<32x200xf32, #tpu.memory_space<vmem>>)
    %scan3A_333 = arith.constant 0 : i32
    %scan3A_334 = arith.constant 32 : i32
    %scan3A_335 = arith.addi %scan3A_333, %scan3A_334 : i32
    %scan3A_336 = arith.constant 1 : i32
    %scan3A_337 = scf.for %scan3A_432 = %scan3A_333 to %scan3A_335 step %scan3A_336 iter_args(%scan3A_433 = %scan3A_277) -> (vector<16xf32>)  : i32 {
      %get3A_434 = arith.constant 0 : i32
      %get3A_435 = arith.index_cast %get3A_434 : i32 to index
      %get3A_436 = arith.index_cast %scan3A_432 : i32 to index
      %get3A_437 = arith.constant 0 : index
      %get3A_438 = tpu.vector_load %arg7[%get3A_435, %get3A_436, %get3A_437] {strides = array<i32>} : memref<2x32x200xf32, #tpu.memory_space<vmem>>, vector<16xf32>,
      %get3A_439 = arith.constant 0 : i32
      %get3A_440 = arith.index_cast %get3A_439 : i32 to index
      %get3A_441 = arith.index_cast %scan3A_432 : i32 to index
      %get3A_442 = arith.constant 0 : index
      %get3A_443 = tpu.vector_load %arg8[%get3A_440, %get3A_441, %get3A_442] {strides = array<i32>} : memref<2x32x200xf32, #tpu.memory_space<vmem>>, vector<16xf32>,
      %sub3A = arith.subf %get3A_438, %get3A_443 : vector<16xf32>
      %mul3A_444 = arith.mulf %sub3A, %sub3A : vector<16xf32>
      %sub3A_445 = arith.subf %get3A_443, %get3A_5 : vector<16xf32>
      %mul3A_446 = arith.mulf %sub3A_445, %get3A_7 : vector<16xf32>
      %convert_element_type3A = arith.fptosi %mul3A_446 : vector<16xf32> to vector<16xi32>
      %max3A = arith.constant 0 : i32
      %max3A_447 = vector.broadcast %max3A : i32 to vector<16xi32>
      %max3A_448 = arith.maxsi %convert_element_type3A, %max3A_447 : vector<16xi32>
      %min3A = arith.constant 9 : i32
      %min3A_449 = vector.broadcast %min3A : i32 to vector<16xi32>
      %min3A_450 = arith.minsi %max3A_448, %min3A_449 : vector<16xi32>
      %gather3A = tpu.vector_load_idx %arg9[%min3A_450] : memref<16xf32, #tpu.memory_space<vmem>>[vector<16xi32>], vector<16xf32>,
      %mul3A_451 = arith.mulf %mul3A_444, %gather3A : vector<16xf32>
      %add3A_452 = arith.addf %scan3A_433, %mul3A_451 : vector<16xf32>
      %get3A_453 = arith.constant 0 : i32
      %get3A_454 = arith.index_cast %get3A_453 : i32 to index
      %get3A_455 = arith.index_cast %scan3A_432 : i32 to index
      %get3A_456 = arith.constant 16 : index
      %get3A_457 = tpu.vector_load %arg7[%get3A_454, %get3A_455, %get3A_456] {strides = array<i32>} : memref<2x32x200xf32, #tpu.memory_space<vmem>>, vector<16xf32>,
      %get3A_458 = arith.constant 0 : i32
      %get3A_459 = arith.index_cast %get3A_458 : i32 to index
      %get3A_460 = arith.index_cast %scan3A_432 : i32 to index
      %get3A_461 = arith.constant 16 : index
      %get3A_462 = tpu.vector_load %arg8[%get3A_459, %get3A_460, %get3A_461] {strides = array<i32>} : memref<2x32x200xf32, #tpu.memory_space<vmem>>, vector<16xf32>,
      %sub3A_463 = arith.subf %get3A_457, %get3A_462 : vector<16xf32>
      %mul3A_464 = arith.mulf %sub3A_463, %sub3A_463 : vector<16xf32>
      %sub3A_465 = arith.subf %get3A_462, %get3A_5 : vector<16xf32>
      %mul3A_466 = arith.mulf %sub3A_465, %get3A_7 : vector<16xf32>
      %convert_element_type3A_467 = arith.fptosi %mul3A_466 : vector<16xf32> to vector<16xi32>
      %max3A_468 = arith.constant 0 : i32
      %max3A_469 = vector.broadcast %max3A_468 : i32 to vector<16xi32>
      %max3A_470 = arith.maxsi %convert_element_type3A_467, %max3A_469 : vector<16xi32>
      %min3A_471 = arith.constant 9 : i32
      %min3A_472 = vector.broadcast %min3A_471 : i32 to vector<16xi32>
      %min3A_473 = arith.minsi %max3A_470, %min3A_472 : vector<16xi32>
      %gather3A_474 = tpu.vector_load_idx %arg9[%min3A_473] : memref<16xf32, #tpu.memory_space<vmem>>[vector<16xi32>], vector<16xf32>,
      %mul3A_475 = arith.mulf %mul3A_464, %gather3A_474 : vector<16xf32>
      %add3A_476 = arith.addf %add3A_452, %mul3A_475 : vector<16xf32>
      %get3A_477 = arith.constant 0 : i32
      %get3A_478 = arith.index_cast %get3A_477 : i32 to index
      %get3A_479 = arith.index_cast %scan3A_432 : i32 to index
      %get3A_480 = arith.constant 32 : index
      %get3A_481 = tpu.vector_load %arg7[%get3A_478, %get3A_479, %get3A_480] {strides = array<i32>} : memref<2x32x200xf32, #tpu.memory_space<vmem>>, vector<16xf32>,
      %get3A_482 = arith.constant 0 : i32
      %get3A_483 = arith.index_cast %get3A_482 : i32 to index
      %get3A_484 = arith.index_cast %scan3A_432 : i32 to index
      %get3A_485 = arith.constant 32 : index
      %get3A_486 = tpu.vector_load %arg8[%get3A_483, %get3A_484, %get3A_485] {strides = array<i32>} : memref<2x32x200xf32, #tpu.memory_space<vmem>>, vector<16xf32>,
      %sub3A_487 = arith.subf %get3A_481, %get3A_486 : vector<16xf32>
      %mul3A_488 = arith.mulf %sub3A_487, %sub3A_487 : vector<16xf32>
      %sub3A_489 = arith.subf %get3A_486, %get3A_5 : vector<16xf32>
      %mul3A_490 = arith.mulf %sub3A_489, %get3A_7 : vector<16xf32>
      %convert_element_type3A_491 = arith.fptosi %mul3A_490 : vector<16xf32> to vector<16xi32>
      %max3A_492 = arith.constant 0 : i32
      %max3A_493 = vector.broadcast %max3A_492 : i32 to vector<16xi32>
      %max3A_494 = arith.maxsi %convert_element_type3A_491, %max3A_493 : vector<16xi32>
      %min3A_495 = arith.constant 9 : i32
      %min3A_496 = vector.broadcast %min3A_495 : i32 to vector<16xi32>
      %min3A_497 = arith.minsi %max3A_494, %min3A_496 : vector<16xi32>
      %gather3A_498 = tpu.vector_load_idx %arg9[%min3A_497] : memref<16xf32, #tpu.memory_space<vmem>>[vector<16xi32>], vector<16xf32>,
      %mul3A_499 = arith.mulf %mul3A_488, %gather3A_498 : vector<16xf32>
      %add3A_500 = arith.addf %add3A_476, %mul3A_499 : vector<16xf32>
      %get3A_501 = arith.constant 0 : i32
      %get3A_502 = arith.index_cast %get3A_501 : i32 to index
      %get3A_503 = arith.index_cast %scan3A_432 : i32 to index
      %get3A_504 = arith.constant 48 : index
      %get3A_505 = tpu.vector_load %arg7[%get3A_502, %get3A_503, %get3A_504] {strides = array<i32>} : memref<2x32x200xf32, #tpu.memory_space<vmem>>, vector<16xf32>,
      %get3A_506 = arith.constant 0 : i32
      %get3A_507 = arith.index_cast %get3A_506 : i32 to index
      %get3A_508 = arith.index_cast %scan3A_432 : i32 to index
      %get3A_509 = arith.constant 48 : index
      %get3A_510 = tpu.vector_load %arg8[%get3A_507, %get3A_508, %get3A_509] {strides = array<i32>} : memref<2x32x200xf32, #tpu.memory_space<vmem>>, vector<16xf32>,
      %sub3A_511 = arith.subf %get3A_505, %get3A_510 : vector<16xf32>
      %mul3A_512 = arith.mulf %sub3A_511, %sub3A_511 : vector<16xf32>
      %sub3A_513 = arith.subf %get3A_510, %get3A_5 : vector<16xf32>
      %mul3A_514 = arith.mulf %sub3A_513, %get3A_7 : vector<16xf32>
      %convert_element_type3A_515 = arith.fptosi %mul3A_514 : vector<16xf32> to vector<16xi32>
      %max3A_516 = arith.constant 0 : i32
      %max3A_517 = vector.broadcast %max3A_516 : i32 to vector<16xi32>
      %max3A_518 = arith.maxsi %convert_element_type3A_515, %max3A_517 : vector<16xi32>
      %min3A_519 = arith.constant 9 : i32
      %min3A_520 = vector.broadcast %min3A_519 : i32 to vector<16xi32>
      %min3A_521 = arith.minsi %max3A_518, %min3A_520 : vector<16xi32>
      %gather3A_522 = tpu.vector_load_idx %arg9[%min3A_521] : memref<16xf32, #tpu.memory_space<vmem>>[vector<16xi32>], vector<16xf32>,
      %mul3A_523 = arith.mulf %mul3A_512, %gather3A_522 : vector<16xf32>
      %add3A_524 = arith.addf %add3A_500, %mul3A_523 : vector<16xf32>
      %get3A_525 = arith.constant 0 : i32
      %get3A_526 = arith.index_cast %get3A_525 : i32 to index
      %get3A_527 = arith.index_cast %scan3A_432 : i32 to index
      %get3A_528 = arith.constant 64 : index
      %get3A_529 = tpu.vector_load %arg7[%get3A_526, %get3A_527, %get3A_528] {strides = array<i32>} : memref<2x32x200xf32, #tpu.memory_space<vmem>>, vector<16xf32>,
      %get3A_530 = arith.constant 0 : i32
      %get3A_531 = arith.index_cast %get3A_530 : i32 to index
      %get3A_532 = arith.index_cast %scan3A_432 : i32 to index
      %get3A_533 = arith.constant 64 : index
      %get3A_534 = tpu.vector_load %arg8[%get3A_531, %get3A_532, %get3A_533] {strides = array<i32>} : memref<2x32x200xf32, #tpu.memory_space<vmem>>, vector<16xf32>,
      %sub3A_535 = arith.subf %get3A_529, %get3A_534 : vector<16xf32>
      %mul3A_536 = arith.mulf %sub3A_535, %sub3A_535 : vector<16xf32>
      %sub3A_537 = arith.subf %get3A_534, %get3A_5 : vector<16xf32>
      %mul3A_538 = arith.mulf %sub3A_537, %get3A_7 : vector<16xf32>
      %convert_element_type3A_539 = arith.fptosi %mul3A_538 : vector<16xf32> to vector<16xi32>
      %max3A_540 = arith.constant 0 : i32
      %max3A_541 = vector.broadcast %max3A_540 : i32 to vector<16xi32>
      %max3A_542 = arith.maxsi %convert_element_type3A_539, %max3A_541 : vector<16xi32>
      %min3A_543 = arith.constant 9 : i32
      %min3A_544 = vector.broadcast %min3A_543 : i32 to vector<16xi32>
      %min3A_545 = arith.minsi %max3A_542, %min3A_544 : vector<16xi32>
      %gather3A_546 = tpu.vector_load_idx %arg9[%min3A_545] : memref<16xf32, #tpu.memory_space<vmem>>[vector<16xi32>], vector<16xf32>,
      %mul3A_547 = arith.mulf %mul3A_536, %gather3A_546 : vector<16xf32>
      %add3A_548 = arith.addf %add3A_524, %mul3A_547 : vector<16xf32>
      %get3A_549 = arith.constant 0 : i32
      %get3A_550 = arith.index_cast %get3A_549 : i32 to index
      %get3A_551 = arith.index_cast %scan3A_432 : i32 to index
      %get3A_552 = arith.constant 80 : index
      %get3A_553 = tpu.vector_load %arg7[%get3A_550, %get3A_551, %get3A_552] {strides = array<i32>} : memref<2x32x200xf32, #tpu.memory_space<vmem>>, vector<16xf32>,
      %get3A_554 = arith.constant 0 : i32
      %get3A_555 = arith.index_cast %get3A_554 : i32 to index
      %get3A_556 = arith.index_cast %scan3A_432 : i32 to index
      %get3A_557 = arith.constant 80 : index
      %get3A_558 = tpu.vector_load %arg8[%get3A_555, %get3A_556, %get3A_557] {strides = array<i32>} : memref<2x32x200xf32, #tpu.memory_space<vmem>>, vector<16xf32>,
      %sub3A_559 = arith.subf %get3A_553, %get3A_558 : vector<16xf32>
      %mul3A_560 = arith.mulf %sub3A_559, %sub3A_559 : vector<16xf32>
      %sub3A_561 = arith.subf %get3A_558, %get3A_5 : vector<16xf32>
      %mul3A_562 = arith.mulf %sub3A_561, %get3A_7 : vector<16xf32>
      %convert_element_type3A_563 = arith.fptosi %mul3A_562 : vector<16xf32> to vector<16xi32>
      %max3A_564 = arith.constant 0 : i32
      %max3A_565 = vector.broadcast %max3A_564 : i32 to vector<16xi32>
      %max3A_566 = arith.maxsi %convert_element_type3A_563, %max3A_565 : vector<16xi32>
      %min3A_567 = arith.constant 9 : i32
      %min3A_568 = vector.broadcast %min3A_567 : i32 to vector<16xi32>
      %min3A_569 = arith.minsi %max3A_566, %min3A_568 : vector<16xi32>
      %gather3A_570 = tpu.vector_load_idx %arg9[%min3A_569] : memref<16xf32, #tpu.memory_space<vmem>>[vector<16xi32>], vector<16xf32>,
      %mul3A_571 = arith.mulf %mul3A_560, %gather3A_570 : vector<16xf32>
      %add3A_572 = arith.addf %add3A_548, %mul3A_571 : vector<16xf32>
      %get3A_573 = arith.constant 0 : i32
      %get3A_574 = arith.index_cast %get3A_573 : i32 to index
      %get3A_575 = arith.index_cast %scan3A_432 : i32 to index
      %get3A_576 = arith.constant 96 : index
      %get3A_577 = tpu.vector_load %arg7[%get3A_574, %get3A_575, %get3A_576] {strides = array<i32>} : memref<2x32x200xf32, #tpu.memory_space<vmem>>, vector<16xf32>,
      %get3A_578 = arith.constant 0 : i32
      %get3A_579 = arith.index_cast %get3A_578 : i32 to index
      %get3A_580 = arith.index_cast %scan3A_432 : i32 to index
      %get3A_581 = arith.constant 96 : index
      %get3A_582 = tpu.vector_load %arg8[%get3A_579, %get3A_580, %get3A_581] {strides = array<i32>} : memref<2x32x200xf32, #tpu.memory_space<vmem>>, vector<16xf32>,
      %sub3A_583 = arith.subf %get3A_577, %get3A_582 : vector<16xf32>
      %mul3A_584 = arith.mulf %sub3A_583, %sub3A_583 : vector<16xf32>
      %sub3A_585 = arith.subf %get3A_582, %get3A_5 : vector<16xf32>
      %mul3A_586 = arith.mulf %sub3A_585, %get3A_7 : vector<16xf32>
      %convert_element_type3A_587 = arith.fptosi %mul3A_586 : vector<16xf32> to vector<16xi32>
      %max3A_588 = arith.constant 0 : i32
      %max3A_589 = vector.broadcast %max3A_588 : i32 to vector<16xi32>
      %max3A_590 = arith.maxsi %convert_element_type3A_587, %max3A_589 : vector<16xi32>
      %min3A_591 = arith.constant 9 : i32
      %min3A_592 = vector.broadcast %min3A_591 : i32 to vector<16xi32>
      %min3A_593 = arith.minsi %max3A_590, %min3A_592 : vector<16xi32>
      %gather3A_594 = tpu.vector_load_idx %arg9[%min3A_593] : memref<16xf32, #tpu.memory_space<vmem>>[vector<16xi32>], vector<16xf32>,
      %mul3A_595 = arith.mulf %mul3A_584, %gather3A_594 : vector<16xf32>
      %add3A_596 = arith.addf %add3A_572, %mul3A_595 : vector<16xf32>
      %get3A_597 = arith.constant 0 : i32
      %get3A_598 = arith.index_cast %get3A_597 : i32 to index
      %get3A_599 = arith.index_cast %scan3A_432 : i32 to index
      %get3A_600 = arith.constant 112 : index
      %get3A_601 = tpu.vector_load %arg7[%get3A_598, %get3A_599, %get3A_600] {strides = array<i32>} : memref<2x32x200xf32, #tpu.memory_space<vmem>>, vector<16xf32>,
      %get3A_602 = arith.constant 0 : i32
      %get3A_603 = arith.index_cast %get3A_602 : i32 to index
      %get3A_604 = arith.index_cast %scan3A_432 : i32 to index
      %get3A_605 = arith.constant 112 : index
      %get3A_606 = tpu.vector_load %arg8[%get3A_603, %get3A_604, %get3A_605] {strides = array<i32>} : memref<2x32x200xf32, #tpu.memory_space<vmem>>, vector<16xf32>,
      %sub3A_607 = arith.subf %get3A_601, %get3A_606 : vector<16xf32>
      %mul3A_608 = arith.mulf %sub3A_607, %sub3A_607 : vector<16xf32>
      %sub3A_609 = arith.subf %get3A_606, %get3A_5 : vector<16xf32>
      %mul3A_610 = arith.mulf %sub3A_609, %get3A_7 : vector<16xf32>
      %convert_element_type3A_611 = arith.fptosi %mul3A_610 : vector<16xf32> to vector<16xi32>
      %max3A_612 = arith.constant 0 : i32
      %max3A_613 = vector.broadcast %max3A_612 : i32 to vector<16xi32>
      %max3A_614 = arith.maxsi %convert_element_type3A_611, %max3A_613 : vector<16xi32>
      %min3A_615 = arith.constant 9 : i32
      %min3A_616 = vector.broadcast %min3A_615 : i32 to vector<16xi32>
      %min3A_617 = arith.minsi %max3A_614, %min3A_616 : vector<16xi32>
      %gather3A_618 = tpu.vector_load_idx %arg9[%min3A_617] : memref<16xf32, #tpu.memory_space<vmem>>[vector<16xi32>], vector<16xf32>,
      %mul3A_619 = arith.mulf %mul3A_608, %gather3A_618 : vector<16xf32>
      %add3A_620 = arith.addf %add3A_596, %mul3A_619 : vector<16xf32>
      %get3A_621 = arith.constant 0 : i32
      %get3A_622 = arith.index_cast %get3A_621 : i32 to index
      %get3A_623 = arith.index_cast %scan3A_432 : i32 to index
      %get3A_624 = arith.constant 128 : index
      %get3A_625 = tpu.vector_load %arg7[%get3A_622, %get3A_623, %get3A_624] {strides = array<i32>} : memref<2x32x200xf32, #tpu.memory_space<vmem>>, vector<16xf32>,
      %get3A_626 = arith.constant 0 : i32
      %get3A_627 = arith.index_cast %get3A_626 : i32 to index
      %get3A_628 = arith.index_cast %scan3A_432 : i32 to index
      %get3A_629 = arith.constant 128 : index
      %get3A_630 = tpu.vector_load %arg8[%get3A_627, %get3A_628, %get3A_629] {strides = array<i32>} : memref<2x32x200xf32, #tpu.memory_space<vmem>>, vector<16xf32>,
      %sub3A_631 = arith.subf %get3A_625, %get3A_630 : vector<16xf32>
      %mul3A_632 = arith.mulf %sub3A_631, %sub3A_631 : vector<16xf32>
      %sub3A_633 = arith.subf %get3A_630, %get3A_5 : vector<16xf32>
      %mul3A_634 = arith.mulf %sub3A_633, %get3A_7 : vector<16xf32>
      %convert_element_type3A_635 = arith.fptosi %mul3A_634 : vector<16xf32> to vector<16xi32>
      %max3A_636 = arith.constant 0 : i32
      %max3A_637 = vector.broadcast %max3A_636 : i32 to vector<16xi32>
      %max3A_638 = arith.maxsi %convert_element_type3A_635, %max3A_637 : vector<16xi32>
      %min3A_639 = arith.constant 9 : i32
      %min3A_640 = vector.broadcast %min3A_639 : i32 to vector<16xi32>
      %min3A_641 = arith.minsi %max3A_638, %min3A_640 : vector<16xi32>
      %gather3A_642 = tpu.vector_load_idx %arg9[%min3A_641] : memref<16xf32, #tpu.memory_space<vmem>>[vector<16xi32>], vector<16xf32>,
      %mul3A_643 = arith.mulf %mul3A_632, %gather3A_642 : vector<16xf32>
      %add3A_644 = arith.addf %add3A_620, %mul3A_643 : vector<16xf32>
      %get3A_645 = arith.constant 0 : i32
      %get3A_646 = arith.index_cast %get3A_645 : i32 to index
      %get3A_647 = arith.index_cast %scan3A_432 : i32 to index
      %get3A_648 = arith.constant 144 : index
      %get3A_649 = tpu.vector_load %arg7[%get3A_646, %get3A_647, %get3A_648] {strides = array<i32>} : memref<2x32x200xf32, #tpu.memory_space<vmem>>, vector<16xf32>,
      %get3A_650 = arith.constant 0 : i32
      %get3A_651 = arith.index_cast %get3A_650 : i32 to index
      %get3A_652 = arith.index_cast %scan3A_432 : i32 to index
      %get3A_653 = arith.constant 144 : index
      %get3A_654 = tpu.vector_load %arg8[%get3A_651, %get3A_652, %get3A_653] {strides = array<i32>} : memref<2x32x200xf32, #tpu.memory_space<vmem>>, vector<16xf32>,
      %sub3A_655 = arith.subf %get3A_649, %get3A_654 : vector<16xf32>
      %mul3A_656 = arith.mulf %sub3A_655, %sub3A_655 : vector<16xf32>
      %sub3A_657 = arith.subf %get3A_654, %get3A_5 : vector<16xf32>
      %mul3A_658 = arith.mulf %sub3A_657, %get3A_7 : vector<16xf32>
      %convert_element_type3A_659 = arith.fptosi %mul3A_658 : vector<16xf32> to vector<16xi32>
      %max3A_660 = arith.constant 0 : i32
      %max3A_661 = vector.broadcast %max3A_660 : i32 to vector<16xi32>
      %max3A_662 = arith.maxsi %convert_element_type3A_659, %max3A_661 : vector<16xi32>
      %min3A_663 = arith.constant 9 : i32
      %min3A_664 = vector.broadcast %min3A_663 : i32 to vector<16xi32>
      %min3A_665 = arith.minsi %max3A_662, %min3A_664 : vector<16xi32>
      %gather3A_666 = tpu.vector_load_idx %arg9[%min3A_665] : memref<16xf32, #tpu.memory_space<vmem>>[vector<16xi32>], vector<16xf32>,
      %mul3A_667 = arith.mulf %mul3A_656, %gather3A_666 : vector<16xf32>
      %add3A_668 = arith.addf %add3A_644, %mul3A_667 : vector<16xf32>
      %get3A_669 = arith.constant 0 : i32
      %get3A_670 = arith.index_cast %get3A_669 : i32 to index
      %get3A_671 = arith.index_cast %scan3A_432 : i32 to index
      %get3A_672 = arith.constant 160 : index
      %get3A_673 = tpu.vector_load %arg7[%get3A_670, %get3A_671, %get3A_672] {strides = array<i32>} : memref<2x32x200xf32, #tpu.memory_space<vmem>>, vector<16xf32>,
      %get3A_674 = arith.constant 0 : i32
      %get3A_675 = arith.index_cast %get3A_674 : i32 to index
      %get3A_676 = arith.index_cast %scan3A_432 : i32 to index
      %get3A_677 = arith.constant 160 : index
      %get3A_678 = tpu.vector_load %arg8[%get3A_675, %get3A_676, %get3A_677] {strides = array<i32>} : memref<2x32x200xf32, #tpu.memory_space<vmem>>, vector<16xf32>,
      %sub3A_679 = arith.subf %get3A_673, %get3A_678 : vector<16xf32>
      %mul3A_680 = arith.mulf %sub3A_679, %sub3A_679 : vector<16xf32>
      %sub3A_681 = arith.subf %get3A_678, %get3A_5 : vector<16xf32>
      %mul3A_682 = arith.mulf %sub3A_681, %get3A_7 : vector<16xf32>
      %convert_element_type3A_683 = arith.fptosi %mul3A_682 : vector<16xf32> to vector<16xi32>
      %max3A_684 = arith.constant 0 : i32
      %max3A_685 = vector.broadcast %max3A_684 : i32 to vector<16xi32>
      %max3A_686 = arith.maxsi %convert_element_type3A_683, %max3A_685 : vector<16xi32>
      %min3A_687 = arith.constant 9 : i32
      %min3A_688 = vector.broadcast %min3A_687 : i32 to vector<16xi32>
      %min3A_689 = arith.minsi %max3A_686, %min3A_688 : vector<16xi32>
      %gather3A_690 = tpu.vector_load_idx %arg9[%min3A_689] : memref<16xf32, #tpu.memory_space<vmem>>[vector<16xi32>], vector<16xf32>,
      %mul3A_691 = arith.mulf %mul3A_680, %gather3A_690 : vector<16xf32>
      %add3A_692 = arith.addf %add3A_668, %mul3A_691 : vector<16xf32>
      %get3A_693 = arith.constant 0 : i32
      %get3A_694 = arith.index_cast %get3A_693 : i32 to index
      %get3A_695 = arith.index_cast %scan3A_432 : i32 to index
      %get3A_696 = arith.constant 176 : index
      %get3A_697 = tpu.vector_load %arg7[%get3A_694, %get3A_695, %get3A_696] {strides = array<i32>} : memref<2x32x200xf32, #tpu.memory_space<vmem>>, vector<16xf32>,
      %get3A_698 = arith.constant 0 : i32
      %get3A_699 = arith.index_cast %get3A_698 : i32 to index
      %get3A_700 = arith.index_cast %scan3A_432 : i32 to index
      %get3A_701 = arith.constant 176 : index
      %get3A_702 = tpu.vector_load %arg8[%get3A_699, %get3A_700, %get3A_701] {strides = array<i32>} : memref<2x32x200xf32, #tpu.memory_space<vmem>>, vector<16xf32>,
      %sub3A_703 = arith.subf %get3A_697, %get3A_702 : vector<16xf32>
      %mul3A_704 = arith.mulf %sub3A_703, %sub3A_703 : vector<16xf32>
      %sub3A_705 = arith.subf %get3A_702, %get3A_5 : vector<16xf32>
      %mul3A_706 = arith.mulf %sub3A_705, %get3A_7 : vector<16xf32>
      %convert_element_type3A_707 = arith.fptosi %mul3A_706 : vector<16xf32> to vector<16xi32>
      %max3A_708 = arith.constant 0 : i32
      %max3A_709 = vector.broadcast %max3A_708 : i32 to vector<16xi32>
      %max3A_710 = arith.maxsi %convert_element_type3A_707, %max3A_709 : vector<16xi32>
      %min3A_711 = arith.constant 9 : i32
      %min3A_712 = vector.broadcast %min3A_711 : i32 to vector<16xi32>
      %min3A_713 = arith.minsi %max3A_710, %min3A_712 : vector<16xi32>
      %gather3A_714 = tpu.vector_load_idx %arg9[%min3A_713] : memref<16xf32, #tpu.memory_space<vmem>>[vector<16xi32>], vector<16xf32>,
      %mul3A_715 = arith.mulf %mul3A_704, %gather3A_714 : vector<16xf32>
      %add3A_716 = arith.addf %add3A_692, %mul3A_715 : vector<16xf32>
      %get3A_717 = arith.constant 0 : i32
      %get3A_718 = arith.index_cast %get3A_717 : i32 to index
      %get3A_719 = arith.index_cast %scan3A_432 : i32 to index
      %get3A_720 = arith.constant 184 : index
      %get3A_721 = tpu.vector_load %arg7[%get3A_718, %get3A_719, %get3A_720] {strides = array<i32>} : memref<2x32x200xf32, #tpu.memory_space<vmem>>, vector<16xf32>,
      %get3A_722 = arith.constant 0 : i32
      %get3A_723 = arith.index_cast %get3A_722 : i32 to index
      %get3A_724 = arith.index_cast %scan3A_432 : i32 to index
      %get3A_725 = arith.constant 184 : index
      %get3A_726 = tpu.vector_load %arg8[%get3A_723, %get3A_724, %get3A_725] {strides = array<i32>} : memref<2x32x200xf32, #tpu.memory_space<vmem>>, vector<16xf32>,
      %sub3A_727 = arith.subf %get3A_721, %get3A_726 : vector<16xf32>
      %mul3A_728 = arith.mulf %sub3A_727, %sub3A_727 : vector<16xf32>
      %sub3A_729 = arith.subf %get3A_726, %get3A_5 : vector<16xf32>
      %mul3A_730 = arith.mulf %sub3A_729, %get3A_7 : vector<16xf32>
      %convert_element_type3A_731 = arith.fptosi %mul3A_730 : vector<16xf32> to vector<16xi32>
      %max3A_732 = arith.constant 0 : i32
      %max3A_733 = vector.broadcast %max3A_732 : i32 to vector<16xi32>
      %max3A_734 = arith.maxsi %convert_element_type3A_731, %max3A_733 : vector<16xi32>
      %min3A_735 = arith.constant 9 : i32
      %min3A_736 = vector.broadcast %min3A_735 : i32 to vector<16xi32>
      %min3A_737 = arith.minsi %max3A_734, %min3A_736 : vector<16xi32>
      %gather3A_738 = tpu.vector_load_idx %arg9[%min3A_737] : memref<16xf32, #tpu.memory_space<vmem>>[vector<16xi32>], vector<16xf32>,
      %mul3A_739 = arith.mulf %gather3A_738, %select_n3A : vector<16xf32>
      %mul3A_740 = arith.mulf %mul3A_728, %mul3A_739 : vector<16xf32>
      %add3A_741 = arith.addf %add3A_716, %mul3A_740 : vector<16xf32>
      scf.yield %add3A_741 : vector<16xf32>
    }
    %scan3A_338 = arith.constant 32 : i32
    %add3A_339 = arith.constant 192 : i32
    %add3A_340 = arith.addi %add3A_4, %add3A_339 : i32
    %dma_start3A_341 = arith.constant 0 : i32
    %dma_start3A_342 = arith.constant 0 : i32
    %dma_start3A_343 = arith.constant 0 : i32
    %dma_start3A_344 = tpu.memref_slice %arg7[%dma_start3A_341, %dma_start3A_342, %dma_start3A_343] : memref<2x32x200xf32, #tpu.memory_space<vmem>> -> memref<1x32x200xf32, #tpu.memory_space<vmem>>
    %dma_start3A_345 = tpu.memref_squeeze %dma_start3A_344 : memref<1x32x200xf32, #tpu.memory_space<vmem>> -> memref<32x200xf32, #tpu.memory_space<vmem>>
    %dma_start3A_346 = arith.constant 0 : i32
    %dma_start3A_347 = tpu.memref_slice %arg2[%add3A_340, %dma_start3A_346] : memref<16384x200xf32, #tpu.memory_space<hbm>> -> memref<32x200xf32, #tpu.memory_space<hbm>>
    %dma_start3A_348 = arith.constant 0 : i32
    %dma_start3A_349 = arith.constant 0 : i32
    %dma_start3A_350 = tpu.memref_slice %arg7[%dma_start3A_341, %dma_start3A_348, %dma_start3A_349] : memref<2x32x200xf32, #tpu.memory_space<vmem>> -> memref<1x32x200xf32, #tpu.memory_space<vmem>>
    %dma_start3A_351 = tpu.memref_squeeze %dma_start3A_350 : memref<1x32x200xf32, #tpu.memory_space<vmem>> -> memref<32x200xf32, #tpu.memory_space<vmem>>
    %dma_start3A_352 = arith.constant 0 : i32
    %dma_start3A_353 = tpu.memref_slice %arg2[%add3A_340, %dma_start3A_352] : memref<16384x200xf32, #tpu.memory_space<hbm>> -> memref<32x200xf32, #tpu.memory_space<hbm>>
    tpu.enqueue_dma source(%dma_start3A_353 : memref<32x200xf32, #tpu.memory_space<hbm>>) target(%dma_start3A_351 : memref<32x200xf32, #tpu.memory_space<vmem>>) target_semaphore(%arg12 : memref<!tpu.dma_semaphore, #tpu.memory_space<semaphore_mem>>)
    %dma_start3A_354 = arith.constant 0 : i32
    %dma_start3A_355 = arith.constant 0 : i32
    %dma_start3A_356 = arith.constant 0 : i32
    %dma_start3A_357 = tpu.memref_slice %arg8[%dma_start3A_354, %dma_start3A_355, %dma_start3A_356] : memref<2x32x200xf32, #tpu.memory_space<vmem>> -> memref<1x32x200xf32, #tpu.memory_space<vmem>>
    %dma_start3A_358 = tpu.memref_squeeze %dma_start3A_357 : memref<1x32x200xf32, #tpu.memory_space<vmem>> -> memref<32x200xf32, #tpu.memory_space<vmem>>
    %dma_start3A_359 = arith.constant 0 : i32
    %dma_start3A_360 = tpu.memref_slice %arg3[%add3A_340, %dma_start3A_359] : memref<16384x200xf32, #tpu.memory_space<hbm>> -> memref<32x200xf32, #tpu.memory_space<hbm>>
    %dma_start3A_361 = arith.constant 0 : i32
    %dma_start3A_362 = arith.constant 0 : i32
    %dma_start3A_363 = tpu.memref_slice %arg8[%dma_start3A_354, %dma_start3A_361, %dma_start3A_362] : memref<2x32x200xf32, #tpu.memory_space<vmem>> -> memref<1x32x200xf32, #tpu.memory_space<vmem>>
    %dma_start3A_364 = tpu.memref_squeeze %dma_start3A_363 : memref<1x32x200xf32, #tpu.memory_space<vmem>> -> memref<32x200xf32, #tpu.memory_space<vmem>>
    %dma_start3A_365 = arith.constant 0 : i32
    %dma_start3A_366 = tpu.memref_slice %arg3[%add3A_340, %dma_start3A_365] : memref<16384x200xf32, #tpu.memory_space<hbm>> -> memref<32x200xf32, #tpu.memory_space<hbm>>
    tpu.enqueue_dma source(%dma_start3A_366 : memref<32x200xf32, #tpu.memory_space<hbm>>) target(%dma_start3A_364 : memref<32x200xf32, #tpu.memory_space<vmem>>) target_semaphore(%arg14 : memref<!tpu.dma_semaphore, #tpu.memory_space<semaphore_mem>>)
    %dma_wait3A_367 = arith.constant 1 : i32
    %dma_wait3A_368 = arith.constant 0 : i32
    %dma_wait3A_369 = arith.constant 0 : i32
    %dma_wait3A_370 = tpu.memref_slice %arg7[%dma_wait3A_367, %dma_wait3A_368, %dma_wait3A_369] : memref<2x32x200xf32, #tpu.memory_space<vmem>> -> memref<1x32x200xf32, #tpu.memory_space<vmem>>
    %dma_wait3A_371 = tpu.memref_squeeze %dma_wait3A_370 : memref<1x32x200xf32, #tpu.memory_space<vmem>> -> memref<32x200xf32, #tpu.memory_space<vmem>>
    %dma_wait3A_372 = arith.constant 0 : i32
    %dma_wait3A_373 = tpu.memref_slice %arg2[%add3A_280, %dma_wait3A_372] : memref<16384x200xf32, #tpu.memory_space<hbm>> -> memref<32x200xf32, #tpu.memory_space<hbm>>
    %dma_wait3A_374 = arith.constant 0 : i32
    %dma_wait3A_375 = arith.constant 0 : i32
    %dma_wait3A_376 = tpu.memref_slice %arg7[%dma_wait3A_367, %dma_wait3A_374, %dma_wait3A_375] : memref<2x32x200xf32, #tpu.memory_space<vmem>> -> memref<1x32x200xf32, #tpu.memory_space<vmem>>
    %dma_wait3A_377 = tpu.memref_squeeze %dma_wait3A_376 : memref<1x32x200xf32, #tpu.memory_space<vmem>> -> memref<32x200xf32, #tpu.memory_space<vmem>>
    %dma_wait3A_378 = arith.constant 0 : i32
    %dma_wait3A_379 = tpu.memref_slice %arg2[%add3A_280, %dma_wait3A_378] : memref<16384x200xf32, #tpu.memory_space<hbm>> -> memref<32x200xf32, #tpu.memory_space<hbm>>
    tpu.wait_dma2 semaphore(%arg13 : memref<!tpu.dma_semaphore, #tpu.memory_space<semaphore_mem>>) src(%dma_wait3A_379 : memref<32x200xf32, #tpu.memory_space<hbm>>) dst(%dma_wait3A_377 : memref<32x200xf32, #tpu.memory_space<vmem>>)
    %dma_wait3A_380 = arith.constant 1 : i32
    %dma_wait3A_381 = arith.constant 0 : i32
    %dma_wait3A_382 = arith.constant 0 : i32
    %dma_wait3A_383 = tpu.memref_slice %arg8[%dma_wait3A_380, %dma_wait3A_381, %dma_wait3A_382] : memref<2x32x200xf32, #tpu.memory_space<vmem>> -> memref<1x32x200xf32, #tpu.memory_space<vmem>>
    %dma_wait3A_384 = tpu.memref_squeeze %dma_wait3A_383 : memref<1x32x200xf32, #tpu.memory_space<vmem>> -> memref<32x200xf32, #tpu.memory_space<vmem>>
    %dma_wait3A_385 = arith.constant 0 : i32
    %dma_wait3A_386 = tpu.memref_slice %arg3[%add3A_280, %dma_wait3A_385] : memref<16384x200xf32, #tpu.memory_space<hbm>> -> memref<32x200xf32, #tpu.memory_space<hbm>>
    %dma_wait3A_387 = arith.constant 0 : i32
    %dma_wait3A_388 = arith.constant 0 : i32
    %dma_wait3A_389 = tpu.memref_slice %arg8[%dma_wait3A_380, %dma_wait3A_387, %dma_wait3A_388] : memref<2x32x200xf32, #tpu.memory_space<vmem>> -> memref<1x32x200xf32, #tpu.memory_space<vmem>>
    %dma_wait3A_390 = tpu.memref_squeeze %dma_wait3A_389 : memref<1x32x200xf32, #tpu.memory_space<vmem>> -> memref<32x200xf32, #tpu.memory_space<vmem>>
    %dma_wait3A_391 = arith.constant 0 : i32
    %dma_wait3A_392 = tpu.memref_slice %arg3[%add3A_280, %dma_wait3A_391] : memref<16384x200xf32, #tpu.memory_space<hbm>> -> memref<32x200xf32, #tpu.memory_space<hbm>>
    tpu.wait_dma2 semaphore(%arg15 : memref<!tpu.dma_semaphore, #tpu.memory_space<semaphore_mem>>) src(%dma_wait3A_392 : memref<32x200xf32, #tpu.memory_space<hbm>>) dst(%dma_wait3A_390 : memref<32x200xf32, #tpu.memory_space<vmem>>)
    %scan3A_393 = arith.constant 0 : i32
    %scan3A_394 = arith.constant 32 : i32
    %scan3A_395 = arith.addi %scan3A_393, %scan3A_394 : i32
    %scan3A_396 = arith.constant 1 : i32
    %scan3A_397 = scf.for %scan3A_432 = %scan3A_393 to %scan3A_395 step %scan3A_396 iter_args(%scan3A_433 = %scan3A_337) -> (vector<16xf32>)  : i32 {
      %get3A_434 = arith.constant 1 : i32
      %get3A_435 = arith.index_cast %get3A_434 : i32 to index
      %get3A_436 = arith.index_cast %scan3A_432 : i32 to index
      %get3A_437 = arith.constant 0 : index
      %get3A_438 = tpu.vector_load %arg7[%get3A_435, %get3A_436, %get3A_437] {strides = array<i32>} : memref<2x32x200xf32, #tpu.memory_space<vmem>>, vector<16xf32>,
      %get3A_439 = arith.constant 1 : i32
      %get3A_440 = arith.index_cast %get3A_439 : i32 to index
      %get3A_441 = arith.index_cast %scan3A_432 : i32 to index
      %get3A_442 = arith.constant 0 : index
      %get3A_443 = tpu.vector_load %arg8[%get3A_440, %get3A_441, %get3A_442] {strides = array<i32>} : memref<2x32x200xf32, #tpu.memory_space<vmem>>, vector<16xf32>,
      %sub3A = arith.subf %get3A_438, %get3A_443 : vector<16xf32>
      %mul3A_444 = arith.mulf %sub3A, %sub3A : vector<16xf32>
      %sub3A_445 = arith.subf %get3A_443, %get3A_5 : vector<16xf32>
      %mul3A_446 = arith.mulf %sub3A_445, %get3A_7 : vector<16xf32>
      %convert_element_type3A = arith.fptosi %mul3A_446 : vector<16xf32> to vector<16xi32>
      %max3A = arith.constant 0 : i32
      %max3A_447 = vector.broadcast %max3A : i32 to vector<16xi32>
      %max3A_448 = arith.maxsi %convert_element_type3A, %max3A_447 : vector<16xi32>
      %min3A = arith.constant 9 : i32
      %min3A_449 = vector.broadcast %min3A : i32 to vector<16xi32>
      %min3A_450 = arith.minsi %max3A_448, %min3A_449 : vector<16xi32>
      %gather3A = tpu.vector_load_idx %arg9[%min3A_450] : memref<16xf32, #tpu.memory_space<vmem>>[vector<16xi32>], vector<16xf32>,
      %mul3A_451 = arith.mulf %mul3A_444, %gather3A : vector<16xf32>
      %add3A_452 = arith.addf %scan3A_433, %mul3A_451 : vector<16xf32>
      %get3A_453 = arith.constant 1 : i32
      %get3A_454 = arith.index_cast %get3A_453 : i32 to index
      %get3A_455 = arith.index_cast %scan3A_432 : i32 to index
      %get3A_456 = arith.constant 16 : index
      %get3A_457 = tpu.vector_load %arg7[%get3A_454, %get3A_455, %get3A_456] {strides = array<i32>} : memref<2x32x200xf32, #tpu.memory_space<vmem>>, vector<16xf32>,
      %get3A_458 = arith.constant 1 : i32
      %get3A_459 = arith.index_cast %get3A_458 : i32 to index
      %get3A_460 = arith.index_cast %scan3A_432 : i32 to index
      %get3A_461 = arith.constant 16 : index
      %get3A_462 = tpu.vector_load %arg8[%get3A_459, %get3A_460, %get3A_461] {strides = array<i32>} : memref<2x32x200xf32, #tpu.memory_space<vmem>>, vector<16xf32>,
      %sub3A_463 = arith.subf %get3A_457, %get3A_462 : vector<16xf32>
      %mul3A_464 = arith.mulf %sub3A_463, %sub3A_463 : vector<16xf32>
      %sub3A_465 = arith.subf %get3A_462, %get3A_5 : vector<16xf32>
      %mul3A_466 = arith.mulf %sub3A_465, %get3A_7 : vector<16xf32>
      %convert_element_type3A_467 = arith.fptosi %mul3A_466 : vector<16xf32> to vector<16xi32>
      %max3A_468 = arith.constant 0 : i32
      %max3A_469 = vector.broadcast %max3A_468 : i32 to vector<16xi32>
      %max3A_470 = arith.maxsi %convert_element_type3A_467, %max3A_469 : vector<16xi32>
      %min3A_471 = arith.constant 9 : i32
      %min3A_472 = vector.broadcast %min3A_471 : i32 to vector<16xi32>
      %min3A_473 = arith.minsi %max3A_470, %min3A_472 : vector<16xi32>
      %gather3A_474 = tpu.vector_load_idx %arg9[%min3A_473] : memref<16xf32, #tpu.memory_space<vmem>>[vector<16xi32>], vector<16xf32>,
      %mul3A_475 = arith.mulf %mul3A_464, %gather3A_474 : vector<16xf32>
      %add3A_476 = arith.addf %add3A_452, %mul3A_475 : vector<16xf32>
      %get3A_477 = arith.constant 1 : i32
      %get3A_478 = arith.index_cast %get3A_477 : i32 to index
      %get3A_479 = arith.index_cast %scan3A_432 : i32 to index
      %get3A_480 = arith.constant 32 : index
      %get3A_481 = tpu.vector_load %arg7[%get3A_478, %get3A_479, %get3A_480] {strides = array<i32>} : memref<2x32x200xf32, #tpu.memory_space<vmem>>, vector<16xf32>,
      %get3A_482 = arith.constant 1 : i32
      %get3A_483 = arith.index_cast %get3A_482 : i32 to index
      %get3A_484 = arith.index_cast %scan3A_432 : i32 to index
      %get3A_485 = arith.constant 32 : index
      %get3A_486 = tpu.vector_load %arg8[%get3A_483, %get3A_484, %get3A_485] {strides = array<i32>} : memref<2x32x200xf32, #tpu.memory_space<vmem>>, vector<16xf32>,
      %sub3A_487 = arith.subf %get3A_481, %get3A_486 : vector<16xf32>
      %mul3A_488 = arith.mulf %sub3A_487, %sub3A_487 : vector<16xf32>
      %sub3A_489 = arith.subf %get3A_486, %get3A_5 : vector<16xf32>
      %mul3A_490 = arith.mulf %sub3A_489, %get3A_7 : vector<16xf32>
      %convert_element_type3A_491 = arith.fptosi %mul3A_490 : vector<16xf32> to vector<16xi32>
      %max3A_492 = arith.constant 0 : i32
      %max3A_493 = vector.broadcast %max3A_492 : i32 to vector<16xi32>
      %max3A_494 = arith.maxsi %convert_element_type3A_491, %max3A_493 : vector<16xi32>
      %min3A_495 = arith.constant 9 : i32
      %min3A_496 = vector.broadcast %min3A_495 : i32 to vector<16xi32>
      %min3A_497 = arith.minsi %max3A_494, %min3A_496 : vector<16xi32>
      %gather3A_498 = tpu.vector_load_idx %arg9[%min3A_497] : memref<16xf32, #tpu.memory_space<vmem>>[vector<16xi32>], vector<16xf32>,
      %mul3A_499 = arith.mulf %mul3A_488, %gather3A_498 : vector<16xf32>
      %add3A_500 = arith.addf %add3A_476, %mul3A_499 : vector<16xf32>
      %get3A_501 = arith.constant 1 : i32
      %get3A_502 = arith.index_cast %get3A_501 : i32 to index
      %get3A_503 = arith.index_cast %scan3A_432 : i32 to index
      %get3A_504 = arith.constant 48 : index
      %get3A_505 = tpu.vector_load %arg7[%get3A_502, %get3A_503, %get3A_504] {strides = array<i32>} : memref<2x32x200xf32, #tpu.memory_space<vmem>>, vector<16xf32>,
      %get3A_506 = arith.constant 1 : i32
      %get3A_507 = arith.index_cast %get3A_506 : i32 to index
      %get3A_508 = arith.index_cast %scan3A_432 : i32 to index
      %get3A_509 = arith.constant 48 : index
      %get3A_510 = tpu.vector_load %arg8[%get3A_507, %get3A_508, %get3A_509] {strides = array<i32>} : memref<2x32x200xf32, #tpu.memory_space<vmem>>, vector<16xf32>,
      %sub3A_511 = arith.subf %get3A_505, %get3A_510 : vector<16xf32>
      %mul3A_512 = arith.mulf %sub3A_511, %sub3A_511 : vector<16xf32>
      %sub3A_513 = arith.subf %get3A_510, %get3A_5 : vector<16xf32>
      %mul3A_514 = arith.mulf %sub3A_513, %get3A_7 : vector<16xf32>
      %convert_element_type3A_515 = arith.fptosi %mul3A_514 : vector<16xf32> to vector<16xi32>
      %max3A_516 = arith.constant 0 : i32
      %max3A_517 = vector.broadcast %max3A_516 : i32 to vector<16xi32>
      %max3A_518 = arith.maxsi %convert_element_type3A_515, %max3A_517 : vector<16xi32>
      %min3A_519 = arith.constant 9 : i32
      %min3A_520 = vector.broadcast %min3A_519 : i32 to vector<16xi32>
      %min3A_521 = arith.minsi %max3A_518, %min3A_520 : vector<16xi32>
      %gather3A_522 = tpu.vector_load_idx %arg9[%min3A_521] : memref<16xf32, #tpu.memory_space<vmem>>[vector<16xi32>], vector<16xf32>,
      %mul3A_523 = arith.mulf %mul3A_512, %gather3A_522 : vector<16xf32>
      %add3A_524 = arith.addf %add3A_500, %mul3A_523 : vector<16xf32>
      %get3A_525 = arith.constant 1 : i32
      %get3A_526 = arith.index_cast %get3A_525 : i32 to index
      %get3A_527 = arith.index_cast %scan3A_432 : i32 to index
      %get3A_528 = arith.constant 64 : index
      %get3A_529 = tpu.vector_load %arg7[%get3A_526, %get3A_527, %get3A_528] {strides = array<i32>} : memref<2x32x200xf32, #tpu.memory_space<vmem>>, vector<16xf32>,
      %get3A_530 = arith.constant 1 : i32
      %get3A_531 = arith.index_cast %get3A_530 : i32 to index
      %get3A_532 = arith.index_cast %scan3A_432 : i32 to index
      %get3A_533 = arith.constant 64 : index
      %get3A_534 = tpu.vector_load %arg8[%get3A_531, %get3A_532, %get3A_533] {strides = array<i32>} : memref<2x32x200xf32, #tpu.memory_space<vmem>>, vector<16xf32>,
      %sub3A_535 = arith.subf %get3A_529, %get3A_534 : vector<16xf32>
      %mul3A_536 = arith.mulf %sub3A_535, %sub3A_535 : vector<16xf32>
      %sub3A_537 = arith.subf %get3A_534, %get3A_5 : vector<16xf32>
      %mul3A_538 = arith.mulf %sub3A_537, %get3A_7 : vector<16xf32>
      %convert_element_type3A_539 = arith.fptosi %mul3A_538 : vector<16xf32> to vector<16xi32>
      %max3A_540 = arith.constant 0 : i32
      %max3A_541 = vector.broadcast %max3A_540 : i32 to vector<16xi32>
      %max3A_542 = arith.maxsi %convert_element_type3A_539, %max3A_541 : vector<16xi32>
      %min3A_543 = arith.constant 9 : i32
      %min3A_544 = vector.broadcast %min3A_543 : i32 to vector<16xi32>
      %min3A_545 = arith.minsi %max3A_542, %min3A_544 : vector<16xi32>
      %gather3A_546 = tpu.vector_load_idx %arg9[%min3A_545] : memref<16xf32, #tpu.memory_space<vmem>>[vector<16xi32>], vector<16xf32>,
      %mul3A_547 = arith.mulf %mul3A_536, %gather3A_546 : vector<16xf32>
      %add3A_548 = arith.addf %add3A_524, %mul3A_547 : vector<16xf32>
      %get3A_549 = arith.constant 1 : i32
      %get3A_550 = arith.index_cast %get3A_549 : i32 to index
      %get3A_551 = arith.index_cast %scan3A_432 : i32 to index
      %get3A_552 = arith.constant 80 : index
      %get3A_553 = tpu.vector_load %arg7[%get3A_550, %get3A_551, %get3A_552] {strides = array<i32>} : memref<2x32x200xf32, #tpu.memory_space<vmem>>, vector<16xf32>,
      %get3A_554 = arith.constant 1 : i32
      %get3A_555 = arith.index_cast %get3A_554 : i32 to index
      %get3A_556 = arith.index_cast %scan3A_432 : i32 to index
      %get3A_557 = arith.constant 80 : index
      %get3A_558 = tpu.vector_load %arg8[%get3A_555, %get3A_556, %get3A_557] {strides = array<i32>} : memref<2x32x200xf32, #tpu.memory_space<vmem>>, vector<16xf32>,
      %sub3A_559 = arith.subf %get3A_553, %get3A_558 : vector<16xf32>
      %mul3A_560 = arith.mulf %sub3A_559, %sub3A_559 : vector<16xf32>
      %sub3A_561 = arith.subf %get3A_558, %get3A_5 : vector<16xf32>
      %mul3A_562 = arith.mulf %sub3A_561, %get3A_7 : vector<16xf32>
      %convert_element_type3A_563 = arith.fptosi %mul3A_562 : vector<16xf32> to vector<16xi32>
      %max3A_564 = arith.constant 0 : i32
      %max3A_565 = vector.broadcast %max3A_564 : i32 to vector<16xi32>
      %max3A_566 = arith.maxsi %convert_element_type3A_563, %max3A_565 : vector<16xi32>
      %min3A_567 = arith.constant 9 : i32
      %min3A_568 = vector.broadcast %min3A_567 : i32 to vector<16xi32>
      %min3A_569 = arith.minsi %max3A_566, %min3A_568 : vector<16xi32>
      %gather3A_570 = tpu.vector_load_idx %arg9[%min3A_569] : memref<16xf32, #tpu.memory_space<vmem>>[vector<16xi32>], vector<16xf32>,
      %mul3A_571 = arith.mulf %mul3A_560, %gather3A_570 : vector<16xf32>
      %add3A_572 = arith.addf %add3A_548, %mul3A_571 : vector<16xf32>
      %get3A_573 = arith.constant 1 : i32
      %get3A_574 = arith.index_cast %get3A_573 : i32 to index
      %get3A_575 = arith.index_cast %scan3A_432 : i32 to index
      %get3A_576 = arith.constant 96 : index
      %get3A_577 = tpu.vector_load %arg7[%get3A_574, %get3A_575, %get3A_576] {strides = array<i32>} : memref<2x32x200xf32, #tpu.memory_space<vmem>>, vector<16xf32>,
      %get3A_578 = arith.constant 1 : i32
      %get3A_579 = arith.index_cast %get3A_578 : i32 to index
      %get3A_580 = arith.index_cast %scan3A_432 : i32 to index
      %get3A_581 = arith.constant 96 : index
      %get3A_582 = tpu.vector_load %arg8[%get3A_579, %get3A_580, %get3A_581] {strides = array<i32>} : memref<2x32x200xf32, #tpu.memory_space<vmem>>, vector<16xf32>,
      %sub3A_583 = arith.subf %get3A_577, %get3A_582 : vector<16xf32>
      %mul3A_584 = arith.mulf %sub3A_583, %sub3A_583 : vector<16xf32>
      %sub3A_585 = arith.subf %get3A_582, %get3A_5 : vector<16xf32>
      %mul3A_586 = arith.mulf %sub3A_585, %get3A_7 : vector<16xf32>
      %convert_element_type3A_587 = arith.fptosi %mul3A_586 : vector<16xf32> to vector<16xi32>
      %max3A_588 = arith.constant 0 : i32
      %max3A_589 = vector.broadcast %max3A_588 : i32 to vector<16xi32>
      %max3A_590 = arith.maxsi %convert_element_type3A_587, %max3A_589 : vector<16xi32>
      %min3A_591 = arith.constant 9 : i32
      %min3A_592 = vector.broadcast %min3A_591 : i32 to vector<16xi32>
      %min3A_593 = arith.minsi %max3A_590, %min3A_592 : vector<16xi32>
      %gather3A_594 = tpu.vector_load_idx %arg9[%min3A_593] : memref<16xf32, #tpu.memory_space<vmem>>[vector<16xi32>], vector<16xf32>,
      %mul3A_595 = arith.mulf %mul3A_584, %gather3A_594 : vector<16xf32>
      %add3A_596 = arith.addf %add3A_572, %mul3A_595 : vector<16xf32>
      %get3A_597 = arith.constant 1 : i32
      %get3A_598 = arith.index_cast %get3A_597 : i32 to index
      %get3A_599 = arith.index_cast %scan3A_432 : i32 to index
      %get3A_600 = arith.constant 112 : index
      %get3A_601 = tpu.vector_load %arg7[%get3A_598, %get3A_599, %get3A_600] {strides = array<i32>} : memref<2x32x200xf32, #tpu.memory_space<vmem>>, vector<16xf32>,
      %get3A_602 = arith.constant 1 : i32
      %get3A_603 = arith.index_cast %get3A_602 : i32 to index
      %get3A_604 = arith.index_cast %scan3A_432 : i32 to index
      %get3A_605 = arith.constant 112 : index
      %get3A_606 = tpu.vector_load %arg8[%get3A_603, %get3A_604, %get3A_605] {strides = array<i32>} : memref<2x32x200xf32, #tpu.memory_space<vmem>>, vector<16xf32>,
      %sub3A_607 = arith.subf %get3A_601, %get3A_606 : vector<16xf32>
      %mul3A_608 = arith.mulf %sub3A_607, %sub3A_607 : vector<16xf32>
      %sub3A_609 = arith.subf %get3A_606, %get3A_5 : vector<16xf32>
      %mul3A_610 = arith.mulf %sub3A_609, %get3A_7 : vector<16xf32>
      %convert_element_type3A_611 = arith.fptosi %mul3A_610 : vector<16xf32> to vector<16xi32>
      %max3A_612 = arith.constant 0 : i32
      %max3A_613 = vector.broadcast %max3A_612 : i32 to vector<16xi32>
      %max3A_614 = arith.maxsi %convert_element_type3A_611, %max3A_613 : vector<16xi32>
      %min3A_615 = arith.constant 9 : i32
      %min3A_616 = vector.broadcast %min3A_615 : i32 to vector<16xi32>
      %min3A_617 = arith.minsi %max3A_614, %min3A_616 : vector<16xi32>
      %gather3A_618 = tpu.vector_load_idx %arg9[%min3A_617] : memref<16xf32, #tpu.memory_space<vmem>>[vector<16xi32>], vector<16xf32>,
      %mul3A_619 = arith.mulf %mul3A_608, %gather3A_618 : vector<16xf32>
      %add3A_620 = arith.addf %add3A_596, %mul3A_619 : vector<16xf32>
      %get3A_621 = arith.constant 1 : i32
      %get3A_622 = arith.index_cast %get3A_621 : i32 to index
      %get3A_623 = arith.index_cast %scan3A_432 : i32 to index
      %get3A_624 = arith.constant 128 : index
      %get3A_625 = tpu.vector_load %arg7[%get3A_622, %get3A_623, %get3A_624] {strides = array<i32>} : memref<2x32x200xf32, #tpu.memory_space<vmem>>, vector<16xf32>,
      %get3A_626 = arith.constant 1 : i32
      %get3A_627 = arith.index_cast %get3A_626 : i32 to index
      %get3A_628 = arith.index_cast %scan3A_432 : i32 to index
      %get3A_629 = arith.constant 128 : index
      %get3A_630 = tpu.vector_load %arg8[%get3A_627, %get3A_628, %get3A_629] {strides = array<i32>} : memref<2x32x200xf32, #tpu.memory_space<vmem>>, vector<16xf32>,
      %sub3A_631 = arith.subf %get3A_625, %get3A_630 : vector<16xf32>
      %mul3A_632 = arith.mulf %sub3A_631, %sub3A_631 : vector<16xf32>
      %sub3A_633 = arith.subf %get3A_630, %get3A_5 : vector<16xf32>
      %mul3A_634 = arith.mulf %sub3A_633, %get3A_7 : vector<16xf32>
      %convert_element_type3A_635 = arith.fptosi %mul3A_634 : vector<16xf32> to vector<16xi32>
      %max3A_636 = arith.constant 0 : i32
      %max3A_637 = vector.broadcast %max3A_636 : i32 to vector<16xi32>
      %max3A_638 = arith.maxsi %convert_element_type3A_635, %max3A_637 : vector<16xi32>
      %min3A_639 = arith.constant 9 : i32
      %min3A_640 = vector.broadcast %min3A_639 : i32 to vector<16xi32>
      %min3A_641 = arith.minsi %max3A_638, %min3A_640 : vector<16xi32>
      %gather3A_642 = tpu.vector_load_idx %arg9[%min3A_641] : memref<16xf32, #tpu.memory_space<vmem>>[vector<16xi32>], vector<16xf32>,
      %mul3A_643 = arith.mulf %mul3A_632, %gather3A_642 : vector<16xf32>
      %add3A_644 = arith.addf %add3A_620, %mul3A_643 : vector<16xf32>
      %get3A_645 = arith.constant 1 : i32
      %get3A_646 = arith.index_cast %get3A_645 : i32 to index
      %get3A_647 = arith.index_cast %scan3A_432 : i32 to index
      %get3A_648 = arith.constant 144 : index
      %get3A_649 = tpu.vector_load %arg7[%get3A_646, %get3A_647, %get3A_648] {strides = array<i32>} : memref<2x32x200xf32, #tpu.memory_space<vmem>>, vector<16xf32>,
      %get3A_650 = arith.constant 1 : i32
      %get3A_651 = arith.index_cast %get3A_650 : i32 to index
      %get3A_652 = arith.index_cast %scan3A_432 : i32 to index
      %get3A_653 = arith.constant 144 : index
      %get3A_654 = tpu.vector_load %arg8[%get3A_651, %get3A_652, %get3A_653] {strides = array<i32>} : memref<2x32x200xf32, #tpu.memory_space<vmem>>, vector<16xf32>,
      %sub3A_655 = arith.subf %get3A_649, %get3A_654 : vector<16xf32>
      %mul3A_656 = arith.mulf %sub3A_655, %sub3A_655 : vector<16xf32>
      %sub3A_657 = arith.subf %get3A_654, %get3A_5 : vector<16xf32>
      %mul3A_658 = arith.mulf %sub3A_657, %get3A_7 : vector<16xf32>
      %convert_element_type3A_659 = arith.fptosi %mul3A_658 : vector<16xf32> to vector<16xi32>
      %max3A_660 = arith.constant 0 : i32
      %max3A_661 = vector.broadcast %max3A_660 : i32 to vector<16xi32>
      %max3A_662 = arith.maxsi %convert_element_type3A_659, %max3A_661 : vector<16xi32>
      %min3A_663 = arith.constant 9 : i32
      %min3A_664 = vector.broadcast %min3A_663 : i32 to vector<16xi32>
      %min3A_665 = arith.minsi %max3A_662, %min3A_664 : vector<16xi32>
      %gather3A_666 = tpu.vector_load_idx %arg9[%min3A_665] : memref<16xf32, #tpu.memory_space<vmem>>[vector<16xi32>], vector<16xf32>,
      %mul3A_667 = arith.mulf %mul3A_656, %gather3A_666 : vector<16xf32>
      %add3A_668 = arith.addf %add3A_644, %mul3A_667 : vector<16xf32>
      %get3A_669 = arith.constant 1 : i32
      %get3A_670 = arith.index_cast %get3A_669 : i32 to index
      %get3A_671 = arith.index_cast %scan3A_432 : i32 to index
      %get3A_672 = arith.constant 160 : index
      %get3A_673 = tpu.vector_load %arg7[%get3A_670, %get3A_671, %get3A_672] {strides = array<i32>} : memref<2x32x200xf32, #tpu.memory_space<vmem>>, vector<16xf32>,
      %get3A_674 = arith.constant 1 : i32
      %get3A_675 = arith.index_cast %get3A_674 : i32 to index
      %get3A_676 = arith.index_cast %scan3A_432 : i32 to index
      %get3A_677 = arith.constant 160 : index
      %get3A_678 = tpu.vector_load %arg8[%get3A_675, %get3A_676, %get3A_677] {strides = array<i32>} : memref<2x32x200xf32, #tpu.memory_space<vmem>>, vector<16xf32>,
      %sub3A_679 = arith.subf %get3A_673, %get3A_678 : vector<16xf32>
      %mul3A_680 = arith.mulf %sub3A_679, %sub3A_679 : vector<16xf32>
      %sub3A_681 = arith.subf %get3A_678, %get3A_5 : vector<16xf32>
      %mul3A_682 = arith.mulf %sub3A_681, %get3A_7 : vector<16xf32>
      %convert_element_type3A_683 = arith.fptosi %mul3A_682 : vector<16xf32> to vector<16xi32>
      %max3A_684 = arith.constant 0 : i32
      %max3A_685 = vector.broadcast %max3A_684 : i32 to vector<16xi32>
      %max3A_686 = arith.maxsi %convert_element_type3A_683, %max3A_685 : vector<16xi32>
      %min3A_687 = arith.constant 9 : i32
      %min3A_688 = vector.broadcast %min3A_687 : i32 to vector<16xi32>
      %min3A_689 = arith.minsi %max3A_686, %min3A_688 : vector<16xi32>
      %gather3A_690 = tpu.vector_load_idx %arg9[%min3A_689] : memref<16xf32, #tpu.memory_space<vmem>>[vector<16xi32>], vector<16xf32>,
      %mul3A_691 = arith.mulf %mul3A_680, %gather3A_690 : vector<16xf32>
      %add3A_692 = arith.addf %add3A_668, %mul3A_691 : vector<16xf32>
      %get3A_693 = arith.constant 1 : i32
      %get3A_694 = arith.index_cast %get3A_693 : i32 to index
      %get3A_695 = arith.index_cast %scan3A_432 : i32 to index
      %get3A_696 = arith.constant 176 : index
      %get3A_697 = tpu.vector_load %arg7[%get3A_694, %get3A_695, %get3A_696] {strides = array<i32>} : memref<2x32x200xf32, #tpu.memory_space<vmem>>, vector<16xf32>,
      %get3A_698 = arith.constant 1 : i32
      %get3A_699 = arith.index_cast %get3A_698 : i32 to index
      %get3A_700 = arith.index_cast %scan3A_432 : i32 to index
      %get3A_701 = arith.constant 176 : index
      %get3A_702 = tpu.vector_load %arg8[%get3A_699, %get3A_700, %get3A_701] {strides = array<i32>} : memref<2x32x200xf32, #tpu.memory_space<vmem>>, vector<16xf32>,
      %sub3A_703 = arith.subf %get3A_697, %get3A_702 : vector<16xf32>
      %mul3A_704 = arith.mulf %sub3A_703, %sub3A_703 : vector<16xf32>
      %sub3A_705 = arith.subf %get3A_702, %get3A_5 : vector<16xf32>
      %mul3A_706 = arith.mulf %sub3A_705, %get3A_7 : vector<16xf32>
      %convert_element_type3A_707 = arith.fptosi %mul3A_706 : vector<16xf32> to vector<16xi32>
      %max3A_708 = arith.constant 0 : i32
      %max3A_709 = vector.broadcast %max3A_708 : i32 to vector<16xi32>
      %max3A_710 = arith.maxsi %convert_element_type3A_707, %max3A_709 : vector<16xi32>
      %min3A_711 = arith.constant 9 : i32
      %min3A_712 = vector.broadcast %min3A_711 : i32 to vector<16xi32>
      %min3A_713 = arith.minsi %max3A_710, %min3A_712 : vector<16xi32>
      %gather3A_714 = tpu.vector_load_idx %arg9[%min3A_713] : memref<16xf32, #tpu.memory_space<vmem>>[vector<16xi32>], vector<16xf32>,
      %mul3A_715 = arith.mulf %mul3A_704, %gather3A_714 : vector<16xf32>
      %add3A_716 = arith.addf %add3A_692, %mul3A_715 : vector<16xf32>
      %get3A_717 = arith.constant 1 : i32
      %get3A_718 = arith.index_cast %get3A_717 : i32 to index
      %get3A_719 = arith.index_cast %scan3A_432 : i32 to index
      %get3A_720 = arith.constant 184 : index
      %get3A_721 = tpu.vector_load %arg7[%get3A_718, %get3A_719, %get3A_720] {strides = array<i32>} : memref<2x32x200xf32, #tpu.memory_space<vmem>>, vector<16xf32>,
      %get3A_722 = arith.constant 1 : i32
      %get3A_723 = arith.index_cast %get3A_722 : i32 to index
      %get3A_724 = arith.index_cast %scan3A_432 : i32 to index
      %get3A_725 = arith.constant 184 : index
      %get3A_726 = tpu.vector_load %arg8[%get3A_723, %get3A_724, %get3A_725] {strides = array<i32>} : memref<2x32x200xf32, #tpu.memory_space<vmem>>, vector<16xf32>,
      %sub3A_727 = arith.subf %get3A_721, %get3A_726 : vector<16xf32>
      %mul3A_728 = arith.mulf %sub3A_727, %sub3A_727 : vector<16xf32>
      %sub3A_729 = arith.subf %get3A_726, %get3A_5 : vector<16xf32>
      %mul3A_730 = arith.mulf %sub3A_729, %get3A_7 : vector<16xf32>
      %convert_element_type3A_731 = arith.fptosi %mul3A_730 : vector<16xf32> to vector<16xi32>
      %max3A_732 = arith.constant 0 : i32
      %max3A_733 = vector.broadcast %max3A_732 : i32 to vector<16xi32>
      %max3A_734 = arith.maxsi %convert_element_type3A_731, %max3A_733 : vector<16xi32>
      %min3A_735 = arith.constant 9 : i32
      %min3A_736 = vector.broadcast %min3A_735 : i32 to vector<16xi32>
      %min3A_737 = arith.minsi %max3A_734, %min3A_736 : vector<16xi32>
      %gather3A_738 = tpu.vector_load_idx %arg9[%min3A_737] : memref<16xf32, #tpu.memory_space<vmem>>[vector<16xi32>], vector<16xf32>,
      %mul3A_739 = arith.mulf %gather3A_738, %select_n3A : vector<16xf32>
      %mul3A_740 = arith.mulf %mul3A_728, %mul3A_739 : vector<16xf32>
      %add3A_741 = arith.addf %add3A_716, %mul3A_740 : vector<16xf32>
      scf.yield %add3A_741 : vector<16xf32>
    }
    %scan3A_398 = arith.constant 32 : i32
    %dma_wait3A_399 = arith.constant 0 : i32
    %dma_wait3A_400 = arith.constant 0 : i32
    %dma_wait3A_401 = arith.constant 0 : i32
    %dma_wait3A_402 = tpu.memref_slice %arg7[%dma_wait3A_399, %dma_wait3A_400, %dma_wait3A_401] : memref<2x32x200xf32, #tpu.memory_space<vmem>> -> memref<1x32x200xf32, #tpu.memory_space<vmem>>
    %dma_wait3A_403 = tpu.memref_squeeze %dma_wait3A_402 : memref<1x32x200xf32, #tpu.memory_space<vmem>> -> memref<32x200xf32, #tpu.memory_space<vmem>>
    %dma_wait3A_404 = arith.constant 0 : i32
    %dma_wait3A_405 = tpu.memref_slice %arg2[%add3A_340, %dma_wait3A_404] : memref<16384x200xf32, #tpu.memory_space<hbm>> -> memref<32x200xf32, #tpu.memory_space<hbm>>
    %dma_wait3A_406 = arith.constant 0 : i32
    %dma_wait3A_407 = arith.constant 0 : i32
    %dma_wait3A_408 = tpu.memref_slice %arg7[%dma_wait3A_399, %dma_wait3A_406, %dma_wait3A_407] : memref<2x32x200xf32, #tpu.memory_space<vmem>> -> memref<1x32x200xf32, #tpu.memory_space<vmem>>
    %dma_wait3A_409 = tpu.memref_squeeze %dma_wait3A_408 : memref<1x32x200xf32, #tpu.memory_space<vmem>> -> memref<32x200xf32, #tpu.memory_space<vmem>>
    %dma_wait3A_410 = arith.constant 0 : i32
    %dma_wait3A_411 = tpu.memref_slice %arg2[%add3A_340, %dma_wait3A_410] : memref<16384x200xf32, #tpu.memory_space<hbm>> -> memref<32x200xf32, #tpu.memory_space<hbm>>
    tpu.wait_dma2 semaphore(%arg12 : memref<!tpu.dma_semaphore, #tpu.memory_space<semaphore_mem>>) src(%dma_wait3A_411 : memref<32x200xf32, #tpu.memory_space<hbm>>) dst(%dma_wait3A_409 : memref<32x200xf32, #tpu.memory_space<vmem>>)
    %dma_wait3A_412 = arith.constant 0 : i32
    %dma_wait3A_413 = arith.constant 0 : i32
    %dma_wait3A_414 = arith.constant 0 : i32
    %dma_wait3A_415 = tpu.memref_slice %arg8[%dma_wait3A_412, %dma_wait3A_413, %dma_wait3A_414] : memref<2x32x200xf32, #tpu.memory_space<vmem>> -> memref<1x32x200xf32, #tpu.memory_space<vmem>>
    %dma_wait3A_416 = tpu.memref_squeeze %dma_wait3A_415 : memref<1x32x200xf32, #tpu.memory_space<vmem>> -> memref<32x200xf32, #tpu.memory_space<vmem>>
    %dma_wait3A_417 = arith.constant 0 : i32
    %dma_wait3A_418 = tpu.memref_slice %arg3[%add3A_340, %dma_wait3A_417] : memref<16384x200xf32, #tpu.memory_space<hbm>> -> memref<32x200xf32, #tpu.memory_space<hbm>>
    %dma_wait3A_419 = arith.constant 0 : i32
    %dma_wait3A_420 = arith.constant 0 : i32
    %dma_wait3A_421 = tpu.memref_slice %arg8[%dma_wait3A_412, %dma_wait3A_419, %dma_wait3A_420] : memref<2x32x200xf32, #tpu.memory_space<vmem>> -> memref<1x32x200xf32, #tpu.memory_space<vmem>>
    %dma_wait3A_422 = tpu.memref_squeeze %dma_wait3A_421 : memref<1x32x200xf32, #tpu.memory_space<vmem>> -> memref<32x200xf32, #tpu.memory_space<vmem>>
    %dma_wait3A_423 = arith.constant 0 : i32
    %dma_wait3A_424 = tpu.memref_slice %arg3[%add3A_340, %dma_wait3A_423] : memref<16384x200xf32, #tpu.memory_space<hbm>> -> memref<32x200xf32, #tpu.memory_space<hbm>>
    tpu.wait_dma2 semaphore(%arg14 : memref<!tpu.dma_semaphore, #tpu.memory_space<semaphore_mem>>) src(%dma_wait3A_424 : memref<32x200xf32, #tpu.memory_space<hbm>>) dst(%dma_wait3A_422 : memref<32x200xf32, #tpu.memory_space<vmem>>)
    %scan3A_425 = arith.constant 0 : i32
    %scan3A_426 = arith.constant 32 : i32
    %scan3A_427 = arith.addi %scan3A_425, %scan3A_426 : i32
    %scan3A_428 = arith.constant 1 : i32
    %scan3A_429 = scf.for %scan3A_432 = %scan3A_425 to %scan3A_427 step %scan3A_428 iter_args(%scan3A_433 = %scan3A_397) -> (vector<16xf32>)  : i32 {
      %get3A_434 = arith.constant 0 : i32
      %get3A_435 = arith.index_cast %get3A_434 : i32 to index
      %get3A_436 = arith.index_cast %scan3A_432 : i32 to index
      %get3A_437 = arith.constant 0 : index
      %get3A_438 = tpu.vector_load %arg7[%get3A_435, %get3A_436, %get3A_437] {strides = array<i32>} : memref<2x32x200xf32, #tpu.memory_space<vmem>>, vector<16xf32>,
      %get3A_439 = arith.constant 0 : i32
      %get3A_440 = arith.index_cast %get3A_439 : i32 to index
      %get3A_441 = arith.index_cast %scan3A_432 : i32 to index
      %get3A_442 = arith.constant 0 : index
      %get3A_443 = tpu.vector_load %arg8[%get3A_440, %get3A_441, %get3A_442] {strides = array<i32>} : memref<2x32x200xf32, #tpu.memory_space<vmem>>, vector<16xf32>,
      %sub3A = arith.subf %get3A_438, %get3A_443 : vector<16xf32>
      %mul3A_444 = arith.mulf %sub3A, %sub3A : vector<16xf32>
      %sub3A_445 = arith.subf %get3A_443, %get3A_5 : vector<16xf32>
      %mul3A_446 = arith.mulf %sub3A_445, %get3A_7 : vector<16xf32>
      %convert_element_type3A = arith.fptosi %mul3A_446 : vector<16xf32> to vector<16xi32>
      %max3A = arith.constant 0 : i32
      %max3A_447 = vector.broadcast %max3A : i32 to vector<16xi32>
      %max3A_448 = arith.maxsi %convert_element_type3A, %max3A_447 : vector<16xi32>
      %min3A = arith.constant 9 : i32
      %min3A_449 = vector.broadcast %min3A : i32 to vector<16xi32>
      %min3A_450 = arith.minsi %max3A_448, %min3A_449 : vector<16xi32>
      %gather3A = tpu.vector_load_idx %arg9[%min3A_450] : memref<16xf32, #tpu.memory_space<vmem>>[vector<16xi32>], vector<16xf32>,
      %mul3A_451 = arith.mulf %mul3A_444, %gather3A : vector<16xf32>
      %add3A_452 = arith.addf %scan3A_433, %mul3A_451 : vector<16xf32>
      %get3A_453 = arith.constant 0 : i32
      %get3A_454 = arith.index_cast %get3A_453 : i32 to index
      %get3A_455 = arith.index_cast %scan3A_432 : i32 to index
      %get3A_456 = arith.constant 16 : index
      %get3A_457 = tpu.vector_load %arg7[%get3A_454, %get3A_455, %get3A_456] {strides = array<i32>} : memref<2x32x200xf32, #tpu.memory_space<vmem>>, vector<16xf32>,
      %get3A_458 = arith.constant 0 : i32
      %get3A_459 = arith.index_cast %get3A_458 : i32 to index
      %get3A_460 = arith.index_cast %scan3A_432 : i32 to index
      %get3A_461 = arith.constant 16 : index
      %get3A_462 = tpu.vector_load %arg8[%get3A_459, %get3A_460, %get3A_461] {strides = array<i32>} : memref<2x32x200xf32, #tpu.memory_space<vmem>>, vector<16xf32>,
      %sub3A_463 = arith.subf %get3A_457, %get3A_462 : vector<16xf32>
      %mul3A_464 = arith.mulf %sub3A_463, %sub3A_463 : vector<16xf32>
      %sub3A_465 = arith.subf %get3A_462, %get3A_5 : vector<16xf32>
      %mul3A_466 = arith.mulf %sub3A_465, %get3A_7 : vector<16xf32>
      %convert_element_type3A_467 = arith.fptosi %mul3A_466 : vector<16xf32> to vector<16xi32>
      %max3A_468 = arith.constant 0 : i32
      %max3A_469 = vector.broadcast %max3A_468 : i32 to vector<16xi32>
      %max3A_470 = arith.maxsi %convert_element_type3A_467, %max3A_469 : vector<16xi32>
      %min3A_471 = arith.constant 9 : i32
      %min3A_472 = vector.broadcast %min3A_471 : i32 to vector<16xi32>
      %min3A_473 = arith.minsi %max3A_470, %min3A_472 : vector<16xi32>
      %gather3A_474 = tpu.vector_load_idx %arg9[%min3A_473] : memref<16xf32, #tpu.memory_space<vmem>>[vector<16xi32>], vector<16xf32>,
      %mul3A_475 = arith.mulf %mul3A_464, %gather3A_474 : vector<16xf32>
      %add3A_476 = arith.addf %add3A_452, %mul3A_475 : vector<16xf32>
      %get3A_477 = arith.constant 0 : i32
      %get3A_478 = arith.index_cast %get3A_477 : i32 to index
      %get3A_479 = arith.index_cast %scan3A_432 : i32 to index
      %get3A_480 = arith.constant 32 : index
      %get3A_481 = tpu.vector_load %arg7[%get3A_478, %get3A_479, %get3A_480] {strides = array<i32>} : memref<2x32x200xf32, #tpu.memory_space<vmem>>, vector<16xf32>,
      %get3A_482 = arith.constant 0 : i32
      %get3A_483 = arith.index_cast %get3A_482 : i32 to index
      %get3A_484 = arith.index_cast %scan3A_432 : i32 to index
      %get3A_485 = arith.constant 32 : index
      %get3A_486 = tpu.vector_load %arg8[%get3A_483, %get3A_484, %get3A_485] {strides = array<i32>} : memref<2x32x200xf32, #tpu.memory_space<vmem>>, vector<16xf32>,
      %sub3A_487 = arith.subf %get3A_481, %get3A_486 : vector<16xf32>
      %mul3A_488 = arith.mulf %sub3A_487, %sub3A_487 : vector<16xf32>
      %sub3A_489 = arith.subf %get3A_486, %get3A_5 : vector<16xf32>
      %mul3A_490 = arith.mulf %sub3A_489, %get3A_7 : vector<16xf32>
      %convert_element_type3A_491 = arith.fptosi %mul3A_490 : vector<16xf32> to vector<16xi32>
      %max3A_492 = arith.constant 0 : i32
      %max3A_493 = vector.broadcast %max3A_492 : i32 to vector<16xi32>
      %max3A_494 = arith.maxsi %convert_element_type3A_491, %max3A_493 : vector<16xi32>
      %min3A_495 = arith.constant 9 : i32
      %min3A_496 = vector.broadcast %min3A_495 : i32 to vector<16xi32>
      %min3A_497 = arith.minsi %max3A_494, %min3A_496 : vector<16xi32>
      %gather3A_498 = tpu.vector_load_idx %arg9[%min3A_497] : memref<16xf32, #tpu.memory_space<vmem>>[vector<16xi32>], vector<16xf32>,
      %mul3A_499 = arith.mulf %mul3A_488, %gather3A_498 : vector<16xf32>
      %add3A_500 = arith.addf %add3A_476, %mul3A_499 : vector<16xf32>
      %get3A_501 = arith.constant 0 : i32
      %get3A_502 = arith.index_cast %get3A_501 : i32 to index
      %get3A_503 = arith.index_cast %scan3A_432 : i32 to index
      %get3A_504 = arith.constant 48 : index
      %get3A_505 = tpu.vector_load %arg7[%get3A_502, %get3A_503, %get3A_504] {strides = array<i32>} : memref<2x32x200xf32, #tpu.memory_space<vmem>>, vector<16xf32>,
      %get3A_506 = arith.constant 0 : i32
      %get3A_507 = arith.index_cast %get3A_506 : i32 to index
      %get3A_508 = arith.index_cast %scan3A_432 : i32 to index
      %get3A_509 = arith.constant 48 : index
      %get3A_510 = tpu.vector_load %arg8[%get3A_507, %get3A_508, %get3A_509] {strides = array<i32>} : memref<2x32x200xf32, #tpu.memory_space<vmem>>, vector<16xf32>,
      %sub3A_511 = arith.subf %get3A_505, %get3A_510 : vector<16xf32>
      %mul3A_512 = arith.mulf %sub3A_511, %sub3A_511 : vector<16xf32>
      %sub3A_513 = arith.subf %get3A_510, %get3A_5 : vector<16xf32>
      %mul3A_514 = arith.mulf %sub3A_513, %get3A_7 : vector<16xf32>
      %convert_element_type3A_515 = arith.fptosi %mul3A_514 : vector<16xf32> to vector<16xi32>
      %max3A_516 = arith.constant 0 : i32
      %max3A_517 = vector.broadcast %max3A_516 : i32 to vector<16xi32>
      %max3A_518 = arith.maxsi %convert_element_type3A_515, %max3A_517 : vector<16xi32>
      %min3A_519 = arith.constant 9 : i32
      %min3A_520 = vector.broadcast %min3A_519 : i32 to vector<16xi32>
      %min3A_521 = arith.minsi %max3A_518, %min3A_520 : vector<16xi32>
      %gather3A_522 = tpu.vector_load_idx %arg9[%min3A_521] : memref<16xf32, #tpu.memory_space<vmem>>[vector<16xi32>], vector<16xf32>,
      %mul3A_523 = arith.mulf %mul3A_512, %gather3A_522 : vector<16xf32>
      %add3A_524 = arith.addf %add3A_500, %mul3A_523 : vector<16xf32>
      %get3A_525 = arith.constant 0 : i32
      %get3A_526 = arith.index_cast %get3A_525 : i32 to index
      %get3A_527 = arith.index_cast %scan3A_432 : i32 to index
      %get3A_528 = arith.constant 64 : index
      %get3A_529 = tpu.vector_load %arg7[%get3A_526, %get3A_527, %get3A_528] {strides = array<i32>} : memref<2x32x200xf32, #tpu.memory_space<vmem>>, vector<16xf32>,
      %get3A_530 = arith.constant 0 : i32
      %get3A_531 = arith.index_cast %get3A_530 : i32 to index
      %get3A_532 = arith.index_cast %scan3A_432 : i32 to index
      %get3A_533 = arith.constant 64 : index
      %get3A_534 = tpu.vector_load %arg8[%get3A_531, %get3A_532, %get3A_533] {strides = array<i32>} : memref<2x32x200xf32, #tpu.memory_space<vmem>>, vector<16xf32>,
      %sub3A_535 = arith.subf %get3A_529, %get3A_534 : vector<16xf32>
      %mul3A_536 = arith.mulf %sub3A_535, %sub3A_535 : vector<16xf32>
      %sub3A_537 = arith.subf %get3A_534, %get3A_5 : vector<16xf32>
      %mul3A_538 = arith.mulf %sub3A_537, %get3A_7 : vector<16xf32>
      %convert_element_type3A_539 = arith.fptosi %mul3A_538 : vector<16xf32> to vector<16xi32>
      %max3A_540 = arith.constant 0 : i32
      %max3A_541 = vector.broadcast %max3A_540 : i32 to vector<16xi32>
      %max3A_542 = arith.maxsi %convert_element_type3A_539, %max3A_541 : vector<16xi32>
      %min3A_543 = arith.constant 9 : i32
      %min3A_544 = vector.broadcast %min3A_543 : i32 to vector<16xi32>
      %min3A_545 = arith.minsi %max3A_542, %min3A_544 : vector<16xi32>
      %gather3A_546 = tpu.vector_load_idx %arg9[%min3A_545] : memref<16xf32, #tpu.memory_space<vmem>>[vector<16xi32>], vector<16xf32>,
      %mul3A_547 = arith.mulf %mul3A_536, %gather3A_546 : vector<16xf32>
      %add3A_548 = arith.addf %add3A_524, %mul3A_547 : vector<16xf32>
      %get3A_549 = arith.constant 0 : i32
      %get3A_550 = arith.index_cast %get3A_549 : i32 to index
      %get3A_551 = arith.index_cast %scan3A_432 : i32 to index
      %get3A_552 = arith.constant 80 : index
      %get3A_553 = tpu.vector_load %arg7[%get3A_550, %get3A_551, %get3A_552] {strides = array<i32>} : memref<2x32x200xf32, #tpu.memory_space<vmem>>, vector<16xf32>,
      %get3A_554 = arith.constant 0 : i32
      %get3A_555 = arith.index_cast %get3A_554 : i32 to index
      %get3A_556 = arith.index_cast %scan3A_432 : i32 to index
      %get3A_557 = arith.constant 80 : index
      %get3A_558 = tpu.vector_load %arg8[%get3A_555, %get3A_556, %get3A_557] {strides = array<i32>} : memref<2x32x200xf32, #tpu.memory_space<vmem>>, vector<16xf32>,
      %sub3A_559 = arith.subf %get3A_553, %get3A_558 : vector<16xf32>
      %mul3A_560 = arith.mulf %sub3A_559, %sub3A_559 : vector<16xf32>
      %sub3A_561 = arith.subf %get3A_558, %get3A_5 : vector<16xf32>
      %mul3A_562 = arith.mulf %sub3A_561, %get3A_7 : vector<16xf32>
      %convert_element_type3A_563 = arith.fptosi %mul3A_562 : vector<16xf32> to vector<16xi32>
      %max3A_564 = arith.constant 0 : i32
      %max3A_565 = vector.broadcast %max3A_564 : i32 to vector<16xi32>
      %max3A_566 = arith.maxsi %convert_element_type3A_563, %max3A_565 : vector<16xi32>
      %min3A_567 = arith.constant 9 : i32
      %min3A_568 = vector.broadcast %min3A_567 : i32 to vector<16xi32>
      %min3A_569 = arith.minsi %max3A_566, %min3A_568 : vector<16xi32>
      %gather3A_570 = tpu.vector_load_idx %arg9[%min3A_569] : memref<16xf32, #tpu.memory_space<vmem>>[vector<16xi32>], vector<16xf32>,
      %mul3A_571 = arith.mulf %mul3A_560, %gather3A_570 : vector<16xf32>
      %add3A_572 = arith.addf %add3A_548, %mul3A_571 : vector<16xf32>
      %get3A_573 = arith.constant 0 : i32
      %get3A_574 = arith.index_cast %get3A_573 : i32 to index
      %get3A_575 = arith.index_cast %scan3A_432 : i32 to index
      %get3A_576 = arith.constant 96 : index
      %get3A_577 = tpu.vector_load %arg7[%get3A_574, %get3A_575, %get3A_576] {strides = array<i32>} : memref<2x32x200xf32, #tpu.memory_space<vmem>>, vector<16xf32>,
      %get3A_578 = arith.constant 0 : i32
      %get3A_579 = arith.index_cast %get3A_578 : i32 to index
      %get3A_580 = arith.index_cast %scan3A_432 : i32 to index
      %get3A_581 = arith.constant 96 : index
      %get3A_582 = tpu.vector_load %arg8[%get3A_579, %get3A_580, %get3A_581] {strides = array<i32>} : memref<2x32x200xf32, #tpu.memory_space<vmem>>, vector<16xf32>,
      %sub3A_583 = arith.subf %get3A_577, %get3A_582 : vector<16xf32>
      %mul3A_584 = arith.mulf %sub3A_583, %sub3A_583 : vector<16xf32>
      %sub3A_585 = arith.subf %get3A_582, %get3A_5 : vector<16xf32>
      %mul3A_586 = arith.mulf %sub3A_585, %get3A_7 : vector<16xf32>
      %convert_element_type3A_587 = arith.fptosi %mul3A_586 : vector<16xf32> to vector<16xi32>
      %max3A_588 = arith.constant 0 : i32
      %max3A_589 = vector.broadcast %max3A_588 : i32 to vector<16xi32>
      %max3A_590 = arith.maxsi %convert_element_type3A_587, %max3A_589 : vector<16xi32>
      %min3A_591 = arith.constant 9 : i32
      %min3A_592 = vector.broadcast %min3A_591 : i32 to vector<16xi32>
      %min3A_593 = arith.minsi %max3A_590, %min3A_592 : vector<16xi32>
      %gather3A_594 = tpu.vector_load_idx %arg9[%min3A_593] : memref<16xf32, #tpu.memory_space<vmem>>[vector<16xi32>], vector<16xf32>,
      %mul3A_595 = arith.mulf %mul3A_584, %gather3A_594 : vector<16xf32>
      %add3A_596 = arith.addf %add3A_572, %mul3A_595 : vector<16xf32>
      %get3A_597 = arith.constant 0 : i32
      %get3A_598 = arith.index_cast %get3A_597 : i32 to index
      %get3A_599 = arith.index_cast %scan3A_432 : i32 to index
      %get3A_600 = arith.constant 112 : index
      %get3A_601 = tpu.vector_load %arg7[%get3A_598, %get3A_599, %get3A_600] {strides = array<i32>} : memref<2x32x200xf32, #tpu.memory_space<vmem>>, vector<16xf32>,
      %get3A_602 = arith.constant 0 : i32
      %get3A_603 = arith.index_cast %get3A_602 : i32 to index
      %get3A_604 = arith.index_cast %scan3A_432 : i32 to index
      %get3A_605 = arith.constant 112 : index
      %get3A_606 = tpu.vector_load %arg8[%get3A_603, %get3A_604, %get3A_605] {strides = array<i32>} : memref<2x32x200xf32, #tpu.memory_space<vmem>>, vector<16xf32>,
      %sub3A_607 = arith.subf %get3A_601, %get3A_606 : vector<16xf32>
      %mul3A_608 = arith.mulf %sub3A_607, %sub3A_607 : vector<16xf32>
      %sub3A_609 = arith.subf %get3A_606, %get3A_5 : vector<16xf32>
      %mul3A_610 = arith.mulf %sub3A_609, %get3A_7 : vector<16xf32>
      %convert_element_type3A_611 = arith.fptosi %mul3A_610 : vector<16xf32> to vector<16xi32>
      %max3A_612 = arith.constant 0 : i32
      %max3A_613 = vector.broadcast %max3A_612 : i32 to vector<16xi32>
      %max3A_614 = arith.maxsi %convert_element_type3A_611, %max3A_613 : vector<16xi32>
      %min3A_615 = arith.constant 9 : i32
      %min3A_616 = vector.broadcast %min3A_615 : i32 to vector<16xi32>
      %min3A_617 = arith.minsi %max3A_614, %min3A_616 : vector<16xi32>
      %gather3A_618 = tpu.vector_load_idx %arg9[%min3A_617] : memref<16xf32, #tpu.memory_space<vmem>>[vector<16xi32>], vector<16xf32>,
      %mul3A_619 = arith.mulf %mul3A_608, %gather3A_618 : vector<16xf32>
      %add3A_620 = arith.addf %add3A_596, %mul3A_619 : vector<16xf32>
      %get3A_621 = arith.constant 0 : i32
      %get3A_622 = arith.index_cast %get3A_621 : i32 to index
      %get3A_623 = arith.index_cast %scan3A_432 : i32 to index
      %get3A_624 = arith.constant 128 : index
      %get3A_625 = tpu.vector_load %arg7[%get3A_622, %get3A_623, %get3A_624] {strides = array<i32>} : memref<2x32x200xf32, #tpu.memory_space<vmem>>, vector<16xf32>,
      %get3A_626 = arith.constant 0 : i32
      %get3A_627 = arith.index_cast %get3A_626 : i32 to index
      %get3A_628 = arith.index_cast %scan3A_432 : i32 to index
      %get3A_629 = arith.constant 128 : index
      %get3A_630 = tpu.vector_load %arg8[%get3A_627, %get3A_628, %get3A_629] {strides = array<i32>} : memref<2x32x200xf32, #tpu.memory_space<vmem>>, vector<16xf32>,
      %sub3A_631 = arith.subf %get3A_625, %get3A_630 : vector<16xf32>
      %mul3A_632 = arith.mulf %sub3A_631, %sub3A_631 : vector<16xf32>
      %sub3A_633 = arith.subf %get3A_630, %get3A_5 : vector<16xf32>
      %mul3A_634 = arith.mulf %sub3A_633, %get3A_7 : vector<16xf32>
      %convert_element_type3A_635 = arith.fptosi %mul3A_634 : vector<16xf32> to vector<16xi32>
      %max3A_636 = arith.constant 0 : i32
      %max3A_637 = vector.broadcast %max3A_636 : i32 to vector<16xi32>
      %max3A_638 = arith.maxsi %convert_element_type3A_635, %max3A_637 : vector<16xi32>
      %min3A_639 = arith.constant 9 : i32
      %min3A_640 = vector.broadcast %min3A_639 : i32 to vector<16xi32>
      %min3A_641 = arith.minsi %max3A_638, %min3A_640 : vector<16xi32>
      %gather3A_642 = tpu.vector_load_idx %arg9[%min3A_641] : memref<16xf32, #tpu.memory_space<vmem>>[vector<16xi32>], vector<16xf32>,
      %mul3A_643 = arith.mulf %mul3A_632, %gather3A_642 : vector<16xf32>
      %add3A_644 = arith.addf %add3A_620, %mul3A_643 : vector<16xf32>
      %get3A_645 = arith.constant 0 : i32
      %get3A_646 = arith.index_cast %get3A_645 : i32 to index
      %get3A_647 = arith.index_cast %scan3A_432 : i32 to index
      %get3A_648 = arith.constant 144 : index
      %get3A_649 = tpu.vector_load %arg7[%get3A_646, %get3A_647, %get3A_648] {strides = array<i32>} : memref<2x32x200xf32, #tpu.memory_space<vmem>>, vector<16xf32>,
      %get3A_650 = arith.constant 0 : i32
      %get3A_651 = arith.index_cast %get3A_650 : i32 to index
      %get3A_652 = arith.index_cast %scan3A_432 : i32 to index
      %get3A_653 = arith.constant 144 : index
      %get3A_654 = tpu.vector_load %arg8[%get3A_651, %get3A_652, %get3A_653] {strides = array<i32>} : memref<2x32x200xf32, #tpu.memory_space<vmem>>, vector<16xf32>,
      %sub3A_655 = arith.subf %get3A_649, %get3A_654 : vector<16xf32>
      %mul3A_656 = arith.mulf %sub3A_655, %sub3A_655 : vector<16xf32>
      %sub3A_657 = arith.subf %get3A_654, %get3A_5 : vector<16xf32>
      %mul3A_658 = arith.mulf %sub3A_657, %get3A_7 : vector<16xf32>
      %convert_element_type3A_659 = arith.fptosi %mul3A_658 : vector<16xf32> to vector<16xi32>
      %max3A_660 = arith.constant 0 : i32
      %max3A_661 = vector.broadcast %max3A_660 : i32 to vector<16xi32>
      %max3A_662 = arith.maxsi %convert_element_type3A_659, %max3A_661 : vector<16xi32>
      %min3A_663 = arith.constant 9 : i32
      %min3A_664 = vector.broadcast %min3A_663 : i32 to vector<16xi32>
      %min3A_665 = arith.minsi %max3A_662, %min3A_664 : vector<16xi32>
      %gather3A_666 = tpu.vector_load_idx %arg9[%min3A_665] : memref<16xf32, #tpu.memory_space<vmem>>[vector<16xi32>], vector<16xf32>,
      %mul3A_667 = arith.mulf %mul3A_656, %gather3A_666 : vector<16xf32>
      %add3A_668 = arith.addf %add3A_644, %mul3A_667 : vector<16xf32>
      %get3A_669 = arith.constant 0 : i32
      %get3A_670 = arith.index_cast %get3A_669 : i32 to index
      %get3A_671 = arith.index_cast %scan3A_432 : i32 to index
      %get3A_672 = arith.constant 160 : index
      %get3A_673 = tpu.vector_load %arg7[%get3A_670, %get3A_671, %get3A_672] {strides = array<i32>} : memref<2x32x200xf32, #tpu.memory_space<vmem>>, vector<16xf32>,
      %get3A_674 = arith.constant 0 : i32
      %get3A_675 = arith.index_cast %get3A_674 : i32 to index
      %get3A_676 = arith.index_cast %scan3A_432 : i32 to index
      %get3A_677 = arith.constant 160 : index
      %get3A_678 = tpu.vector_load %arg8[%get3A_675, %get3A_676, %get3A_677] {strides = array<i32>} : memref<2x32x200xf32, #tpu.memory_space<vmem>>, vector<16xf32>,
      %sub3A_679 = arith.subf %get3A_673, %get3A_678 : vector<16xf32>
      %mul3A_680 = arith.mulf %sub3A_679, %sub3A_679 : vector<16xf32>
      %sub3A_681 = arith.subf %get3A_678, %get3A_5 : vector<16xf32>
      %mul3A_682 = arith.mulf %sub3A_681, %get3A_7 : vector<16xf32>
      %convert_element_type3A_683 = arith.fptosi %mul3A_682 : vector<16xf32> to vector<16xi32>
      %max3A_684 = arith.constant 0 : i32
      %max3A_685 = vector.broadcast %max3A_684 : i32 to vector<16xi32>
      %max3A_686 = arith.maxsi %convert_element_type3A_683, %max3A_685 : vector<16xi32>
      %min3A_687 = arith.constant 9 : i32
      %min3A_688 = vector.broadcast %min3A_687 : i32 to vector<16xi32>
      %min3A_689 = arith.minsi %max3A_686, %min3A_688 : vector<16xi32>
      %gather3A_690 = tpu.vector_load_idx %arg9[%min3A_689] : memref<16xf32, #tpu.memory_space<vmem>>[vector<16xi32>], vector<16xf32>,
      %mul3A_691 = arith.mulf %mul3A_680, %gather3A_690 : vector<16xf32>
      %add3A_692 = arith.addf %add3A_668, %mul3A_691 : vector<16xf32>
      %get3A_693 = arith.constant 0 : i32
      %get3A_694 = arith.index_cast %get3A_693 : i32 to index
      %get3A_695 = arith.index_cast %scan3A_432 : i32 to index
      %get3A_696 = arith.constant 176 : index
      %get3A_697 = tpu.vector_load %arg7[%get3A_694, %get3A_695, %get3A_696] {strides = array<i32>} : memref<2x32x200xf32, #tpu.memory_space<vmem>>, vector<16xf32>,
      %get3A_698 = arith.constant 0 : i32
      %get3A_699 = arith.index_cast %get3A_698 : i32 to index
      %get3A_700 = arith.index_cast %scan3A_432 : i32 to index
      %get3A_701 = arith.constant 176 : index
      %get3A_702 = tpu.vector_load %arg8[%get3A_699, %get3A_700, %get3A_701] {strides = array<i32>} : memref<2x32x200xf32, #tpu.memory_space<vmem>>, vector<16xf32>,
      %sub3A_703 = arith.subf %get3A_697, %get3A_702 : vector<16xf32>
      %mul3A_704 = arith.mulf %sub3A_703, %sub3A_703 : vector<16xf32>
      %sub3A_705 = arith.subf %get3A_702, %get3A_5 : vector<16xf32>
      %mul3A_706 = arith.mulf %sub3A_705, %get3A_7 : vector<16xf32>
      %convert_element_type3A_707 = arith.fptosi %mul3A_706 : vector<16xf32> to vector<16xi32>
      %max3A_708 = arith.constant 0 : i32
      %max3A_709 = vector.broadcast %max3A_708 : i32 to vector<16xi32>
      %max3A_710 = arith.maxsi %convert_element_type3A_707, %max3A_709 : vector<16xi32>
      %min3A_711 = arith.constant 9 : i32
      %min3A_712 = vector.broadcast %min3A_711 : i32 to vector<16xi32>
      %min3A_713 = arith.minsi %max3A_710, %min3A_712 : vector<16xi32>
      %gather3A_714 = tpu.vector_load_idx %arg9[%min3A_713] : memref<16xf32, #tpu.memory_space<vmem>>[vector<16xi32>], vector<16xf32>,
      %mul3A_715 = arith.mulf %mul3A_704, %gather3A_714 : vector<16xf32>
      %add3A_716 = arith.addf %add3A_692, %mul3A_715 : vector<16xf32>
      %get3A_717 = arith.constant 0 : i32
      %get3A_718 = arith.index_cast %get3A_717 : i32 to index
      %get3A_719 = arith.index_cast %scan3A_432 : i32 to index
      %get3A_720 = arith.constant 184 : index
      %get3A_721 = tpu.vector_load %arg7[%get3A_718, %get3A_719, %get3A_720] {strides = array<i32>} : memref<2x32x200xf32, #tpu.memory_space<vmem>>, vector<16xf32>,
      %get3A_722 = arith.constant 0 : i32
      %get3A_723 = arith.index_cast %get3A_722 : i32 to index
      %get3A_724 = arith.index_cast %scan3A_432 : i32 to index
      %get3A_725 = arith.constant 184 : index
      %get3A_726 = tpu.vector_load %arg8[%get3A_723, %get3A_724, %get3A_725] {strides = array<i32>} : memref<2x32x200xf32, #tpu.memory_space<vmem>>, vector<16xf32>,
      %sub3A_727 = arith.subf %get3A_721, %get3A_726 : vector<16xf32>
      %mul3A_728 = arith.mulf %sub3A_727, %sub3A_727 : vector<16xf32>
      %sub3A_729 = arith.subf %get3A_726, %get3A_5 : vector<16xf32>
      %mul3A_730 = arith.mulf %sub3A_729, %get3A_7 : vector<16xf32>
      %convert_element_type3A_731 = arith.fptosi %mul3A_730 : vector<16xf32> to vector<16xi32>
      %max3A_732 = arith.constant 0 : i32
      %max3A_733 = vector.broadcast %max3A_732 : i32 to vector<16xi32>
      %max3A_734 = arith.maxsi %convert_element_type3A_731, %max3A_733 : vector<16xi32>
      %min3A_735 = arith.constant 9 : i32
      %min3A_736 = vector.broadcast %min3A_735 : i32 to vector<16xi32>
      %min3A_737 = arith.minsi %max3A_734, %min3A_736 : vector<16xi32>
      %gather3A_738 = tpu.vector_load_idx %arg9[%min3A_737] : memref<16xf32, #tpu.memory_space<vmem>>[vector<16xi32>], vector<16xf32>,
      %mul3A_739 = arith.mulf %gather3A_738, %select_n3A : vector<16xf32>
      %mul3A_740 = arith.mulf %mul3A_728, %mul3A_739 : vector<16xf32>
      %add3A_741 = arith.addf %add3A_716, %mul3A_740 : vector<16xf32>
      scf.yield %add3A_741 : vector<16xf32>
    }
    %scan3A_430 = arith.constant 32 : i32
    %swap3A = arith.constant 0 : index
    %swap3A_431 = tpu.vector_load %arg11[%swap3A] {strides = array<i32>} : memref<16xf32, #tpu.memory_space<vmem>>, vector<16xf32>,
    tpu.vector_store %arg11[%swap3A], %scan3A_429 {strides = array<i32>} : memref<16xf32, #tpu.memory_space<vmem>>, vector<16xf32>,
    "tpu.region"() ({
      %run_scoped3A = tpu.sem_alloc : memref<!tpu.dma_semaphore, #tpu.memory_space<semaphore_mem>>
      %dma_start3A_432 = arith.constant 0 : i32
      %dma_start3A_433 = tpu.memref_slice %arg6[%add3A, %dma_start3A_432] : memref<32x16xf32, #tpu.memory_space<hbm>> -> memref<1x16xf32, #tpu.memory_space<hbm>>
      %dma_start3A_434 = tpu.memref_squeeze %dma_start3A_433 : memref<1x16xf32, #tpu.memory_space<hbm>> -> memref<16xf32, #tpu.memory_space<hbm>>
      %dma_start3A_435 = arith.constant 0 : i32
      %dma_start3A_436 = tpu.memref_slice %arg6[%add3A, %dma_start3A_435] : memref<32x16xf32, #tpu.memory_space<hbm>> -> memref<1x16xf32, #tpu.memory_space<hbm>>
      %dma_start3A_437 = tpu.memref_squeeze %dma_start3A_436 : memref<1x16xf32, #tpu.memory_space<hbm>> -> memref<16xf32, #tpu.memory_space<hbm>>
      tpu.enqueue_dma source(%arg11 : memref<16xf32, #tpu.memory_space<vmem>>) target(%dma_start3A_437 : memref<16xf32, #tpu.memory_space<hbm>>) target_semaphore(%run_scoped3A : memref<!tpu.dma_semaphore, #tpu.memory_space<semaphore_mem>>)
      %dma_wait3A_438 = arith.constant 0 : i32
      %dma_wait3A_439 = tpu.memref_slice %arg6[%add3A, %dma_wait3A_438] : memref<32x16xf32, #tpu.memory_space<hbm>> -> memref<1x16xf32, #tpu.memory_space<hbm>>
      %dma_wait3A_440 = tpu.memref_squeeze %dma_wait3A_439 : memref<1x16xf32, #tpu.memory_space<hbm>> -> memref<16xf32, #tpu.memory_space<hbm>>
      %dma_wait3A_441 = arith.constant 0 : i32
      %dma_wait3A_442 = tpu.memref_slice %arg6[%add3A, %dma_wait3A_441] : memref<32x16xf32, #tpu.memory_space<hbm>> -> memref<1x16xf32, #tpu.memory_space<hbm>>
      %dma_wait3A_443 = tpu.memref_squeeze %dma_wait3A_442 : memref<1x16xf32, #tpu.memory_space<hbm>> -> memref<16xf32, #tpu.memory_space<hbm>>
      tpu.wait_dma2 semaphore(%run_scoped3A : memref<!tpu.dma_semaphore, #tpu.memory_space<semaphore_mem>>) src(%arg11 : memref<16xf32, #tpu.memory_space<vmem>>) dst(%dma_wait3A_443 : memref<16xf32, #tpu.memory_space<hbm>>)
      tpu.yield
    }) : () -> ()
    return
  }
}

module attributes {stable_mosaic.version = 14 : i64} {
  func.func @_tc_body(%arg0: i32, %arg1: memref<1536x200xf32, #tpu.memory_space<vmem>>, %arg2: memref<1536x200xf32, #tpu.memory_space<vmem>>, %arg3: memref<10xf32, #tpu.memory_space<smem>>, %arg4: memref<10xf32, #tpu.memory_space<smem>>, %arg5: memref<1x1xf32, #tpu.memory_space<smem>>) attributes {dimension_semantics = [#tpu.dimension_semantics<arbitrary>], iteration_bounds = array<i64: 6>, scalar_prefetch = 0 : i64, scratch_operands = 0 : i64, tpu.core_type = #tpu.core_type<tc>, window_params = [{transform_indices = @transform_0, window_bounds = array<i64: 1536, 200>}, {transform_indices = @transform_1, window_bounds = array<i64: 1536, 200>}, {transform_indices = @transform_2, window_bounds = array<i64: 10>}, {transform_indices = @transform_3, window_bounds = array<i64: 10>}, {transform_indices = @transform_4, window_bounds = array<i64: 1, 1>}]} {
    %get3A = arith.constant 0 : index
    %get3A_0 = arith.constant 0 : index
    %get3A_1 = vector.load %arg1[%get3A, %get3A_0] : memref<1536x200xf32, #tpu.memory_space<vmem>>, vector<1536x200xf32>
    %get3A_2 = arith.constant 0 : index
    %get3A_3 = arith.constant 0 : index
    %get3A_4 = vector.load %arg2[%get3A_2, %get3A_3] : memref<1536x200xf32, #tpu.memory_space<vmem>>, vector<1536x200xf32>
    %sub3A = arith.subf %get3A_1, %get3A_4 : vector<1536x200xf32>
    %sub3A_5 = arith.subf %get3A_1, %get3A_4 : vector<1536x200xf32>
    %mul3A = arith.mulf %sub3A, %sub3A_5 : vector<1536x200xf32>
    %get3A_6 = arith.constant 0 : index
    %get3A_7 = memref.load %arg4[%get3A_6] : memref<10xf32, #tpu.memory_space<smem>>
    %broadcast_in_dim3A = vector.broadcast %get3A_7 : f32 to vector<1536x200xf32>
    %get3A_8 = arith.constant 1 : index
    %get3A_9 = memref.load %arg3[%get3A_8] : memref<10xf32, #tpu.memory_space<smem>>
    %ge3A = vector.broadcast %get3A_9 : f32 to vector<1536x200xf32>
    %ge3A_10 = arith.cmpf oge, %get3A_4, %ge3A : vector<1536x200xf32>
    %get3A_11 = arith.constant 1 : index
    %get3A_12 = memref.load %arg4[%get3A_11] : memref<10xf32, #tpu.memory_space<smem>>
    %broadcast_in_dim3A_13 = vector.broadcast %get3A_12 : f32 to vector<1536x200xf32>
    %select_n3A = arith.select %ge3A_10, %broadcast_in_dim3A_13, %broadcast_in_dim3A : vector<1536x200xi1>, vector<1536x200xf32>
    %get3A_14 = arith.constant 2 : index
    %get3A_15 = memref.load %arg3[%get3A_14] : memref<10xf32, #tpu.memory_space<smem>>
    %ge3A_16 = vector.broadcast %get3A_15 : f32 to vector<1536x200xf32>
    %ge3A_17 = arith.cmpf oge, %get3A_4, %ge3A_16 : vector<1536x200xf32>
    %get3A_18 = arith.constant 2 : index
    %get3A_19 = memref.load %arg4[%get3A_18] : memref<10xf32, #tpu.memory_space<smem>>
    %broadcast_in_dim3A_20 = vector.broadcast %get3A_19 : f32 to vector<1536x200xf32>
    %select_n3A_21 = arith.select %ge3A_17, %broadcast_in_dim3A_20, %select_n3A : vector<1536x200xi1>, vector<1536x200xf32>
    %get3A_22 = arith.constant 3 : index
    %get3A_23 = memref.load %arg3[%get3A_22] : memref<10xf32, #tpu.memory_space<smem>>
    %ge3A_24 = vector.broadcast %get3A_23 : f32 to vector<1536x200xf32>
    %ge3A_25 = arith.cmpf oge, %get3A_4, %ge3A_24 : vector<1536x200xf32>
    %get3A_26 = arith.constant 3 : index
    %get3A_27 = memref.load %arg4[%get3A_26] : memref<10xf32, #tpu.memory_space<smem>>
    %broadcast_in_dim3A_28 = vector.broadcast %get3A_27 : f32 to vector<1536x200xf32>
    %select_n3A_29 = arith.select %ge3A_25, %broadcast_in_dim3A_28, %select_n3A_21 : vector<1536x200xi1>, vector<1536x200xf32>
    %get3A_30 = arith.constant 4 : index
    %get3A_31 = memref.load %arg3[%get3A_30] : memref<10xf32, #tpu.memory_space<smem>>
    %ge3A_32 = vector.broadcast %get3A_31 : f32 to vector<1536x200xf32>
    %ge3A_33 = arith.cmpf oge, %get3A_4, %ge3A_32 : vector<1536x200xf32>
    %get3A_34 = arith.constant 4 : index
    %get3A_35 = memref.load %arg4[%get3A_34] : memref<10xf32, #tpu.memory_space<smem>>
    %broadcast_in_dim3A_36 = vector.broadcast %get3A_35 : f32 to vector<1536x200xf32>
    %select_n3A_37 = arith.select %ge3A_33, %broadcast_in_dim3A_36, %select_n3A_29 : vector<1536x200xi1>, vector<1536x200xf32>
    %get3A_38 = arith.constant 5 : index
    %get3A_39 = memref.load %arg3[%get3A_38] : memref<10xf32, #tpu.memory_space<smem>>
    %ge3A_40 = vector.broadcast %get3A_39 : f32 to vector<1536x200xf32>
    %ge3A_41 = arith.cmpf oge, %get3A_4, %ge3A_40 : vector<1536x200xf32>
    %get3A_42 = arith.constant 5 : index
    %get3A_43 = memref.load %arg4[%get3A_42] : memref<10xf32, #tpu.memory_space<smem>>
    %broadcast_in_dim3A_44 = vector.broadcast %get3A_43 : f32 to vector<1536x200xf32>
    %select_n3A_45 = arith.select %ge3A_41, %broadcast_in_dim3A_44, %select_n3A_37 : vector<1536x200xi1>, vector<1536x200xf32>
    %get3A_46 = arith.constant 6 : index
    %get3A_47 = memref.load %arg3[%get3A_46] : memref<10xf32, #tpu.memory_space<smem>>
    %ge3A_48 = vector.broadcast %get3A_47 : f32 to vector<1536x200xf32>
    %ge3A_49 = arith.cmpf oge, %get3A_4, %ge3A_48 : vector<1536x200xf32>
    %get3A_50 = arith.constant 6 : index
    %get3A_51 = memref.load %arg4[%get3A_50] : memref<10xf32, #tpu.memory_space<smem>>
    %broadcast_in_dim3A_52 = vector.broadcast %get3A_51 : f32 to vector<1536x200xf32>
    %select_n3A_53 = arith.select %ge3A_49, %broadcast_in_dim3A_52, %select_n3A_45 : vector<1536x200xi1>, vector<1536x200xf32>
    %get3A_54 = arith.constant 7 : index
    %get3A_55 = memref.load %arg3[%get3A_54] : memref<10xf32, #tpu.memory_space<smem>>
    %ge3A_56 = vector.broadcast %get3A_55 : f32 to vector<1536x200xf32>
    %ge3A_57 = arith.cmpf oge, %get3A_4, %ge3A_56 : vector<1536x200xf32>
    %get3A_58 = arith.constant 7 : index
    %get3A_59 = memref.load %arg4[%get3A_58] : memref<10xf32, #tpu.memory_space<smem>>
    %broadcast_in_dim3A_60 = vector.broadcast %get3A_59 : f32 to vector<1536x200xf32>
    %select_n3A_61 = arith.select %ge3A_57, %broadcast_in_dim3A_60, %select_n3A_53 : vector<1536x200xi1>, vector<1536x200xf32>
    %get3A_62 = arith.constant 8 : index
    %get3A_63 = memref.load %arg3[%get3A_62] : memref<10xf32, #tpu.memory_space<smem>>
    %ge3A_64 = vector.broadcast %get3A_63 : f32 to vector<1536x200xf32>
    %ge3A_65 = arith.cmpf oge, %get3A_4, %ge3A_64 : vector<1536x200xf32>
    %get3A_66 = arith.constant 8 : index
    %get3A_67 = memref.load %arg4[%get3A_66] : memref<10xf32, #tpu.memory_space<smem>>
    %broadcast_in_dim3A_68 = vector.broadcast %get3A_67 : f32 to vector<1536x200xf32>
    %select_n3A_69 = arith.select %ge3A_65, %broadcast_in_dim3A_68, %select_n3A_61 : vector<1536x200xi1>, vector<1536x200xf32>
    %get3A_70 = arith.constant 9 : index
    %get3A_71 = memref.load %arg3[%get3A_70] : memref<10xf32, #tpu.memory_space<smem>>
    %ge3A_72 = vector.broadcast %get3A_71 : f32 to vector<1536x200xf32>
    %ge3A_73 = arith.cmpf oge, %get3A_4, %ge3A_72 : vector<1536x200xf32>
    %get3A_74 = arith.constant 9 : index
    %get3A_75 = memref.load %arg4[%get3A_74] : memref<10xf32, #tpu.memory_space<smem>>
    %broadcast_in_dim3A_76 = vector.broadcast %get3A_75 : f32 to vector<1536x200xf32>
    %select_n3A_77 = arith.select %ge3A_73, %broadcast_in_dim3A_76, %select_n3A_69 : vector<1536x200xi1>, vector<1536x200xf32>
    %eq3A = arith.constant 0 : i32
    %eq3A_78 = arith.cmpi eq, %arg0, %eq3A : i32
    %convert_element_type3A = arith.extui %eq3A_78 : i1 to i32
    %cond3A = arith.constant 0 : i32
    %cond3A_79 = arith.cmpi ne, %convert_element_type3A, %cond3A : i32
    scf.if %cond3A_79 {
      %swap3A_90 = arith.constant 0.000000e+00 : f32
      %swap3A_91 = arith.constant 0 : index
      %swap3A_92 = arith.constant 0 : index
      %swap3A_93 = memref.load %arg5[%swap3A_91, %swap3A_92] : memref<1x1xf32, #tpu.memory_space<smem>>
      memref.store %swap3A_90, %arg5[%swap3A_91, %swap3A_92] : memref<1x1xf32, #tpu.memory_space<smem>>
    } else {
    }
    %get3A_80 = arith.constant 0 : index
    %get3A_81 = arith.constant 0 : index
    %get3A_82 = memref.load %arg5[%get3A_80, %get3A_81] : memref<1x1xf32, #tpu.memory_space<smem>>
    %mul3A_83 = arith.mulf %mul3A, %select_n3A_77 : vector<1536x200xf32>
    %reduce_sum3A = vector.shape_cast %mul3A_83 : vector<1536x200xf32> to vector<1x1536x200xf32>
    %reduce_sum3A_84 = arith.constant dense<0.000000e+00> : vector<1xf32>
    %reduce_sum3A_85 = vector.multi_reduction <add>, %reduce_sum3A, %reduce_sum3A_84 [1, 2] : vector<1x1536x200xf32> to vector<1xf32>
    %reduce_sum3A_86 = vector.shape_cast %reduce_sum3A_85 : vector<1xf32> to vector<1x1x1xf32>
    %reduce_sum3A_87 = vector.extract %reduce_sum3A_86[0, 0, 0] : f32 from vector<1x1x1xf32>
    %add3A = arith.addf %get3A_82, %reduce_sum3A_87 : f32
    %swap3A = arith.constant 0 : index
    %swap3A_88 = arith.constant 0 : index
    %swap3A_89 = memref.load %arg5[%swap3A, %swap3A_88] : memref<1x1xf32, #tpu.memory_space<smem>>
    memref.store %add3A, %arg5[%swap3A, %swap3A_88] : memref<1x1xf32, #tpu.memory_space<smem>>
    return
  }
  func.func @transform_0(%arg0: i32) -> (i32, i32) {
    %c0_i32 = arith.constant 0 : i32
    %c0_i32_0 = arith.constant 0 : i32
    return %arg0, %c0_i32 : i32, i32
  }
  func.func @transform_1(%arg0: i32) -> (i32, i32) {
    %c0_i32 = arith.constant 0 : i32
    %c0_i32_0 = arith.constant 0 : i32
    return %arg0, %c0_i32 : i32, i32
  }
  func.func @transform_2(%arg0: i32) -> i32 {
    %c0_i32 = arith.constant 0 : i32
    %c0_i32_0 = arith.constant 0 : i32
    return %c0_i32 : i32
  }
  func.func @transform_3(%arg0: i32) -> i32 {
    %c0_i32 = arith.constant 0 : i32
    %c0_i32_0 = arith.constant 0 : i32
    return %c0_i32 : i32
  }
  func.func @transform_4(%arg0: i32) -> (i32, i32) {
    %c0_i32 = arith.constant 0 : i32
    %c0_i32_0 = arith.constant 0 : i32
    %c0_i32_1 = arith.constant 0 : i32
    return %c0_i32, %c0_i32_0 : i32, i32
  }
}

module attributes {stable_mosaic.version = 14 : i64} {
  func.func @_combine_body(%arg0: memref<32x16xf32, #tpu.memory_space<vmem>>, %arg1: memref<1x1xf32, #tpu.memory_space<smem>>, %arg2: memref<1x1xf32, #tpu.memory_space<smem>>) attributes {dimension_semantics = [], scalar_prefetch = 0 : i64, scratch_operands = 0 : i64, tpu.core_type = #tpu.core_type<tc>} {
    %get3A = arith.constant 0 : index
    %get3A_0 = arith.constant 0 : index
    %get3A_1 = vector.load %arg0[%get3A, %get3A_0] : memref<32x16xf32, #tpu.memory_space<vmem>>, vector<32x16xf32>
    %reduce_sum3A = vector.shape_cast %get3A_1 : vector<32x16xf32> to vector<1x32x16xf32>
    %reduce_sum3A_2 = arith.constant dense<0.000000e+00> : vector<1xf32>
    %reduce_sum3A_3 = vector.multi_reduction <add>, %reduce_sum3A, %reduce_sum3A_2 [1, 2] : vector<1x32x16xf32> to vector<1xf32>
    %reduce_sum3A_4 = vector.shape_cast %reduce_sum3A_3 : vector<1xf32> to vector<1x1x1xf32>
    %reduce_sum3A_5 = vector.extract %reduce_sum3A_4[0, 0, 0] : f32 from vector<1x1x1xf32>
    %get3A_6 = arith.constant 0 : index
    %get3A_7 = arith.constant 0 : index
    %get3A_8 = memref.load %arg1[%get3A_6, %get3A_7] : memref<1x1xf32, #tpu.memory_space<smem>>
    %add3A = arith.addf %reduce_sum3A_5, %get3A_8 : f32
    %swap3A = arith.constant 0 : index
    %swap3A_9 = arith.constant 0 : index
    %swap3A_10 = memref.load %arg2[%swap3A, %swap3A_9] : memref<1x1xf32, #tpu.memory_space<smem>>
    memref.store %add3A, %arg2[%swap3A, %swap3A_9] : memref<1x1xf32, #tpu.memory_space<smem>>
    return
  }
}

</mosaic_0001>

<sc_bundles>
// kernel: kernel.5.cloned.1.call-start
scs
__scs_entry_jumppad:
0x0: {  	(pc) =	sbr.rel $0x88, $3  }
0x1: {  	(tag) =	ssettag $0x0;
	lr =	simm.s32 $0x1  }
0x2: {  	[smem:$0x3F9D] =	sst lr;
	_ =	strace $0xD0000000  }
0x3: {  	_ = 	snop  }
0x4: {  	_ = 	snop  }
0x5: {  	_ = 	snop  }
0x6: {  	_ = 	snop  }
0x7: {  	_ = 	snop  }
__scs_overlays_trampoline_lowered:
0x8: {  	[smem:$0x3FAC] =	sst s0  }
0x9: {  	[smem:$0x3FAD] =	sst s1  }
0xa: {  	[smem:$0x3FAE] =	sst s2  }
0xb: {  	[smem:$0x3FAF] =	sst s3  }
0xc: {  	[smem:$0x3FB0] =	sst s4  }
0xd: {  	[smem:$0x3FB1] =	sst s5  }
0xe: {  	[smem:$0x3FB2] =	sst s6  }
0xf: {  	[smem:$0x3FB3] =	sst s7  }
0x10: {  	[smem:$0x3FB4] =	sst s8  }
0x11: {  	[smem:$0x3FB5] =	sst s9;
	s0 =	simm.s32 @!p0 $0x0  }
0x12: {  	s1 =	sld [smem:$0x3F9B];
	s0 =	simm.s32 @p0 $0x1  }
0x13: {  	[smem:$0x3FB6] =	sst s0;
	s0 =	simm.s32 @!p1 $0x0  }
0x14: {  	s2 =	sld [smem:$0x3F9A];
	s0 =	simm.s32 @p1 $0x1  }
0x15: {  	[smem:$0x3FB7] =	sst s0;
	s0 =	simm.s32 @!p2 $0x0  }
0x16: {  	s3 =	sld [smem:$0x3FDB];
	s0 =	simm.s32 @p2 $0x1  }
0x17: {  	s4 =	simm.s32 $0x1BF5;
	[smem:$0x3FB9] =	sst s0  }
0x18: {  	s0 =	sld [smem:$0x3F9C];
	_ =	swait.ge [sflag:s4], $0x0  }
0x19: {  	s7 =	sld [smem:$0x3F9D]  }
0x1a: {  	s8 =	sadd.s32 $0xFFFFE003, lr  }
0x1b: {  	s9 =	sadd.s32 $0xFFFFFEF7, lr;
	s5 =	simm.s32 $0xFFFFFFFF;
	p2 =	slt.u32 s8, $0xFFFFF086  }
0x1c: {  	p1 =	slt.u32 s9, $0xF7A;
	s5 =	simm.s32 @!p2 $0x0  }
0x1d: {  	s5 =	simm.s32 @p1 $0x1;
	p0 =	seq.s32 s7, s2  }
0x1e: {  	s7 =	smul.u32 @!p0 $0xF7A, s2;
	p2 =	seq.s32 @!p0 s5, $0x0  }
0x1f: {  	s9 =	smul.u32 $0xF7A, s1;
	s8 =	simm.s32 @!p0 $0x1BF5;
	p2 =	por !p2, p0  }
0x20: {  	[sflag:s8] =	ssyncset.s32 @!p0 $0xFFFFF086;
	s6 =	sadd.s32 @!p0 s3, s7;
	s7 =	simm.s32 @!p0 $0x108  }
0x21: {  	s3 =	sadd.s32 s3, s9;
	s6 =	sadd.s32 @!p0 $0x88, s6;
	s7 =	simm.s32 @p2 $0x1082  }
0x22: {  	[simem:s7], [sflag:s8] =	dma.local @!p0 [hbm:s6], $0xF7A  }
0x23: {  	s9 =	sor.u32 $0xD0000000, s2;
	s6 =	simm.s32 $0x108;
	_ =	swait.ge @!p0 [sflag:s8], $0x0  }
0x24: {  	s3 =	sadd.s32 $0x88, s3;
	s6 =	simm.s32 @!p1 $0x1082;
	[sflag:s4] =	ssyncset.s32 $0xFFFFF086  }
0x25: {  	[simem:s6], [sflag:s4] =	dma.local [hbm:s3], $0xF7A  }
0x26: {  	[smem:$0x3F9D] =	sst s1;
	(tag) =	ssettag s2;
	_ =	strace s9  }
0x27: {  	s1 =	sld [smem:$0x3FAD]  }
0x28: {  	s2 =	sld [smem:$0x3FAE]  }
0x29: {  	s4 =	sld [smem:$0x3FB0]  }
0x2a: {  	p0 =	seq.s32 s5, $0x0;
	s5 =	sld [smem:$0x3FB1]  }
0x2b: {  	s6 =	sld [smem:$0x3FB2]  }
0x2c: {  	s7 =	sld [smem:$0x3FB3]  }
0x2d: {  	s3 =	simm.s32 $0x108;
	s8 =	sld [smem:$0x3FB4]  }
0x2e: {  	s3 =	simm.s32 @!p0 $0x1082;
	s9 =	sld [smem:$0x3FB5]  }
0x2f: {  	lr =	sadd.s32 s0, s3;
	s0 =	sld [smem:$0x3FAC]  }
0x30: {  	s3 =	sld [smem:$0x3FAF]  }
0x31: {  	[smem:$0x3FB8] =	sst s10  }
0x32: {  	s10 =	sld [smem:$0x3FB6];
	_ =	sdelay $0x3  }
0x33: {  	p0 =	seq.s32 s10, $0x1;
	s10 =	sld [smem:$0x3FB8];
	_ =	sdelay $0x3  }
0x34: {  	[smem:$0x3FB8] =	sst s10  }
0x35: {  	s10 =	sld [smem:$0x3FB7];
	_ =	sdelay $0x3  }
0x36: {  	p1 =	seq.s32 s10, $0x1;
	s10 =	sld [smem:$0x3FB8];
	_ =	sdelay $0x3  }
0x37: {  	[smem:$0x3FB8] =	sst s10  }
0x38: {  	s10 =	sld [smem:$0x3FB9]  }
0x39: {  	_ = 	snop;
	(pc) =	sbr.ind lr, $3  }
0x3a: {  	_ = 	snop  }
0x3b: {  	_ = 	snop  }
0x3c: {  	p2 =	seq.s32 s10, $0x1;
	s10 =	sld [smem:$0x3FB8]  }
0x3d: {  	_ =	shalt  }
0x3e: {  	_ =	shalt  }
0x3f: {  	_ =	shalt  }
0x40: {  	_ =	shalt  }
0x41: {  	_ =	shalt  }
0x42: {  	_ =	shalt  }
0x43: {  	_ =	shalt  }
0x44: {  	_ =	shalt  }
0x45: {  	_ =	shalt  }
0x46: {  	_ =	shalt  }
0x47: {  	_ =	shalt  }
0x48: {  	_ =	shalt  }
0x49: {  	_ =	shalt  }
0x4a: {  	_ =	shalt  }
0x4b: {  	_ =	shalt  }
0x4c: {  	_ =	shalt  }
0x4d: {  	_ =	shalt  }
0x4e: {  	_ =	shalt  }
0x4f: {  	_ =	shalt  }
0x50: {  	_ =	shalt  }
0x51: {  	_ =	shalt  }
0x52: {  	_ =	shalt  }
0x53: {  	_ =	shalt  }
0x54: {  	_ =	shalt  }
0x55: {  	_ =	shalt  }
0x56: {  	_ =	shalt  }
0x57: {  	_ =	shalt  }
0x58: {  	_ =	shalt  }
0x59: {  	_ =	shalt  }
0x5a: {  	_ =	shalt  }
0x5b: {  	_ =	shalt  }
0x5c: {  	_ =	shalt  }
0x5d: {  	_ =	shalt  }
0x5e: {  	_ =	shalt  }
0x5f: {  	_ =	shalt  }
0x60: {  	_ =	shalt  }
0x61: {  	_ =	shalt  }
0x62: {  	_ =	shalt  }
0x63: {  	_ =	shalt  }
0x64: {  	_ =	shalt  }
0x65: {  	_ =	shalt  }
0x66: {  	_ =	shalt  }
0x67: {  	_ =	shalt  }
0x68: {  	_ =	shalt  }
0x69: {  	_ =	shalt  }
0x6a: {  	_ =	shalt  }
0x6b: {  	_ =	shalt  }
0x6c: {  	_ =	shalt  }
0x6d: {  	_ =	shalt  }
0x6e: {  	_ =	shalt  }
0x6f: {  	_ =	shalt  }
0x70: {  	_ =	shalt  }
0x71: {  	_ =	shalt  }
0x72: {  	_ =	shalt  }
0x73: {  	_ =	shalt  }
0x74: {  	_ =	shalt  }
0x75: {  	_ =	shalt  }
0x76: {  	_ =	shalt  }
0x77: {  	_ =	shalt  }
0x78: {  	_ =	shalt  }
0x79: {  	_ =	shalt  }
0x7a: {  	_ =	shalt  }
0x7b: {  	_ =	shalt  }
0x7c: {  	_ =	shalt  }
0x7d: {  	_ =	shalt  }
0x7e: {  	_ =	shalt  }
0x7f: {  	_ =	shalt  }
0x80: {  	_ =	shalt  }
0x81: {  	_ =	shalt  }
0x82: {  	_ =	shalt  }
0x83: {  	_ =	shalt  }
0x84: {  	_ =	shalt  }
0x85: {  	_ =	shalt  }
0x86: {  	_ =	shalt  }
0x87: {  	_ =	shalt  }
.Lfunc_end0:
.L_simem_size_0:
called_computation_lowered:
.L_overlay_start_0:
0x88: {  	s2 =	sld [smem:$0x3FD9]  }
0x89: {  	s3 =	sld [smem:$0x3FFE];
	_ =	sdelay $0x1  }
0x8a: {  	s1 =	srdreg.scid  }
0x8b: {  	s0 =	sand.u32 $0x1, s1  }
0x8c: {  	s17 =	sshll.u32 s0, $0xA;
	s2 =	sadd.s32 s3, s2  }
0x8d: {  	s2 =	sadd.s32 s2, s17  }
0x8e: {  	[smem:$0x3FC4] =	sst s2  }
0x8f: {  	_ = 	snop  }
0x90: {  	s2 =	sld [smem:$0x3FD0];
	(tm) =	ssettm $0x1  }
0x91: {  	s18 =	sld [smem:$0x3FFB];
	_ =	sdelay $0x3  }
0x92: {  	_ =	strace s18  }
0x93: {  	s3 =	sld [smem:$0x3FFC];
	_ =	sdelay $0x3  }
0x94: {  	_ =	strace s3  }
0x95: {  	s3 =	sld [smem:$0x3FFD];
	_ =	sdelay $0x3  }
0x96: {  	_ =	strace s3  }
0x97: {  	_ =	strace $0x8FFFFFFF  }
0x98: {  	s19 =	sld [smem:$0x3FDB];
	_ =	sdelay $0x1  }
0x99: {  	s4 =	simm.s32 $_scs_section_size  }
0x9a: {  	s5 =	simm.s32 $_size__tile_overlayer_lowered;
	s6 =	simm.s32 $_tile_overlayer_lowered  }
0x9b: {  	s22 =	simm.s32 $0x1BFF;
	s21 =	sshll.u32 s6, $0x1;
	s3 =	sadd.s32 s4, s19  }
0x9c: {  	s7 =	simm.s32 $0x0;
	s20 =	sshll.u32 s5, $0x1;
	s5 =	sadd.s32 s21, s3  }
0x9d: {  	[timem:s7], [sflag:s22] =	dma.local [hbm:s5], s20  }
0x9e: {  	_ =	swait.ge [sflag:s22], s20  }
0x9f: {  	s4 =	ssub.s32 $0x0, s20;
	[sflag:s22] =	ssyncset.done $0x0  }
0xa0: {  	[sflag:s22] =	ssyncadd.s32 s4;
	_ =	sdelay $0x1  }
0xa1: {  	s23 =	simm.s32 $0x1B8B  }
0xa2: {  	_ =	swait.ge [sflag:s23], $0x1  }
0xa3: {  	[sflag:s23] =	ssyncset.done $0x0  }
0xa4: {  	s25 =	simm.s32 $0x1B8E;
	s24 =	sld [smem:$0x3FFE];
	[sflag:s23] =	ssyncadd.s32 $0xFFFFFFFF  }
0xa5: {  	s26 =	simm.s32 $execute0_lowered;
	[smem:$0x3FD2] =	sst s25  }
0xa6: {  	s5 =	sshll.u32 s26, $0x1;
	_ =	strace $0x80000046;
	[dreg:$0x1] =	wrdreg $0xFFFFFFFF  }
0xa7: {  	s28 =	simm.s32 $_size_execute0_lowered;
	s3 =	sadd.s32 s3, s5;
	[dreg:$0x0] =	wrdreg $0x0  }
0xa8: {  	s5 =	sshll.u32 s28, $0x1;
	[dreg:$0x2] =	wrdreg s3  }
0xa9: {  	[dreg:$0x3] =	wrdreg s5  }
0xaa: {  	[dreg:$0x4] =	wrdreg $0xC0  }
0xab: {  	_ =	task [dreg:s7], $0x5FFFF  }
0xac: {  	[dreg:$0x1] =	wrdreg $0xFFFFFFFF  }
0xad: {  	[dreg:$0x0] =	wrdreg $0x60  }
0xae: {  	[dreg:$0x2] =	wrdreg s24  }
0xaf: {  	[dreg:$0x3] =	wrdreg s2  }
0xb0: {  	[dreg:$0x4] =	wrdreg $0x9  }
0xb1: {  	_ =	task.clear_ibuf [dreg:s7], $0x5FFFF;
	_ =	strace $0x90000046  }
0xb2: {  	s29 =	simm.s32 $0x9;
	_ =	strace $0x80000048  }
0xb3: {  	_ =	swait.ge [sflag:s29], $0x1  }
0xb4: {  	[sflag:s29] =	ssyncadd.s32 $0xFFFFFFFF  }
0xb5: {  	_ =	strace $0x90000048  }
0xb6: {  	_ =	sfence  }
0xb7: {  	s30 =	sld [smem:$0x0];
	_ =	sdelay $0x2  }
0xb8: {  	s31 =	sshll.u32 s1, $0xD;
	s1 =	sshrl.u32 s1, $0x2  }
0xb9: {  	s3 =	sand.u32 $0x4000, s31;
	s1 =	sadd.s32 s1, s30  }
0xba: {  	s0 =	sor.u32 s3, s0;
	s1 =	sshll.u32 s1, $0x11  }
0xbb: {  	s0 =	sor.u32 s1, s0  }
0xbc: {  	s0 =	sadd.s32 $0x8F2B, s0  }
0xbd: {  	[sflag:s0] =	ssyncadd.remote.s32 $0x1  }
0xbe: {  	_ =	sfence.sel $0xFFFF  }
0xbf: {  	[dreg:$0x0] =	wrdreg $0xFFFFFFFF;
	(pc) =	sbr.abs _section_cstart, $3  }
0xc0: {  	[dreg:$0x1] =	wrdreg $0xFFFFFFFF  }
0xc1: {  	_ =	task.clear_ibuf [dreg:s7], $0x2FFFF;
	_ =	strace $0x9FFFFFFF  }
0xc2: {  	(tm) =	ssettm $0x7FFFFFFF  }
0xc3: {  	_ =	shalt  }
tec
execute0_lowered:
.L_overlay_start_1:
0x0: {  	(tag) =	ssettag $0x1  }
0x1: {  	s0 =	rddreg [dreg:$0x0]  }
0x2: {  	s1 =	srdreg.scid;
	s2 =	stileid.u32  }
0x3: {  	s3 =	simm.s32 $0x0;
	s21 =	simm.s32 $0x8000;
	s28 =	simm.s32 $0x1  }
0x4: {  	s29 =	simm.s32 $0x3;
	s30 =	simm.s32 $0x2;
	s31 =	simm.s32 $0x4  }
0x5: {  	s1 =	sand.u32 $0x1, s1;
	s2 =	sshll.u32 s2, $0x1;
	[smem:$0x7FF] =	sst s3  }
0x6: {  	s17 =	sadd.s32 $0x2E00, s0;
	s18 =	sadd.s32 $0x82E00, s0;
	s5 =	sadd.s32 $0x2A00, s0  }
0x7: {  	s2 =	sor.u32 s1, s2;
	_ =	strace $0x80000047;
	s1 =	ssub.s32 $0x2, s1  }
0x8: {  	s4 =	smul.u32 $0xE000, s2;
	s2 =	sshll.u32 s2, $0x4;
	s22 =	sshrl.u32 s1, $0x1  }
0x9: {  	[dreg:$0x3] =	wrdreg s5;
	s0 =	sadd.s32 s2, s0;
	s1 =	ssub.s32 s1, s22  }
0xa: {  	s22 =	simm.s32 $0x5;
	s4 =	sshrl.u32 s4, $0x3;
	s19 =	sadd.s32 $0x102E00, s0  }
0xb: {  	s20 =	smax.u32 s1, $0x1;
	s0 =	simm.s32 $0x0;
	s6 =	sadd.s32 $0x48000, s4  }
0xc: {  	s24 =	sadd.s32 $0x48400, s4;
	s10 =	sadd.s32 $0x48800, s4;
	s25 =	sadd.s32 $0x48C00, s4  }
0xd: {  	s14 =	sadd.s32 $0x49000, s4;
	s26 =	sadd.s32 $0x49400, s4;
	s4 =	sadd.s32 $0x49800, s4  }
0xe: {  	s23 =	sadd.s32 s17, s6;
	s6 =	sadd.s32 s18, s6;
	s7 =	sadd.s32 s17, s24  }
0xf: {  	s8 =	sadd.s32 s18, s24;
	s9 =	sadd.s32 s17, s10;
	s10 =	sadd.s32 s18, s10  }
0x10: {  	s11 =	sadd.s32 s17, s25;
	s12 =	sadd.s32 s18, s25;
	s13 =	sadd.s32 s17, s14  }
0x11: {  	s14 =	sadd.s32 s18, s14;
	s15 =	sadd.s32 s17, s26;
	s16 =	sadd.s32 s18, s26  }
0x12: {  	v0 =	vimm.f32 $1.000000000e+00;
	vm0 =	vcmask $0x1F00;
	s17 =	sadd.s32 s17, s4;
	s18 =	sadd.s32 s18, s4;
	s24 =	simm.s32 $0x4000  }
0x13: {  	v0 =	vsel vm0, $0x0, v0;
	s25 =	simm.s32 $0x2000;
	s26 =	simm.s32 $0x6000;
	[dreg:$0x4] =	wrdreg s23  }
.LBB2_1:
0x14: {  	s1 =	rddreg [dreg:$0x1]  }
0x15: {  	[tilespmem:s21], [sflag:$0x5] =	stream.linear.gather [hbm4b:s1+s3], $0x80, $0x38;
	[tilespmem:$0x8180] =	vst v63  }
0x16: {  	_ =	swait.ge [sflag:s22], $0x80  }
0x17: {  	[sflag:s22] =	ssyncset.done $0x0  }
0x18: {  	s2 =	simm.s32 $0x8080;
	s5 =	rddreg [dreg:$0x3];
	[sflag:s22] =	ssyncadd.s32 $0xFFFFFF80  }
0x19: {  	[tilespmem:s2], [sflag:$0x5] =	stream.linear.gather [hbm4b:s5+s3], $0x80, $0x38;
	[tilespmem:$0x8180] =	vst v63  }
0x1a: {  	_ =	swait.ge [sflag:s22], $0x80  }
0x1b: {  	[sflag:s22] =	ssyncset.done $0x0  }
0x1c: {  	[sflag:s22] =	ssyncadd.s32 $0xFFFFFF80  }
0x1d: {  	s23 =	rddreg [dreg:$0x4];
	v2 =	vld [tilespmem:$0x8080]  }
0x1e: {  	v1 =	vld [tilespmem:$0x8090];
	[tilespmem:s3], [sflag:$0x1] =	stream.linear.gather [hbm4b:s23+s3], $0x2000, $0x38  }
0x1f: {  	_ = 	snop  }
0x20: {  	[tilespmem:s24], [sflag:$0x3] =	stream.linear.gather [hbm4b:s6+s3], $0x2000, $0x38;
	[tilespmem:$0x8180] =	vst v63  }
0x21: {  	_ = 	snop  }
0x22: {  	[tilespmem:s25], [sflag:$0x2] =	stream.linear.gather [hbm4b:s7+s3], $0x2000, $0x38;
	[tilespmem:$0x8180] =	vst v63  }
0x23: {  	_ = 	snop  }
0x24: {  	[tilespmem:s26], [sflag:$0x4] =	stream.linear.gather [hbm4b:s8+s3], $0x2000, $0x38;
	[tilespmem:$0x8180] =	vst v63  }
0x25: {  	_ =	swait.ge [sflag:s28], $0x2000  }
0x26: {  	[sflag:s28] =	ssyncset.done $0x0  }
0x27: {  	[sflag:s28] =	ssyncadd.s32 $0xFFFFE000  }
0x28: {  	_ =	swait.ge [sflag:s29], $0x2000  }
0x29: {  	s4 =	sand.u32 $0x380, s3;
	s2 =	sand.u32 $0x1800, s3;
	[sflag:s29] =	ssyncset.done $0x0  }
0x2a: {  	s1 =	sor.u32 s4, s2;
	[sflag:s29] =	ssyncadd.s32 $0xFFFFE000  }
0x2b: {  	v8 =	vld [tilespmem:s1+$0x4430]  }
0x2c: {  	v4 =	vld [tilespmem:s1+$0x4438]  }
0x2d: {  	v6 =	vld [tilespmem:s1+$0x4030]  }
0x2e: {  	v9 =	vld [tilespmem:s1+$0x4040]  }
0x2f: {  	v11 =	vld [tilespmem:s1+$0x4000]  }
0x30: {  	v13 =	vld [tilespmem:s1+$0x30]  }
0x31: {  	v14 =	vld [tilespmem:s1+$0x40]  }
0x32: {  	v17 =	vld [tilespmem:s1+$0x4010]  }
0x33: {  	v21 =	vld [tilespmem:s1+$0x0]  }
0x34: {  	v7 =	vld [tilespmem:s1+$0x430];
	v5 =	vsub.f32 v4, v2  }
0x35: {  	v12 =	vld [tilespmem:s1+$0x4020];
	v16 =	vsub.f32 v8, v2;
	v19 =	vsub.f32 v11, v2  }
0x36: {  	v3 =	vld [tilespmem:s1+$0x438];
	v13 =	vsub.f32 v13, v6;
	v23 =	vsub.f32 v6, v2  }
0x37: {  	v6 =	vsub.f32 v14, v9;
	v25 =	vsub.f32 v17, v2  }
0x38: {  	v10 =	vld [tilespmem:s1+$0x4060];
	v11 =	vsub.f32 v21, v11;
	v15 =	vmul.f32 v5, v1;
	v19 =	vmul.f32 v19, v1  }
0x39: {  	v24 =	vld [tilespmem:s1+$0x4410];
	v7 =	vsub.f32 v7, v8;
	v8 =	vmul.f32 v25, v1;
	v23 =	vmul.f32 v23, v1  }
0x3a: {  	v22 =	vsub.f32 v12, v2;
	v14 =	vld [tilespmem:s1+$0x410];
	v11 =	vmul.f32 v11, v11;
	v16 =	vmul.f32 v16, v1  }
0x3b: {  	v4 =	vsub.f32 v3, v4;
	v13 =	vmul.f32 v13, v13;
	v6 =	vmul.f32 v6, v6  }
0x3c: {  	v21 =	vld [tilespmem:s1+$0x20];
	v3 =	vtrunc.f32 v15;
	v15 =	vsub.f32 v9, v2;
	v9 =	vmul.f32 v22, v1  }
0x3d: {  	v23 =	vtrunc.f32 v23;
	v8 =	vtrunc.f32 v8  }
0x3e: {  	v18 =	vld [tilespmem:s1+$0x4070];
	v16 =	vtrunc.f32 v16;
	v20 =	vcvt.f32.s32 v3  }
0x3f: {  	v3 =	vsub.f32 v10, v2;
	v14 =	vsub.f32 v14, v24;
	v23 =	vcvt.f32.s32 v23  }
0x40: {  	v24 =	vsub.f32 v24, v2;
	v8 =	vcvt.f32.s32 v8;
	v16 =	vcvt.f32.s32 v16  }
0x41: {  	v12 =	vsub.f32 v21, v12;
	v15 =	vmul.f32 v15, v1;
	v26 =	vmul.f32 v3, v1  }
0x42: {  	v3 =	vtrunc.f32 v19;
	v24 =	vmul.f32 v24, v1  }
0x43: {  	v28 =	vld [tilespmem:s1+$0x50];
	v19 =	vsub.f32 v18, v2;
	v12 =	vmul.f32 v12, v12;
	v35 =	vmul.f32 v14, v14  }
0x44: {  	v27 =	vcvt.f32.s32 v3;
	v3 =	vtrunc.f32 v9;
	v9 =	vld [tilespmem:s1+$0x4050]  }
0x45: {  	vm2 =	vgt.s32 v8, $0x0;
	v15 =	vtrunc.f32 v15;
	v19 =	vmul.f32 v19, v1  }
0x46: {  	v8 =	vnsel vm2, $0x0, v8;
	v25 =	vcvt.f32.s32 v3;
	v3 =	vmul.f32 v7, v7  }
0x47: {  	v31 =	vld [tilespmem:s1+$0x420];
	v8 =	vmin.u32 v8, $0x9;
	v15 =	vcvt.f32.s32 v15;
	v19 =	vtrunc.f32 v19  }
0x48: {  	v22 =	vld [tilespmem:s1+$0x4420];
	vm0 =	vgt.s32 v27, $0x0;
	vm1 =	vgt.s32 v25, $0x0;
	v19 =	vcvt.f32.s32 v19  }
0x49: {  	v7 =	vnsel vm0, $0x0, v27;
	v27 =	vsub.f32 v9, v2;
	v9 =	vsub.f32 v28, v9;
	v28 =	vld [tilespmem:s1+$0x10]  }
0x4a: {  	v25 =	vnsel vm1, $0x0, v25;
	v7 =	vmin.u32 v7, $0x9;
	vm2 =	vgt.s32 v19, $0x0  }
0x4b: {  	v29 =	vld [tilespmem:s1+$0x4400];
	v25 =	vmin.u32 v25, $0x9;
	v19 =	vnsel vm2, $0x0, v19;
	vm2 =	vgt.s32 v15, $0x0  }
0x4c: {  	v32 =	vld [tilespmem:s1+$0x400];
	v26 =	vtrunc.f32 v26;
	v19 =	vmin.u32 v19, $0x9;
	v15 =	vnsel vm2, $0x0, v15  }
0x4d: {  	v30 =	vsub.f32 v22, v2;
	vm0 =	vgt.s32 v23, $0x0;
	v8 =	vld.idx.msk [tilespmem:v8+s21+$0x0], $0xffff;
	v15 =	vmin.u32 v15, $0x9  }
0x4e: {  	v22 =	vsub.f32 v31, v22;
	v23 =	vnsel vm0, $0x0, v23;
	v17 =	vsub.f32 v28, v17;
	v28 =	vld [tilespmem:s1+$0x70]  }
0x4f: {  	v24 =	vtrunc.f32 v24;
	v26 =	vcvt.f32.s32 v26;
	v23 =	vmin.u32 v23, $0x9;
	v7 =	vld.idx.msk [tilespmem:v7+s21+$0x0], $0xffff  }
0x50: {  	v24 =	vcvt.f32.s32 v24;
	v53 =	vmul.f32 v22, v22;
	v25 =	vld.idx.msk [tilespmem:v25+s21+$0x0], $0xffff  }
0x51: {  	v5 =	vimm.f32 $0.0e+00;
	v21 =	vmul.f32 v27, v1;
	v27 =	vmul.f32 v30, v1;
	v19 =	vld.idx.msk [tilespmem:v19+s21+$0x0], $0xffff  }
0x52: {  	s5 =	simm.s32 $0x100;
	s23 =	simm.s32 $0x80;
	v30 =	vsub.f32 v29, v2;
	v9 =	vmul.f32 v9, v9;
	v17 =	vmul.f32 v17, v17;
	v15 =	vld.idx.msk [tilespmem:v15+s21+$0x0], $0xffff  }
0x53: {  	s2 =	sand.u32 $0x380, s23;
	v21 =	vtrunc.f32 v21;
	v27 =	vtrunc.f32 v27;
	v18 =	vsub.f32 v28, v18;
	v28 =	vld [tilespmem:s1+$0x60];
	s1 =	sand.u32 $0x1800, s5  }
0x54: {  	vm1 =	vgt.s32 v20, $0x0;
	v21 =	vcvt.f32.s32 v21;
	v8 =	vmul.f32 v17, v8;
	v17 =	vld.idx.msk [tilespmem:v23+s21+$0x0], $0xffff;
	s1 =	sor.u32 s2, s1  }
0x55: {  	v20 =	vnsel vm1, $0x0, v20;
	v30 =	vmul.f32 v30, v1;
	v27 =	vcvt.f32.s32 v27;
	v33 =	vld [tilespmem:s1+$0x438]  }
0x56: {  	vm0 =	vgt.s32 v21, $0x0;
	v7 =	vmul.f32 v11, v7;
	v11 =	vmin.u32 v20, $0x9;
	v20 =	vld [tilespmem:s1+$0x4430]  }
0x57: {  	vm1 =	vgt.s32 v27, $0x0;
	v21 =	vnsel vm0, $0x0, v21;
	vm0 =	vgt.s32 v24, $0x0;
	v34 =	vld [tilespmem:s1+$0x4438]  }
0x58: {  	v27 =	vnsel vm1, $0x0, v27;
	vm1 =	vgt.s32 v16, $0x0;
	v21 =	vmin.u32 v21, $0x9;
	v31 =	vld [tilespmem:s1+$0x30]  }
0x59: {  	v24 =	vnsel vm0, $0x0, v24;
	vm0 =	vgt.s32 v26, $0x0;
	v27 =	vmin.u32 v27, $0x9;
	v36 =	vld [tilespmem:s1+$0x4040]  }
0x5a: {  	v16 =	vnsel vm1, $0x0, v16;
	v14 =	vmin.u32 v24, $0x9;
	v7 =	vadd.f32 v7, v5;
	v5 =	vld [tilespmem:s1+$0x4060]  }
0x5b: {  	v24 =	vmul.f32 v4, v4;
	v4 =	vnsel vm0, $0x0, v26;
	v26 =	vtrunc.f32 v30;
	v52 =	vld [tilespmem:s1+$0x4020]  }
0x5c: {  	v37 =	vmin.u32 v16, $0x9;
	v26 =	vcvt.f32.s32 v26;
	v18 =	vmul.f32 v18, v18;
	v16 =	vld [tilespmem:s1+$0x430]  }
0x5d: {  	v23 =	vmin.u32 v4, $0x9;
	v55 =	vld [tilespmem:s1+$0x4410];
	v7 =	vadd.f32 v8, v7;
	v8 =	vmul.f32 v12, v25  }
0x5e: {  	v25 =	vsub.f32 v32, v29;
	v29 =	vld [tilespmem:s1+$0x40];
	vm0 =	vgt.s32 v26, $0x0;
	v18 =	vmul.f32 v18, v19  }
0x5f: {  	v21 =	vld.idx.msk [tilespmem:v21+s21+$0x0], $0xffff;
	v26 =	vnsel vm0, $0x0, v26;
	v10 =	vsub.f32 v28, v10;
	v7 =	vadd.f32 v8, v7  }
0x60: {  	v28 =	vld [tilespmem:s1+$0x4030];
	v8 =	vmul.f32 v13, v17;
	v30 =	vsub.f32 v34, v2;
	v4 =	vsub.f32 v33, v34  }
0x61: {  	v22 =	vld [tilespmem:s1+$0x4000];
	v13 =	vmul.f32 v6, v15;
	v12 =	vsub.f32 v20, v2;
	v54 =	vsub.f32 v36, v2  }
0x62: {  	v25 =	vmul.f32 v25, v25;
	v19 =	vld.idx.msk [tilespmem:v23+s21+$0x0], $0xffff;
	v17 =	vsub.f32 v5, v2;
	v7 =	vadd.f32 v8, v7  }
0x63: {  	v10 =	vmul.f32 v10, v10;
	v16 =	vsub.f32 v16, v20;
	v6 =	vsub.f32 v29, v36;
	v29 =	vld [tilespmem:s1+$0x4070]  }
0x64: {  	v59 =	vsub.f32 v55, v2;
	v21 =	vmul.f32 v9, v21;
	v9 =	vmul.f32 v30, v1;
	v30 =	vld.idx.msk [tilespmem:v11+s21+$0x0], $0xffff  }
0x65: {  	v7 =	vadd.f32 v13, v7;
	v13 =	vld [tilespmem:s1+$0x0];
	v17 =	vmul.f32 v17, v1;
	v8 =	vsub.f32 v31, v28  }
0x66: {  	v15 =	vld [tilespmem:s1+$0x4010];
	v23 =	vsub.f32 v28, v2;
	v28 =	vmul.f32 v54, v1;
	v31 =	vsub.f32 v52, v2  }
0x67: {  	v20 =	vld.idx.msk [tilespmem:v14+s21+$0x0], $0xffff;
	v9 =	vtrunc.f32 v9;
	v21 =	vadd.f32 v21, v7;
	v10 =	vmul.f32 v10, v19  }
0x68: {  	v19 =	vmin.u32 v26, $0x9;
	v11 =	vcvt.f32.s32 v9;
	v26 =	vsub.f32 v29, v2  }
0x69: {  	v31 =	vmul.f32 v31, v1;
	v9 =	vmul.f32 v0, v30;
	v30 =	vsub.f32 v22, v2  }
0x6a: {  	v56 =	vld [tilespmem:s1+$0x410];
	v28 =	vtrunc.f32 v28;
	v38 =	vsub.f32 v13, v22;
	v39 =	vmul.f32 v26, v1  }
0x6b: {  	v41 =	vld [tilespmem:s1+$0x10];
	v9 =	vmul.f32 v9, v24;
	v24 =	vsub.f32 v15, v2;
	v30 =	vmul.f32 v30, v1  }
0x6c: {  	v22 =	vld [tilespmem:s1+$0x4050];
	v26 =	vadd.f32 v10, v21;
	v21 =	vmul.f32 v35, v20;
	v34 =	vmul.f32 v38, v38  }
0x6d: {  	vm1 =	vgt.s32 v11, $0x0;
	v14 =	vtrunc.f32 v30;
	v24 =	vmul.f32 v24, v1  }
0x6e: {  	v42 =	vadd.f32 v18, v26;
	v18 =	vld.idx.msk [tilespmem:v19+s21+$0x0], $0xffff;
	v13 =	vcvt.f32.s32 v14;
	v14 =	vtrunc.f32 v31  }
0x6f: {  	v40 =	vld [tilespmem:s1+$0x20];
	v10 =	vsub.f32 v56, v55;
	v19 =	vmul.f32 v59, v1;
	v30 =	vcvt.f32.s32 v14  }
0x70: {  	v15 =	vsub.f32 v41, v15;
	v14 =	vmul.f32 v16, v16;
	v20 =	vtrunc.f32 v24  }
0x71: {  	v24 =	vsub.f32 v22, v2;
	vm0 =	vgt.s32 v13, $0x0;
	v62 =	vcvt.f32.s32 v20  }
0x72: {  	v31 =	vld [tilespmem:s1+$0x50];
	v57 =	vnsel vm0, $0x0, v13;
	vm0 =	vgt.s32 v30, $0x0;
	v13 =	vmul.f32 v23, v1  }
0x73: {  	v24 =	vmul.f32 v24, v1;
	v25 =	vmul.f32 v25, v18;
	v23 =	vnsel vm0, $0x0, v30  }
0x74: {  	v7 =	vld [tilespmem:s1+$0x4420];
	v30 =	vtrunc.f32 v17;
	v17 =	vsub.f32 v40, v52;
	v16 =	vtrunc.f32 v13  }
0x75: {  	v60 =	vmin.u32 v57, $0x9;
	v24 =	vtrunc.f32 v24;
	v20 =	vcvt.f32.s32 v30  }
0x76: {  	vm2 =	vgt.s32 v62, $0x0;
	v13 =	vld [tilespmem:s1+$0x4400];
	v30 =	vtrunc.f32 v19;
	v19 =	vmul.f32 v15, v15  }
0x77: {  	v18 =	vnsel vm2, $0x0, v62;
	v58 =	vcvt.f32.s32 v16;
	v16 =	vsub.f32 v31, v22;
	v31 =	vld.idx.msk [tilespmem:v27+s21+$0x0], $0xffff  }
0x78: {  	v33 =	vld.idx.msk [tilespmem:v37+s21+$0x0], $0xffff;
	v37 =	vadd.f32 v25, v42;
	v27 =	vmin.u32 v23, $0x9;
	v23 =	vcvt.f32.s32 v24  }
0x79: {  	v63 =	vld [tilespmem:s1+$0x70];
	v22 =	vsub.f32 v7, v2;
	v43 =	vcvt.f32.s32 v30;
	vm0 =	vgt.s32 v58, $0x0  }
0x7a: {  	v30 =	vmin.u32 v18, $0x9;
	v24 =	vnsel vm0, $0x0, v58;
	vm0 =	vgt.s32 v23, $0x0  }
0x7b: {  	v15 =	vld [tilespmem:s1+$0x420];
	v61 =	vmul.f32 v22, v1;
	vm2 =	vgt.s32 v43, $0x0;
	v23 =	vnsel vm0, $0x0, v23  }
0x7c: {  	v25 =	vld [tilespmem:s1+$0x60];
	v22 =	vsub.f32 v13, v2;
	v26 =	vmul.f32 v53, v31;
	v31 =	vmin.u32 v23, $0x9  }
0x7d: {  	v18 =	vld [tilespmem:s1+$0x400];
	v35 =	vtrunc.f32 v61;
	vm0 =	vgt.s32 v20, $0x0;
	v23 =	vtrunc.f32 v39  }
0x7e: {  	s23 =	simm.s32 $0x200;
	s2 =	simm.s32 $0x100;
	v32 =	vld.idx.msk [tilespmem:v60+s21+$0x0], $0xffff;
	v36 =	vcvt.f32.s32 v23;
	v23 =	vsub.f32 v63, v29;
	v29 =	vnsel vm2, $0x0, v43  }
.LBB2_2:
0x7f: {  	s4 =	smov.u32 s23  }
0x80: {  	s1 =	sand.u32 $0x1800, s23;
	s5 =	sand.u32 $0x380, s2;
	v27 =	vld.idx.msk [tilespmem:v27+s21+$0x0], $0xffff;
	v28 =	vcvt.f32.s32 v28;
	vm2 =	vgt.s32 v36, $0x0;
	v12 =	vmul.f32 v12, v1;
	s4 =	sadd.s32 $0x100, s23  }
0x81: {  	p0 =	sne.s32 s23, $0x1F00;
	v21 =	vadd.f32 v21, v37;
	v33 =	vmul.f32 v3, v33;
	v3 =	vmovc v14;
	s1 =	sor.u32 s5, s1;
	v36 =	vnsel vm2, $0x0, v36;
	v31 =	vld.idx.msk [tilespmem:v31+s21+$0x0], $0xffff  }
0x82: {  	vm2 =	vgt.s32 v28, $0x0;
	v12 =	vtrunc.f32 v12;
	v14 =	vld.idx.msk [tilespmem:v30+s21+$0x0], $0xffff;
	v30 =	vmin.u32 v36, $0x9  }
0x83: {  	v35 =	vcvt.f32.s32 v35;
	v11 =	vnsel vm1, $0x0, v11;
	v21 =	vadd.f32 v26, v21;
	v36 =	vld [tilespmem:s1+$0x438]  }
0x84: {  	v11 =	vmin.u32 v11, $0x9;
	v32 =	vmul.f32 v34, v32;
	v28 =	vnsel vm2, $0x0, v28;
	v26 =	vld [tilespmem:s1+$0x430]  }
0x85: {  	vm1 =	vgt.s32 v35, $0x0;
	v28 =	vmin.u32 v28, $0x9;
	v21 =	vadd.f32 v33, v21;
	v34 =	vld [tilespmem:s1+$0x4430]  }
0x86: {  	v24 =	vmin.u32 v24, $0x9;
	v23 =	vmul.f32 v23, v23;
	v12 =	vcvt.f32.s32 v12;
	v33 =	vld [tilespmem:s1+$0x4030]  }
0x87: {  	v25 =	vsub.f32 v25, v5;
	v5 =	vnsel vm1, $0x0, v35;
	v9 =	vadd.f32 v9, v21;
	v37 =	vld [tilespmem:s1+$0x4438]  }
0x88: {  	v8 =	vmul.f32 v8, v8;
	v7 =	vsub.f32 v15, v7;
	vm1 =	vgt.s32 v12, $0x0;
	v21 =	vld [tilespmem:s1+$0x30]  }
0x89: {  	v17 =	vmul.f32 v17, v17;
	v22 =	vmul.f32 v22, v1;
	v35 =	vmin.u32 v5, $0x9;
	v15 =	vld [tilespmem:s1+$0x40]  }
0x8a: {  	v38 =	vmul.f32 v10, v10;
	v10 =	vmin.u32 v29, $0x9;
	v29 =	vmul.f32 v4, v4;
	v30 =	vld.idx.msk [tilespmem:v30+s21+$0x0], $0xffff  }
0x8b: {  	v4 =	vnsel vm0, $0x0, v20;
	v5 =	vmul.f32 v16, v16;
	v16 =	vtrunc.f32 v22;
	v28 =	vld.idx.msk [tilespmem:v28+s21+$0x0], $0xffff  }
0x8c: {  	v22 =	vmin.u32 v4, $0x9;
	v14 =	vmul.f32 v19, v14;
	v20 =	vsub.f32 v37, v2;
	v19 =	vld.idx.msk [tilespmem:v24+s21+$0x0], $0xffff  }
0x8d: {  	v31 =	vmul.f32 v5, v31;
	v9 =	vadd.f32 v32, v9;
	v4 =	vsub.f32 v36, v37;
	v24 =	vld [tilespmem:s1+$0x4040]  }
0x8e: {  	v16 =	vcvt.f32.s32 v16;
	v32 =	vnsel vm1, $0x0, v12;
	v20 =	vmul.f32 v20, v1;
	v36 =	vld.idx.msk [tilespmem:v11+s21+$0x0], $0xffff  }
0x8f: {  	v18 =	vsub.f32 v18, v13;
	v9 =	vadd.f32 v14, v9;
	v11 =	vmul.f32 v17, v27;
	v5 =	vld [tilespmem:s1+$0x4060]  }
0x90: {  	v6 =	vmul.f32 v6, v6;
	v13 =	vmul.f32 v25, v25;
	v12 =	vsub.f32 v34, v2;
	v17 =	vld [tilespmem:s1+$0x4020]  }
0x91: {  	v25 =	vmul.f32 v7, v7;
	v20 =	vtrunc.f32 v20;
	v9 =	vadd.f32 v11, v9;
	v14 =	vld [tilespmem:s1+$0x4000]  }
0x92: {  	v8 =	vmul.f32 v8, v19;
	v19 =	vmul.f32 v6, v28;
	v37 =	vld [tilespmem:s1+$0x4010];
	v7 =	vsub.f32 v24, v2  }
0x93: {  	v11 =	vcvt.f32.s32 v20;
	v20 =	vld.idx.msk [tilespmem:v22+s21+$0x0], $0xffff;
	v22 =	vmul.f32 v23, v30;
	v23 =	vmin.u32 v32, $0x9  }
0x94: {  	v9 =	vadd.f32 v8, v9;
	v28 =	vmul.f32 v0, v36;
	v27 =	vsub.f32 v5, v2;
	v39 =	vld [tilespmem:s1+$0x70]  }
0x95: {  	v8 =	vsub.f32 v21, v33;
	v21 =	vsub.f32 v33, v2;
	v30 =	vmul.f32 v7, v1;
	v7 =	vld [tilespmem:s1+$0x4420]  }
0x96: {  	vm0 =	vgt.s32 v16, $0x0;
	v6 =	vsub.f32 v15, v24;
	v15 =	vadd.f32 v19, v9;
	v40 =	vld [tilespmem:s1+$0x4070]  }
0x97: {  	v32 =	vsub.f32 v17, v2;
	v9 =	vmul.f32 v28, v29;
	v24 =	vsub.f32 v14, v2;
	v19 =	vld [tilespmem:s1+$0x0]  }
0x98: {  	v28 =	vsub.f32 v37, v2;
	v31 =	vadd.f32 v31, v15;
	v15 =	vnsel vm0, $0x0, v16;
	v29 =	vld [tilespmem:s1+$0x4410]  }
0x99: {  	v26 =	vsub.f32 v26, v34;
	v16 =	vmul.f32 v24, v1;
	v24 =	vmul.f32 v32, v1;
	v32 =	vld [tilespmem:s1+$0x410]  }
0x9a: {  	v27 =	vmul.f32 v27, v1;
	v13 =	vmul.f32 v13, v20;
	v20 =	vmin.u32 v15, $0x9;
	v33 =	vld.idx.msk [tilespmem:v10+s21+$0x0], $0xffff  }
0x9b: {  	v10 =	vtrunc.f32 v16;
	v16 =	vmul.f32 v28, v1;
	v28 =	vsub.f32 v40, v2;
	v15 =	vld [tilespmem:s1+$0x420]  }
0x9c: {  	v34 =	vsub.f32 v19, v14;
	v19 =	vcvt.f32.s32 v10;
	v10 =	vtrunc.f32 v24;
	v24 =	vld [tilespmem:s1+$0x4050]  }
0x9d: {  	v31 =	vadd.f32 v13, v31;
	v36 =	vcvt.f32.s32 v10;
	v41 =	vld [tilespmem:s1+$0x50];
	v42 =	vmul.f32 v28, v1  }
0x9e: {  	v14 =	vmul.f32 v26, v26;
	vm0 =	vgt.s32 v19, $0x0;
	v28 =	vld [tilespmem:s1+$0x20];
	v10 =	vsub.f32 v32, v29  }
0x9f: {  	v13 =	vmul.f32 v21, v1;
	v19 =	vnsel vm0, $0x0, v19;
	vm0 =	vgt.s32 v36, $0x0;
	v32 =	vld.idx.msk [tilespmem:v20+s21+$0x0], $0xffff  }
0xa0: {  	v26 =	vtrunc.f32 v27;
	v21 =	vmul.f32 v38, v33;
	v20 =	vnsel vm0, $0x0, v36  }
0xa1: {  	v33 =	vtrunc.f32 v16;
	v16 =	vtrunc.f32 v13;
	v27 =	vsub.f32 v24, v2;
	v13 =	vld [tilespmem:s1+$0x4400]  }
0xa2: {  	v36 =	vcvt.f32.s32 v16;
	v16 =	vsub.f32 v41, v24;
	v24 =	vsub.f32 v7, v2;
	v35 =	vld.idx.msk [tilespmem:v35+s21+$0x0], $0xffff  }
0xa3: {  	v29 =	vsub.f32 v29, v2;
	v38 =	vld [tilespmem:s1+$0x10];
	v17 =	vsub.f32 v28, v17;
	v27 =	vmul.f32 v27, v1  }
0xa4: {  	v41 =	vmin.u32 v19, $0x9;
	vm0 =	vgt.s32 v36, $0x0;
	v28 =	vtrunc.f32 v30  }
0xa5: {  	v44 =	vadd.f32 v22, v31;
	v43 =	vmul.f32 v24, v1;
	v19 =	vtrunc.f32 v27  }
0xa6: {  	v27 =	vmin.u32 v20, $0x9;
	v30 =	vcvt.f32.s32 v19;
	v19 =	vmul.f32 v29, v1  }
0xa7: {  	v20 =	vcvt.f32.s32 v26;
	v29 =	vcvt.f32.s32 v33;
	v22 =	vsub.f32 v13, v2  }
0xa8: {  	v18 =	vmul.f32 v18, v18;
	v26 =	vmul.f32 v25, v35;
	v31 =	vsub.f32 v38, v37  }
0xa9: {  	v24 =	vnsel vm0, $0x0, v36;
	vm0 =	vgt.s32 v30, $0x0;
	v25 =	vtrunc.f32 v19  }
0xaa: {  	vm1 =	vgt.s32 v11, $0x0;
	vm2 =	vgt.s32 v29, $0x0;
	v19 =	vmul.f32 v31, v31  }
.Ltmp0:
0xab: {  	v30 =	vnsel vm0, $0x0, v30;
	v38 =	vcvt.f32.s32 v25;
	v25 =	vmul.f32 v18, v32;
	v33 =	vld.idx.msk [tilespmem:v23+s21+$0x0], $0xffff;
	(pc) =	sbr.rel @p0 .LBB2_2-.Ltmp0, $4  }
0xac: {  	v18 =	vnsel vm2, $0x0, v29;
	v31 =	vmin.u32 v30, $0x9;
	v23 =	vtrunc.f32 v42  }
0xad: {  	v30 =	vmin.u32 v18, $0x9;
	vm2 =	vgt.s32 v38, $0x0;
	v36 =	vcvt.f32.s32 v23;
	v18 =	vld [tilespmem:s1+$0x400]  }
0xae: {  	v35 =	vtrunc.f32 v43;
	v37 =	vadd.f32 v25, v44;
	v23 =	vsub.f32 v39, v40;
	v32 =	vld.idx.msk [tilespmem:v41+s21+$0x0], $0xffff  }
0xaf: {  	s2 =	sadd.s32 $0x80, s2;
	s23 =	smov.u32 s4;
	v34 =	vmul.f32 v34, v34;
	vm0 =	vgt.s32 v20, $0x0;
	v29 =	vnsel vm2, $0x0, v38;
	v25 =	vld [tilespmem:s1+$0x60]  }
0xb0: {  	v28 =	vcvt.f32.s32 v28  }
0xb1: {  	vm2 =	vgt.s32 v36, $0x0;
	v12 =	vmul.f32 v12, v1;
	v3 =	vmul.f32 v3, v33  }
0xb2: {  	v21 =	vadd.f32 v21, v37;
	v22 =	vmul.f32 v22, v1;
	v35 =	vcvt.f32.s32 v35  }
0xb3: {  	v11 =	vnsel vm1, $0x0, v11;
	v24 =	vmin.u32 v24, $0x9;
	v20 =	vnsel vm0, $0x0, v20  }
0xb4: {  	v29 =	vmin.u32 v29, $0x9;
	v36 =	vnsel vm2, $0x0, v36;
	v11 =	vmin.u32 v11, $0x9  }
0xb5: {  	v20 =	vmin.u32 v20, $0x9;
	vm2 =	vgt.s32 v28, $0x0;
	v22 =	vtrunc.f32 v22  }
0xb6: {  	v27 =	vld.idx.msk [tilespmem:v27+s21+$0x0], $0xffff;
	v46 =	vmin.u32 v36, $0x9;
	v21 =	vadd.f32 v26, v21;
	v22 =	vcvt.f32.s32 v22  }
0xb7: {  	v31 =	vld.idx.msk [tilespmem:v31+s21+$0x0], $0xffff;
	v12 =	vtrunc.f32 v12;
	vm1 =	vgt.s32 v35, $0x0;
	v28 =	vnsel vm2, $0x0, v28  }
0xb8: {  	v30 =	vld.idx.msk [tilespmem:v30+s21+$0x0], $0xffff;
	v12 =	vcvt.f32.s32 v12;
	v3 =	vadd.f32 v3, v21;
	vm0 =	vgt.s32 v22, $0x0  }
0xb9: {  	v47 =	vnsel vm1, $0x0, v35;
	v26 =	vmin.u32 v28, $0x9;
	v24 =	vld.idx.msk [tilespmem:v24+s21+$0x0], $0xffff;
	v22 =	vnsel vm0, $0x0, v22  }
0xba: {  	vm0 =	vgt.s32 v12, $0x0;
	v3 =	vadd.f32 v9, v3;
	v9 =	vmin.u32 v47, $0x9;
	v11 =	vld.idx.msk [tilespmem:v11+s21+$0x0], $0xffff  }
0xbb: {  	v28 =	vmul.f32 v34, v32;
	v20 =	vld.idx.msk [tilespmem:v20+s21+$0x0], $0xffff;
	v22 =	vmin.u32 v22, $0x9;
	v12 =	vnsel vm0, $0x0, v12  }
0xbc: {  	v21 =	vld.idx.msk [tilespmem:v46+s21+$0x0], $0xffff;
	v12 =	vmin.u32 v12, $0x9  }
0xbd: {  	v17 =	vmul.f32 v17, v17;
	v19 =	vmul.f32 v19, v30;
	v3 =	vadd.f32 v28, v3;
	v28 =	vld.idx.msk [tilespmem:v29+s21+$0x0], $0xffff  }
0xbe: {  	v26 =	vld.idx.msk [tilespmem:v26+s21+$0x0], $0xffff  }
0xbf: {  	v8 =	vmul.f32 v8, v8;
	v17 =	vmul.f32 v17, v27;
	v3 =	vadd.f32 v19, v3;
	v9 =	vld.idx.msk [tilespmem:v9+s21+$0x0], $0xffff  }
0xc0: {  	s1 =	simm.s32 $0x0;
	v19 =	vld.idx.msk [tilespmem:v22+s21+$0x0], $0xffff  }
0xc1: {  	v6 =	vmul.f32 v6, v6;
	v8 =	vmul.f32 v8, v24;
	v3 =	vadd.f32 v17, v3;
	v12 =	vld.idx.msk [tilespmem:v12+s21+$0x0], $0xffff;
	[tilespmem:s1], [sflag:$0x1] =	stream.linear.gather [hbm4b:s9+s1], $0x2000, $0x38  }
0xc2: {  	v16 =	vmul.f32 v16, v16  }
0xc3: {  	v5 =	vsub.f32 v25, v5;
	v6 =	vmul.f32 v6, v26;
	v3 =	vadd.f32 v8, v3;
	[tilespmem:s24], [sflag:$0x3] =	stream.linear.gather [hbm4b:s10+s1], $0x2000, $0x38;
	[tilespmem:$0x8180] =	vst v63  }
0xc4: {  	_ =	swait.ge [sflag:s30], $0x2000  }
0xc5: {  	v5 =	vmul.f32 v5, v5;
	v8 =	vmul.f32 v16, v31;
	v3 =	vadd.f32 v6, v3;
	[sflag:s30] =	ssyncset.done $0x0  }
0xc6: {  	v13 =	vsub.f32 v18, v13;
	[sflag:s30] =	ssyncadd.s32 $0xFFFFE000  }
0xc7: {  	v5 =	vmul.f32 v5, v20;
	v6 =	vmul.f32 v23, v23;
	v3 =	vadd.f32 v8, v3;
	_ =	swait.ge [sflag:s31], $0x2000  }
0xc8: {  	v7 =	vsub.f32 v15, v7;
	s2 =	sand.u32 $0x1800, s1;
	s1 =	sand.u32 $0x380, s1;
	[sflag:s31] =	ssyncset.done $0x0  }
0xc9: {  	s1 =	sor.u32 s1, s2;
	v6 =	vmul.f32 v6, v21;
	v3 =	vadd.f32 v5, v3;
	v5 =	vmul.f32 v13, v13;
	[sflag:s31] =	ssyncadd.s32 $0xFFFFE000  }
0xca: {  	v15 =	vld [tilespmem:s1+$0x6438]  }
0xcb: {  	v7 =	vmul.f32 v7, v7;
	v3 =	vadd.f32 v6, v3;
	v5 =	vmul.f32 v5, v19;
	v16 =	vld [tilespmem:s1+$0x2030]  }
0xcc: {  	v18 =	vld [tilespmem:s1+$0x6070]  }
0xcd: {  	v8 =	vmul.f32 v10, v10;
	v3 =	vadd.f32 v5, v3;
	v5 =	vmul.f32 v7, v9;
	v7 =	vld [tilespmem:s1+$0x6030]  }
0xce: {  	v9 =	vmul.f32 v0, v11;
	v11 =	vmul.f32 v14, v12;
	v14 =	vld [tilespmem:s1+$0x6000]  }
0xcf: {  	v8 =	vmul.f32 v8, v28;
	v12 =	vld [tilespmem:s1+$0x6060]  }
0xd0: {  	v4 =	vmul.f32 v4, v4;
	v22 =	vld [tilespmem:s1+$0x2000]  }
0xd1: {  	v17 =	vld [tilespmem:s1+$0x6010];
	v3 =	vadd.f32 v8, v3  }
0xd2: {  	v10 =	vld [tilespmem:s1+$0x2430];
	v4 =	vmul.f32 v9, v4;
	v9 =	vsub.f32 v15, v2;
	v26 =	vsub.f32 v18, v2  }
0xd3: {  	v13 =	vld [tilespmem:s1+$0x6430];
	v3 =	vadd.f32 v5, v3;
	v19 =	vsub.f32 v14, v2  }
0xd4: {  	v6 =	vld [tilespmem:s1+$0x2438];
	v9 =	vmul.f32 v9, v1;
	v21 =	vsub.f32 v12, v2;
	v16 =	vsub.f32 v16, v7  }
0xd5: {  	v7 =	vsub.f32 v7, v2;
	v14 =	vsub.f32 v22, v14;
	v22 =	vmul.f32 v26, v1  }
0xd6: {  	v8 =	vld [tilespmem:s1+$0x6040];
	v25 =	vsub.f32 v17, v2;
	v19 =	vmul.f32 v19, v1;
	v21 =	vmul.f32 v21, v1  }
0xd7: {  	v3 =	vadd.f32 v11, v3;
	v7 =	vmul.f32 v7, v1;
	v22 =	vtrunc.f32 v22  }
0xd8: {  	v10 =	vsub.f32 v10, v13;
	v14 =	vmul.f32 v14, v14;
	v16 =	vmul.f32 v16, v16  }
0xd9: {  	v5 =	vadd.f32 v4, v3;
	v4 =	vsub.f32 v6, v15;
	v6 =	vtrunc.f32 v9  }
0xda: {  	v11 =	vld [tilespmem:s1+$0x6020];
	v15 =	vsub.f32 v13, v2;
	v13 =	vmul.f32 v25, v1;
	v22 =	vcvt.f32.s32 v22  }
0xdb: {  	v26 =	vld [tilespmem:s1+$0x2020];
	v9 =	vsub.f32 v8, v2;
	v20 =	vcvt.f32.s32 v6;
	v19 =	vtrunc.f32 v19  }
0xdc: {  	v3 =	vld [tilespmem:s1+$0x2040];
	v21 =	vtrunc.f32 v21;
	v7 =	vtrunc.f32 v7  }
0xdd: {  	v9 =	vmul.f32 v9, v1;
	v19 =	vcvt.f32.s32 v19  }
0xde: {  	v13 =	vtrunc.f32 v13;
	v7 =	vcvt.f32.s32 v7  }
0xdf: {  	v21 =	vcvt.f32.s32 v21;
	v15 =	vmul.f32 v15, v1;
	v23 =	vsub.f32 v11, v2  }
0xe0: {  	v53 =	vmul.f32 v4, v4;
	v11 =	vsub.f32 v26, v11;
	v13 =	vcvt.f32.s32 v13  }
0xe1: {  	v27 =	vld [tilespmem:s1+$0x6050];
	v9 =	vtrunc.f32 v9;
	v6 =	vsub.f32 v3, v8;
	v3 =	vmul.f32 v23, v1  }
0xe2: {  	v28 =	vld [tilespmem:s1+$0x2050];
	vm0 =	vgt.s32 v19, $0x0;
	v15 =	vtrunc.f32 v15;
	v9 =	vcvt.f32.s32 v9  }
0xe3: {  	v24 =	vld [tilespmem:s1+$0x6410];
	vm2 =	vgt.s32 v13, $0x0;
	v15 =	vcvt.f32.s32 v15;
	v3 =	vtrunc.f32 v3  }
0xe4: {  	v31 =	vld [tilespmem:s1+$0x2420];
	v13 =	vnsel vm2, $0x0, v13;
	vm2 =	vgt.s32 v22, $0x0;
	v25 =	vcvt.f32.s32 v3  }
0xe5: {  	v23 =	vld [tilespmem:s1+$0x6420];
	v11 =	vmul.f32 v11, v11;
	v13 =	vmin.u32 v13, $0x9;
	v22 =	vnsel vm2, $0x0, v22  }
0xe6: {  	v8 =	vld [tilespmem:s1+$0x2410];
	v3 =	vmul.f32 v10, v10;
	v10 =	vnsel vm0, $0x0, v19;
	vm1 =	vgt.s32 v25, $0x0  }
0xe7: {  	v19 =	vnsel vm1, $0x0, v25;
	v25 =	vsub.f32 v27, v2;
	v27 =	vsub.f32 v28, v27;
	v28 =	vld [tilespmem:s1+$0x2010]  }
0xe8: {  	vm2 =	vgt.s32 v9, $0x0;
	v6 =	vmul.f32 v6, v6;
	v22 =	vmin.u32 v22, $0x9  }
0xe9: {  	v29 =	vld [tilespmem:s1+$0x6400];
	vm0 =	vgt.s32 v7, $0x0;
	v9 =	vnsel vm2, $0x0, v9;
	v10 =	vmin.u32 v10, $0x9  }
0xea: {  	v48 =	vld [tilespmem:s1+$0x2400];
	v7 =	vnsel vm0, $0x0, v7;
	v9 =	vmin.u32 v9, $0x9;
	v30 =	vsub.f32 v23, v2  }
0xeb: {  	v8 =	vsub.f32 v8, v24;
	v24 =	vsub.f32 v24, v2;
	v7 =	vmin.u32 v7, $0x9;
	v13 =	vld.idx.msk [tilespmem:v13+s21+$0x0], $0xffff  }
0xec: {  	v23 =	vsub.f32 v31, v23;
	v26 =	vmul.f32 v30, v1;
	v17 =	vsub.f32 v28, v17;
	v28 =	vld [tilespmem:s1+$0x2070]  }
0xed: {  	v19 =	vmin.u32 v19, $0x9;
	v24 =	vmul.f32 v24, v1;
	v52 =	vmul.f32 v8, v8;
	v22 =	vld.idx.msk [tilespmem:v22+s21+$0x0], $0xffff  }
0xee: {  	vm1 =	vgt.s32 v20, $0x0;
	v23 =	vmul.f32 v23, v23;
	v25 =	vmul.f32 v25, v1;
	v10 =	vld.idx.msk [tilespmem:v10+s21+$0x0], $0xffff  }
0xef: {  	v30 =	vsub.f32 v29, v2;
	v24 =	vtrunc.f32 v24;
	v26 =	vtrunc.f32 v26;
	v8 =	vld.idx.msk [tilespmem:v9+s21+$0x0], $0xffff  }
0xf0: {  	s5 =	simm.s32 $0x100;
	s23 =	simm.s32 $0x80;
	v20 =	vnsel vm1, $0x0, v20;
	v25 =	vtrunc.f32 v25;
	v26 =	vcvt.f32.s32 v26;
	v7 =	vld.idx.msk [tilespmem:v7+s21+$0x0], $0xffff  }
0xf1: {  	s2 =	sand.u32 $0x380, s23;
	v30 =	vmul.f32 v30, v1;
	v25 =	vcvt.f32.s32 v25;
	v18 =	vsub.f32 v28, v18;
	v28 =	vld [tilespmem:s1+$0x2060];
	s1 =	sand.u32 $0x1800, s5  }
0xf2: {  	v9 =	vmul.f32 v27, v27;
	v24 =	vcvt.f32.s32 v24;
	v19 =	vld.idx.msk [tilespmem:v19+s21+$0x0], $0xffff;
	vm1 =	vgt.s32 v26, $0x0;
	s1 =	sor.u32 s2, s1  }
0xf3: {  	vm0 =	vgt.s32 v25, $0x0;
	v10 =	vmul.f32 v14, v10;
	v14 =	vmin.u32 v20, $0x9;
	v20 =	vld [tilespmem:s1+$0x6430]  }
0xf4: {  	v17 =	vmul.f32 v17, v17;
	v25 =	vnsel vm0, $0x0, v25;
	vm0 =	vgt.s32 v24, $0x0;
	v50 =	vld [tilespmem:s1+$0x6438]  }
0xf5: {  	v25 =	vmin.u32 v25, $0x9;
	v24 =	vnsel vm0, $0x0, v24;
	vm0 =	vgt.s32 v21, $0x0;
	v31 =	vld [tilespmem:s1+$0x2030]  }
0xf6: {  	v13 =	vmul.f32 v17, v13;
	v7 =	vmul.f32 v16, v7;
	v10 =	vadd.f32 v10, v5;
	v27 =	vld [tilespmem:s1+$0x6040]  }
0xf7: {  	v16 =	vmul.f32 v6, v8;
	v11 =	vmul.f32 v11, v19;
	v19 =	vsub.f32 v48, v29;
	v5 =	vld [tilespmem:s1+$0x6060]  }
0xf8: {  	v24 =	vmin.u32 v24, $0x9;
	v4 =	vnsel vm0, $0x0, v21;
	v10 =	vadd.f32 v13, v10;
	v13 =	vld [tilespmem:s1+$0x2040]  }
0xf9: {  	v17 =	vmin.u32 v4, $0x9;
	v18 =	vmul.f32 v18, v18;
	v55 =	vld [tilespmem:s1+$0x6010];
	v61 =	vmul.f32 v19, v19  }
0xfa: {  	v25 =	vld.idx.msk [tilespmem:v25+s21+$0x0], $0xffff;
	v10 =	vadd.f32 v11, v10;
	v28 =	vsub.f32 v28, v12;
	v12 =	vnsel vm1, $0x0, v26  }
0xfb: {  	v29 =	vld [tilespmem:s1+$0x6020];
	v18 =	vmul.f32 v18, v22;
	vm1 =	vgt.s32 v15, $0x0;
	v51 =	vmin.u32 v12, $0x9  }
0xfc: {  	v26 =	vld [tilespmem:s1+$0x6030];
	v12 =	vtrunc.f32 v30;
	v15 =	vnsel vm1, $0x0, v15;
	v7 =	vadd.f32 v7, v10  }
0xfd: {  	v14 =	vld.idx.msk [tilespmem:v14+s21+$0x0], $0xffff;
	v21 =	vsub.f32 v50, v2;
	v28 =	vmul.f32 v28, v28;
	v54 =	vsub.f32 v27, v2  }
0xfe: {  	v10 =	vld.idx.msk [tilespmem:v17+s21+$0x0], $0xffff;
	v56 =	vmin.u32 v15, $0x9;
	v22 =	vsub.f32 v5, v2;
	v6 =	vsub.f32 v13, v27  }
0xff: {  	v30 =	vld [tilespmem:s1+$0x6000];
	v27 =	vsub.f32 v55, v2;
	v7 =	vadd.f32 v16, v7;
	v25 =	vmul.f32 v9, v25  }
0x100: {  	v15 =	vld [tilespmem:s1+$0x2430];
	v16 =	vsub.f32 v29, v2;
	v9 =	vmul.f32 v21, v1;
	v21 =	vcvt.f32.s32 v12  }
0x101: {  	v13 =	vld [tilespmem:s1+$0x2000];
	v8 =	vsub.f32 v31, v26;
	v17 =	vsub.f32 v26, v2;
	v26 =	vmul.f32 v54, v1  }
0x102: {  	v38 =	vld [tilespmem:s1+$0x6070];
	v12 =	vsub.f32 v20, v2;
	v16 =	vmul.f32 v16, v1;
	v9 =	vtrunc.f32 v9  }
0x103: {  	v49 =	vld [tilespmem:s1+$0x2438];
	vm0 =	vgt.s32 v21, $0x0;
	v25 =	vadd.f32 v25, v7;
	v10 =	vmul.f32 v28, v10  }
0x104: {  	v57 =	vld [tilespmem:s1+$0x2410];
	v11 =	vcvt.f32.s32 v9;
	v9 =	vmul.f32 v0, v14;
	v14 =	vsub.f32 v30, v2  }
0x105: {  	v31 =	vld [tilespmem:s1+$0x6410];
	v21 =	vnsel vm0, $0x0, v21;
	v15 =	vsub.f32 v15, v20;
	v20 =	vmul.f32 v22, v1  }
0x106: {  	v39 =	vsub.f32 v13, v30;
	v22 =	vmin.u32 v21, $0x9;
	v21 =	vld.idx.msk [tilespmem:v24+s21+$0x0], $0xffff;
	v24 =	vmul.f32 v27, v1  }
0x107: {  	v27 =	vsub.f32 v38, v2;
	v9 =	vmul.f32 v9, v53;
	v14 =	vmul.f32 v14, v1  }
0x108: {  	v4 =	vsub.f32 v49, v50;
	v7 =	vld [tilespmem:s1+$0x6420];
	v20 =	vtrunc.f32 v20;
	v34 =	vmul.f32 v39, v39  }
0x109: {  	v30 =	vld [tilespmem:s1+$0x2050];
	v25 =	vadd.f32 v10, v25;
	v58 =	vmul.f32 v27, v1;
	v14 =	vtrunc.f32 v14  }
0x10a: {  	vm1 =	vgt.s32 v11, $0x0;
	v13 =	vcvt.f32.s32 v14;
	v14 =	vtrunc.f32 v16;
	v16 =	vld [tilespmem:s1+$0x6050]  }
0x10b: {  	v27 =	vld [tilespmem:s1+$0x2020];
	v10 =	vsub.f32 v57, v31;
	v24 =	vtrunc.f32 v24;
	v28 =	vcvt.f32.s32 v14  }
0x10c: {  	v25 =	vadd.f32 v18, v25;
	v14 =	vmul.f32 v15, v15;
	v18 =	vld.idx.msk [tilespmem:v22+s21+$0x0], $0xffff;
	vm0 =	vgt.s32 v13, $0x0  }
0x10d: {  	v40 =	vld [tilespmem:s1+$0x2010];
	v15 =	vnsel vm0, $0x0, v13;
	vm0 =	vgt.s32 v28, $0x0;
	v13 =	vmul.f32 v17, v1  }
0x10e: {  	v35 =	vld.idx.msk [tilespmem:v51+s21+$0x0], $0xffff;
	v20 =	vcvt.f32.s32 v20;
	v21 =	vmul.f32 v52, v21;
	v59 =	vnsel vm0, $0x0, v28  }
0x10f: {  	v41 =	vmin.u32 v15, $0x9;
	v17 =	vtrunc.f32 v13;
	v28 =	vsub.f32 v16, v2  }
0x110: {  	v16 =	vsub.f32 v30, v16;
	v30 =	vsub.f32 v7, v2;
	v60 =	vcvt.f32.s32 v17  }
0x111: {  	v13 =	vld [tilespmem:s1+$0x6400];
	v17 =	vsub.f32 v27, v29;
	v29 =	vsub.f32 v31, v2;
	v43 =	vmul.f32 v61, v18  }
0x112: {  	v31 =	vsub.f32 v40, v55;
	v27 =	vmul.f32 v28, v1;
	v28 =	vtrunc.f32 v26  }
0x113: {  	v42 =	vmul.f32 v30, v1;
	v26 =	vmul.f32 v23, v35;
	vm0 =	vgt.s32 v60, $0x0  }
0x114: {  	v23 =	vld [tilespmem:s1+$0x2070];
	v19 =	vmul.f32 v31, v31;
	v37 =	vadd.f32 v43, v25;
	v15 =	vtrunc.f32 v27  }
0x115: {  	v27 =	vmin.u32 v59, $0x9;
	v30 =	vcvt.f32.s32 v15;
	v15 =	vmul.f32 v29, v1  }
0x116: {  	v35 =	vtrunc.f32 v42;
	v29 =	vcvt.f32.s32 v24;
	v22 =	vsub.f32 v13, v2  }
0x117: {  	v33 =	vld.idx.msk [tilespmem:v56+s21+$0x0], $0xffff;
	v24 =	vnsel vm0, $0x0, v60;
	vm0 =	vgt.s32 v30, $0x0;
	v62 =	vtrunc.f32 v15  }
0x118: {  	v25 =	vld [tilespmem:s1+$0x2060];
	vm2 =	vgt.s32 v29, $0x0;
	v30 =	vnsel vm0, $0x0, v30;
	v63 =	vcvt.f32.s32 v62  }
0x119: {  	v32 =	vld.idx.msk [tilespmem:v41+s21+$0x0], $0xffff;
	v23 =	vsub.f32 v23, v38;
	v18 =	vnsel vm2, $0x0, v29;
	v31 =	vmin.u32 v30, $0x9  }
0x11a: {  	v15 =	vld [tilespmem:s1+$0x2420];
	v29 =	vtrunc.f32 v58;
	v30 =	vmin.u32 v18, $0x9;
	vm2 =	vgt.s32 v63, $0x0  }
0x11b: {  	s4 =	simm.s32 $0x200;
	s2 =	simm.s32 $0x100;
	vm0 =	vgt.s32 v20, $0x0;
	v36 =	vcvt.f32.s32 v29;
	v18 =	vld [tilespmem:s1+$0x2400];
	v29 =	vnsel vm2, $0x0, v63  }
.LBB2_4:
0x11c: {  	s23 =	smov.u32 s4  }
0x11d: {  	s1 =	sand.u32 $0x1800, s4;
	s5 =	sand.u32 $0x380, s2;
	v27 =	vld.idx.msk [tilespmem:v27+s21+$0x0], $0xffff;
	v28 =	vcvt.f32.s32 v28;
	vm2 =	vgt.s32 v36, $0x0;
	v12 =	vmul.f32 v12, v1;
	s23 =	sadd.s32 $0x100, s4  }
0x11e: {  	p0 =	sne.s32 s4, $0x1F00;
	v21 =	vadd.f32 v21, v37;
	v33 =	vmul.f32 v3, v33;
	v3 =	vmovc v14;
	s1 =	sor.u32 s5, s1;
	v36 =	vnsel vm2, $0x0, v36;
	v31 =	vld.idx.msk [tilespmem:v31+s21+$0x0], $0xffff  }
0x11f: {  	vm2 =	vgt.s32 v28, $0x0;
	v12 =	vtrunc.f32 v12;
	v14 =	vld.idx.msk [tilespmem:v30+s21+$0x0], $0xffff;
	v30 =	vmin.u32 v36, $0x9  }
0x120: {  	v35 =	vcvt.f32.s32 v35;
	v11 =	vnsel vm1, $0x0, v11;
	v21 =	vadd.f32 v26, v21;
	v36 =	vld [tilespmem:s1+$0x2438]  }
0x121: {  	v11 =	vmin.u32 v11, $0x9;
	v32 =	vmul.f32 v34, v32;
	v28 =	vnsel vm2, $0x0, v28;
	v26 =	vld [tilespmem:s1+$0x2430]  }
0x122: {  	vm1 =	vgt.s32 v35, $0x0;
	v28 =	vmin.u32 v28, $0x9;
	v21 =	vadd.f32 v33, v21;
	v34 =	vld [tilespmem:s1+$0x6430]  }
0x123: {  	v24 =	vmin.u32 v24, $0x9;
	v23 =	vmul.f32 v23, v23;
	v12 =	vcvt.f32.s32 v12;
	v33 =	vld [tilespmem:s1+$0x6030]  }
0x124: {  	v25 =	vsub.f32 v25, v5;
	v5 =	vnsel vm1, $0x0, v35;
	v9 =	vadd.f32 v9, v21;
	v37 =	vld [tilespmem:s1+$0x6438]  }
0x125: {  	v8 =	vmul.f32 v8, v8;
	v7 =	vsub.f32 v15, v7;
	vm1 =	vgt.s32 v12, $0x0;
	v21 =	vld [tilespmem:s1+$0x2030]  }
0x126: {  	v17 =	vmul.f32 v17, v17;
	v22 =	vmul.f32 v22, v1;
	v35 =	vmin.u32 v5, $0x9;
	v15 =	vld [tilespmem:s1+$0x2040]  }
0x127: {  	v38 =	vmul.f32 v10, v10;
	v10 =	vmin.u32 v29, $0x9;
	v29 =	vmul.f32 v4, v4;
	v30 =	vld.idx.msk [tilespmem:v30+s21+$0x0], $0xffff  }
0x128: {  	v4 =	vnsel vm0, $0x0, v20;
	v5 =	vmul.f32 v16, v16;
	v16 =	vtrunc.f32 v22;
	v28 =	vld.idx.msk [tilespmem:v28+s21+$0x0], $0xffff  }
0x129: {  	v22 =	vmin.u32 v4, $0x9;
	v14 =	vmul.f32 v19, v14;
	v20 =	vsub.f32 v37, v2;
	v19 =	vld.idx.msk [tilespmem:v24+s21+$0x0], $0xffff  }
0x12a: {  	v31 =	vmul.f32 v5, v31;
	v9 =	vadd.f32 v32, v9;
	v4 =	vsub.f32 v36, v37;
	v24 =	vld [tilespmem:s1+$0x6040]  }
0x12b: {  	v16 =	vcvt.f32.s32 v16;
	v32 =	vnsel vm1, $0x0, v12;
	v20 =	vmul.f32 v20, v1;
	v36 =	vld.idx.msk [tilespmem:v11+s21+$0x0], $0xffff  }
0x12c: {  	v18 =	vsub.f32 v18, v13;
	v9 =	vadd.f32 v14, v9;
	v11 =	vmul.f32 v17, v27;
	v5 =	vld [tilespmem:s1+$0x6060]  }
0x12d: {  	v6 =	vmul.f32 v6, v6;
	v13 =	vmul.f32 v25, v25;
	v12 =	vsub.f32 v34, v2;
	v17 =	vld [tilespmem:s1+$0x6020]  }
0x12e: {  	v25 =	vmul.f32 v7, v7;
	v20 =	vtrunc.f32 v20;
	v9 =	vadd.f32 v11, v9;
	v14 =	vld [tilespmem:s1+$0x6000]  }
0x12f: {  	v8 =	vmul.f32 v8, v19;
	v19 =	vmul.f32 v6, v28;
	v37 =	vld [tilespmem:s1+$0x6010];
	v7 =	vsub.f32 v24, v2  }
0x130: {  	v11 =	vcvt.f32.s32 v20;
	v20 =	vld.idx.msk [tilespmem:v22+s21+$0x0], $0xffff;
	v22 =	vmul.f32 v23, v30;
	v23 =	vmin.u32 v32, $0x9  }
0x131: {  	v9 =	vadd.f32 v8, v9;
	v28 =	vmul.f32 v0, v36;
	v27 =	vsub.f32 v5, v2;
	v39 =	vld [tilespmem:s1+$0x2070]  }
0x132: {  	v8 =	vsub.f32 v21, v33;
	v21 =	vsub.f32 v33, v2;
	v30 =	vmul.f32 v7, v1;
	v7 =	vld [tilespmem:s1+$0x6420]  }
0x133: {  	vm0 =	vgt.s32 v16, $0x0;
	v6 =	vsub.f32 v15, v24;
	v15 =	vadd.f32 v19, v9;
	v40 =	vld [tilespmem:s1+$0x6070]  }
0x134: {  	v32 =	vsub.f32 v17, v2;
	v9 =	vmul.f32 v28, v29;
	v24 =	vsub.f32 v14, v2;
	v19 =	vld [tilespmem:s1+$0x2000]  }
0x135: {  	v28 =	vsub.f32 v37, v2;
	v31 =	vadd.f32 v31, v15;
	v15 =	vnsel vm0, $0x0, v16;
	v29 =	vld [tilespmem:s1+$0x6410]  }
0x136: {  	v26 =	vsub.f32 v26, v34;
	v16 =	vmul.f32 v24, v1;
	v24 =	vmul.f32 v32, v1;
	v32 =	vld [tilespmem:s1+$0x2410]  }
0x137: {  	v27 =	vmul.f32 v27, v1;
	v13 =	vmul.f32 v13, v20;
	v20 =	vmin.u32 v15, $0x9;
	v33 =	vld.idx.msk [tilespmem:v10+s21+$0x0], $0xffff  }
0x138: {  	v10 =	vtrunc.f32 v16;
	v16 =	vmul.f32 v28, v1;
	v28 =	vsub.f32 v40, v2;
	v15 =	vld [tilespmem:s1+$0x2420]  }
0x139: {  	v34 =	vsub.f32 v19, v14;
	v19 =	vcvt.f32.s32 v10;
	v10 =	vtrunc.f32 v24;
	v24 =	vld [tilespmem:s1+$0x6050]  }
0x13a: {  	v31 =	vadd.f32 v13, v31;
	v36 =	vcvt.f32.s32 v10;
	v41 =	vld [tilespmem:s1+$0x2050];
	v42 =	vmul.f32 v28, v1  }
0x13b: {  	v14 =	vmul.f32 v26, v26;
	vm0 =	vgt.s32 v19, $0x0;
	v28 =	vld [tilespmem:s1+$0x2020];
	v10 =	vsub.f32 v32, v29  }
0x13c: {  	v13 =	vmul.f32 v21, v1;
	v19 =	vnsel vm0, $0x0, v19;
	vm0 =	vgt.s32 v36, $0x0;
	v32 =	vld.idx.msk [tilespmem:v20+s21+$0x0], $0xffff  }
0x13d: {  	v26 =	vtrunc.f32 v27;
	v21 =	vmul.f32 v38, v33;
	v20 =	vnsel vm0, $0x0, v36  }
0x13e: {  	v33 =	vtrunc.f32 v16;
	v16 =	vtrunc.f32 v13;
	v27 =	vsub.f32 v24, v2;
	v13 =	vld [tilespmem:s1+$0x6400]  }
0x13f: {  	v36 =	vcvt.f32.s32 v16;
	v16 =	vsub.f32 v41, v24;
	v24 =	vsub.f32 v7, v2;
	v35 =	vld.idx.msk [tilespmem:v35+s21+$0x0], $0xffff  }
0x140: {  	v29 =	vsub.f32 v29, v2;
	v38 =	vld [tilespmem:s1+$0x2010];
	v17 =	vsub.f32 v28, v17;
	v27 =	vmul.f32 v27, v1  }
0x141: {  	v41 =	vmin.u32 v19, $0x9;
	vm0 =	vgt.s32 v36, $0x0;
	v28 =	vtrunc.f32 v30  }
0x142: {  	v44 =	vadd.f32 v22, v31;
	v43 =	vmul.f32 v24, v1;
	v19 =	vtrunc.f32 v27  }
0x143: {  	v27 =	vmin.u32 v20, $0x9;
	v30 =	vcvt.f32.s32 v19;
	v19 =	vmul.f32 v29, v1  }
0x144: {  	v20 =	vcvt.f32.s32 v26;
	v29 =	vcvt.f32.s32 v33;
	v22 =	vsub.f32 v13, v2  }
0x145: {  	v18 =	vmul.f32 v18, v18;
	v26 =	vmul.f32 v25, v35;
	v31 =	vsub.f32 v38, v37  }
0x146: {  	v24 =	vnsel vm0, $0x0, v36;
	vm0 =	vgt.s32 v30, $0x0;
	v25 =	vtrunc.f32 v19  }
0x147: {  	vm1 =	vgt.s32 v11, $0x0;
	vm2 =	vgt.s32 v29, $0x0;
	v19 =	vmul.f32 v31, v31  }
.Ltmp1:
0x148: {  	v30 =	vnsel vm0, $0x0, v30;
	v38 =	vcvt.f32.s32 v25;
	v25 =	vmul.f32 v18, v32;
	v33 =	vld.idx.msk [tilespmem:v23+s21+$0x0], $0xffff;
	(pc) =	sbr.rel @p0 .LBB2_4-.Ltmp1, $4  }
0x149: {  	v18 =	vnsel vm2, $0x0, v29;
	v31 =	vmin.u32 v30, $0x9;
	v23 =	vtrunc.f32 v42  }
0x14a: {  	v30 =	vmin.u32 v18, $0x9;
	vm2 =	vgt.s32 v38, $0x0;
	v36 =	vcvt.f32.s32 v23;
	v18 =	vld [tilespmem:s1+$0x2400]  }
0x14b: {  	v35 =	vtrunc.f32 v43;
	v37 =	vadd.f32 v25, v44;
	v23 =	vsub.f32 v39, v40;
	v32 =	vld.idx.msk [tilespmem:v41+s21+$0x0], $0xffff  }
0x14c: {  	s2 =	sadd.s32 $0x80, s2;
	s4 =	smov.u32 s23;
	v34 =	vmul.f32 v34, v34;
	vm0 =	vgt.s32 v20, $0x0;
	v29 =	vnsel vm2, $0x0, v38;
	v25 =	vld [tilespmem:s1+$0x2060]  }
0x14d: {  	v28 =	vcvt.f32.s32 v28  }
0x14e: {  	vm2 =	vgt.s32 v36, $0x0;
	v12 =	vmul.f32 v12, v1;
	v3 =	vmul.f32 v3, v33  }
0x14f: {  	v21 =	vadd.f32 v21, v37;
	v22 =	vmul.f32 v22, v1;
	v35 =	vcvt.f32.s32 v35  }
0x150: {  	v11 =	vnsel vm1, $0x0, v11;
	v24 =	vmin.u32 v24, $0x9;
	v20 =	vnsel vm0, $0x0, v20  }
0x151: {  	v29 =	vmin.u32 v29, $0x9;
	v36 =	vnsel vm2, $0x0, v36;
	v11 =	vmin.u32 v11, $0x9  }
0x152: {  	v20 =	vmin.u32 v20, $0x9;
	vm2 =	vgt.s32 v28, $0x0;
	v22 =	vtrunc.f32 v22  }
0x153: {  	v27 =	vld.idx.msk [tilespmem:v27+s21+$0x0], $0xffff;
	v46 =	vmin.u32 v36, $0x9;
	v21 =	vadd.f32 v26, v21;
	v22 =	vcvt.f32.s32 v22  }
0x154: {  	v31 =	vld.idx.msk [tilespmem:v31+s21+$0x0], $0xffff;
	v12 =	vtrunc.f32 v12;
	vm1 =	vgt.s32 v35, $0x0;
	v28 =	vnsel vm2, $0x0, v28  }
0x155: {  	v30 =	vld.idx.msk [tilespmem:v30+s21+$0x0], $0xffff;
	v12 =	vcvt.f32.s32 v12;
	v3 =	vadd.f32 v3, v21;
	vm0 =	vgt.s32 v22, $0x0  }
0x156: {  	v47 =	vnsel vm1, $0x0, v35;
	v26 =	vmin.u32 v28, $0x9;
	v24 =	vld.idx.msk [tilespmem:v24+s21+$0x0], $0xffff;
	v22 =	vnsel vm0, $0x0, v22  }
0x157: {  	vm0 =	vgt.s32 v12, $0x0;
	v3 =	vadd.f32 v9, v3;
	v9 =	vmin.u32 v47, $0x9;
	v11 =	vld.idx.msk [tilespmem:v11+s21+$0x0], $0xffff  }
0x158: {  	v28 =	vmul.f32 v34, v32;
	v20 =	vld.idx.msk [tilespmem:v20+s21+$0x0], $0xffff;
	v22 =	vmin.u32 v22, $0x9;
	v12 =	vnsel vm0, $0x0, v12  }
0x159: {  	v21 =	vld.idx.msk [tilespmem:v46+s21+$0x0], $0xffff;
	v12 =	vmin.u32 v12, $0x9  }
0x15a: {  	v17 =	vmul.f32 v17, v17;
	v19 =	vmul.f32 v19, v30;
	v3 =	vadd.f32 v28, v3;
	v28 =	vld.idx.msk [tilespmem:v29+s21+$0x0], $0xffff  }
0x15b: {  	v26 =	vld.idx.msk [tilespmem:v26+s21+$0x0], $0xffff  }
0x15c: {  	v8 =	vmul.f32 v8, v8;
	v17 =	vmul.f32 v17, v27;
	v3 =	vadd.f32 v19, v3;
	v9 =	vld.idx.msk [tilespmem:v9+s21+$0x0], $0xffff  }
0x15d: {  	s1 =	simm.s32 $0x0;
	v19 =	vld.idx.msk [tilespmem:v22+s21+$0x0], $0xffff  }
0x15e: {  	v6 =	vmul.f32 v6, v6;
	v8 =	vmul.f32 v8, v24;
	v3 =	vadd.f32 v17, v3;
	v12 =	vld.idx.msk [tilespmem:v12+s21+$0x0], $0xffff;
	[tilespmem:s25], [sflag:$0x2] =	stream.linear.gather [hbm4b:s11+s1], $0x2000, $0x38  }
0x15f: {  	v16 =	vmul.f32 v16, v16  }
0x160: {  	v5 =	vsub.f32 v25, v5;
	v6 =	vmul.f32 v6, v26;
	v3 =	vadd.f32 v8, v3;
	[tilespmem:s26], [sflag:$0x4] =	stream.linear.gather [hbm4b:s12+s1], $0x2000, $0x38;
	[tilespmem:$0x8180] =	vst v63  }
0x161: {  	_ =	swait.ge [sflag:s28], $0x2000  }
0x162: {  	v5 =	vmul.f32 v5, v5;
	v8 =	vmul.f32 v16, v31;
	v3 =	vadd.f32 v6, v3;
	[sflag:s28] =	ssyncset.done $0x0  }
0x163: {  	v13 =	vsub.f32 v18, v13;
	[sflag:s28] =	ssyncadd.s32 $0xFFFFE000  }
0x164: {  	v5 =	vmul.f32 v5, v20;
	v6 =	vmul.f32 v23, v23;
	v3 =	vadd.f32 v8, v3;
	_ =	swait.ge [sflag:s29], $0x2000  }
0x165: {  	v7 =	vsub.f32 v15, v7;
	s2 =	sand.u32 $0x1800, s1;
	s1 =	sand.u32 $0x380, s1;
	[sflag:s29] =	ssyncset.done $0x0  }
0x166: {  	s1 =	sor.u32 s1, s2;
	v6 =	vmul.f32 v6, v21;
	v3 =	vadd.f32 v5, v3;
	v5 =	vmul.f32 v13, v13;
	[sflag:s29] =	ssyncadd.s32 $0xFFFFE000  }
0x167: {  	v15 =	vld [tilespmem:s1+$0x4438]  }
0x168: {  	v7 =	vmul.f32 v7, v7;
	v3 =	vadd.f32 v6, v3;
	v5 =	vmul.f32 v5, v19;
	v16 =	vld [tilespmem:s1+$0x30]  }
0x169: {  	v18 =	vld [tilespmem:s1+$0x4070]  }
0x16a: {  	v8 =	vmul.f32 v10, v10;
	v3 =	vadd.f32 v5, v3;
	v5 =	vmul.f32 v7, v9;
	v7 =	vld [tilespmem:s1+$0x4030]  }
0x16b: {  	v9 =	vmul.f32 v0, v11;
	v11 =	vmul.f32 v14, v12;
	v14 =	vld [tilespmem:s1+$0x4000]  }
0x16c: {  	v8 =	vmul.f32 v8, v28;
	v12 =	vld [tilespmem:s1+$0x4060]  }
0x16d: {  	v4 =	vmul.f32 v4, v4;
	v22 =	vld [tilespmem:s1+$0x0]  }
0x16e: {  	v17 =	vld [tilespmem:s1+$0x4010];
	v3 =	vadd.f32 v8, v3  }
0x16f: {  	v10 =	vld [tilespmem:s1+$0x430];
	v4 =	vmul.f32 v9, v4;
	v9 =	vsub.f32 v15, v2;
	v26 =	vsub.f32 v18, v2  }
0x170: {  	v13 =	vld [tilespmem:s1+$0x4430];
	v3 =	vadd.f32 v5, v3;
	v19 =	vsub.f32 v14, v2  }
0x171: {  	v6 =	vld [tilespmem:s1+$0x438];
	v9 =	vmul.f32 v9, v1;
	v21 =	vsub.f32 v12, v2;
	v16 =	vsub.f32 v16, v7  }
0x172: {  	v7 =	vsub.f32 v7, v2;
	v14 =	vsub.f32 v22, v14;
	v22 =	vmul.f32 v26, v1  }
0x173: {  	v8 =	vld [tilespmem:s1+$0x4040];
	v25 =	vsub.f32 v17, v2;
	v19 =	vmul.f32 v19, v1;
	v21 =	vmul.f32 v21, v1  }
0x174: {  	v3 =	vadd.f32 v11, v3;
	v7 =	vmul.f32 v7, v1;
	v22 =	vtrunc.f32 v22  }
0x175: {  	v10 =	vsub.f32 v10, v13;
	v14 =	vmul.f32 v14, v14;
	v16 =	vmul.f32 v16, v16  }
0x176: {  	v5 =	vadd.f32 v4, v3;
	v4 =	vsub.f32 v6, v15;
	v6 =	vtrunc.f32 v9  }
0x177: {  	v11 =	vld [tilespmem:s1+$0x4020];
	v15 =	vsub.f32 v13, v2;
	v13 =	vmul.f32 v25, v1;
	v22 =	vcvt.f32.s32 v22  }
0x178: {  	v26 =	vld [tilespmem:s1+$0x20];
	v9 =	vsub.f32 v8, v2;
	v20 =	vcvt.f32.s32 v6;
	v19 =	vtrunc.f32 v19  }
0x179: {  	v3 =	vld [tilespmem:s1+$0x40];
	v21 =	vtrunc.f32 v21;
	v7 =	vtrunc.f32 v7  }
0x17a: {  	v9 =	vmul.f32 v9, v1;
	v19 =	vcvt.f32.s32 v19  }
0x17b: {  	v13 =	vtrunc.f32 v13;
	v7 =	vcvt.f32.s32 v7  }
0x17c: {  	v21 =	vcvt.f32.s32 v21;
	v15 =	vmul.f32 v15, v1;
	v23 =	vsub.f32 v11, v2  }
0x17d: {  	v53 =	vmul.f32 v4, v4;
	v11 =	vsub.f32 v26, v11;
	v13 =	vcvt.f32.s32 v13  }
0x17e: {  	v27 =	vld [tilespmem:s1+$0x4050];
	v9 =	vtrunc.f32 v9;
	v6 =	vsub.f32 v3, v8;
	v3 =	vmul.f32 v23, v1  }
0x17f: {  	v28 =	vld [tilespmem:s1+$0x50];
	vm0 =	vgt.s32 v19, $0x0;
	v15 =	vtrunc.f32 v15;
	v9 =	vcvt.f32.s32 v9  }
0x180: {  	v24 =	vld [tilespmem:s1+$0x4410];
	vm2 =	vgt.s32 v13, $0x0;
	v15 =	vcvt.f32.s32 v15;
	v3 =	vtrunc.f32 v3  }
0x181: {  	v31 =	vld [tilespmem:s1+$0x420];
	v13 =	vnsel vm2, $0x0, v13;
	vm2 =	vgt.s32 v22, $0x0;
	v25 =	vcvt.f32.s32 v3  }
0x182: {  	v23 =	vld [tilespmem:s1+$0x4420];
	v11 =	vmul.f32 v11, v11;
	v13 =	vmin.u32 v13, $0x9;
	v22 =	vnsel vm2, $0x0, v22  }
0x183: {  	v8 =	vld [tilespmem:s1+$0x410];
	v3 =	vmul.f32 v10, v10;
	v10 =	vnsel vm0, $0x0, v19;
	vm1 =	vgt.s32 v25, $0x0  }
0x184: {  	v19 =	vnsel vm1, $0x0, v25;
	v25 =	vsub.f32 v27, v2;
	v27 =	vsub.f32 v28, v27;
	v28 =	vld [tilespmem:s1+$0x10]  }
0x185: {  	vm2 =	vgt.s32 v9, $0x0;
	v6 =	vmul.f32 v6, v6;
	v22 =	vmin.u32 v22, $0x9  }
0x186: {  	v29 =	vld [tilespmem:s1+$0x4400];
	vm0 =	vgt.s32 v7, $0x0;
	v9 =	vnsel vm2, $0x0, v9;
	v10 =	vmin.u32 v10, $0x9  }
0x187: {  	v48 =	vld [tilespmem:s1+$0x400];
	v7 =	vnsel vm0, $0x0, v7;
	v9 =	vmin.u32 v9, $0x9;
	v30 =	vsub.f32 v23, v2  }
0x188: {  	v8 =	vsub.f32 v8, v24;
	v24 =	vsub.f32 v24, v2;
	v7 =	vmin.u32 v7, $0x9;
	v13 =	vld.idx.msk [tilespmem:v13+s21+$0x0], $0xffff  }
0x189: {  	v23 =	vsub.f32 v31, v23;
	v26 =	vmul.f32 v30, v1;
	v17 =	vsub.f32 v28, v17;
	v28 =	vld [tilespmem:s1+$0x70]  }
0x18a: {  	v19 =	vmin.u32 v19, $0x9;
	v24 =	vmul.f32 v24, v1;
	v52 =	vmul.f32 v8, v8;
	v22 =	vld.idx.msk [tilespmem:v22+s21+$0x0], $0xffff  }
0x18b: {  	vm1 =	vgt.s32 v20, $0x0;
	v23 =	vmul.f32 v23, v23;
	v25 =	vmul.f32 v25, v1;
	v10 =	vld.idx.msk [tilespmem:v10+s21+$0x0], $0xffff  }
0x18c: {  	v30 =	vsub.f32 v29, v2;
	v24 =	vtrunc.f32 v24;
	v26 =	vtrunc.f32 v26;
	v8 =	vld.idx.msk [tilespmem:v9+s21+$0x0], $0xffff  }
0x18d: {  	s5 =	simm.s32 $0x100;
	s23 =	simm.s32 $0x80;
	v20 =	vnsel vm1, $0x0, v20;
	v25 =	vtrunc.f32 v25;
	v26 =	vcvt.f32.s32 v26;
	v7 =	vld.idx.msk [tilespmem:v7+s21+$0x0], $0xffff  }
0x18e: {  	s2 =	sand.u32 $0x380, s23;
	v30 =	vmul.f32 v30, v1;
	v25 =	vcvt.f32.s32 v25;
	v18 =	vsub.f32 v28, v18;
	v28 =	vld [tilespmem:s1+$0x60];
	s1 =	sand.u32 $0x1800, s5  }
0x18f: {  	v9 =	vmul.f32 v27, v27;
	v24 =	vcvt.f32.s32 v24;
	v19 =	vld.idx.msk [tilespmem:v19+s21+$0x0], $0xffff;
	vm1 =	vgt.s32 v26, $0x0;
	s1 =	sor.u32 s2, s1  }
0x190: {  	vm0 =	vgt.s32 v25, $0x0;
	v10 =	vmul.f32 v14, v10;
	v14 =	vmin.u32 v20, $0x9;
	v20 =	vld [tilespmem:s1+$0x4430]  }
0x191: {  	v17 =	vmul.f32 v17, v17;
	v25 =	vnsel vm0, $0x0, v25;
	vm0 =	vgt.s32 v24, $0x0;
	v50 =	vld [tilespmem:s1+$0x4438]  }
0x192: {  	v25 =	vmin.u32 v25, $0x9;
	v24 =	vnsel vm0, $0x0, v24;
	vm0 =	vgt.s32 v21, $0x0;
	v31 =	vld [tilespmem:s1+$0x30]  }
0x193: {  	v13 =	vmul.f32 v17, v13;
	v7 =	vmul.f32 v16, v7;
	v10 =	vadd.f32 v10, v5;
	v27 =	vld [tilespmem:s1+$0x4040]  }
0x194: {  	v16 =	vmul.f32 v6, v8;
	v11 =	vmul.f32 v11, v19;
	v19 =	vsub.f32 v48, v29;
	v5 =	vld [tilespmem:s1+$0x4060]  }
0x195: {  	v24 =	vmin.u32 v24, $0x9;
	v4 =	vnsel vm0, $0x0, v21;
	v10 =	vadd.f32 v13, v10;
	v13 =	vld [tilespmem:s1+$0x40]  }
0x196: {  	v17 =	vmin.u32 v4, $0x9;
	v18 =	vmul.f32 v18, v18;
	v55 =	vld [tilespmem:s1+$0x4010];
	v61 =	vmul.f32 v19, v19  }
0x197: {  	v25 =	vld.idx.msk [tilespmem:v25+s21+$0x0], $0xffff;
	v10 =	vadd.f32 v11, v10;
	v28 =	vsub.f32 v28, v12;
	v12 =	vnsel vm1, $0x0, v26  }
0x198: {  	v29 =	vld [tilespmem:s1+$0x4020];
	v18 =	vmul.f32 v18, v22;
	vm1 =	vgt.s32 v15, $0x0;
	v51 =	vmin.u32 v12, $0x9  }
0x199: {  	v26 =	vld [tilespmem:s1+$0x4030];
	v12 =	vtrunc.f32 v30;
	v15 =	vnsel vm1, $0x0, v15;
	v7 =	vadd.f32 v7, v10  }
0x19a: {  	v14 =	vld.idx.msk [tilespmem:v14+s21+$0x0], $0xffff;
	v21 =	vsub.f32 v50, v2;
	v28 =	vmul.f32 v28, v28;
	v54 =	vsub.f32 v27, v2  }
0x19b: {  	v10 =	vld.idx.msk [tilespmem:v17+s21+$0x0], $0xffff;
	v56 =	vmin.u32 v15, $0x9;
	v22 =	vsub.f32 v5, v2;
	v6 =	vsub.f32 v13, v27  }
0x19c: {  	v30 =	vld [tilespmem:s1+$0x4000];
	v27 =	vsub.f32 v55, v2;
	v7 =	vadd.f32 v16, v7;
	v25 =	vmul.f32 v9, v25  }
0x19d: {  	v15 =	vld [tilespmem:s1+$0x430];
	v16 =	vsub.f32 v29, v2;
	v9 =	vmul.f32 v21, v1;
	v21 =	vcvt.f32.s32 v12  }
0x19e: {  	v13 =	vld [tilespmem:s1+$0x0];
	v8 =	vsub.f32 v31, v26;
	v17 =	vsub.f32 v26, v2;
	v26 =	vmul.f32 v54, v1  }
0x19f: {  	v38 =	vld [tilespmem:s1+$0x4070];
	v12 =	vsub.f32 v20, v2;
	v16 =	vmul.f32 v16, v1;
	v9 =	vtrunc.f32 v9  }
0x1a0: {  	v49 =	vld [tilespmem:s1+$0x438];
	vm0 =	vgt.s32 v21, $0x0;
	v25 =	vadd.f32 v25, v7;
	v10 =	vmul.f32 v28, v10  }
0x1a1: {  	v57 =	vld [tilespmem:s1+$0x410];
	v11 =	vcvt.f32.s32 v9;
	v9 =	vmul.f32 v0, v14;
	v14 =	vsub.f32 v30, v2  }
0x1a2: {  	v31 =	vld [tilespmem:s1+$0x4410];
	v21 =	vnsel vm0, $0x0, v21;
	v15 =	vsub.f32 v15, v20;
	v20 =	vmul.f32 v22, v1  }
0x1a3: {  	v39 =	vsub.f32 v13, v30;
	v22 =	vmin.u32 v21, $0x9;
	v21 =	vld.idx.msk [tilespmem:v24+s21+$0x0], $0xffff;
	v24 =	vmul.f32 v27, v1  }
0x1a4: {  	v27 =	vsub.f32 v38, v2;
	v9 =	vmul.f32 v9, v53;
	v14 =	vmul.f32 v14, v1  }
0x1a5: {  	v4 =	vsub.f32 v49, v50;
	v7 =	vld [tilespmem:s1+$0x4420];
	v20 =	vtrunc.f32 v20;
	v34 =	vmul.f32 v39, v39  }
0x1a6: {  	v30 =	vld [tilespmem:s1+$0x50];
	v25 =	vadd.f32 v10, v25;
	v58 =	vmul.f32 v27, v1;
	v14 =	vtrunc.f32 v14  }
0x1a7: {  	vm1 =	vgt.s32 v11, $0x0;
	v13 =	vcvt.f32.s32 v14;
	v14 =	vtrunc.f32 v16;
	v16 =	vld [tilespmem:s1+$0x4050]  }
0x1a8: {  	v27 =	vld [tilespmem:s1+$0x20];
	v10 =	vsub.f32 v57, v31;
	v24 =	vtrunc.f32 v24;
	v28 =	vcvt.f32.s32 v14  }
0x1a9: {  	v25 =	vadd.f32 v18, v25;
	v14 =	vmul.f32 v15, v15;
	v18 =	vld.idx.msk [tilespmem:v22+s21+$0x0], $0xffff;
	vm0 =	vgt.s32 v13, $0x0  }
0x1aa: {  	v40 =	vld [tilespmem:s1+$0x10];
	v15 =	vnsel vm0, $0x0, v13;
	vm0 =	vgt.s32 v28, $0x0;
	v13 =	vmul.f32 v17, v1  }
0x1ab: {  	v35 =	vld.idx.msk [tilespmem:v51+s21+$0x0], $0xffff;
	v20 =	vcvt.f32.s32 v20;
	v21 =	vmul.f32 v52, v21;
	v59 =	vnsel vm0, $0x0, v28  }
0x1ac: {  	v41 =	vmin.u32 v15, $0x9;
	v17 =	vtrunc.f32 v13;
	v28 =	vsub.f32 v16, v2  }
0x1ad: {  	v16 =	vsub.f32 v30, v16;
	v30 =	vsub.f32 v7, v2;
	v60 =	vcvt.f32.s32 v17  }
0x1ae: {  	v13 =	vld [tilespmem:s1+$0x4400];
	v17 =	vsub.f32 v27, v29;
	v29 =	vsub.f32 v31, v2;
	v43 =	vmul.f32 v61, v18  }
0x1af: {  	v31 =	vsub.f32 v40, v55;
	v27 =	vmul.f32 v28, v1;
	v28 =	vtrunc.f32 v26  }
0x1b0: {  	v42 =	vmul.f32 v30, v1;
	v26 =	vmul.f32 v23, v35;
	vm0 =	vgt.s32 v60, $0x0  }
0x1b1: {  	v23 =	vld [tilespmem:s1+$0x70];
	v19 =	vmul.f32 v31, v31;
	v37 =	vadd.f32 v43, v25;
	v15 =	vtrunc.f32 v27  }
0x1b2: {  	v27 =	vmin.u32 v59, $0x9;
	v30 =	vcvt.f32.s32 v15;
	v15 =	vmul.f32 v29, v1  }
0x1b3: {  	v35 =	vtrunc.f32 v42;
	v29 =	vcvt.f32.s32 v24;
	v22 =	vsub.f32 v13, v2  }
0x1b4: {  	v33 =	vld.idx.msk [tilespmem:v56+s21+$0x0], $0xffff;
	v24 =	vnsel vm0, $0x0, v60;
	vm0 =	vgt.s32 v30, $0x0;
	v62 =	vtrunc.f32 v15  }
0x1b5: {  	v25 =	vld [tilespmem:s1+$0x60];
	vm2 =	vgt.s32 v29, $0x0;
	v30 =	vnsel vm0, $0x0, v30;
	v63 =	vcvt.f32.s32 v62  }
0x1b6: {  	v32 =	vld.idx.msk [tilespmem:v41+s21+$0x0], $0xffff;
	v23 =	vsub.f32 v23, v38;
	v18 =	vnsel vm2, $0x0, v29;
	v31 =	vmin.u32 v30, $0x9  }
0x1b7: {  	v15 =	vld [tilespmem:s1+$0x420];
	v29 =	vtrunc.f32 v58;
	v30 =	vmin.u32 v18, $0x9;
	vm2 =	vgt.s32 v63, $0x0  }
0x1b8: {  	s4 =	simm.s32 $0x200;
	s2 =	simm.s32 $0x100;
	vm0 =	vgt.s32 v20, $0x0;
	v36 =	vcvt.f32.s32 v29;
	v18 =	vld [tilespmem:s1+$0x400];
	v29 =	vnsel vm2, $0x0, v63  }
.LBB2_6:
0x1b9: {  	s23 =	smov.u32 s4  }
0x1ba: {  	s1 =	sand.u32 $0x1800, s4;
	s5 =	sand.u32 $0x380, s2;
	v27 =	vld.idx.msk [tilespmem:v27+s21+$0x0], $0xffff;
	v28 =	vcvt.f32.s32 v28;
	vm2 =	vgt.s32 v36, $0x0;
	v12 =	vmul.f32 v12, v1;
	s23 =	sadd.s32 $0x100, s4  }
0x1bb: {  	p0 =	sne.s32 s4, $0x1F00;
	v21 =	vadd.f32 v21, v37;
	v33 =	vmul.f32 v3, v33;
	v3 =	vmovc v14;
	s1 =	sor.u32 s5, s1;
	v36 =	vnsel vm2, $0x0, v36;
	v31 =	vld.idx.msk [tilespmem:v31+s21+$0x0], $0xffff  }
0x1bc: {  	vm2 =	vgt.s32 v28, $0x0;
	v12 =	vtrunc.f32 v12;
	v14 =	vld.idx.msk [tilespmem:v30+s21+$0x0], $0xffff;
	v30 =	vmin.u32 v36, $0x9  }
0x1bd: {  	v35 =	vcvt.f32.s32 v35;
	v11 =	vnsel vm1, $0x0, v11;
	v21 =	vadd.f32 v26, v21;
	v36 =	vld [tilespmem:s1+$0x438]  }
0x1be: {  	v11 =	vmin.u32 v11, $0x9;
	v32 =	vmul.f32 v34, v32;
	v28 =	vnsel vm2, $0x0, v28;
	v26 =	vld [tilespmem:s1+$0x430]  }
0x1bf: {  	vm1 =	vgt.s32 v35, $0x0;
	v28 =	vmin.u32 v28, $0x9;
	v21 =	vadd.f32 v33, v21;
	v34 =	vld [tilespmem:s1+$0x4430]  }
0x1c0: {  	v24 =	vmin.u32 v24, $0x9;
	v23 =	vmul.f32 v23, v23;
	v12 =	vcvt.f32.s32 v12;
	v33 =	vld [tilespmem:s1+$0x4030]  }
0x1c1: {  	v25 =	vsub.f32 v25, v5;
	v5 =	vnsel vm1, $0x0, v35;
	v9 =	vadd.f32 v9, v21;
	v37 =	vld [tilespmem:s1+$0x4438]  }
0x1c2: {  	v8 =	vmul.f32 v8, v8;
	v7 =	vsub.f32 v15, v7;
	vm1 =	vgt.s32 v12, $0x0;
	v21 =	vld [tilespmem:s1+$0x30]  }
0x1c3: {  	v17 =	vmul.f32 v17, v17;
	v22 =	vmul.f32 v22, v1;
	v35 =	vmin.u32 v5, $0x9;
	v15 =	vld [tilespmem:s1+$0x40]  }
0x1c4: {  	v38 =	vmul.f32 v10, v10;
	v10 =	vmin.u32 v29, $0x9;
	v29 =	vmul.f32 v4, v4;
	v30 =	vld.idx.msk [tilespmem:v30+s21+$0x0], $0xffff  }
0x1c5: {  	v4 =	vnsel vm0, $0x0, v20;
	v5 =	vmul.f32 v16, v16;
	v16 =	vtrunc.f32 v22;
	v28 =	vld.idx.msk [tilespmem:v28+s21+$0x0], $0xffff  }
0x1c6: {  	v22 =	vmin.u32 v4, $0x9;
	v14 =	vmul.f32 v19, v14;
	v20 =	vsub.f32 v37, v2;
	v19 =	vld.idx.msk [tilespmem:v24+s21+$0x0], $0xffff  }
0x1c7: {  	v31 =	vmul.f32 v5, v31;
	v9 =	vadd.f32 v32, v9;
	v4 =	vsub.f32 v36, v37;
	v24 =	vld [tilespmem:s1+$0x4040]  }
0x1c8: {  	v16 =	vcvt.f32.s32 v16;
	v32 =	vnsel vm1, $0x0, v12;
	v20 =	vmul.f32 v20, v1;
	v36 =	vld.idx.msk [tilespmem:v11+s21+$0x0], $0xffff  }
0x1c9: {  	v18 =	vsub.f32 v18, v13;
	v9 =	vadd.f32 v14, v9;
	v11 =	vmul.f32 v17, v27;
	v5 =	vld [tilespmem:s1+$0x4060]  }
0x1ca: {  	v6 =	vmul.f32 v6, v6;
	v13 =	vmul.f32 v25, v25;
	v12 =	vsub.f32 v34, v2;
	v17 =	vld [tilespmem:s1+$0x4020]  }
0x1cb: {  	v25 =	vmul.f32 v7, v7;
	v20 =	vtrunc.f32 v20;
	v9 =	vadd.f32 v11, v9;
	v14 =	vld [tilespmem:s1+$0x4000]  }
0x1cc: {  	v8 =	vmul.f32 v8, v19;
	v19 =	vmul.f32 v6, v28;
	v37 =	vld [tilespmem:s1+$0x4010];
	v7 =	vsub.f32 v24, v2  }
0x1cd: {  	v11 =	vcvt.f32.s32 v20;
	v20 =	vld.idx.msk [tilespmem:v22+s21+$0x0], $0xffff;
	v22 =	vmul.f32 v23, v30;
	v23 =	vmin.u32 v32, $0x9  }
0x1ce: {  	v9 =	vadd.f32 v8, v9;
	v28 =	vmul.f32 v0, v36;
	v27 =	vsub.f32 v5, v2;
	v39 =	vld [tilespmem:s1+$0x70]  }
0x1cf: {  	v8 =	vsub.f32 v21, v33;
	v21 =	vsub.f32 v33, v2;
	v30 =	vmul.f32 v7, v1;
	v7 =	vld [tilespmem:s1+$0x4420]  }
0x1d0: {  	vm0 =	vgt.s32 v16, $0x0;
	v6 =	vsub.f32 v15, v24;
	v15 =	vadd.f32 v19, v9;
	v40 =	vld [tilespmem:s1+$0x4070]  }
0x1d1: {  	v32 =	vsub.f32 v17, v2;
	v9 =	vmul.f32 v28, v29;
	v24 =	vsub.f32 v14, v2;
	v19 =	vld [tilespmem:s1+$0x0]  }
0x1d2: {  	v28 =	vsub.f32 v37, v2;
	v31 =	vadd.f32 v31, v15;
	v15 =	vnsel vm0, $0x0, v16;
	v29 =	vld [tilespmem:s1+$0x4410]  }
0x1d3: {  	v26 =	vsub.f32 v26, v34;
	v16 =	vmul.f32 v24, v1;
	v24 =	vmul.f32 v32, v1;
	v32 =	vld [tilespmem:s1+$0x410]  }
0x1d4: {  	v27 =	vmul.f32 v27, v1;
	v13 =	vmul.f32 v13, v20;
	v20 =	vmin.u32 v15, $0x9;
	v33 =	vld.idx.msk [tilespmem:v10+s21+$0x0], $0xffff  }
0x1d5: {  	v10 =	vtrunc.f32 v16;
	v16 =	vmul.f32 v28, v1;
	v28 =	vsub.f32 v40, v2;
	v15 =	vld [tilespmem:s1+$0x420]  }
0x1d6: {  	v34 =	vsub.f32 v19, v14;
	v19 =	vcvt.f32.s32 v10;
	v10 =	vtrunc.f32 v24;
	v24 =	vld [tilespmem:s1+$0x4050]  }
0x1d7: {  	v31 =	vadd.f32 v13, v31;
	v36 =	vcvt.f32.s32 v10;
	v41 =	vld [tilespmem:s1+$0x50];
	v42 =	vmul.f32 v28, v1  }
0x1d8: {  	v14 =	vmul.f32 v26, v26;
	vm0 =	vgt.s32 v19, $0x0;
	v28 =	vld [tilespmem:s1+$0x20];
	v10 =	vsub.f32 v32, v29  }
0x1d9: {  	v13 =	vmul.f32 v21, v1;
	v19 =	vnsel vm0, $0x0, v19;
	vm0 =	vgt.s32 v36, $0x0;
	v32 =	vld.idx.msk [tilespmem:v20+s21+$0x0], $0xffff  }
0x1da: {  	v26 =	vtrunc.f32 v27;
	v21 =	vmul.f32 v38, v33;
	v20 =	vnsel vm0, $0x0, v36  }
0x1db: {  	v33 =	vtrunc.f32 v16;
	v16 =	vtrunc.f32 v13;
	v27 =	vsub.f32 v24, v2;
	v13 =	vld [tilespmem:s1+$0x4400]  }
0x1dc: {  	v36 =	vcvt.f32.s32 v16;
	v16 =	vsub.f32 v41, v24;
	v24 =	vsub.f32 v7, v2;
	v35 =	vld.idx.msk [tilespmem:v35+s21+$0x0], $0xffff  }
0x1dd: {  	v29 =	vsub.f32 v29, v2;
	v38 =	vld [tilespmem:s1+$0x10];
	v17 =	vsub.f32 v28, v17;
	v27 =	vmul.f32 v27, v1  }
0x1de: {  	v41 =	vmin.u32 v19, $0x9;
	vm0 =	vgt.s32 v36, $0x0;
	v28 =	vtrunc.f32 v30  }
0x1df: {  	v44 =	vadd.f32 v22, v31;
	v43 =	vmul.f32 v24, v1;
	v19 =	vtrunc.f32 v27  }
0x1e0: {  	v27 =	vmin.u32 v20, $0x9;
	v30 =	vcvt.f32.s32 v19;
	v19 =	vmul.f32 v29, v1  }
0x1e1: {  	v20 =	vcvt.f32.s32 v26;
	v29 =	vcvt.f32.s32 v33;
	v22 =	vsub.f32 v13, v2  }
0x1e2: {  	v18 =	vmul.f32 v18, v18;
	v26 =	vmul.f32 v25, v35;
	v31 =	vsub.f32 v38, v37  }
0x1e3: {  	v24 =	vnsel vm0, $0x0, v36;
	vm0 =	vgt.s32 v30, $0x0;
	v25 =	vtrunc.f32 v19  }
0x1e4: {  	vm1 =	vgt.s32 v11, $0x0;
	vm2 =	vgt.s32 v29, $0x0;
	v19 =	vmul.f32 v31, v31  }
.Ltmp2:
0x1e5: {  	v30 =	vnsel vm0, $0x0, v30;
	v38 =	vcvt.f32.s32 v25;
	v25 =	vmul.f32 v18, v32;
	v33 =	vld.idx.msk [tilespmem:v23+s21+$0x0], $0xffff;
	(pc) =	sbr.rel @p0 .LBB2_6-.Ltmp2, $4  }
0x1e6: {  	v18 =	vnsel vm2, $0x0, v29;
	v31 =	vmin.u32 v30, $0x9;
	v23 =	vtrunc.f32 v42  }
0x1e7: {  	v30 =	vmin.u32 v18, $0x9;
	vm2 =	vgt.s32 v38, $0x0;
	v36 =	vcvt.f32.s32 v23;
	v18 =	vld [tilespmem:s1+$0x400]  }
0x1e8: {  	v35 =	vtrunc.f32 v43;
	v37 =	vadd.f32 v25, v44;
	v23 =	vsub.f32 v39, v40;
	v32 =	vld.idx.msk [tilespmem:v41+s21+$0x0], $0xffff  }
0x1e9: {  	s2 =	sadd.s32 $0x80, s2;
	s4 =	smov.u32 s23;
	v34 =	vmul.f32 v34, v34;
	vm0 =	vgt.s32 v20, $0x0;
	v29 =	vnsel vm2, $0x0, v38;
	v25 =	vld [tilespmem:s1+$0x60]  }
0x1ea: {  	v28 =	vcvt.f32.s32 v28  }
0x1eb: {  	vm2 =	vgt.s32 v36, $0x0;
	v12 =	vmul.f32 v12, v1;
	v3 =	vmul.f32 v3, v33  }
0x1ec: {  	v21 =	vadd.f32 v21, v37;
	v22 =	vmul.f32 v22, v1;
	v35 =	vcvt.f32.s32 v35  }
0x1ed: {  	v11 =	vnsel vm1, $0x0, v11;
	v24 =	vmin.u32 v24, $0x9;
	v20 =	vnsel vm0, $0x0, v20  }
0x1ee: {  	v29 =	vmin.u32 v29, $0x9;
	v36 =	vnsel vm2, $0x0, v36;
	v11 =	vmin.u32 v11, $0x9  }
0x1ef: {  	v20 =	vmin.u32 v20, $0x9;
	vm2 =	vgt.s32 v28, $0x0;
	v22 =	vtrunc.f32 v22  }
0x1f0: {  	v27 =	vld.idx.msk [tilespmem:v27+s21+$0x0], $0xffff;
	v46 =	vmin.u32 v36, $0x9;
	v21 =	vadd.f32 v26, v21;
	v22 =	vcvt.f32.s32 v22  }
0x1f1: {  	v31 =	vld.idx.msk [tilespmem:v31+s21+$0x0], $0xffff;
	v12 =	vtrunc.f32 v12;
	vm1 =	vgt.s32 v35, $0x0;
	v28 =	vnsel vm2, $0x0, v28  }
0x1f2: {  	v30 =	vld.idx.msk [tilespmem:v30+s21+$0x0], $0xffff;
	v12 =	vcvt.f32.s32 v12;
	v3 =	vadd.f32 v3, v21;
	vm0 =	vgt.s32 v22, $0x0  }
0x1f3: {  	v47 =	vnsel vm1, $0x0, v35;
	v26 =	vmin.u32 v28, $0x9;
	v24 =	vld.idx.msk [tilespmem:v24+s21+$0x0], $0xffff;
	v22 =	vnsel vm0, $0x0, v22  }
0x1f4: {  	vm0 =	vgt.s32 v12, $0x0;
	v3 =	vadd.f32 v9, v3;
	v9 =	vmin.u32 v47, $0x9;
	v11 =	vld.idx.msk [tilespmem:v11+s21+$0x0], $0xffff  }
0x1f5: {  	v28 =	vmul.f32 v34, v32;
	v20 =	vld.idx.msk [tilespmem:v20+s21+$0x0], $0xffff;
	v22 =	vmin.u32 v22, $0x9;
	v12 =	vnsel vm0, $0x0, v12  }
0x1f6: {  	v21 =	vld.idx.msk [tilespmem:v46+s21+$0x0], $0xffff;
	v12 =	vmin.u32 v12, $0x9  }
0x1f7: {  	v17 =	vmul.f32 v17, v17;
	v19 =	vmul.f32 v19, v30;
	v3 =	vadd.f32 v28, v3;
	v28 =	vld.idx.msk [tilespmem:v29+s21+$0x0], $0xffff  }
0x1f8: {  	v26 =	vld.idx.msk [tilespmem:v26+s21+$0x0], $0xffff  }
0x1f9: {  	v8 =	vmul.f32 v8, v8;
	v17 =	vmul.f32 v17, v27;
	v3 =	vadd.f32 v19, v3;
	v9 =	vld.idx.msk [tilespmem:v9+s21+$0x0], $0xffff  }
0x1fa: {  	s1 =	simm.s32 $0x0;
	v19 =	vld.idx.msk [tilespmem:v22+s21+$0x0], $0xffff  }
0x1fb: {  	v6 =	vmul.f32 v6, v6;
	v8 =	vmul.f32 v8, v24;
	v3 =	vadd.f32 v17, v3;
	v12 =	vld.idx.msk [tilespmem:v12+s21+$0x0], $0xffff;
	[tilespmem:s1], [sflag:$0x1] =	stream.linear.gather [hbm4b:s13+s1], $0x2000, $0x38  }
0x1fc: {  	v16 =	vmul.f32 v16, v16  }
0x1fd: {  	v5 =	vsub.f32 v25, v5;
	v6 =	vmul.f32 v6, v26;
	v3 =	vadd.f32 v8, v3;
	[tilespmem:s24], [sflag:$0x3] =	stream.linear.gather [hbm4b:s14+s1], $0x2000, $0x38;
	[tilespmem:$0x8180] =	vst v63  }
0x1fe: {  	_ =	swait.ge [sflag:s30], $0x2000  }
0x1ff: {  	v5 =	vmul.f32 v5, v5;
	v8 =	vmul.f32 v16, v31;
	v3 =	vadd.f32 v6, v3;
	[sflag:s30] =	ssyncset.done $0x0  }
0x200: {  	v13 =	vsub.f32 v18, v13;
	[sflag:s30] =	ssyncadd.s32 $0xFFFFE000  }
0x201: {  	v5 =	vmul.f32 v5, v20;
	v6 =	vmul.f32 v23, v23;
	v3 =	vadd.f32 v8, v3;
	_ =	swait.ge [sflag:s31], $0x2000  }
0x202: {  	v7 =	vsub.f32 v15, v7;
	s2 =	sand.u32 $0x1800, s1;
	s1 =	sand.u32 $0x380, s1;
	[sflag:s31] =	ssyncset.done $0x0  }
0x203: {  	s1 =	sor.u32 s1, s2;
	v6 =	vmul.f32 v6, v21;
	v3 =	vadd.f32 v5, v3;
	v5 =	vmul.f32 v13, v13;
	[sflag:s31] =	ssyncadd.s32 $0xFFFFE000  }
0x204: {  	v15 =	vld [tilespmem:s1+$0x6438]  }
0x205: {  	v7 =	vmul.f32 v7, v7;
	v3 =	vadd.f32 v6, v3;
	v5 =	vmul.f32 v5, v19;
	v16 =	vld [tilespmem:s1+$0x2030]  }
0x206: {  	v18 =	vld [tilespmem:s1+$0x6070]  }
0x207: {  	v8 =	vmul.f32 v10, v10;
	v3 =	vadd.f32 v5, v3;
	v5 =	vmul.f32 v7, v9;
	v7 =	vld [tilespmem:s1+$0x6030]  }
0x208: {  	v9 =	vmul.f32 v0, v11;
	v11 =	vmul.f32 v14, v12;
	v14 =	vld [tilespmem:s1+$0x6000]  }
0x209: {  	v8 =	vmul.f32 v8, v28;
	v12 =	vld [tilespmem:s1+$0x6060]  }
0x20a: {  	v4 =	vmul.f32 v4, v4;
	v22 =	vld [tilespmem:s1+$0x2000]  }
0x20b: {  	v17 =	vld [tilespmem:s1+$0x6010];
	v3 =	vadd.f32 v8, v3  }
0x20c: {  	v10 =	vld [tilespmem:s1+$0x2430];
	v4 =	vmul.f32 v9, v4;
	v9 =	vsub.f32 v15, v2;
	v26 =	vsub.f32 v18, v2  }
0x20d: {  	v13 =	vld [tilespmem:s1+$0x6430];
	v3 =	vadd.f32 v5, v3;
	v19 =	vsub.f32 v14, v2  }
0x20e: {  	v6 =	vld [tilespmem:s1+$0x2438];
	v9 =	vmul.f32 v9, v1;
	v21 =	vsub.f32 v12, v2;
	v16 =	vsub.f32 v16, v7  }
0x20f: {  	v7 =	vsub.f32 v7, v2;
	v14 =	vsub.f32 v22, v14;
	v22 =	vmul.f32 v26, v1  }
0x210: {  	v8 =	vld [tilespmem:s1+$0x6040];
	v25 =	vsub.f32 v17, v2;
	v19 =	vmul.f32 v19, v1;
	v21 =	vmul.f32 v21, v1  }
0x211: {  	v3 =	vadd.f32 v11, v3;
	v7 =	vmul.f32 v7, v1;
	v22 =	vtrunc.f32 v22  }
0x212: {  	v10 =	vsub.f32 v10, v13;
	v14 =	vmul.f32 v14, v14;
	v16 =	vmul.f32 v16, v16  }
0x213: {  	v5 =	vadd.f32 v4, v3;
	v4 =	vsub.f32 v6, v15;
	v6 =	vtrunc.f32 v9  }
0x214: {  	v11 =	vld [tilespmem:s1+$0x6020];
	v15 =	vsub.f32 v13, v2;
	v13 =	vmul.f32 v25, v1;
	v22 =	vcvt.f32.s32 v22  }
0x215: {  	v26 =	vld [tilespmem:s1+$0x2020];
	v9 =	vsub.f32 v8, v2;
	v20 =	vcvt.f32.s32 v6;
	v19 =	vtrunc.f32 v19  }
0x216: {  	v3 =	vld [tilespmem:s1+$0x2040];
	v21 =	vtrunc.f32 v21;
	v7 =	vtrunc.f32 v7  }
0x217: {  	v9 =	vmul.f32 v9, v1;
	v19 =	vcvt.f32.s32 v19  }
0x218: {  	v13 =	vtrunc.f32 v13;
	v7 =	vcvt.f32.s32 v7  }
0x219: {  	v21 =	vcvt.f32.s32 v21;
	v15 =	vmul.f32 v15, v1;
	v23 =	vsub.f32 v11, v2  }
0x21a: {  	v53 =	vmul.f32 v4, v4;
	v11 =	vsub.f32 v26, v11;
	v13 =	vcvt.f32.s32 v13  }
0x21b: {  	v27 =	vld [tilespmem:s1+$0x6050];
	v9 =	vtrunc.f32 v9;
	v6 =	vsub.f32 v3, v8;
	v3 =	vmul.f32 v23, v1  }
0x21c: {  	v28 =	vld [tilespmem:s1+$0x2050];
	vm0 =	vgt.s32 v19, $0x0;
	v15 =	vtrunc.f32 v15;
	v9 =	vcvt.f32.s32 v9  }
0x21d: {  	v24 =	vld [tilespmem:s1+$0x6410];
	vm2 =	vgt.s32 v13, $0x0;
	v15 =	vcvt.f32.s32 v15;
	v3 =	vtrunc.f32 v3  }
0x21e: {  	v31 =	vld [tilespmem:s1+$0x2420];
	v13 =	vnsel vm2, $0x0, v13;
	vm2 =	vgt.s32 v22, $0x0;
	v25 =	vcvt.f32.s32 v3  }
0x21f: {  	v23 =	vld [tilespmem:s1+$0x6420];
	v11 =	vmul.f32 v11, v11;
	v13 =	vmin.u32 v13, $0x9;
	v22 =	vnsel vm2, $0x0, v22  }
0x220: {  	v8 =	vld [tilespmem:s1+$0x2410];
	v3 =	vmul.f32 v10, v10;
	v10 =	vnsel vm0, $0x0, v19;
	vm1 =	vgt.s32 v25, $0x0  }
0x221: {  	v19 =	vnsel vm1, $0x0, v25;
	v25 =	vsub.f32 v27, v2;
	v27 =	vsub.f32 v28, v27;
	v28 =	vld [tilespmem:s1+$0x2010]  }
0x222: {  	vm2 =	vgt.s32 v9, $0x0;
	v6 =	vmul.f32 v6, v6;
	v22 =	vmin.u32 v22, $0x9  }
0x223: {  	v29 =	vld [tilespmem:s1+$0x6400];
	vm0 =	vgt.s32 v7, $0x0;
	v9 =	vnsel vm2, $0x0, v9;
	v10 =	vmin.u32 v10, $0x9  }
0x224: {  	v48 =	vld [tilespmem:s1+$0x2400];
	v7 =	vnsel vm0, $0x0, v7;
	v9 =	vmin.u32 v9, $0x9;
	v30 =	vsub.f32 v23, v2  }
0x225: {  	v8 =	vsub.f32 v8, v24;
	v24 =	vsub.f32 v24, v2;
	v7 =	vmin.u32 v7, $0x9;
	v13 =	vld.idx.msk [tilespmem:v13+s21+$0x0], $0xffff  }
0x226: {  	v23 =	vsub.f32 v31, v23;
	v26 =	vmul.f32 v30, v1;
	v17 =	vsub.f32 v28, v17;
	v28 =	vld [tilespmem:s1+$0x2070]  }
0x227: {  	v19 =	vmin.u32 v19, $0x9;
	v24 =	vmul.f32 v24, v1;
	v52 =	vmul.f32 v8, v8;
	v22 =	vld.idx.msk [tilespmem:v22+s21+$0x0], $0xffff  }
0x228: {  	vm1 =	vgt.s32 v20, $0x0;
	v23 =	vmul.f32 v23, v23;
	v25 =	vmul.f32 v25, v1;
	v10 =	vld.idx.msk [tilespmem:v10+s21+$0x0], $0xffff  }
0x229: {  	v30 =	vsub.f32 v29, v2;
	v24 =	vtrunc.f32 v24;
	v26 =	vtrunc.f32 v26;
	v8 =	vld.idx.msk [tilespmem:v9+s21+$0x0], $0xffff  }
0x22a: {  	s5 =	simm.s32 $0x100;
	s23 =	simm.s32 $0x80;
	v20 =	vnsel vm1, $0x0, v20;
	v25 =	vtrunc.f32 v25;
	v26 =	vcvt.f32.s32 v26;
	v7 =	vld.idx.msk [tilespmem:v7+s21+$0x0], $0xffff  }
0x22b: {  	s2 =	sand.u32 $0x380, s23;
	v30 =	vmul.f32 v30, v1;
	v25 =	vcvt.f32.s32 v25;
	v18 =	vsub.f32 v28, v18;
	v28 =	vld [tilespmem:s1+$0x2060];
	s1 =	sand.u32 $0x1800, s5  }
0x22c: {  	v9 =	vmul.f32 v27, v27;
	v24 =	vcvt.f32.s32 v24;
	v19 =	vld.idx.msk [tilespmem:v19+s21+$0x0], $0xffff;
	vm1 =	vgt.s32 v26, $0x0;
	s1 =	sor.u32 s2, s1  }
0x22d: {  	vm0 =	vgt.s32 v25, $0x0;
	v10 =	vmul.f32 v14, v10;
	v14 =	vmin.u32 v20, $0x9;
	v20 =	vld [tilespmem:s1+$0x6430]  }
0x22e: {  	v17 =	vmul.f32 v17, v17;
	v25 =	vnsel vm0, $0x0, v25;
	vm0 =	vgt.s32 v24, $0x0;
	v50 =	vld [tilespmem:s1+$0x6438]  }
0x22f: {  	v25 =	vmin.u32 v25, $0x9;
	v24 =	vnsel vm0, $0x0, v24;
	vm0 =	vgt.s32 v21, $0x0;
	v31 =	vld [tilespmem:s1+$0x2030]  }
0x230: {  	v13 =	vmul.f32 v17, v13;
	v7 =	vmul.f32 v16, v7;
	v10 =	vadd.f32 v10, v5;
	v27 =	vld [tilespmem:s1+$0x6040]  }
0x231: {  	v16 =	vmul.f32 v6, v8;
	v11 =	vmul.f32 v11, v19;
	v19 =	vsub.f32 v48, v29;
	v5 =	vld [tilespmem:s1+$0x6060]  }
0x232: {  	v24 =	vmin.u32 v24, $0x9;
	v4 =	vnsel vm0, $0x0, v21;
	v10 =	vadd.f32 v13, v10;
	v13 =	vld [tilespmem:s1+$0x2040]  }
0x233: {  	v17 =	vmin.u32 v4, $0x9;
	v18 =	vmul.f32 v18, v18;
	v55 =	vld [tilespmem:s1+$0x6010];
	v61 =	vmul.f32 v19, v19  }
0x234: {  	v25 =	vld.idx.msk [tilespmem:v25+s21+$0x0], $0xffff;
	v10 =	vadd.f32 v11, v10;
	v28 =	vsub.f32 v28, v12;
	v12 =	vnsel vm1, $0x0, v26  }
0x235: {  	v29 =	vld [tilespmem:s1+$0x6020];
	v18 =	vmul.f32 v18, v22;
	vm1 =	vgt.s32 v15, $0x0;
	v51 =	vmin.u32 v12, $0x9  }
0x236: {  	v26 =	vld [tilespmem:s1+$0x6030];
	v12 =	vtrunc.f32 v30;
	v15 =	vnsel vm1, $0x0, v15;
	v7 =	vadd.f32 v7, v10  }
0x237: {  	v14 =	vld.idx.msk [tilespmem:v14+s21+$0x0], $0xffff;
	v21 =	vsub.f32 v50, v2;
	v28 =	vmul.f32 v28, v28;
	v54 =	vsub.f32 v27, v2  }
0x238: {  	v10 =	vld.idx.msk [tilespmem:v17+s21+$0x0], $0xffff;
	v56 =	vmin.u32 v15, $0x9;
	v22 =	vsub.f32 v5, v2;
	v6 =	vsub.f32 v13, v27  }
0x239: {  	v30 =	vld [tilespmem:s1+$0x6000];
	v27 =	vsub.f32 v55, v2;
	v7 =	vadd.f32 v16, v7;
	v25 =	vmul.f32 v9, v25  }
0x23a: {  	v15 =	vld [tilespmem:s1+$0x2430];
	v16 =	vsub.f32 v29, v2;
	v9 =	vmul.f32 v21, v1;
	v21 =	vcvt.f32.s32 v12  }
0x23b: {  	v13 =	vld [tilespmem:s1+$0x2000];
	v8 =	vsub.f32 v31, v26;
	v17 =	vsub.f32 v26, v2;
	v26 =	vmul.f32 v54, v1  }
0x23c: {  	v38 =	vld [tilespmem:s1+$0x6070];
	v12 =	vsub.f32 v20, v2;
	v16 =	vmul.f32 v16, v1;
	v9 =	vtrunc.f32 v9  }
0x23d: {  	v49 =	vld [tilespmem:s1+$0x2438];
	vm0 =	vgt.s32 v21, $0x0;
	v25 =	vadd.f32 v25, v7;
	v10 =	vmul.f32 v28, v10  }
0x23e: {  	v57 =	vld [tilespmem:s1+$0x2410];
	v11 =	vcvt.f32.s32 v9;
	v9 =	vmul.f32 v0, v14;
	v14 =	vsub.f32 v30, v2  }
0x23f: {  	v31 =	vld [tilespmem:s1+$0x6410];
	v21 =	vnsel vm0, $0x0, v21;
	v15 =	vsub.f32 v15, v20;
	v20 =	vmul.f32 v22, v1  }
0x240: {  	v39 =	vsub.f32 v13, v30;
	v22 =	vmin.u32 v21, $0x9;
	v21 =	vld.idx.msk [tilespmem:v24+s21+$0x0], $0xffff;
	v24 =	vmul.f32 v27, v1  }
0x241: {  	v27 =	vsub.f32 v38, v2;
	v9 =	vmul.f32 v9, v53;
	v14 =	vmul.f32 v14, v1  }
0x242: {  	v4 =	vsub.f32 v49, v50;
	v7 =	vld [tilespmem:s1+$0x6420];
	v20 =	vtrunc.f32 v20;
	v34 =	vmul.f32 v39, v39  }
0x243: {  	v30 =	vld [tilespmem:s1+$0x2050];
	v25 =	vadd.f32 v10, v25;
	v58 =	vmul.f32 v27, v1;
	v14 =	vtrunc.f32 v14  }
0x244: {  	vm1 =	vgt.s32 v11, $0x0;
	v13 =	vcvt.f32.s32 v14;
	v14 =	vtrunc.f32 v16;
	v16 =	vld [tilespmem:s1+$0x6050]  }
0x245: {  	v27 =	vld [tilespmem:s1+$0x2020];
	v10 =	vsub.f32 v57, v31;
	v24 =	vtrunc.f32 v24;
	v28 =	vcvt.f32.s32 v14  }
0x246: {  	v25 =	vadd.f32 v18, v25;
	v14 =	vmul.f32 v15, v15;
	v18 =	vld.idx.msk [tilespmem:v22+s21+$0x0], $0xffff;
	vm0 =	vgt.s32 v13, $0x0  }
0x247: {  	v40 =	vld [tilespmem:s1+$0x2010];
	v15 =	vnsel vm0, $0x0, v13;
	vm0 =	vgt.s32 v28, $0x0;
	v13 =	vmul.f32 v17, v1  }
0x248: {  	v35 =	vld.idx.msk [tilespmem:v51+s21+$0x0], $0xffff;
	v20 =	vcvt.f32.s32 v20;
	v21 =	vmul.f32 v52, v21;
	v59 =	vnsel vm0, $0x0, v28  }
0x249: {  	v41 =	vmin.u32 v15, $0x9;
	v17 =	vtrunc.f32 v13;
	v28 =	vsub.f32 v16, v2  }
0x24a: {  	v16 =	vsub.f32 v30, v16;
	v30 =	vsub.f32 v7, v2;
	v60 =	vcvt.f32.s32 v17  }
0x24b: {  	v13 =	vld [tilespmem:s1+$0x6400];
	v17 =	vsub.f32 v27, v29;
	v29 =	vsub.f32 v31, v2;
	v43 =	vmul.f32 v61, v18  }
0x24c: {  	v31 =	vsub.f32 v40, v55;
	v27 =	vmul.f32 v28, v1;
	v28 =	vtrunc.f32 v26  }
0x24d: {  	v42 =	vmul.f32 v30, v1;
	v26 =	vmul.f32 v23, v35;
	vm0 =	vgt.s32 v60, $0x0  }
0x24e: {  	v23 =	vld [tilespmem:s1+$0x2070];
	v19 =	vmul.f32 v31, v31;
	v37 =	vadd.f32 v43, v25;
	v15 =	vtrunc.f32 v27  }
0x24f: {  	v27 =	vmin.u32 v59, $0x9;
	v30 =	vcvt.f32.s32 v15;
	v15 =	vmul.f32 v29, v1  }
0x250: {  	v35 =	vtrunc.f32 v42;
	v29 =	vcvt.f32.s32 v24;
	v22 =	vsub.f32 v13, v2  }
0x251: {  	v33 =	vld.idx.msk [tilespmem:v56+s21+$0x0], $0xffff;
	v24 =	vnsel vm0, $0x0, v60;
	vm0 =	vgt.s32 v30, $0x0;
	v62 =	vtrunc.f32 v15  }
0x252: {  	v25 =	vld [tilespmem:s1+$0x2060];
	vm2 =	vgt.s32 v29, $0x0;
	v30 =	vnsel vm0, $0x0, v30;
	v63 =	vcvt.f32.s32 v62  }
0x253: {  	v32 =	vld.idx.msk [tilespmem:v41+s21+$0x0], $0xffff;
	v23 =	vsub.f32 v23, v38;
	v18 =	vnsel vm2, $0x0, v29;
	v31 =	vmin.u32 v30, $0x9  }
0x254: {  	v15 =	vld [tilespmem:s1+$0x2420];
	v29 =	vtrunc.f32 v58;
	v30 =	vmin.u32 v18, $0x9;
	vm2 =	vgt.s32 v63, $0x0  }
0x255: {  	s4 =	simm.s32 $0x200;
	s2 =	simm.s32 $0x100;
	vm0 =	vgt.s32 v20, $0x0;
	v36 =	vcvt.f32.s32 v29;
	v18 =	vld [tilespmem:s1+$0x2400];
	v29 =	vnsel vm2, $0x0, v63  }
.LBB2_8:
0x256: {  	s23 =	smov.u32 s4  }
0x257: {  	s1 =	sand.u32 $0x1800, s4;
	s5 =	sand.u32 $0x380, s2;
	v27 =	vld.idx.msk [tilespmem:v27+s21+$0x0], $0xffff;
	v28 =	vcvt.f32.s32 v28;
	vm2 =	vgt.s32 v36, $0x0;
	v12 =	vmul.f32 v12, v1;
	s23 =	sadd.s32 $0x100, s4  }
0x258: {  	p0 =	sne.s32 s4, $0x1F00;
	v21 =	vadd.f32 v21, v37;
	v33 =	vmul.f32 v3, v33;
	v3 =	vmovc v14;
	s1 =	sor.u32 s5, s1;
	v36 =	vnsel vm2, $0x0, v36;
	v31 =	vld.idx.msk [tilespmem:v31+s21+$0x0], $0xffff  }
0x259: {  	vm2 =	vgt.s32 v28, $0x0;
	v12 =	vtrunc.f32 v12;
	v14 =	vld.idx.msk [tilespmem:v30+s21+$0x0], $0xffff;
	v30 =	vmin.u32 v36, $0x9  }
0x25a: {  	v35 =	vcvt.f32.s32 v35;
	v11 =	vnsel vm1, $0x0, v11;
	v21 =	vadd.f32 v26, v21;
	v36 =	vld [tilespmem:s1+$0x2438]  }
0x25b: {  	v11 =	vmin.u32 v11, $0x9;
	v32 =	vmul.f32 v34, v32;
	v28 =	vnsel vm2, $0x0, v28;
	v26 =	vld [tilespmem:s1+$0x2430]  }
0x25c: {  	vm1 =	vgt.s32 v35, $0x0;
	v28 =	vmin.u32 v28, $0x9;
	v21 =	vadd.f32 v33, v21;
	v34 =	vld [tilespmem:s1+$0x6430]  }
0x25d: {  	v24 =	vmin.u32 v24, $0x9;
	v23 =	vmul.f32 v23, v23;
	v12 =	vcvt.f32.s32 v12;
	v33 =	vld [tilespmem:s1+$0x6030]  }
0x25e: {  	v25 =	vsub.f32 v25, v5;
	v5 =	vnsel vm1, $0x0, v35;
	v9 =	vadd.f32 v9, v21;
	v37 =	vld [tilespmem:s1+$0x6438]  }
0x25f: {  	v8 =	vmul.f32 v8, v8;
	v7 =	vsub.f32 v15, v7;
	vm1 =	vgt.s32 v12, $0x0;
	v21 =	vld [tilespmem:s1+$0x2030]  }
0x260: {  	v17 =	vmul.f32 v17, v17;
	v22 =	vmul.f32 v22, v1;
	v35 =	vmin.u32 v5, $0x9;
	v15 =	vld [tilespmem:s1+$0x2040]  }
0x261: {  	v38 =	vmul.f32 v10, v10;
	v10 =	vmin.u32 v29, $0x9;
	v29 =	vmul.f32 v4, v4;
	v30 =	vld.idx.msk [tilespmem:v30+s21+$0x0], $0xffff  }
0x262: {  	v4 =	vnsel vm0, $0x0, v20;
	v5 =	vmul.f32 v16, v16;
	v16 =	vtrunc.f32 v22;
	v28 =	vld.idx.msk [tilespmem:v28+s21+$0x0], $0xffff  }
0x263: {  	v22 =	vmin.u32 v4, $0x9;
	v14 =	vmul.f32 v19, v14;
	v20 =	vsub.f32 v37, v2;
	v19 =	vld.idx.msk [tilespmem:v24+s21+$0x0], $0xffff  }
0x264: {  	v31 =	vmul.f32 v5, v31;
	v9 =	vadd.f32 v32, v9;
	v4 =	vsub.f32 v36, v37;
	v24 =	vld [tilespmem:s1+$0x6040]  }
0x265: {  	v16 =	vcvt.f32.s32 v16;
	v32 =	vnsel vm1, $0x0, v12;
	v20 =	vmul.f32 v20, v1;
	v36 =	vld.idx.msk [tilespmem:v11+s21+$0x0], $0xffff  }
0x266: {  	v18 =	vsub.f32 v18, v13;
	v9 =	vadd.f32 v14, v9;
	v11 =	vmul.f32 v17, v27;
	v5 =	vld [tilespmem:s1+$0x6060]  }
0x267: {  	v6 =	vmul.f32 v6, v6;
	v13 =	vmul.f32 v25, v25;
	v12 =	vsub.f32 v34, v2;
	v17 =	vld [tilespmem:s1+$0x6020]  }
0x268: {  	v25 =	vmul.f32 v7, v7;
	v20 =	vtrunc.f32 v20;
	v9 =	vadd.f32 v11, v9;
	v14 =	vld [tilespmem:s1+$0x6000]  }
0x269: {  	v8 =	vmul.f32 v8, v19;
	v19 =	vmul.f32 v6, v28;
	v37 =	vld [tilespmem:s1+$0x6010];
	v7 =	vsub.f32 v24, v2  }
0x26a: {  	v11 =	vcvt.f32.s32 v20;
	v20 =	vld.idx.msk [tilespmem:v22+s21+$0x0], $0xffff;
	v22 =	vmul.f32 v23, v30;
	v23 =	vmin.u32 v32, $0x9  }
0x26b: {  	v9 =	vadd.f32 v8, v9;
	v28 =	vmul.f32 v0, v36;
	v27 =	vsub.f32 v5, v2;
	v39 =	vld [tilespmem:s1+$0x2070]  }
0x26c: {  	v8 =	vsub.f32 v21, v33;
	v21 =	vsub.f32 v33, v2;
	v30 =	vmul.f32 v7, v1;
	v7 =	vld [tilespmem:s1+$0x6420]  }
0x26d: {  	vm0 =	vgt.s32 v16, $0x0;
	v6 =	vsub.f32 v15, v24;
	v15 =	vadd.f32 v19, v9;
	v40 =	vld [tilespmem:s1+$0x6070]  }
0x26e: {  	v32 =	vsub.f32 v17, v2;
	v9 =	vmul.f32 v28, v29;
	v24 =	vsub.f32 v14, v2;
	v19 =	vld [tilespmem:s1+$0x2000]  }
0x26f: {  	v28 =	vsub.f32 v37, v2;
	v31 =	vadd.f32 v31, v15;
	v15 =	vnsel vm0, $0x0, v16;
	v29 =	vld [tilespmem:s1+$0x6410]  }
0x270: {  	v26 =	vsub.f32 v26, v34;
	v16 =	vmul.f32 v24, v1;
	v24 =	vmul.f32 v32, v1;
	v32 =	vld [tilespmem:s1+$0x2410]  }
0x271: {  	v27 =	vmul.f32 v27, v1;
	v13 =	vmul.f32 v13, v20;
	v20 =	vmin.u32 v15, $0x9;
	v33 =	vld.idx.msk [tilespmem:v10+s21+$0x0], $0xffff  }
0x272: {  	v10 =	vtrunc.f32 v16;
	v16 =	vmul.f32 v28, v1;
	v28 =	vsub.f32 v40, v2;
	v15 =	vld [tilespmem:s1+$0x2420]  }
0x273: {  	v34 =	vsub.f32 v19, v14;
	v19 =	vcvt.f32.s32 v10;
	v10 =	vtrunc.f32 v24;
	v24 =	vld [tilespmem:s1+$0x6050]  }
0x274: {  	v31 =	vadd.f32 v13, v31;
	v36 =	vcvt.f32.s32 v10;
	v41 =	vld [tilespmem:s1+$0x2050];
	v42 =	vmul.f32 v28, v1  }
0x275: {  	v14 =	vmul.f32 v26, v26;
	vm0 =	vgt.s32 v19, $0x0;
	v28 =	vld [tilespmem:s1+$0x2020];
	v10 =	vsub.f32 v32, v29  }
0x276: {  	v13 =	vmul.f32 v21, v1;
	v19 =	vnsel vm0, $0x0, v19;
	vm0 =	vgt.s32 v36, $0x0;
	v32 =	vld.idx.msk [tilespmem:v20+s21+$0x0], $0xffff  }
0x277: {  	v26 =	vtrunc.f32 v27;
	v21 =	vmul.f32 v38, v33;
	v20 =	vnsel vm0, $0x0, v36  }
0x278: {  	v33 =	vtrunc.f32 v16;
	v16 =	vtrunc.f32 v13;
	v27 =	vsub.f32 v24, v2;
	v13 =	vld [tilespmem:s1+$0x6400]  }
0x279: {  	v36 =	vcvt.f32.s32 v16;
	v16 =	vsub.f32 v41, v24;
	v24 =	vsub.f32 v7, v2;
	v35 =	vld.idx.msk [tilespmem:v35+s21+$0x0], $0xffff  }
0x27a: {  	v29 =	vsub.f32 v29, v2;
	v38 =	vld [tilespmem:s1+$0x2010];
	v17 =	vsub.f32 v28, v17;
	v27 =	vmul.f32 v27, v1  }
0x27b: {  	v41 =	vmin.u32 v19, $0x9;
	vm0 =	vgt.s32 v36, $0x0;
	v28 =	vtrunc.f32 v30  }
0x27c: {  	v44 =	vadd.f32 v22, v31;
	v43 =	vmul.f32 v24, v1;
	v19 =	vtrunc.f32 v27  }
0x27d: {  	v27 =	vmin.u32 v20, $0x9;
	v30 =	vcvt.f32.s32 v19;
	v19 =	vmul.f32 v29, v1  }
0x27e: {  	v20 =	vcvt.f32.s32 v26;
	v29 =	vcvt.f32.s32 v33;
	v22 =	vsub.f32 v13, v2  }
0x27f: {  	v18 =	vmul.f32 v18, v18;
	v26 =	vmul.f32 v25, v35;
	v31 =	vsub.f32 v38, v37  }
0x280: {  	v24 =	vnsel vm0, $0x0, v36;
	vm0 =	vgt.s32 v30, $0x0;
	v25 =	vtrunc.f32 v19  }
0x281: {  	vm1 =	vgt.s32 v11, $0x0;
	vm2 =	vgt.s32 v29, $0x0;
	v19 =	vmul.f32 v31, v31  }
.Ltmp3:
0x282: {  	v30 =	vnsel vm0, $0x0, v30;
	v38 =	vcvt.f32.s32 v25;
	v25 =	vmul.f32 v18, v32;
	v33 =	vld.idx.msk [tilespmem:v23+s21+$0x0], $0xffff;
	(pc) =	sbr.rel @p0 .LBB2_8-.Ltmp3, $4  }
0x283: {  	v18 =	vnsel vm2, $0x0, v29;
	v31 =	vmin.u32 v30, $0x9;
	v23 =	vtrunc.f32 v42  }
0x284: {  	v30 =	vmin.u32 v18, $0x9;
	vm2 =	vgt.s32 v38, $0x0;
	v36 =	vcvt.f32.s32 v23;
	v18 =	vld [tilespmem:s1+$0x2400]  }
0x285: {  	v35 =	vtrunc.f32 v43;
	v37 =	vadd.f32 v25, v44;
	v23 =	vsub.f32 v39, v40;
	v32 =	vld.idx.msk [tilespmem:v41+s21+$0x0], $0xffff  }
0x286: {  	s2 =	sadd.s32 $0x80, s2;
	s4 =	smov.u32 s23;
	v34 =	vmul.f32 v34, v34;
	vm0 =	vgt.s32 v20, $0x0;
	v29 =	vnsel vm2, $0x0, v38;
	v25 =	vld [tilespmem:s1+$0x2060]  }
0x287: {  	v28 =	vcvt.f32.s32 v28  }
0x288: {  	vm2 =	vgt.s32 v36, $0x0;
	v12 =	vmul.f32 v12, v1;
	v3 =	vmul.f32 v3, v33  }
0x289: {  	v21 =	vadd.f32 v21, v37;
	v22 =	vmul.f32 v22, v1;
	v35 =	vcvt.f32.s32 v35  }
0x28a: {  	v11 =	vnsel vm1, $0x0, v11;
	v24 =	vmin.u32 v24, $0x9;
	v20 =	vnsel vm0, $0x0, v20  }
0x28b: {  	v29 =	vmin.u32 v29, $0x9;
	v36 =	vnsel vm2, $0x0, v36;
	v11 =	vmin.u32 v11, $0x9  }
0x28c: {  	v20 =	vmin.u32 v20, $0x9;
	vm2 =	vgt.s32 v28, $0x0;
	v22 =	vtrunc.f32 v22  }
0x28d: {  	v27 =	vld.idx.msk [tilespmem:v27+s21+$0x0], $0xffff;
	v46 =	vmin.u32 v36, $0x9;
	v21 =	vadd.f32 v26, v21;
	v22 =	vcvt.f32.s32 v22  }
0x28e: {  	v31 =	vld.idx.msk [tilespmem:v31+s21+$0x0], $0xffff;
	v12 =	vtrunc.f32 v12;
	vm1 =	vgt.s32 v35, $0x0;
	v28 =	vnsel vm2, $0x0, v28  }
0x28f: {  	v30 =	vld.idx.msk [tilespmem:v30+s21+$0x0], $0xffff;
	v12 =	vcvt.f32.s32 v12;
	v3 =	vadd.f32 v3, v21;
	vm0 =	vgt.s32 v22, $0x0  }
0x290: {  	v47 =	vnsel vm1, $0x0, v35;
	v26 =	vmin.u32 v28, $0x9;
	v24 =	vld.idx.msk [tilespmem:v24+s21+$0x0], $0xffff;
	v22 =	vnsel vm0, $0x0, v22  }
0x291: {  	vm0 =	vgt.s32 v12, $0x0;
	v3 =	vadd.f32 v9, v3;
	v9 =	vmin.u32 v47, $0x9;
	v11 =	vld.idx.msk [tilespmem:v11+s21+$0x0], $0xffff  }
0x292: {  	v28 =	vmul.f32 v34, v32;
	v20 =	vld.idx.msk [tilespmem:v20+s21+$0x0], $0xffff;
	v22 =	vmin.u32 v22, $0x9;
	v12 =	vnsel vm0, $0x0, v12  }
0x293: {  	v21 =	vld.idx.msk [tilespmem:v46+s21+$0x0], $0xffff;
	v12 =	vmin.u32 v12, $0x9  }
0x294: {  	v17 =	vmul.f32 v17, v17;
	v19 =	vmul.f32 v19, v30;
	v3 =	vadd.f32 v28, v3;
	v28 =	vld.idx.msk [tilespmem:v29+s21+$0x0], $0xffff  }
0x295: {  	v26 =	vld.idx.msk [tilespmem:v26+s21+$0x0], $0xffff  }
0x296: {  	v8 =	vmul.f32 v8, v8;
	v17 =	vmul.f32 v17, v27;
	v3 =	vadd.f32 v19, v3;
	v9 =	vld.idx.msk [tilespmem:v9+s21+$0x0], $0xffff  }
0x297: {  	s1 =	simm.s32 $0x0;
	v19 =	vld.idx.msk [tilespmem:v22+s21+$0x0], $0xffff  }
0x298: {  	v6 =	vmul.f32 v6, v6;
	v8 =	vmul.f32 v8, v24;
	v3 =	vadd.f32 v17, v3;
	v12 =	vld.idx.msk [tilespmem:v12+s21+$0x0], $0xffff;
	[tilespmem:s25], [sflag:$0x2] =	stream.linear.gather [hbm4b:s15+s1], $0x2000, $0x38  }
0x299: {  	v16 =	vmul.f32 v16, v16  }
0x29a: {  	v5 =	vsub.f32 v25, v5;
	v6 =	vmul.f32 v6, v26;
	v3 =	vadd.f32 v8, v3;
	[tilespmem:s26], [sflag:$0x4] =	stream.linear.gather [hbm4b:s16+s1], $0x2000, $0x38;
	[tilespmem:$0x8180] =	vst v63  }
0x29b: {  	_ =	swait.ge [sflag:s28], $0x2000  }
0x29c: {  	v5 =	vmul.f32 v5, v5;
	v8 =	vmul.f32 v16, v31;
	v3 =	vadd.f32 v6, v3;
	[sflag:s28] =	ssyncset.done $0x0  }
0x29d: {  	v13 =	vsub.f32 v18, v13;
	[sflag:s28] =	ssyncadd.s32 $0xFFFFE000  }
0x29e: {  	v5 =	vmul.f32 v5, v20;
	v6 =	vmul.f32 v23, v23;
	v3 =	vadd.f32 v8, v3;
	_ =	swait.ge [sflag:s29], $0x2000  }
0x29f: {  	v7 =	vsub.f32 v15, v7;
	s2 =	sand.u32 $0x1800, s1;
	s1 =	sand.u32 $0x380, s1;
	[sflag:s29] =	ssyncset.done $0x0  }
0x2a0: {  	s1 =	sor.u32 s1, s2;
	v6 =	vmul.f32 v6, v21;
	v3 =	vadd.f32 v5, v3;
	v5 =	vmul.f32 v13, v13;
	[sflag:s29] =	ssyncadd.s32 $0xFFFFE000  }
0x2a1: {  	v15 =	vld [tilespmem:s1+$0x4438]  }
0x2a2: {  	v7 =	vmul.f32 v7, v7;
	v3 =	vadd.f32 v6, v3;
	v5 =	vmul.f32 v5, v19;
	v16 =	vld [tilespmem:s1+$0x30]  }
0x2a3: {  	v18 =	vld [tilespmem:s1+$0x4070]  }
0x2a4: {  	v8 =	vmul.f32 v10, v10;
	v3 =	vadd.f32 v5, v3;
	v5 =	vmul.f32 v7, v9;
	v7 =	vld [tilespmem:s1+$0x4030]  }
0x2a5: {  	v9 =	vmul.f32 v0, v11;
	v11 =	vmul.f32 v14, v12;
	v14 =	vld [tilespmem:s1+$0x4000]  }
0x2a6: {  	v8 =	vmul.f32 v8, v28;
	v12 =	vld [tilespmem:s1+$0x4060]  }
0x2a7: {  	v4 =	vmul.f32 v4, v4;
	v22 =	vld [tilespmem:s1+$0x0]  }
0x2a8: {  	v17 =	vld [tilespmem:s1+$0x4010];
	v3 =	vadd.f32 v8, v3  }
0x2a9: {  	v10 =	vld [tilespmem:s1+$0x430];
	v4 =	vmul.f32 v9, v4;
	v9 =	vsub.f32 v15, v2;
	v26 =	vsub.f32 v18, v2  }
0x2aa: {  	v13 =	vld [tilespmem:s1+$0x4430];
	v3 =	vadd.f32 v5, v3;
	v19 =	vsub.f32 v14, v2  }
0x2ab: {  	v6 =	vld [tilespmem:s1+$0x438];
	v9 =	vmul.f32 v9, v1;
	v21 =	vsub.f32 v12, v2;
	v16 =	vsub.f32 v16, v7  }
0x2ac: {  	v7 =	vsub.f32 v7, v2;
	v14 =	vsub.f32 v22, v14;
	v22 =	vmul.f32 v26, v1  }
0x2ad: {  	v8 =	vld [tilespmem:s1+$0x4040];
	v25 =	vsub.f32 v17, v2;
	v19 =	vmul.f32 v19, v1;
	v21 =	vmul.f32 v21, v1  }
0x2ae: {  	v3 =	vadd.f32 v11, v3;
	v7 =	vmul.f32 v7, v1;
	v22 =	vtrunc.f32 v22  }
0x2af: {  	v10 =	vsub.f32 v10, v13;
	v14 =	vmul.f32 v14, v14;
	v16 =	vmul.f32 v16, v16  }
0x2b0: {  	v5 =	vadd.f32 v4, v3;
	v4 =	vsub.f32 v6, v15;
	v6 =	vtrunc.f32 v9  }
0x2b1: {  	v11 =	vld [tilespmem:s1+$0x4020];
	v15 =	vsub.f32 v13, v2;
	v13 =	vmul.f32 v25, v1;
	v22 =	vcvt.f32.s32 v22  }
0x2b2: {  	v26 =	vld [tilespmem:s1+$0x20];
	v9 =	vsub.f32 v8, v2;
	v20 =	vcvt.f32.s32 v6;
	v19 =	vtrunc.f32 v19  }
0x2b3: {  	v3 =	vld [tilespmem:s1+$0x40];
	v21 =	vtrunc.f32 v21;
	v7 =	vtrunc.f32 v7  }
0x2b4: {  	v9 =	vmul.f32 v9, v1;
	v19 =	vcvt.f32.s32 v19  }
0x2b5: {  	v13 =	vtrunc.f32 v13;
	v7 =	vcvt.f32.s32 v7  }
0x2b6: {  	v21 =	vcvt.f32.s32 v21;
	v15 =	vmul.f32 v15, v1;
	v23 =	vsub.f32 v11, v2  }
0x2b7: {  	v53 =	vmul.f32 v4, v4;
	v11 =	vsub.f32 v26, v11;
	v13 =	vcvt.f32.s32 v13  }
0x2b8: {  	v27 =	vld [tilespmem:s1+$0x4050];
	v9 =	vtrunc.f32 v9;
	v6 =	vsub.f32 v3, v8;
	v3 =	vmul.f32 v23, v1  }
0x2b9: {  	v28 =	vld [tilespmem:s1+$0x50];
	vm0 =	vgt.s32 v19, $0x0;
	v15 =	vtrunc.f32 v15;
	v9 =	vcvt.f32.s32 v9  }
0x2ba: {  	v24 =	vld [tilespmem:s1+$0x4410];
	vm2 =	vgt.s32 v13, $0x0;
	v15 =	vcvt.f32.s32 v15;
	v3 =	vtrunc.f32 v3  }
0x2bb: {  	v31 =	vld [tilespmem:s1+$0x420];
	v13 =	vnsel vm2, $0x0, v13;
	vm2 =	vgt.s32 v22, $0x0;
	v25 =	vcvt.f32.s32 v3  }
0x2bc: {  	v23 =	vld [tilespmem:s1+$0x4420];
	v11 =	vmul.f32 v11, v11;
	v13 =	vmin.u32 v13, $0x9;
	v22 =	vnsel vm2, $0x0, v22  }
0x2bd: {  	v8 =	vld [tilespmem:s1+$0x410];
	v3 =	vmul.f32 v10, v10;
	v10 =	vnsel vm0, $0x0, v19;
	vm1 =	vgt.s32 v25, $0x0  }
0x2be: {  	v19 =	vnsel vm1, $0x0, v25;
	v25 =	vsub.f32 v27, v2;
	v27 =	vsub.f32 v28, v27;
	v28 =	vld [tilespmem:s1+$0x10]  }
0x2bf: {  	vm2 =	vgt.s32 v9, $0x0;
	v6 =	vmul.f32 v6, v6;
	v22 =	vmin.u32 v22, $0x9  }
0x2c0: {  	v29 =	vld [tilespmem:s1+$0x4400];
	vm0 =	vgt.s32 v7, $0x0;
	v9 =	vnsel vm2, $0x0, v9;
	v10 =	vmin.u32 v10, $0x9  }
0x2c1: {  	v48 =	vld [tilespmem:s1+$0x400];
	v7 =	vnsel vm0, $0x0, v7;
	v9 =	vmin.u32 v9, $0x9;
	v30 =	vsub.f32 v23, v2  }
0x2c2: {  	v8 =	vsub.f32 v8, v24;
	v24 =	vsub.f32 v24, v2;
	v7 =	vmin.u32 v7, $0x9;
	v13 =	vld.idx.msk [tilespmem:v13+s21+$0x0], $0xffff  }
0x2c3: {  	v23 =	vsub.f32 v31, v23;
	v26 =	vmul.f32 v30, v1;
	v17 =	vsub.f32 v28, v17;
	v28 =	vld [tilespmem:s1+$0x70]  }
0x2c4: {  	v19 =	vmin.u32 v19, $0x9;
	v24 =	vmul.f32 v24, v1;
	v52 =	vmul.f32 v8, v8;
	v22 =	vld.idx.msk [tilespmem:v22+s21+$0x0], $0xffff  }
0x2c5: {  	vm1 =	vgt.s32 v20, $0x0;
	v23 =	vmul.f32 v23, v23;
	v25 =	vmul.f32 v25, v1;
	v10 =	vld.idx.msk [tilespmem:v10+s21+$0x0], $0xffff  }
0x2c6: {  	v30 =	vsub.f32 v29, v2;
	v24 =	vtrunc.f32 v24;
	v26 =	vtrunc.f32 v26;
	v8 =	vld.idx.msk [tilespmem:v9+s21+$0x0], $0xffff  }
0x2c7: {  	s5 =	simm.s32 $0x100;
	s23 =	simm.s32 $0x80;
	v20 =	vnsel vm1, $0x0, v20;
	v25 =	vtrunc.f32 v25;
	v26 =	vcvt.f32.s32 v26;
	v7 =	vld.idx.msk [tilespmem:v7+s21+$0x0], $0xffff  }
0x2c8: {  	s2 =	sand.u32 $0x380, s23;
	v30 =	vmul.f32 v30, v1;
	v25 =	vcvt.f32.s32 v25;
	v18 =	vsub.f32 v28, v18;
	v28 =	vld [tilespmem:s1+$0x60];
	s1 =	sand.u32 $0x1800, s5  }
0x2c9: {  	v9 =	vmul.f32 v27, v27;
	v24 =	vcvt.f32.s32 v24;
	v19 =	vld.idx.msk [tilespmem:v19+s21+$0x0], $0xffff;
	vm1 =	vgt.s32 v26, $0x0;
	s1 =	sor.u32 s2, s1  }
0x2ca: {  	vm0 =	vgt.s32 v25, $0x0;
	v10 =	vmul.f32 v14, v10;
	v14 =	vmin.u32 v20, $0x9;
	v20 =	vld [tilespmem:s1+$0x4430]  }
0x2cb: {  	v17 =	vmul.f32 v17, v17;
	v25 =	vnsel vm0, $0x0, v25;
	vm0 =	vgt.s32 v24, $0x0;
	v50 =	vld [tilespmem:s1+$0x4438]  }
0x2cc: {  	v25 =	vmin.u32 v25, $0x9;
	v24 =	vnsel vm0, $0x0, v24;
	vm0 =	vgt.s32 v21, $0x0;
	v31 =	vld [tilespmem:s1+$0x30]  }
0x2cd: {  	v13 =	vmul.f32 v17, v13;
	v7 =	vmul.f32 v16, v7;
	v10 =	vadd.f32 v10, v5;
	v27 =	vld [tilespmem:s1+$0x4040]  }
0x2ce: {  	v16 =	vmul.f32 v6, v8;
	v11 =	vmul.f32 v11, v19;
	v19 =	vsub.f32 v48, v29;
	v5 =	vld [tilespmem:s1+$0x4060]  }
0x2cf: {  	v24 =	vmin.u32 v24, $0x9;
	v4 =	vnsel vm0, $0x0, v21;
	v10 =	vadd.f32 v13, v10;
	v13 =	vld [tilespmem:s1+$0x40]  }
0x2d0: {  	v17 =	vmin.u32 v4, $0x9;
	v18 =	vmul.f32 v18, v18;
	v55 =	vld [tilespmem:s1+$0x4010];
	v61 =	vmul.f32 v19, v19  }
0x2d1: {  	v25 =	vld.idx.msk [tilespmem:v25+s21+$0x0], $0xffff;
	v10 =	vadd.f32 v11, v10;
	v28 =	vsub.f32 v28, v12;
	v12 =	vnsel vm1, $0x0, v26  }
0x2d2: {  	v29 =	vld [tilespmem:s1+$0x4020];
	v18 =	vmul.f32 v18, v22;
	vm1 =	vgt.s32 v15, $0x0;
	v51 =	vmin.u32 v12, $0x9  }
0x2d3: {  	v26 =	vld [tilespmem:s1+$0x4030];
	v12 =	vtrunc.f32 v30;
	v15 =	vnsel vm1, $0x0, v15;
	v7 =	vadd.f32 v7, v10  }
0x2d4: {  	v14 =	vld.idx.msk [tilespmem:v14+s21+$0x0], $0xffff;
	v21 =	vsub.f32 v50, v2;
	v28 =	vmul.f32 v28, v28;
	v54 =	vsub.f32 v27, v2  }
0x2d5: {  	v10 =	vld.idx.msk [tilespmem:v17+s21+$0x0], $0xffff;
	v56 =	vmin.u32 v15, $0x9;
	v22 =	vsub.f32 v5, v2;
	v6 =	vsub.f32 v13, v27  }
0x2d6: {  	v30 =	vld [tilespmem:s1+$0x4000];
	v27 =	vsub.f32 v55, v2;
	v7 =	vadd.f32 v16, v7;
	v25 =	vmul.f32 v9, v25  }
0x2d7: {  	v15 =	vld [tilespmem:s1+$0x430];
	v16 =	vsub.f32 v29, v2;
	v9 =	vmul.f32 v21, v1;
	v21 =	vcvt.f32.s32 v12  }
0x2d8: {  	v13 =	vld [tilespmem:s1+$0x0];
	v8 =	vsub.f32 v31, v26;
	v17 =	vsub.f32 v26, v2;
	v26 =	vmul.f32 v54, v1  }
0x2d9: {  	v38 =	vld [tilespmem:s1+$0x4070];
	v12 =	vsub.f32 v20, v2;
	v16 =	vmul.f32 v16, v1;
	v9 =	vtrunc.f32 v9  }
0x2da: {  	v49 =	vld [tilespmem:s1+$0x438];
	vm0 =	vgt.s32 v21, $0x0;
	v25 =	vadd.f32 v25, v7;
	v10 =	vmul.f32 v28, v10  }
0x2db: {  	v57 =	vld [tilespmem:s1+$0x410];
	v11 =	vcvt.f32.s32 v9;
	v9 =	vmul.f32 v0, v14;
	v14 =	vsub.f32 v30, v2  }
0x2dc: {  	v31 =	vld [tilespmem:s1+$0x4410];
	v21 =	vnsel vm0, $0x0, v21;
	v15 =	vsub.f32 v15, v20;
	v20 =	vmul.f32 v22, v1  }
0x2dd: {  	v39 =	vsub.f32 v13, v30;
	v22 =	vmin.u32 v21, $0x9;
	v21 =	vld.idx.msk [tilespmem:v24+s21+$0x0], $0xffff;
	v24 =	vmul.f32 v27, v1  }
0x2de: {  	v27 =	vsub.f32 v38, v2;
	v9 =	vmul.f32 v9, v53;
	v14 =	vmul.f32 v14, v1  }
0x2df: {  	v4 =	vsub.f32 v49, v50;
	v7 =	vld [tilespmem:s1+$0x4420];
	v20 =	vtrunc.f32 v20;
	v34 =	vmul.f32 v39, v39  }
0x2e0: {  	v30 =	vld [tilespmem:s1+$0x50];
	v25 =	vadd.f32 v10, v25;
	v58 =	vmul.f32 v27, v1;
	v14 =	vtrunc.f32 v14  }
0x2e1: {  	vm1 =	vgt.s32 v11, $0x0;
	v13 =	vcvt.f32.s32 v14;
	v14 =	vtrunc.f32 v16;
	v16 =	vld [tilespmem:s1+$0x4050]  }
0x2e2: {  	v27 =	vld [tilespmem:s1+$0x20];
	v10 =	vsub.f32 v57, v31;
	v24 =	vtrunc.f32 v24;
	v28 =	vcvt.f32.s32 v14  }
0x2e3: {  	v25 =	vadd.f32 v18, v25;
	v14 =	vmul.f32 v15, v15;
	v18 =	vld.idx.msk [tilespmem:v22+s21+$0x0], $0xffff;
	vm0 =	vgt.s32 v13, $0x0  }
0x2e4: {  	v40 =	vld [tilespmem:s1+$0x10];
	v15 =	vnsel vm0, $0x0, v13;
	vm0 =	vgt.s32 v28, $0x0;
	v13 =	vmul.f32 v17, v1  }
0x2e5: {  	v35 =	vld.idx.msk [tilespmem:v51+s21+$0x0], $0xffff;
	v20 =	vcvt.f32.s32 v20;
	v21 =	vmul.f32 v52, v21;
	v59 =	vnsel vm0, $0x0, v28  }
0x2e6: {  	v41 =	vmin.u32 v15, $0x9;
	v17 =	vtrunc.f32 v13;
	v28 =	vsub.f32 v16, v2  }
0x2e7: {  	v16 =	vsub.f32 v30, v16;
	v30 =	vsub.f32 v7, v2;
	v60 =	vcvt.f32.s32 v17  }
0x2e8: {  	v13 =	vld [tilespmem:s1+$0x4400];
	v17 =	vsub.f32 v27, v29;
	v29 =	vsub.f32 v31, v2;
	v43 =	vmul.f32 v61, v18  }
0x2e9: {  	v31 =	vsub.f32 v40, v55;
	v27 =	vmul.f32 v28, v1;
	v28 =	vtrunc.f32 v26  }
0x2ea: {  	v42 =	vmul.f32 v30, v1;
	v26 =	vmul.f32 v23, v35;
	vm0 =	vgt.s32 v60, $0x0  }
0x2eb: {  	v23 =	vld [tilespmem:s1+$0x70];
	v19 =	vmul.f32 v31, v31;
	v37 =	vadd.f32 v43, v25;
	v15 =	vtrunc.f32 v27  }
0x2ec: {  	v27 =	vmin.u32 v59, $0x9;
	v30 =	vcvt.f32.s32 v15;
	v15 =	vmul.f32 v29, v1  }
0x2ed: {  	v35 =	vtrunc.f32 v42;
	v29 =	vcvt.f32.s32 v24;
	v22 =	vsub.f32 v13, v2  }
0x2ee: {  	v33 =	vld.idx.msk [tilespmem:v56+s21+$0x0], $0xffff;
	v24 =	vnsel vm0, $0x0, v60;
	vm0 =	vgt.s32 v30, $0x0;
	v62 =	vtrunc.f32 v15  }
0x2ef: {  	v25 =	vld [tilespmem:s1+$0x60];
	vm2 =	vgt.s32 v29, $0x0;
	v30 =	vnsel vm0, $0x0, v30;
	v63 =	vcvt.f32.s32 v62  }
0x2f0: {  	v32 =	vld.idx.msk [tilespmem:v41+s21+$0x0], $0xffff;
	v23 =	vsub.f32 v23, v38;
	v18 =	vnsel vm2, $0x0, v29;
	v31 =	vmin.u32 v30, $0x9  }
0x2f1: {  	v15 =	vld [tilespmem:s1+$0x420];
	v29 =	vtrunc.f32 v58;
	v30 =	vmin.u32 v18, $0x9;
	vm2 =	vgt.s32 v63, $0x0  }
0x2f2: {  	s4 =	simm.s32 $0x200;
	s2 =	simm.s32 $0x100;
	vm0 =	vgt.s32 v20, $0x0;
	v36 =	vcvt.f32.s32 v29;
	v18 =	vld [tilespmem:s1+$0x400];
	v29 =	vnsel vm2, $0x0, v63  }
.LBB2_10:
0x2f3: {  	s23 =	smov.u32 s4  }
0x2f4: {  	s1 =	sand.u32 $0x1800, s4;
	s5 =	sand.u32 $0x380, s2;
	v27 =	vld.idx.msk [tilespmem:v27+s21+$0x0], $0xffff;
	v28 =	vcvt.f32.s32 v28;
	vm2 =	vgt.s32 v36, $0x0;
	v12 =	vmul.f32 v12, v1;
	s23 =	sadd.s32 $0x100, s4  }
0x2f5: {  	p0 =	sne.s32 s4, $0x1F00;
	v21 =	vadd.f32 v21, v37;
	v33 =	vmul.f32 v3, v33;
	v3 =	vmovc v14;
	s1 =	sor.u32 s5, s1;
	v36 =	vnsel vm2, $0x0, v36;
	v31 =	vld.idx.msk [tilespmem:v31+s21+$0x0], $0xffff  }
0x2f6: {  	vm2 =	vgt.s32 v28, $0x0;
	v12 =	vtrunc.f32 v12;
	v14 =	vld.idx.msk [tilespmem:v30+s21+$0x0], $0xffff;
	v30 =	vmin.u32 v36, $0x9  }
0x2f7: {  	v35 =	vcvt.f32.s32 v35;
	v11 =	vnsel vm1, $0x0, v11;
	v21 =	vadd.f32 v26, v21;
	v36 =	vld [tilespmem:s1+$0x438]  }
0x2f8: {  	v11 =	vmin.u32 v11, $0x9;
	v32 =	vmul.f32 v34, v32;
	v28 =	vnsel vm2, $0x0, v28;
	v26 =	vld [tilespmem:s1+$0x430]  }
0x2f9: {  	vm1 =	vgt.s32 v35, $0x0;
	v28 =	vmin.u32 v28, $0x9;
	v21 =	vadd.f32 v33, v21;
	v34 =	vld [tilespmem:s1+$0x4430]  }
0x2fa: {  	v24 =	vmin.u32 v24, $0x9;
	v23 =	vmul.f32 v23, v23;
	v12 =	vcvt.f32.s32 v12;
	v33 =	vld [tilespmem:s1+$0x4030]  }
0x2fb: {  	v25 =	vsub.f32 v25, v5;
	v5 =	vnsel vm1, $0x0, v35;
	v9 =	vadd.f32 v9, v21;
	v37 =	vld [tilespmem:s1+$0x4438]  }
0x2fc: {  	v8 =	vmul.f32 v8, v8;
	v7 =	vsub.f32 v15, v7;
	vm1 =	vgt.s32 v12, $0x0;
	v21 =	vld [tilespmem:s1+$0x30]  }
0x2fd: {  	v17 =	vmul.f32 v17, v17;
	v22 =	vmul.f32 v22, v1;
	v35 =	vmin.u32 v5, $0x9;
	v15 =	vld [tilespmem:s1+$0x40]  }
0x2fe: {  	v38 =	vmul.f32 v10, v10;
	v10 =	vmin.u32 v29, $0x9;
	v29 =	vmul.f32 v4, v4;
	v30 =	vld.idx.msk [tilespmem:v30+s21+$0x0], $0xffff  }
0x2ff: {  	v4 =	vnsel vm0, $0x0, v20;
	v5 =	vmul.f32 v16, v16;
	v16 =	vtrunc.f32 v22;
	v28 =	vld.idx.msk [tilespmem:v28+s21+$0x0], $0xffff  }
0x300: {  	v22 =	vmin.u32 v4, $0x9;
	v14 =	vmul.f32 v19, v14;
	v20 =	vsub.f32 v37, v2;
	v19 =	vld.idx.msk [tilespmem:v24+s21+$0x0], $0xffff  }
0x301: {  	v31 =	vmul.f32 v5, v31;
	v9 =	vadd.f32 v32, v9;
	v4 =	vsub.f32 v36, v37;
	v24 =	vld [tilespmem:s1+$0x4040]  }
0x302: {  	v16 =	vcvt.f32.s32 v16;
	v32 =	vnsel vm1, $0x0, v12;
	v20 =	vmul.f32 v20, v1;
	v36 =	vld.idx.msk [tilespmem:v11+s21+$0x0], $0xffff  }
0x303: {  	v18 =	vsub.f32 v18, v13;
	v9 =	vadd.f32 v14, v9;
	v11 =	vmul.f32 v17, v27;
	v5 =	vld [tilespmem:s1+$0x4060]  }
0x304: {  	v6 =	vmul.f32 v6, v6;
	v13 =	vmul.f32 v25, v25;
	v12 =	vsub.f32 v34, v2;
	v17 =	vld [tilespmem:s1+$0x4020]  }
0x305: {  	v25 =	vmul.f32 v7, v7;
	v20 =	vtrunc.f32 v20;
	v9 =	vadd.f32 v11, v9;
	v14 =	vld [tilespmem:s1+$0x4000]  }
0x306: {  	v8 =	vmul.f32 v8, v19;
	v19 =	vmul.f32 v6, v28;
	v37 =	vld [tilespmem:s1+$0x4010];
	v7 =	vsub.f32 v24, v2  }
0x307: {  	v11 =	vcvt.f32.s32 v20;
	v20 =	vld.idx.msk [tilespmem:v22+s21+$0x0], $0xffff;
	v22 =	vmul.f32 v23, v30;
	v23 =	vmin.u32 v32, $0x9  }
0x308: {  	v9 =	vadd.f32 v8, v9;
	v28 =	vmul.f32 v0, v36;
	v27 =	vsub.f32 v5, v2;
	v39 =	vld [tilespmem:s1+$0x70]  }
0x309: {  	v8 =	vsub.f32 v21, v33;
	v21 =	vsub.f32 v33, v2;
	v30 =	vmul.f32 v7, v1;
	v7 =	vld [tilespmem:s1+$0x4420]  }
0x30a: {  	vm0 =	vgt.s32 v16, $0x0;
	v6 =	vsub.f32 v15, v24;
	v15 =	vadd.f32 v19, v9;
	v40 =	vld [tilespmem:s1+$0x4070]  }
0x30b: {  	v32 =	vsub.f32 v17, v2;
	v9 =	vmul.f32 v28, v29;
	v24 =	vsub.f32 v14, v2;
	v19 =	vld [tilespmem:s1+$0x0]  }
0x30c: {  	v28 =	vsub.f32 v37, v2;
	v31 =	vadd.f32 v31, v15;
	v15 =	vnsel vm0, $0x0, v16;
	v29 =	vld [tilespmem:s1+$0x4410]  }
0x30d: {  	v26 =	vsub.f32 v26, v34;
	v16 =	vmul.f32 v24, v1;
	v24 =	vmul.f32 v32, v1;
	v32 =	vld [tilespmem:s1+$0x410]  }
0x30e: {  	v27 =	vmul.f32 v27, v1;
	v13 =	vmul.f32 v13, v20;
	v20 =	vmin.u32 v15, $0x9;
	v33 =	vld.idx.msk [tilespmem:v10+s21+$0x0], $0xffff  }
0x30f: {  	v10 =	vtrunc.f32 v16;
	v16 =	vmul.f32 v28, v1;
	v28 =	vsub.f32 v40, v2;
	v15 =	vld [tilespmem:s1+$0x420]  }
0x310: {  	v34 =	vsub.f32 v19, v14;
	v19 =	vcvt.f32.s32 v10;
	v10 =	vtrunc.f32 v24;
	v24 =	vld [tilespmem:s1+$0x4050]  }
0x311: {  	v31 =	vadd.f32 v13, v31;
	v36 =	vcvt.f32.s32 v10;
	v41 =	vld [tilespmem:s1+$0x50];
	v42 =	vmul.f32 v28, v1  }
0x312: {  	v14 =	vmul.f32 v26, v26;
	vm0 =	vgt.s32 v19, $0x0;
	v28 =	vld [tilespmem:s1+$0x20];
	v10 =	vsub.f32 v32, v29  }
0x313: {  	v13 =	vmul.f32 v21, v1;
	v19 =	vnsel vm0, $0x0, v19;
	vm0 =	vgt.s32 v36, $0x0;
	v32 =	vld.idx.msk [tilespmem:v20+s21+$0x0], $0xffff  }
0x314: {  	v26 =	vtrunc.f32 v27;
	v21 =	vmul.f32 v38, v33;
	v20 =	vnsel vm0, $0x0, v36  }
0x315: {  	v33 =	vtrunc.f32 v16;
	v16 =	vtrunc.f32 v13;
	v27 =	vsub.f32 v24, v2;
	v13 =	vld [tilespmem:s1+$0x4400]  }
0x316: {  	v36 =	vcvt.f32.s32 v16;
	v16 =	vsub.f32 v41, v24;
	v24 =	vsub.f32 v7, v2;
	v35 =	vld.idx.msk [tilespmem:v35+s21+$0x0], $0xffff  }
0x317: {  	v29 =	vsub.f32 v29, v2;
	v38 =	vld [tilespmem:s1+$0x10];
	v17 =	vsub.f32 v28, v17;
	v27 =	vmul.f32 v27, v1  }
0x318: {  	v41 =	vmin.u32 v19, $0x9;
	vm0 =	vgt.s32 v36, $0x0;
	v28 =	vtrunc.f32 v30  }
0x319: {  	v44 =	vadd.f32 v22, v31;
	v43 =	vmul.f32 v24, v1;
	v19 =	vtrunc.f32 v27  }
0x31a: {  	v27 =	vmin.u32 v20, $0x9;
	v30 =	vcvt.f32.s32 v19;
	v19 =	vmul.f32 v29, v1  }
0x31b: {  	v20 =	vcvt.f32.s32 v26;
	v29 =	vcvt.f32.s32 v33;
	v22 =	vsub.f32 v13, v2  }
0x31c: {  	v18 =	vmul.f32 v18, v18;
	v26 =	vmul.f32 v25, v35;
	v31 =	vsub.f32 v38, v37  }
0x31d: {  	v24 =	vnsel vm0, $0x0, v36;
	vm0 =	vgt.s32 v30, $0x0;
	v25 =	vtrunc.f32 v19  }
0x31e: {  	vm1 =	vgt.s32 v11, $0x0;
	vm2 =	vgt.s32 v29, $0x0;
	v19 =	vmul.f32 v31, v31  }
.Ltmp4:
0x31f: {  	v30 =	vnsel vm0, $0x0, v30;
	v38 =	vcvt.f32.s32 v25;
	v25 =	vmul.f32 v18, v32;
	v33 =	vld.idx.msk [tilespmem:v23+s21+$0x0], $0xffff;
	(pc) =	sbr.rel @p0 .LBB2_10-.Ltmp4, $4  }
0x320: {  	v18 =	vnsel vm2, $0x0, v29;
	v31 =	vmin.u32 v30, $0x9;
	v23 =	vtrunc.f32 v42  }
0x321: {  	v30 =	vmin.u32 v18, $0x9;
	vm2 =	vgt.s32 v38, $0x0;
	v36 =	vcvt.f32.s32 v23;
	v18 =	vld [tilespmem:s1+$0x400]  }
0x322: {  	v35 =	vtrunc.f32 v43;
	v37 =	vadd.f32 v25, v44;
	v23 =	vsub.f32 v39, v40;
	v32 =	vld.idx.msk [tilespmem:v41+s21+$0x0], $0xffff  }
0x323: {  	s2 =	sadd.s32 $0x80, s2;
	s4 =	smov.u32 s23;
	v34 =	vmul.f32 v34, v34;
	vm0 =	vgt.s32 v20, $0x0;
	v29 =	vnsel vm2, $0x0, v38;
	v25 =	vld [tilespmem:s1+$0x60]  }
0x324: {  	v28 =	vcvt.f32.s32 v28  }
0x325: {  	vm2 =	vgt.s32 v36, $0x0;
	v12 =	vmul.f32 v12, v1;
	v3 =	vmul.f32 v3, v33  }
0x326: {  	v21 =	vadd.f32 v21, v37;
	v22 =	vmul.f32 v22, v1;
	v35 =	vcvt.f32.s32 v35  }
0x327: {  	v11 =	vnsel vm1, $0x0, v11;
	v24 =	vmin.u32 v24, $0x9;
	v20 =	vnsel vm0, $0x0, v20  }
0x328: {  	v29 =	vmin.u32 v29, $0x9;
	v36 =	vnsel vm2, $0x0, v36;
	v11 =	vmin.u32 v11, $0x9  }
0x329: {  	v20 =	vmin.u32 v20, $0x9;
	vm2 =	vgt.s32 v28, $0x0;
	v22 =	vtrunc.f32 v22  }
0x32a: {  	v27 =	vld.idx.msk [tilespmem:v27+s21+$0x0], $0xffff;
	v47 =	vmin.u32 v36, $0x9;
	v21 =	vadd.f32 v26, v21;
	v22 =	vcvt.f32.s32 v22  }
0x32b: {  	v31 =	vld.idx.msk [tilespmem:v31+s21+$0x0], $0xffff;
	v12 =	vtrunc.f32 v12;
	vm1 =	vgt.s32 v35, $0x0;
	v28 =	vnsel vm2, $0x0, v28  }
0x32c: {  	v30 =	vld.idx.msk [tilespmem:v30+s21+$0x0], $0xffff;
	v12 =	vcvt.f32.s32 v12;
	v3 =	vadd.f32 v3, v21;
	vm0 =	vgt.s32 v22, $0x0  }
0x32d: {  	v48 =	vnsel vm1, $0x0, v35;
	v26 =	vmin.u32 v28, $0x9;
	v24 =	vld.idx.msk [tilespmem:v24+s21+$0x0], $0xffff;
	v22 =	vnsel vm0, $0x0, v22  }
0x32e: {  	vm0 =	vgt.s32 v12, $0x0;
	v3 =	vadd.f32 v9, v3;
	v9 =	vmin.u32 v48, $0x9;
	v11 =	vld.idx.msk [tilespmem:v11+s21+$0x0], $0xffff  }
0x32f: {  	v28 =	vmul.f32 v34, v32;
	v20 =	vld.idx.msk [tilespmem:v20+s21+$0x0], $0xffff;
	v22 =	vmin.u32 v22, $0x9;
	v12 =	vnsel vm0, $0x0, v12  }
0x330: {  	v21 =	vld.idx.msk [tilespmem:v47+s21+$0x0], $0xffff;
	v12 =	vmin.u32 v12, $0x9  }
0x331: {  	v17 =	vmul.f32 v17, v17;
	v19 =	vmul.f32 v19, v30;
	v3 =	vadd.f32 v28, v3;
	v28 =	vld.idx.msk [tilespmem:v29+s21+$0x0], $0xffff  }
0x332: {  	v26 =	vld.idx.msk [tilespmem:v26+s21+$0x0], $0xffff  }
0x333: {  	v8 =	vmul.f32 v8, v8;
	v17 =	vmul.f32 v17, v27;
	v3 =	vadd.f32 v19, v3;
	v9 =	vld.idx.msk [tilespmem:v9+s21+$0x0], $0xffff  }
0x334: {  	s1 =	simm.s32 $0x0;
	v19 =	vld.idx.msk [tilespmem:v22+s21+$0x0], $0xffff  }
0x335: {  	v6 =	vmul.f32 v6, v6;
	v8 =	vmul.f32 v8, v24;
	v3 =	vadd.f32 v17, v3;
	v12 =	vld.idx.msk [tilespmem:v12+s21+$0x0], $0xffff;
	[tilespmem:s1], [sflag:$0x1] =	stream.linear.gather [hbm4b:s17+s1], $0x2000, $0x38  }
0x336: {  	v16 =	vmul.f32 v16, v16  }
0x337: {  	v5 =	vsub.f32 v25, v5;
	v6 =	vmul.f32 v6, v26;
	v3 =	vadd.f32 v8, v3;
	[tilespmem:s24], [sflag:$0x3] =	stream.linear.gather [hbm4b:s18+s1], $0x2000, $0x38;
	[tilespmem:$0x8180] =	vst v63  }
0x338: {  	_ =	swait.ge [sflag:s30], $0x2000  }
0x339: {  	v5 =	vmul.f32 v5, v5;
	v8 =	vmul.f32 v16, v31;
	v3 =	vadd.f32 v6, v3;
	[sflag:s30] =	ssyncset.done $0x0  }
0x33a: {  	v13 =	vsub.f32 v18, v13;
	[sflag:s30] =	ssyncadd.s32 $0xFFFFE000  }
0x33b: {  	v5 =	vmul.f32 v5, v20;
	v6 =	vmul.f32 v23, v23;
	v3 =	vadd.f32 v8, v3;
	_ =	swait.ge [sflag:s31], $0x2000  }
0x33c: {  	v7 =	vsub.f32 v15, v7;
	s2 =	sand.u32 $0x1800, s1;
	s1 =	sand.u32 $0x380, s1;
	[sflag:s31] =	ssyncset.done $0x0  }
0x33d: {  	s1 =	sor.u32 s1, s2;
	v6 =	vmul.f32 v6, v21;
	v3 =	vadd.f32 v5, v3;
	v5 =	vmul.f32 v13, v13;
	[sflag:s31] =	ssyncadd.s32 $0xFFFFE000  }
0x33e: {  	v15 =	vld [tilespmem:s1+$0x6438]  }
0x33f: {  	v7 =	vmul.f32 v7, v7;
	v3 =	vadd.f32 v6, v3;
	v5 =	vmul.f32 v5, v19;
	v16 =	vld [tilespmem:s1+$0x2030]  }
0x340: {  	v17 =	vld [tilespmem:s1+$0x6010]  }
0x341: {  	v8 =	vmul.f32 v10, v10;
	v18 =	vld [tilespmem:s1+$0x6070];
	v3 =	vadd.f32 v5, v3;
	v5 =	vmul.f32 v7, v9  }
0x342: {  	v9 =	vmul.f32 v0, v11;
	v11 =	vmul.f32 v14, v12;
	v12 =	vld [tilespmem:s1+$0x6060]  }
0x343: {  	v8 =	vmul.f32 v8, v28;
	v14 =	vld [tilespmem:s1+$0x6000]  }
0x344: {  	v4 =	vmul.f32 v4, v4;
	v7 =	vld [tilespmem:s1+$0x6030]  }
0x345: {  	v22 =	vld [tilespmem:s1+$0x2000];
	v3 =	vadd.f32 v8, v3  }
0x346: {  	v10 =	vld [tilespmem:s1+$0x2430];
	v4 =	vmul.f32 v9, v4;
	v9 =	vsub.f32 v15, v2;
	v25 =	vsub.f32 v17, v2  }
0x347: {  	v13 =	vld [tilespmem:s1+$0x6430];
	v26 =	vsub.f32 v18, v2;
	v3 =	vadd.f32 v5, v3  }
0x348: {  	v6 =	vld [tilespmem:s1+$0x2438];
	v19 =	vsub.f32 v14, v2;
	v21 =	vsub.f32 v12, v2  }
0x349: {  	v9 =	vmul.f32 v9, v1;
	v16 =	vsub.f32 v16, v7;
	v7 =	vsub.f32 v7, v2  }
0x34a: {  	v8 =	vld [tilespmem:s1+$0x6040];
	v14 =	vsub.f32 v22, v14;
	v22 =	vmul.f32 v26, v1;
	v19 =	vmul.f32 v19, v1  }
0x34b: {  	v3 =	vadd.f32 v11, v3;
	v21 =	vmul.f32 v21, v1;
	v7 =	vmul.f32 v7, v1  }
0x34c: {  	v10 =	vsub.f32 v10, v13;
	v22 =	vtrunc.f32 v22;
	v14 =	vmul.f32 v14, v14  }
0x34d: {  	v16 =	vmul.f32 v16, v16;
	v5 =	vadd.f32 v4, v3;
	v4 =	vsub.f32 v6, v15  }
0x34e: {  	v11 =	vld [tilespmem:s1+$0x6020];
	v15 =	vsub.f32 v13, v2;
	v6 =	vtrunc.f32 v9;
	v13 =	vmul.f32 v25, v1  }
0x34f: {  	v9 =	vsub.f32 v8, v2;
	v22 =	vcvt.f32.s32 v22;
	v20 =	vcvt.f32.s32 v6  }
0x350: {  	v3 =	vld [tilespmem:s1+$0x2040];
	v19 =	vtrunc.f32 v19;
	v21 =	vtrunc.f32 v21  }
0x351: {  	v26 =	vld [tilespmem:s1+$0x2020];
	v7 =	vtrunc.f32 v7;
	v9 =	vmul.f32 v9, v1  }
0x352: {  	v19 =	vcvt.f32.s32 v19;
	v13 =	vtrunc.f32 v13  }
0x353: {  	v7 =	vcvt.f32.s32 v7;
	v21 =	vcvt.f32.s32 v21;
	v23 =	vsub.f32 v11, v2  }
0x354: {  	v15 =	vmul.f32 v15, v1;
	v53 =	vmul.f32 v4, v4  }
0x355: {  	v27 =	vld [tilespmem:s1+$0x6050];
	v13 =	vcvt.f32.s32 v13;
	v6 =	vsub.f32 v3, v8;
	v3 =	vmul.f32 v23, v1  }
0x356: {  	v28 =	vld [tilespmem:s1+$0x2050];
	v11 =	vsub.f32 v26, v11;
	vm0 =	vgt.s32 v19, $0x0;
	v9 =	vtrunc.f32 v9  }
0x357: {  	v15 =	vtrunc.f32 v15;
	vm2 =	vgt.s32 v13, $0x0;
	v3 =	vtrunc.f32 v3  }
0x358: {  	v24 =	vld [tilespmem:s1+$0x6410];
	v13 =	vnsel vm2, $0x0, v13;
	vm2 =	vgt.s32 v22, $0x0;
	v25 =	vcvt.f32.s32 v3  }
0x359: {  	v8 =	vld [tilespmem:s1+$0x2410];
	v9 =	vcvt.f32.s32 v9;
	v13 =	vmin.u32 v13, $0x9;
	v22 =	vnsel vm2, $0x0, v22  }
0x35a: {  	v23 =	vld [tilespmem:s1+$0x6420];
	v3 =	vmul.f32 v10, v10;
	v10 =	vnsel vm0, $0x0, v19;
	vm1 =	vgt.s32 v25, $0x0  }
0x35b: {  	v19 =	vnsel vm1, $0x0, v25;
	v25 =	vsub.f32 v27, v2;
	v27 =	vsub.f32 v28, v27;
	v28 =	vld [tilespmem:s1+$0x2010]  }
0x35c: {  	v31 =	vld [tilespmem:s1+$0x2420];
	v15 =	vcvt.f32.s32 v15;
	vm2 =	vgt.s32 v9, $0x0;
	v22 =	vmin.u32 v22, $0x9  }
0x35d: {  	v29 =	vld [tilespmem:s1+$0x6400];
	vm0 =	vgt.s32 v7, $0x0;
	v9 =	vnsel vm2, $0x0, v9;
	v10 =	vmin.u32 v10, $0x9  }
0x35e: {  	v49 =	vld [tilespmem:s1+$0x2400];
	v11 =	vmul.f32 v11, v11;
	v7 =	vnsel vm0, $0x0, v7;
	v9 =	vmin.u32 v9, $0x9  }
0x35f: {  	v8 =	vsub.f32 v8, v24;
	v30 =	vsub.f32 v23, v2;
	v7 =	vmin.u32 v7, $0x9;
	v13 =	vld.idx.msk [tilespmem:v13+s21+$0x0], $0xffff  }
0x360: {  	v6 =	vmul.f32 v6, v6;
	v24 =	vsub.f32 v24, v2;
	v17 =	vsub.f32 v28, v17;
	v28 =	vld [tilespmem:s1+$0x2070]  }
0x361: {  	v23 =	vsub.f32 v31, v23;
	v26 =	vmul.f32 v30, v1;
	v19 =	vmin.u32 v19, $0x9;
	v22 =	vld.idx.msk [tilespmem:v22+s21+$0x0], $0xffff  }
0x362: {  	v24 =	vmul.f32 v24, v1;
	v25 =	vmul.f32 v25, v1;
	v10 =	vld.idx.msk [tilespmem:v10+s21+$0x0], $0xffff  }
0x363: {  	vm1 =	vgt.s32 v20, $0x0;
	v52 =	vmul.f32 v8, v8;
	v23 =	vmul.f32 v23, v23;
	v8 =	vld.idx.msk [tilespmem:v9+s21+$0x0], $0xffff  }
0x364: {  	s5 =	simm.s32 $0x100;
	s23 =	simm.s32 $0x80;
	v30 =	vsub.f32 v29, v2;
	v24 =	vtrunc.f32 v24;
	v25 =	vtrunc.f32 v25;
	v7 =	vld.idx.msk [tilespmem:v7+s21+$0x0], $0xffff  }
0x365: {  	s2 =	sand.u32 $0x380, s23;
	v26 =	vtrunc.f32 v26;
	v25 =	vcvt.f32.s32 v25;
	v18 =	vsub.f32 v28, v18;
	v28 =	vld [tilespmem:s1+$0x2060];
	s1 =	sand.u32 $0x1800, s5  }
0x366: {  	v20 =	vnsel vm1, $0x0, v20;
	v30 =	vmul.f32 v30, v1;
	v24 =	vcvt.f32.s32 v24;
	v19 =	vld.idx.msk [tilespmem:v19+s21+$0x0], $0xffff;
	s1 =	sor.u32 s2, s1  }
0x367: {  	v26 =	vcvt.f32.s32 v26;
	vm0 =	vgt.s32 v25, $0x0;
	v17 =	vmul.f32 v17, v17;
	v50 =	vld [tilespmem:s1+$0x2438]  }
0x368: {  	v25 =	vnsel vm0, $0x0, v25;
	v10 =	vmul.f32 v14, v10;
	v14 =	vmin.u32 v20, $0x9;
	v20 =	vld [tilespmem:s1+$0x6430]  }
0x369: {  	vm1 =	vgt.s32 v26, $0x0;
	vm0 =	vgt.s32 v24, $0x0;
	v25 =	vmin.u32 v25, $0x9;
	v51 =	vld [tilespmem:s1+$0x6438]  }
0x36a: {  	v24 =	vnsel vm0, $0x0, v24;
	vm0 =	vgt.s32 v21, $0x0;
	v13 =	vmul.f32 v17, v13;
	v31 =	vld [tilespmem:s1+$0x2030]  }
0x36b: {  	v4 =	vnsel vm0, $0x0, v21;
	v21 =	vtrunc.f32 v30;
	v10 =	vadd.f32 v10, v5;
	v30 =	vld [tilespmem:s1+$0x6040]  }
0x36c: {  	v9 =	vmul.f32 v27, v27;
	v26 =	vnsel vm1, $0x0, v26;
	vm1 =	vgt.s32 v15, $0x0;
	v5 =	vld [tilespmem:s1+$0x6060]  }
0x36d: {  	v26 =	vmin.u32 v26, $0x9;
	v10 =	vadd.f32 v13, v10;
	v13 =	vmul.f32 v11, v19;
	v19 =	vld [tilespmem:s1+$0x2040]  }
0x36e: {  	v15 =	vnsel vm1, $0x0, v15;
	v7 =	vmul.f32 v16, v7;
	v16 =	vmul.f32 v6, v8;
	v54 =	vld [tilespmem:s1+$0x6020]  }
0x36f: {  	v57 =	vmin.u32 v15, $0x9;
	v24 =	vmin.u32 v24, $0x9;
	v25 =	vld.idx.msk [tilespmem:v25+s21+$0x0], $0xffff;
	v13 =	vadd.f32 v13, v10  }
0x370: {  	v17 =	vmin.u32 v4, $0x9;
	v21 =	vcvt.f32.s32 v21;
	v56 =	vld [tilespmem:s1+$0x6010];
	v12 =	vsub.f32 v28, v12  }
0x371: {  	v18 =	vmul.f32 v18, v18;
	v15 =	vld [tilespmem:s1+$0x2430];
	v7 =	vadd.f32 v7, v13;
	v27 =	vsub.f32 v51, v2  }
0x372: {  	v38 =	vld [tilespmem:s1+$0x6070];
	vm0 =	vgt.s32 v21, $0x0;
	v4 =	vsub.f32 v50, v51;
	v11 =	vsub.f32 v20, v2  }
0x373: {  	v14 =	vld.idx.msk [tilespmem:v14+s21+$0x0], $0xffff;
	v18 =	vmul.f32 v18, v22;
	v55 =	vsub.f32 v30, v2;
	v22 =	vsub.f32 v5, v2  }
0x374: {  	v28 =	vld [tilespmem:s1+$0x6030];
	v6 =	vsub.f32 v19, v30;
	v9 =	vmul.f32 v9, v25;
	v25 =	vmul.f32 v27, v1  }
0x375: {  	v21 =	vnsel vm0, $0x0, v21;
	v13 =	vld.idx.msk [tilespmem:v17+s21+$0x0], $0xffff;
	v19 =	vsub.f32 v54, v2;
	v30 =	vsub.f32 v56, v2  }
0x376: {  	v27 =	vsub.f32 v49, v29;
	v29 =	vmul.f32 v12, v12;
	v12 =	vtrunc.f32 v25;
	v25 =	vld [tilespmem:s1+$0x6000]  }
0x377: {  	v58 =	vld [tilespmem:s1+$0x2410];
	v15 =	vsub.f32 v15, v20;
	v19 =	vmul.f32 v19, v1;
	v20 =	vmul.f32 v22, v1  }
0x378: {  	v7 =	vadd.f32 v16, v7;
	v10 =	vcvt.f32.s32 v12;
	v12 =	vmul.f32 v0, v14;
	v14 =	vld [tilespmem:s1+$0x2000]  }
0x379: {  	v22 =	vmin.u32 v21, $0x9;
	v21 =	vld.idx.msk [tilespmem:v24+s21+$0x0], $0xffff;
	v24 =	vmul.f32 v30, v1;
	v8 =	vsub.f32 v31, v28  }
0x37a: {  	v40 =	vld [tilespmem:s1+$0x2020];
	v17 =	vsub.f32 v28, v2;
	v28 =	vmul.f32 v55, v1;
	v9 =	vadd.f32 v9, v7  }
0x37b: {  	v31 =	vld [tilespmem:s1+$0x6410];
	v13 =	vmul.f32 v29, v13;
	v20 =	vtrunc.f32 v20;
	v16 =	vsub.f32 v25, v2  }
0x37c: {  	v29 =	vsub.f32 v38, v2;
	v24 =	vtrunc.f32 v24;
	v28 =	vtrunc.f32 v28  }
0x37d: {  	v39 =	vsub.f32 v14, v25;
	v14 =	vtrunc.f32 v19;
	v19 =	vld [tilespmem:s1+$0x6050];
	v16 =	vmul.f32 v16, v1  }
0x37e: {  	v29 =	vmul.f32 v29, v1;
	v59 =	vadd.f32 v13, v9;
	v13 =	vmul.f32 v17, v1  }
0x37f: {  	v30 =	vld [tilespmem:s1+$0x2050];
	v17 =	vsub.f32 v40, v54;
	v12 =	vmul.f32 v12, v53;
	v16 =	vtrunc.f32 v16  }
0x380: {  	v7 =	vld [tilespmem:s1+$0x6420];
	v21 =	vmul.f32 v52, v21;
	v9 =	vsub.f32 v58, v31;
	v16 =	vcvt.f32.s32 v16  }
0x381: {  	vm1 =	vgt.s32 v10, $0x0;
	v31 =	vsub.f32 v31, v2;
	v42 =	vadd.f32 v18, v59  }
0x382: {  	v25 =	vcvt.f32.s32 v14;
	v60 =	vsub.f32 v19, v2;
	vm0 =	vgt.s32 v16, $0x0  }
0x383: {  	v29 =	vtrunc.f32 v29;
	v14 =	vmul.f32 v15, v15;
	v15 =	vnsel vm0, $0x0, v16  }
0x384: {  	v26 =	vld.idx.msk [tilespmem:v26+s21+$0x0], $0xffff;
	vm0 =	vgt.s32 v25, $0x0;
	v16 =	vtrunc.f32 v13;
	v62 =	vmul.f32 v60, v1  }
0x385: {  	v13 =	vld [tilespmem:s1+$0x6400];
	v61 =	vcvt.f32.s32 v16;
	v16 =	vsub.f32 v30, v19;
	v19 =	vsub.f32 v7, v2  }
0x386: {  	v36 =	vcvt.f32.s32 v29;
	v34 =	vmul.f32 v39, v39;
	v25 =	vnsel vm0, $0x0, v25;
	v30 =	vld [tilespmem:s1+$0x2010]  }
0x387: {  	v63 =	vmin.u32 v15, $0x9;
	v15 =	vtrunc.f32 v62;
	v41 =	vmul.f32 v19, v1  }
0x388: {  	v25 =	vmin.u32 v25, $0x9;
	v32 =	vcvt.f32.s32 v15;
	v15 =	vmul.f32 v31, v1  }
0x389: {  	v18 =	vld.idx.msk [tilespmem:v22+s21+$0x0], $0xffff;
	vm0 =	vgt.s32 v61, $0x0;
	v31 =	vcvt.f32.s32 v24;
	v19 =	vcvt.f32.s32 v20  }
0x38a: {  	v24 =	vnsel vm0, $0x0, v61;
	v22 =	vsub.f32 v13, v2;
	vm0 =	vgt.s32 v32, $0x0  }
0x38b: {  	v20 =	vsub.f32 v30, v56;
	v30 =	vmul.f32 v27, v27;
	v27 =	vmul.f32 v23, v26;
	v23 =	vld [tilespmem:s1+$0x2070]  }
0x38c: {  	v33 =	vld.idx.msk [tilespmem:v57+s21+$0x0], $0xffff;
	vm2 =	vgt.s32 v31, $0x0;
	v35 =	vtrunc.f32 v41;
	v26 =	vtrunc.f32 v15  }
0x38d: {  	v15 =	vld [tilespmem:s1+$0x2420];
	v32 =	vnsel vm0, $0x0, v32;
	vm0 =	vgt.s32 v19, $0x0;
	v43 =	vcvt.f32.s32 v26  }
0x38e: {  	v26 =	vmul.f32 v30, v18;
	v18 =	vnsel vm2, $0x0, v31;
	v30 =	vmin.u32 v32, $0x9;
	v32 =	vld.idx.msk [tilespmem:v63+s21+$0x0], $0xffff  }
0x38f: {  	v20 =	vmul.f32 v20, v20;
	v31 =	vmin.u32 v18, $0x9;
	v18 =	vld [tilespmem:s1+$0x2400];
	vm2 =	vgt.s32 v43, $0x0  }
0x390: {  	s4 =	simm.s32 $0x200;
	s2 =	simm.s32 $0x100;
	v37 =	vadd.f32 v26, v42;
	v26 =	vld [tilespmem:s1+$0x2060];
	v29 =	vnsel vm2, $0x0, v43;
	v23 =	vsub.f32 v23, v38  }
.LBB2_12:
0x391: {  	s23 =	smov.u32 s4  }
0x392: {  	s1 =	sand.u32 $0x1800, s4;
	s5 =	sand.u32 $0x380, s2;
	v25 =	vld.idx.msk [tilespmem:v25+s21+$0x0], $0xffff;
	v28 =	vcvt.f32.s32 v28;
	vm2 =	vgt.s32 v36, $0x0;
	v11 =	vmul.f32 v11, v1;
	s23 =	sadd.s32 $0x100, s4  }
0x393: {  	p0 =	sne.s32 s4, $0x1F00;
	v21 =	vadd.f32 v21, v37;
	v33 =	vmul.f32 v3, v33;
	v3 =	vmovc v14;
	s1 =	sor.u32 s5, s1;
	v36 =	vnsel vm2, $0x0, v36;
	v30 =	vld.idx.msk [tilespmem:v30+s21+$0x0], $0xffff  }
0x394: {  	vm2 =	vgt.s32 v28, $0x0;
	v11 =	vtrunc.f32 v11;
	v14 =	vld.idx.msk [tilespmem:v31+s21+$0x0], $0xffff;
	v31 =	vmin.u32 v36, $0x9  }
0x395: {  	v35 =	vcvt.f32.s32 v35;
	v10 =	vnsel vm1, $0x0, v10;
	v21 =	vadd.f32 v27, v21;
	v36 =	vld [tilespmem:s1+$0x2438]  }
0x396: {  	v10 =	vmin.u32 v10, $0x9;
	v32 =	vmul.f32 v34, v32;
	v28 =	vnsel vm2, $0x0, v28;
	v27 =	vld [tilespmem:s1+$0x2430]  }
0x397: {  	vm1 =	vgt.s32 v35, $0x0;
	v28 =	vmin.u32 v28, $0x9;
	v21 =	vadd.f32 v33, v21;
	v34 =	vld [tilespmem:s1+$0x6430]  }
0x398: {  	v24 =	vmin.u32 v24, $0x9;
	v23 =	vmul.f32 v23, v23;
	v11 =	vcvt.f32.s32 v11;
	v33 =	vld [tilespmem:s1+$0x6030]  }
0x399: {  	v26 =	vsub.f32 v26, v5;
	v5 =	vnsel vm1, $0x0, v35;
	v12 =	vadd.f32 v12, v21;
	v37 =	vld [tilespmem:s1+$0x6438]  }
0x39a: {  	v8 =	vmul.f32 v8, v8;
	v7 =	vsub.f32 v15, v7;
	vm1 =	vgt.s32 v11, $0x0;
	v21 =	vld [tilespmem:s1+$0x2030]  }
0x39b: {  	v17 =	vmul.f32 v17, v17;
	v22 =	vmul.f32 v22, v1;
	v35 =	vmin.u32 v5, $0x9;
	v15 =	vld [tilespmem:s1+$0x2040]  }
0x39c: {  	v38 =	vmul.f32 v9, v9;
	v9 =	vmin.u32 v29, $0x9;
	v29 =	vmul.f32 v4, v4;
	v31 =	vld.idx.msk [tilespmem:v31+s21+$0x0], $0xffff  }
0x39d: {  	v4 =	vnsel vm0, $0x0, v19;
	v5 =	vmul.f32 v16, v16;
	v16 =	vtrunc.f32 v22;
	v28 =	vld.idx.msk [tilespmem:v28+s21+$0x0], $0xffff  }
0x39e: {  	v22 =	vmin.u32 v4, $0x9;
	v14 =	vmul.f32 v20, v14;
	v19 =	vsub.f32 v37, v2;
	v20 =	vld.idx.msk [tilespmem:v24+s21+$0x0], $0xffff  }
0x39f: {  	v30 =	vmul.f32 v5, v30;
	v12 =	vadd.f32 v32, v12;
	v4 =	vsub.f32 v36, v37;
	v24 =	vld [tilespmem:s1+$0x6040]  }
0x3a0: {  	v16 =	vcvt.f32.s32 v16;
	v32 =	vnsel vm1, $0x0, v11;
	v19 =	vmul.f32 v19, v1;
	v36 =	vld.idx.msk [tilespmem:v10+s21+$0x0], $0xffff  }
0x3a1: {  	v18 =	vsub.f32 v18, v13;
	v10 =	vadd.f32 v14, v12;
	v12 =	vmul.f32 v17, v25;
	v5 =	vld [tilespmem:s1+$0x6060]  }
0x3a2: {  	v6 =	vmul.f32 v6, v6;
	v13 =	vmul.f32 v26, v26;
	v11 =	vsub.f32 v34, v2;
	v17 =	vld [tilespmem:s1+$0x6020]  }
0x3a3: {  	v26 =	vmul.f32 v7, v7;
	v19 =	vtrunc.f32 v19;
	v12 =	vadd.f32 v12, v10;
	v14 =	vld [tilespmem:s1+$0x6000]  }
0x3a4: {  	v8 =	vmul.f32 v8, v20;
	v20 =	vmul.f32 v6, v28;
	v37 =	vld [tilespmem:s1+$0x6010];
	v7 =	vsub.f32 v24, v2  }
0x3a5: {  	v10 =	vcvt.f32.s32 v19;
	v19 =	vld.idx.msk [tilespmem:v22+s21+$0x0], $0xffff;
	v22 =	vmul.f32 v23, v31;
	v23 =	vmin.u32 v32, $0x9  }
0x3a6: {  	v12 =	vadd.f32 v8, v12;
	v28 =	vmul.f32 v0, v36;
	v25 =	vsub.f32 v5, v2;
	v39 =	vld [tilespmem:s1+$0x2070]  }
0x3a7: {  	v8 =	vsub.f32 v21, v33;
	v21 =	vsub.f32 v33, v2;
	v31 =	vmul.f32 v7, v1;
	v7 =	vld [tilespmem:s1+$0x6420]  }
0x3a8: {  	vm0 =	vgt.s32 v16, $0x0;
	v6 =	vsub.f32 v15, v24;
	v15 =	vadd.f32 v20, v12;
	v40 =	vld [tilespmem:s1+$0x6070]  }
0x3a9: {  	v32 =	vsub.f32 v17, v2;
	v12 =	vmul.f32 v28, v29;
	v24 =	vsub.f32 v14, v2;
	v20 =	vld [tilespmem:s1+$0x2000]  }
0x3aa: {  	v28 =	vsub.f32 v37, v2;
	v30 =	vadd.f32 v30, v15;
	v15 =	vnsel vm0, $0x0, v16;
	v29 =	vld [tilespmem:s1+$0x6410]  }
0x3ab: {  	v27 =	vsub.f32 v27, v34;
	v16 =	vmul.f32 v24, v1;
	v24 =	vmul.f32 v32, v1;
	v32 =	vld [tilespmem:s1+$0x2410]  }
0x3ac: {  	v25 =	vmul.f32 v25, v1;
	v13 =	vmul.f32 v13, v19;
	v19 =	vmin.u32 v15, $0x9;
	v33 =	vld.idx.msk [tilespmem:v9+s21+$0x0], $0xffff  }
0x3ad: {  	v9 =	vtrunc.f32 v16;
	v16 =	vmul.f32 v28, v1;
	v28 =	vsub.f32 v40, v2;
	v15 =	vld [tilespmem:s1+$0x2420]  }
0x3ae: {  	v34 =	vsub.f32 v20, v14;
	v20 =	vcvt.f32.s32 v9;
	v9 =	vtrunc.f32 v24;
	v24 =	vld [tilespmem:s1+$0x6050]  }
0x3af: {  	v30 =	vadd.f32 v13, v30;
	v36 =	vcvt.f32.s32 v9;
	v41 =	vld [tilespmem:s1+$0x2050];
	v42 =	vmul.f32 v28, v1  }
0x3b0: {  	v14 =	vmul.f32 v27, v27;
	vm0 =	vgt.s32 v20, $0x0;
	v28 =	vld [tilespmem:s1+$0x2020];
	v9 =	vsub.f32 v32, v29  }
0x3b1: {  	v13 =	vmul.f32 v21, v1;
	v20 =	vnsel vm0, $0x0, v20;
	vm0 =	vgt.s32 v36, $0x0;
	v32 =	vld.idx.msk [tilespmem:v19+s21+$0x0], $0xffff  }
0x3b2: {  	v27 =	vtrunc.f32 v25;
	v21 =	vmul.f32 v38, v33;
	v19 =	vnsel vm0, $0x0, v36  }
0x3b3: {  	v33 =	vtrunc.f32 v16;
	v16 =	vtrunc.f32 v13;
	v25 =	vsub.f32 v24, v2;
	v13 =	vld [tilespmem:s1+$0x6400]  }
0x3b4: {  	v36 =	vcvt.f32.s32 v16;
	v16 =	vsub.f32 v41, v24;
	v24 =	vsub.f32 v7, v2;
	v35 =	vld.idx.msk [tilespmem:v35+s21+$0x0], $0xffff  }
0x3b5: {  	v29 =	vsub.f32 v29, v2;
	v38 =	vld [tilespmem:s1+$0x2010];
	v17 =	vsub.f32 v28, v17;
	v25 =	vmul.f32 v25, v1  }
0x3b6: {  	v41 =	vmin.u32 v20, $0x9;
	vm0 =	vgt.s32 v36, $0x0;
	v28 =	vtrunc.f32 v31  }
0x3b7: {  	v44 =	vadd.f32 v22, v30;
	v43 =	vmul.f32 v24, v1;
	v20 =	vtrunc.f32 v25  }
0x3b8: {  	v25 =	vmin.u32 v19, $0x9;
	v30 =	vcvt.f32.s32 v20;
	v20 =	vmul.f32 v29, v1  }
0x3b9: {  	v19 =	vcvt.f32.s32 v27;
	v29 =	vcvt.f32.s32 v33;
	v22 =	vsub.f32 v13, v2  }
0x3ba: {  	v18 =	vmul.f32 v18, v18;
	v27 =	vmul.f32 v26, v35;
	v31 =	vsub.f32 v38, v37  }
0x3bb: {  	v24 =	vnsel vm0, $0x0, v36;
	vm0 =	vgt.s32 v30, $0x0;
	v26 =	vtrunc.f32 v20  }
0x3bc: {  	vm1 =	vgt.s32 v10, $0x0;
	vm2 =	vgt.s32 v29, $0x0;
	v20 =	vmul.f32 v31, v31  }
.Ltmp5:
0x3bd: {  	v30 =	vnsel vm0, $0x0, v30;
	v38 =	vcvt.f32.s32 v26;
	v26 =	vmul.f32 v18, v32;
	v33 =	vld.idx.msk [tilespmem:v23+s21+$0x0], $0xffff;
	(pc) =	sbr.rel @p0 .LBB2_12-.Ltmp5, $4  }
0x3be: {  	v18 =	vnsel vm2, $0x0, v29;
	v30 =	vmin.u32 v30, $0x9;
	v23 =	vtrunc.f32 v42  }
0x3bf: {  	v31 =	vmin.u32 v18, $0x9;
	vm2 =	vgt.s32 v38, $0x0;
	v36 =	vcvt.f32.s32 v23;
	v18 =	vld [tilespmem:s1+$0x2400]  }
0x3c0: {  	v35 =	vtrunc.f32 v43;
	v37 =	vadd.f32 v26, v44;
	v23 =	vsub.f32 v39, v40;
	v32 =	vld.idx.msk [tilespmem:v41+s21+$0x0], $0xffff  }
0x3c1: {  	s2 =	sadd.s32 $0x80, s2;
	s4 =	smov.u32 s23;
	v34 =	vmul.f32 v34, v34;
	vm0 =	vgt.s32 v19, $0x0;
	v29 =	vnsel vm2, $0x0, v38;
	v26 =	vld [tilespmem:s1+$0x2060]  }
0x3c2: {  	v28 =	vcvt.f32.s32 v28;
	vm2 =	vgt.s32 v36, $0x0;
	v11 =	vmul.f32 v11, v1  }
0x3c3: {  	v21 =	vadd.f32 v21, v37;
	v3 =	vmul.f32 v3, v33;
	v35 =	vcvt.f32.s32 v35  }
0x3c4: {  	v10 =	vnsel vm1, $0x0, v10;
	v22 =	vmul.f32 v22, v1;
	v24 =	vmin.u32 v24, $0x9  }
0x3c5: {  	v17 =	vmul.f32 v17, v17;
	v29 =	vmin.u32 v29, $0x9;
	v36 =	vnsel vm2, $0x0, v36  }
0x3c6: {  	v10 =	vmin.u32 v10, $0x9;
	vm2 =	vgt.s32 v28, $0x0;
	v21 =	vadd.f32 v27, v21  }
0x3c7: {  	v31 =	vld.idx.msk [tilespmem:v31+s21+$0x0], $0xffff;
	v48 =	vmin.u32 v36, $0x9;
	v11 =	vtrunc.f32 v11;
	vm1 =	vgt.s32 v35, $0x0  }
0x3c8: {  	v27 =	vmul.f32 v34, v32;
	v28 =	vnsel vm2, $0x0, v28;
	v3 =	vadd.f32 v3, v21  }
0x3c9: {  	v11 =	vcvt.f32.s32 v11;
	v28 =	vmin.u32 v28, $0x9;
	v21 =	vtrunc.f32 v22  }
0x3ca: {  	v22 =	vld.idx.msk [tilespmem:v25+s21+$0x0], $0xffff;
	v21 =	vcvt.f32.s32 v21;
	v3 =	vadd.f32 v12, v3;
	v12 =	vnsel vm0, $0x0, v19  }
0x3cb: {  	v25 =	vnsel vm1, $0x0, v35;
	v24 =	vld.idx.msk [tilespmem:v24+s21+$0x0], $0xffff;
	vm0 =	vgt.s32 v11, $0x0;
	v12 =	vmin.u32 v12, $0x9  }
0x3cc: {  	v20 =	vmul.f32 v20, v31;
	v19 =	vld.idx.msk [tilespmem:v30+s21+$0x0], $0xffff;
	vm1 =	vgt.s32 v21, $0x0;
	v11 =	vnsel vm0, $0x0, v11  }
0x3cd: {  	v10 =	vld.idx.msk [tilespmem:v10+s21+$0x0], $0xffff;
	v21 =	vnsel vm1, $0x0, v21;
	v3 =	vadd.f32 v27, v3;
	v11 =	vmin.u32 v11, $0x9  }
0x3ce: {  	v30 =	vld.idx.msk [tilespmem:v48+s21+$0x0], $0xffff;
	v21 =	vmin.u32 v21, $0x9  }
0x3cf: {  	v25 =	vmin.u32 v25, $0x9;
	v27 =	vld.idx.msk [tilespmem:v28+s21+$0x0], $0xffff;
	v17 =	vmul.f32 v17, v22;
	v3 =	vadd.f32 v20, v3  }
0x3d0: {  	v8 =	vmul.f32 v8, v8;
	v12 =	vld.idx.msk [tilespmem:v12+s21+$0x0], $0xffff  }
0x3d1: {  	v3 =	vadd.f32 v17, v3;
	v17 =	vld.idx.msk [tilespmem:v29+s21+$0x0], $0xffff  }
0x3d2: {  	v8 =	vmul.f32 v8, v24;
	v11 =	vld.idx.msk [tilespmem:v11+s21+$0x0], $0xffff  }
0x3d3: {  	v6 =	vmul.f32 v6, v6;
	v20 =	vld.idx.msk [tilespmem:v21+s21+$0x0], $0xffff  }
0x3d4: {  	v3 =	vadd.f32 v8, v3;
	v8 =	vld.idx.msk [tilespmem:v25+s21+$0x0], $0xffff;
	_ =	swait.ge [sflag:s28], $0x2000  }
0x3d5: {  	v16 =	vmul.f32 v16, v16;
	v5 =	vsub.f32 v26, v5;
	v6 =	vmul.f32 v6, v27;
	[sflag:s28] =	ssyncset.done $0x0  }
0x3d6: {  	[sflag:s28] =	ssyncadd.s32 $0xFFFFE000  }
0x3d7: {  	s1 =	simm.s32 $0x0;
	v5 =	vmul.f32 v5, v5;
	v16 =	vmul.f32 v16, v19;
	v3 =	vadd.f32 v6, v3;
	_ =	swait.ge [sflag:s29], $0x2000  }
0x3d8: {  	s2 =	sand.u32 $0x1800, s1;
	s1 =	sand.u32 $0x380, s1;
	[sflag:s29] =	ssyncset.done $0x0  }
0x3d9: {  	v13 =	vsub.f32 v18, v13;
	s1 =	sor.u32 s1, s2;
	v5 =	vmul.f32 v5, v12;
	v3 =	vadd.f32 v16, v3;
	[sflag:s29] =	ssyncadd.s32 $0xFFFFE000  }
0x3da: {  	v6 =	vmul.f32 v23, v23;
	v12 =	vld [tilespmem:s1+$0x430]  }
0x3db: {  	v9 =	vmul.f32 v9, v9;
	v3 =	vadd.f32 v5, v3;
	v5 =	vmul.f32 v13, v13;
	v13 =	vld [tilespmem:s1+$0x4430]  }
0x3dc: {  	v7 =	vsub.f32 v15, v7;
	v6 =	vmul.f32 v6, v30;
	v15 =	vld [tilespmem:s1+$0x4438]  }
0x3dd: {  	v9 =	vmul.f32 v9, v17;
	v17 =	vld [tilespmem:s1+$0x4010]  }
0x3de: {  	v7 =	vmul.f32 v7, v7;
	v18 =	vld [tilespmem:s1+$0x4070];
	v3 =	vadd.f32 v6, v3;
	v5 =	vmul.f32 v5, v20  }
0x3df: {  	v16 =	vld [tilespmem:s1+$0x30]  }
0x3e0: {  	v3 =	vadd.f32 v5, v3;
	v5 =	vmul.f32 v7, v8;
	v7 =	vld [tilespmem:s1+$0x4030]  }
0x3e1: {  	v4 =	vmul.f32 v4, v4;
	v22 =	vld [tilespmem:s1+$0x0]  }
0x3e2: {  	v3 =	vadd.f32 v9, v3;
	v9 =	vmul.f32 v0, v10;
	v10 =	vmul.f32 v14, v11;
	v14 =	vld [tilespmem:s1+$0x4000]  }
0x3e3: {  	v25 =	vsub.f32 v17, v2;
	v26 =	vsub.f32 v18, v2;
	v11 =	vld [tilespmem:s1+$0x4060]  }
0x3e4: {  	v6 =	vld [tilespmem:s1+$0x438];
	v3 =	vadd.f32 v5, v3;
	v4 =	vmul.f32 v9, v4;
	v9 =	vsub.f32 v15, v2  }
0x3e5: {  	v12 =	vsub.f32 v12, v13;
	v16 =	vsub.f32 v16, v7  }
0x3e6: {  	v8 =	vld [tilespmem:s1+$0x4040];
	v7 =	vsub.f32 v7, v2;
	v3 =	vadd.f32 v10, v3;
	v9 =	vmul.f32 v9, v1  }
0x3e7: {  	v19 =	vsub.f32 v14, v2;
	v14 =	vsub.f32 v22, v14;
	v22 =	vmul.f32 v26, v1  }
0x3e8: {  	v21 =	vsub.f32 v11, v2;
	v7 =	vmul.f32 v7, v1;
	v16 =	vmul.f32 v16, v16  }
0x3e9: {  	v5 =	vadd.f32 v4, v3;
	v4 =	vsub.f32 v6, v15;
	v6 =	vtrunc.f32 v9  }
0x3ea: {  	v15 =	vsub.f32 v13, v2;
	v13 =	vmul.f32 v25, v1;
	v20 =	vcvt.f32.s32 v6  }
0x3eb: {  	v10 =	vld [tilespmem:s1+$0x4020];
	v9 =	vsub.f32 v8, v2;
	v19 =	vmul.f32 v19, v1;
	v21 =	vmul.f32 v21, v1  }
0x3ec: {  	v7 =	vtrunc.f32 v7;
	v22 =	vtrunc.f32 v22  }
0x3ed: {  	v3 =	vld [tilespmem:s1+$0x40];
	v14 =	vmul.f32 v14, v14;
	v9 =	vmul.f32 v9, v1  }
0x3ee: {  	v26 =	vld [tilespmem:s1+$0x20];
	v13 =	vtrunc.f32 v13;
	v7 =	vcvt.f32.s32 v7  }
0x3ef: {  	v22 =	vcvt.f32.s32 v22;
	v15 =	vmul.f32 v15, v1  }
0x3f0: {  	v53 =	vmul.f32 v4, v4;
	v23 =	vsub.f32 v10, v2;
	v19 =	vtrunc.f32 v19  }
0x3f1: {  	v21 =	vtrunc.f32 v21;
	v13 =	vcvt.f32.s32 v13  }
0x3f2: {  	v27 =	vld [tilespmem:s1+$0x4050];
	v19 =	vcvt.f32.s32 v19;
	v6 =	vsub.f32 v3, v8;
	v3 =	vmul.f32 v23, v1  }
0x3f3: {  	v28 =	vld [tilespmem:s1+$0x50];
	v10 =	vsub.f32 v26, v10;
	v9 =	vtrunc.f32 v9;
	v21 =	vcvt.f32.s32 v21  }
0x3f4: {  	vm2 =	vgt.s32 v13, $0x0;
	v9 =	vcvt.f32.s32 v9;
	v3 =	vtrunc.f32 v3  }
0x3f5: {  	v24 =	vld [tilespmem:s1+$0x4410];
	v13 =	vnsel vm2, $0x0, v13;
	vm2 =	vgt.s32 v22, $0x0;
	v25 =	vcvt.f32.s32 v3  }
0x3f6: {  	v8 =	vld [tilespmem:s1+$0x410];
	vm0 =	vgt.s32 v19, $0x0;
	v13 =	vmin.u32 v13, $0x9;
	v22 =	vnsel vm2, $0x0, v22  }
0x3f7: {  	v23 =	vld [tilespmem:s1+$0x4420];
	v3 =	vmul.f32 v12, v12;
	v12 =	vnsel vm0, $0x0, v19;
	vm1 =	vgt.s32 v25, $0x0  }
0x3f8: {  	v19 =	vnsel vm1, $0x0, v25;
	v25 =	vsub.f32 v27, v2;
	v27 =	vsub.f32 v28, v27;
	v28 =	vld [tilespmem:s1+$0x10]  }
0x3f9: {  	v31 =	vld [tilespmem:s1+$0x420];
	v15 =	vtrunc.f32 v15;
	vm2 =	vgt.s32 v9, $0x0;
	v22 =	vmin.u32 v22, $0x9  }
0x3fa: {  	v29 =	vld [tilespmem:s1+$0x4400];
	vm0 =	vgt.s32 v7, $0x0;
	v9 =	vnsel vm2, $0x0, v9;
	v12 =	vmin.u32 v12, $0x9  }
0x3fb: {  	v49 =	vld [tilespmem:s1+$0x400];
	v15 =	vcvt.f32.s32 v15;
	v7 =	vnsel vm0, $0x0, v7;
	v9 =	vmin.u32 v9, $0x9  }
0x3fc: {  	v10 =	vmul.f32 v10, v10;
	v8 =	vsub.f32 v8, v24;
	v7 =	vmin.u32 v7, $0x9;
	v13 =	vld.idx.msk [tilespmem:v13+s21+$0x0], $0xffff  }
0x3fd: {  	v6 =	vmul.f32 v6, v6;
	v30 =	vsub.f32 v23, v2;
	v17 =	vsub.f32 v28, v17;
	v28 =	vld [tilespmem:s1+$0x70]  }
0x3fe: {  	v24 =	vsub.f32 v24, v2;
	v23 =	vsub.f32 v31, v23;
	v19 =	vmin.u32 v19, $0x9;
	v22 =	vld.idx.msk [tilespmem:v22+s21+$0x0], $0xffff  }
0x3ff: {  	vm1 =	vgt.s32 v20, $0x0;
	v26 =	vmul.f32 v30, v1;
	v25 =	vmul.f32 v25, v1;
	v12 =	vld.idx.msk [tilespmem:v12+s21+$0x0], $0xffff  }
0x400: {  	v24 =	vmul.f32 v24, v1;
	v30 =	vsub.f32 v29, v2;
	v52 =	vmul.f32 v8, v8;
	v8 =	vld.idx.msk [tilespmem:v9+s21+$0x0], $0xffff  }
0x401: {  	s5 =	simm.s32 $0x100;
	s23 =	simm.s32 $0x80;
	v20 =	vnsel vm1, $0x0, v20;
	v23 =	vmul.f32 v23, v23;
	v25 =	vtrunc.f32 v25;
	v7 =	vld.idx.msk [tilespmem:v7+s21+$0x0], $0xffff  }
0x402: {  	s2 =	sand.u32 $0x380, s23;
	v24 =	vtrunc.f32 v24;
	v25 =	vcvt.f32.s32 v25;
	v18 =	vsub.f32 v28, v18;
	v28 =	vld [tilespmem:s1+$0x60];
	s1 =	sand.u32 $0x1800, s5  }
0x403: {  	v29 =	vsub.f32 v49, v29;
	v26 =	vtrunc.f32 v26;
	v30 =	vmul.f32 v30, v1;
	v19 =	vld.idx.msk [tilespmem:v19+s21+$0x0], $0xffff;
	s1 =	sor.u32 s2, s1  }
0x404: {  	v24 =	vcvt.f32.s32 v24;
	v26 =	vcvt.f32.s32 v26;
	vm0 =	vgt.s32 v25, $0x0;
	v50 =	vld [tilespmem:s1+$0x438]  }
0x405: {  	v17 =	vmul.f32 v17, v17;
	v12 =	vmul.f32 v14, v12;
	v14 =	vmin.u32 v20, $0x9;
	v20 =	vld [tilespmem:s1+$0x4430]  }
0x406: {  	vm1 =	vgt.s32 v26, $0x0;
	v25 =	vnsel vm0, $0x0, v25;
	vm0 =	vgt.s32 v24, $0x0;
	v51 =	vld [tilespmem:s1+$0x4438]  }
0x407: {  	v24 =	vnsel vm0, $0x0, v24;
	vm0 =	vgt.s32 v21, $0x0;
	v13 =	vmul.f32 v17, v13;
	v31 =	vld [tilespmem:s1+$0x30]  }
0x408: {  	v4 =	vnsel vm0, $0x0, v21;
	v21 =	vtrunc.f32 v30;
	v12 =	vadd.f32 v12, v5;
	v30 =	vld [tilespmem:s1+$0x4040]  }
0x409: {  	v26 =	vnsel vm1, $0x0, v26;
	vm1 =	vgt.s32 v15, $0x0;
	v25 =	vmin.u32 v25, $0x9;
	v5 =	vld [tilespmem:s1+$0x4060]  }
0x40a: {  	v15 =	vnsel vm1, $0x0, v15;
	v12 =	vadd.f32 v13, v12;
	v13 =	vmul.f32 v10, v19;
	v19 =	vld [tilespmem:s1+$0x40]  }
0x40b: {  	v9 =	vmul.f32 v27, v27;
	v29 =	vmul.f32 v29, v29;
	v56 =	vmin.u32 v15, $0x9;
	v15 =	vld [tilespmem:s1+$0x430]  }
0x40c: {  	v26 =	vmin.u32 v26, $0x9;
	v7 =	vmul.f32 v16, v7;
	v21 =	vcvt.f32.s32 v21;
	v57 =	vld [tilespmem:s1+$0x4070]  }
0x40d: {  	v16 =	vmul.f32 v6, v8;
	v18 =	vmul.f32 v18, v18;
	v14 =	vld.idx.msk [tilespmem:v14+s21+$0x0], $0xffff;
	v12 =	vadd.f32 v13, v12  }
0x40e: {  	v24 =	vmin.u32 v24, $0x9;
	v17 =	vmin.u32 v4, $0x9;
	vm0 =	vgt.s32 v21, $0x0;
	v25 =	vld.idx.msk [tilespmem:v25+s21+$0x0], $0xffff  }
0x40f: {  	v13 =	vld [tilespmem:s1+$0x4000];
	v18 =	vmul.f32 v18, v22;
	v11 =	vsub.f32 v28, v11;
	v7 =	vadd.f32 v7, v12  }
0x410: {  	v21 =	vnsel vm0, $0x0, v21;
	v28 =	vld [tilespmem:s1+$0x4030];
	v27 =	vsub.f32 v51, v2;
	v4 =	vsub.f32 v50, v51  }
0x411: {  	v55 =	vld [tilespmem:s1+$0x4010];
	v21 =	vmin.u32 v21, $0x9;
	v10 =	vsub.f32 v20, v2;
	v54 =	vsub.f32 v30, v2  }
0x412: {  	v58 =	vld [tilespmem:s1+$0x4410];
	v11 =	vmul.f32 v11, v11;
	v22 =	vsub.f32 v5, v2;
	v6 =	vsub.f32 v19, v30  }
0x413: {  	v15 =	vsub.f32 v15, v20;
	v12 =	vmul.f32 v0, v14;
	v14 =	vld.idx.msk [tilespmem:v17+s21+$0x0], $0xffff;
	v7 =	vadd.f32 v16, v7  }
0x414: {  	v16 =	vld [tilespmem:s1+$0x0];
	v25 =	vmul.f32 v9, v25;
	v9 =	vmul.f32 v27, v1;
	v19 =	vsub.f32 v13, v2  }
0x415: {  	v20 =	vmul.f32 v22, v1;
	v22 =	vld.idx.msk [tilespmem:v24+s21+$0x0], $0xffff;
	v24 =	vsub.f32 v57, v2;
	v8 =	vsub.f32 v31, v28  }
0x416: {  	v27 =	vld [tilespmem:s1+$0x4020];
	v17 =	vsub.f32 v28, v2;
	v28 =	vmul.f32 v54, v1;
	v12 =	vmul.f32 v12, v53  }
0x417: {  	v32 =	vsub.f32 v58, v2;
	v9 =	vtrunc.f32 v9;
	v19 =	vmul.f32 v19, v1  }
0x418: {  	v59 =	vld [tilespmem:s1+$0x410];
	v31 =	vsub.f32 v55, v2;
	v24 =	vmul.f32 v24, v1;
	v20 =	vtrunc.f32 v20  }
0x419: {  	v9 =	vcvt.f32.s32 v9;
	v11 =	vmul.f32 v11, v14;
	v38 =	vsub.f32 v16, v13;
	v16 =	vld [tilespmem:s1+$0x4050]  }
0x41a: {  	v25 =	vadd.f32 v25, v7;
	v14 =	vtrunc.f32 v19;
	v19 =	vmul.f32 v31, v1;
	v31 =	vld [tilespmem:s1+$0x50]  }
0x41b: {  	v7 =	vld [tilespmem:s1+$0x4420];
	v24 =	vtrunc.f32 v24;
	v30 =	vsub.f32 v27, v2;
	v13 =	vcvt.f32.s32 v14  }
0x41c: {  	v22 =	vmul.f32 v52, v22;
	v36 =	vcvt.f32.s32 v24;
	v25 =	vadd.f32 v11, v25  }
0x41d: {  	v11 =	vsub.f32 v59, v58;
	v19 =	vtrunc.f32 v19;
	v30 =	vmul.f32 v30, v1  }
0x41e: {  	v33 =	vmul.f32 v38, v38;
	vm0 =	vgt.s32 v13, $0x0;
	v43 =	vadd.f32 v18, v25  }
0x41f: {  	v41 =	vld [tilespmem:s1+$0x10];
	v14 =	vtrunc.f32 v30;
	v60 =	vsub.f32 v16, v2;
	v16 =	vsub.f32 v31, v16  }
0x420: {  	v39 =	vld [tilespmem:s1+$0x20];
	v31 =	vsub.f32 v7, v2;
	v30 =	vcvt.f32.s32 v14;
	v14 =	vmul.f32 v15, v15  }
0x421: {  	v40 =	vld.idx.msk [tilespmem:v26+s21+$0x0], $0xffff;
	v15 =	vnsel vm0, $0x0, v13;
	v13 =	vmul.f32 v17, v1;
	v26 =	vmul.f32 v60, v1  }
0x422: {  	v62 =	vmin.u32 v15, $0x9;
	v42 =	vmul.f32 v31, v1;
	v31 =	vcvt.f32.s32 v19  }
0x423: {  	v18 =	vld.idx.msk [tilespmem:v21+s21+$0x0], $0xffff;
	v19 =	vcvt.f32.s32 v20;
	vm0 =	vgt.s32 v30, $0x0;
	v17 =	vtrunc.f32 v13  }
0x424: {  	v20 =	vsub.f32 v41, v55;
	v30 =	vnsel vm0, $0x0, v30;
	v61 =	vcvt.f32.s32 v17  }
0x425: {  	v17 =	vsub.f32 v39, v27;
	v27 =	vtrunc.f32 v28;
	v15 =	vtrunc.f32 v26  }
0x426: {  	v28 =	vmul.f32 v23, v40;
	v20 =	vmul.f32 v20, v20;
	vm2 =	vgt.s32 v31, $0x0  }
0x427: {  	v13 =	vld [tilespmem:s1+$0x4400];
	v26 =	vmin.u32 v30, $0x9;
	v30 =	vcvt.f32.s32 v15;
	v15 =	vmul.f32 v32, v1  }
0x428: {  	v23 =	vld [tilespmem:s1+$0x70];
	v29 =	vmul.f32 v29, v18;
	v18 =	vnsel vm2, $0x0, v31;
	vm0 =	vgt.s32 v61, $0x0  }
0x429: {  	v35 =	vmin.u32 v18, $0x9;
	v18 =	vld [tilespmem:s1+$0x400];
	vm1 =	vgt.s32 v30, $0x0;
	v32 =	vtrunc.f32 v15  }
0x42a: {  	v37 =	vadd.f32 v29, v43;
	v29 =	vld [tilespmem:s1+$0x60];
	v30 =	vnsel vm1, $0x0, v30;
	v63 =	vcvt.f32.s32 v32  }
0x42b: {  	v34 =	vtrunc.f32 v42;
	v25 =	vnsel vm0, $0x0, v61;
	v32 =	vld.idx.msk [tilespmem:v56+s21+$0x0], $0xffff;
	v30 =	vmin.u32 v30, $0x9  }
0x42c: {  	vm0 =	vgt.s32 v9, $0x0;
	v15 =	vld [tilespmem:s1+$0x420];
	v21 =	vsub.f32 v13, v2;
	vm2 =	vgt.s32 v63, $0x0  }
0x42d: {  	s4 =	simm.s32 $0x200;
	s2 =	simm.s32 $0x100;
	v31 =	vld.idx.msk [tilespmem:v62+s21+$0x0], $0xffff;
	vm1 =	vgt.s32 v19, $0x0;
	v23 =	vsub.f32 v23, v57;
	v24 =	vnsel vm2, $0x0, v63  }
.LBB2_14:
0x42e: {  	s23 =	smov.u32 s4  }
0x42f: {  	s1 =	sand.u32 $0x1800, s4;
	s5 =	sand.u32 $0x380, s2;
	v26 =	vld.idx.msk [tilespmem:v26+s21+$0x0], $0xffff;
	v27 =	vcvt.f32.s32 v27;
	vm2 =	vgt.s32 v36, $0x0;
	v10 =	vmul.f32 v10, v1;
	s23 =	sadd.s32 $0x100, s4  }
0x430: {  	p0 =	sne.s32 s4, $0x1F00;
	v22 =	vadd.f32 v22, v37;
	v32 =	vmul.f32 v3, v32;
	v3 =	vmovc v14;
	s1 =	sor.u32 s5, s1;
	v36 =	vnsel vm2, $0x0, v36;
	v30 =	vld.idx.msk [tilespmem:v30+s21+$0x0], $0xffff  }
0x431: {  	vm2 =	vgt.s32 v27, $0x0;
	v10 =	vtrunc.f32 v10;
	v14 =	vld.idx.msk [tilespmem:v35+s21+$0x0], $0xffff;
	v35 =	vmin.u32 v36, $0x9  }
0x432: {  	v34 =	vcvt.f32.s32 v34;
	v9 =	vnsel vm0, $0x0, v9;
	v22 =	vadd.f32 v28, v22;
	v36 =	vld [tilespmem:s1+$0x438]  }
0x433: {  	v9 =	vmin.u32 v9, $0x9;
	v31 =	vmul.f32 v33, v31;
	v27 =	vnsel vm2, $0x0, v27;
	v28 =	vld [tilespmem:s1+$0x430]  }
0x434: {  	vm0 =	vgt.s32 v34, $0x0;
	v27 =	vmin.u32 v27, $0x9;
	v22 =	vadd.f32 v32, v22;
	v33 =	vld [tilespmem:s1+$0x4430]  }
0x435: {  	v25 =	vmin.u32 v25, $0x9;
	v23 =	vmul.f32 v23, v23;
	v10 =	vcvt.f32.s32 v10;
	v32 =	vld [tilespmem:s1+$0x4030]  }
0x436: {  	v29 =	vsub.f32 v29, v5;
	v5 =	vnsel vm0, $0x0, v34;
	v12 =	vadd.f32 v12, v22;
	v37 =	vld [tilespmem:s1+$0x4438]  }
0x437: {  	v8 =	vmul.f32 v8, v8;
	v7 =	vsub.f32 v15, v7;
	vm0 =	vgt.s32 v10, $0x0;
	v22 =	vld [tilespmem:s1+$0x30]  }
0x438: {  	v17 =	vmul.f32 v17, v17;
	v21 =	vmul.f32 v21, v1;
	v34 =	vmin.u32 v5, $0x9;
	v15 =	vld [tilespmem:s1+$0x40]  }
0x439: {  	v38 =	vmul.f32 v11, v11;
	v11 =	vmin.u32 v24, $0x9;
	v24 =	vmul.f32 v4, v4;
	v35 =	vld.idx.msk [tilespmem:v35+s21+$0x0], $0xffff  }
0x43a: {  	v4 =	vnsel vm1, $0x0, v19;
	v5 =	vmul.f32 v16, v16;
	v16 =	vtrunc.f32 v21;
	v27 =	vld.idx.msk [tilespmem:v27+s21+$0x0], $0xffff  }
0x43b: {  	v21 =	vmin.u32 v4, $0x9;
	v14 =	vmul.f32 v20, v14;
	v19 =	vsub.f32 v37, v2;
	v20 =	vld.idx.msk [tilespmem:v25+s21+$0x0], $0xffff  }
0x43c: {  	v30 =	vmul.f32 v5, v30;
	v12 =	vadd.f32 v31, v12;
	v4 =	vsub.f32 v36, v37;
	v25 =	vld [tilespmem:s1+$0x4040]  }
0x43d: {  	v16 =	vcvt.f32.s32 v16;
	v31 =	vnsel vm0, $0x0, v10;
	v19 =	vmul.f32 v19, v1;
	v36 =	vld.idx.msk [tilespmem:v9+s21+$0x0], $0xffff  }
0x43e: {  	v18 =	vsub.f32 v18, v13;
	v9 =	vadd.f32 v14, v12;
	v12 =	vmul.f32 v17, v26;
	v5 =	vld [tilespmem:s1+$0x4060]  }
0x43f: {  	v6 =	vmul.f32 v6, v6;
	v13 =	vmul.f32 v29, v29;
	v10 =	vsub.f32 v33, v2;
	v17 =	vld [tilespmem:s1+$0x4020]  }
0x440: {  	v29 =	vmul.f32 v7, v7;
	v19 =	vtrunc.f32 v19;
	v12 =	vadd.f32 v12, v9;
	v14 =	vld [tilespmem:s1+$0x4000]  }
0x441: {  	v8 =	vmul.f32 v8, v20;
	v20 =	vmul.f32 v6, v27;
	v37 =	vld [tilespmem:s1+$0x4010];
	v7 =	vsub.f32 v25, v2  }
0x442: {  	v9 =	vcvt.f32.s32 v19;
	v19 =	vld.idx.msk [tilespmem:v21+s21+$0x0], $0xffff;
	v21 =	vmul.f32 v23, v35;
	v23 =	vmin.u32 v31, $0x9  }
0x443: {  	v12 =	vadd.f32 v8, v12;
	v27 =	vmul.f32 v0, v36;
	v26 =	vsub.f32 v5, v2;
	v39 =	vld [tilespmem:s1+$0x70]  }
0x444: {  	v8 =	vsub.f32 v22, v32;
	v22 =	vsub.f32 v32, v2;
	v31 =	vmul.f32 v7, v1;
	v7 =	vld [tilespmem:s1+$0x4420]  }
0x445: {  	vm0 =	vgt.s32 v16, $0x0;
	v6 =	vsub.f32 v15, v25;
	v15 =	vadd.f32 v20, v12;
	v40 =	vld [tilespmem:s1+$0x4070]  }
0x446: {  	v32 =	vsub.f32 v17, v2;
	v12 =	vmul.f32 v27, v24;
	v25 =	vsub.f32 v14, v2;
	v20 =	vld [tilespmem:s1+$0x0]  }
0x447: {  	v24 =	vsub.f32 v37, v2;
	v30 =	vadd.f32 v30, v15;
	v15 =	vnsel vm0, $0x0, v16;
	v27 =	vld [tilespmem:s1+$0x4410]  }
0x448: {  	v28 =	vsub.f32 v28, v33;
	v16 =	vmul.f32 v25, v1;
	v25 =	vmul.f32 v32, v1;
	v32 =	vld [tilespmem:s1+$0x410]  }
0x449: {  	v26 =	vmul.f32 v26, v1;
	v13 =	vmul.f32 v13, v19;
	v19 =	vmin.u32 v15, $0x9;
	v33 =	vld.idx.msk [tilespmem:v11+s21+$0x0], $0xffff  }
0x44a: {  	v11 =	vtrunc.f32 v16;
	v16 =	vmul.f32 v24, v1;
	v24 =	vsub.f32 v40, v2;
	v15 =	vld [tilespmem:s1+$0x420]  }
0x44b: {  	v41 =	vsub.f32 v20, v14;
	v20 =	vcvt.f32.s32 v11;
	v11 =	vtrunc.f32 v25;
	v25 =	vld [tilespmem:s1+$0x4050]  }
0x44c: {  	v30 =	vadd.f32 v13, v30;
	v35 =	vcvt.f32.s32 v11;
	v36 =	vld [tilespmem:s1+$0x50];
	v24 =	vmul.f32 v24, v1  }
0x44d: {  	v14 =	vmul.f32 v28, v28;
	vm0 =	vgt.s32 v20, $0x0;
	v42 =	vld [tilespmem:s1+$0x20];
	v11 =	vsub.f32 v32, v27  }
0x44e: {  	v13 =	vmul.f32 v22, v1;
	v20 =	vnsel vm0, $0x0, v20;
	vm0 =	vgt.s32 v35, $0x0;
	v32 =	vld.idx.msk [tilespmem:v19+s21+$0x0], $0xffff  }
0x44f: {  	v28 =	vtrunc.f32 v26;
	v22 =	vmul.f32 v38, v33;
	v19 =	vnsel vm0, $0x0, v35  }
0x450: {  	v33 =	vtrunc.f32 v16;
	v16 =	vtrunc.f32 v13;
	v26 =	vsub.f32 v25, v2;
	v13 =	vld [tilespmem:s1+$0x4400]  }
0x451: {  	v35 =	vcvt.f32.s32 v16;
	v16 =	vsub.f32 v36, v25;
	v25 =	vsub.f32 v7, v2;
	v34 =	vld.idx.msk [tilespmem:v34+s21+$0x0], $0xffff  }
0x452: {  	v38 =	vsub.f32 v27, v2;
	v36 =	vld [tilespmem:s1+$0x10];
	v17 =	vsub.f32 v42, v17;
	v26 =	vmul.f32 v26, v1  }
0x453: {  	v27 =	vtrunc.f32 v31;
	vm0 =	vgt.s32 v35, $0x0;
	v42 =	vmin.u32 v20, $0x9  }
0x454: {  	v44 =	vadd.f32 v21, v30;
	v43 =	vmul.f32 v25, v1;
	v20 =	vtrunc.f32 v26  }
0x455: {  	v26 =	vmin.u32 v19, $0x9;
	v30 =	vcvt.f32.s32 v20;
	v20 =	vmul.f32 v38, v1  }
0x456: {  	v31 =	vcvt.f32.s32 v33;
	v19 =	vcvt.f32.s32 v28;
	v21 =	vsub.f32 v13, v2  }
0x457: {  	v18 =	vmul.f32 v18, v18;
	v28 =	vmul.f32 v29, v34;
	v33 =	vsub.f32 v36, v37  }
0x458: {  	v25 =	vnsel vm0, $0x0, v35;
	vm1 =	vgt.s32 v30, $0x0;
	v29 =	vtrunc.f32 v20  }
0x459: {  	vm2 =	vgt.s32 v31, $0x0;
	vm0 =	vgt.s32 v9, $0x0;
	v20 =	vmul.f32 v33, v33  }
.Ltmp6:
0x45a: {  	v30 =	vnsel vm1, $0x0, v30;
	v38 =	vcvt.f32.s32 v29;
	v29 =	vmul.f32 v18, v32;
	v32 =	vld.idx.msk [tilespmem:v23+s21+$0x0], $0xffff;
	(pc) =	sbr.rel @p0 .LBB2_14-.Ltmp6, $4  }
0x45b: {  	v18 =	vnsel vm2, $0x0, v31;
	v30 =	vmin.u32 v30, $0x9;
	v23 =	vtrunc.f32 v24  }
0x45c: {  	v35 =	vmin.u32 v18, $0x9;
	vm2 =	vgt.s32 v38, $0x0;
	v36 =	vcvt.f32.s32 v23;
	v18 =	vld [tilespmem:s1+$0x400]  }
0x45d: {  	v34 =	vtrunc.f32 v43;
	v37 =	vadd.f32 v29, v44;
	v23 =	vsub.f32 v39, v40;
	v31 =	vld.idx.msk [tilespmem:v42+s21+$0x0], $0xffff  }
0x45e: {  	s2 =	sadd.s32 $0x80, s2;
	s4 =	smov.u32 s23;
	vm1 =	vgt.s32 v19, $0x0;
	v33 =	vmul.f32 v41, v41;
	v24 =	vnsel vm2, $0x0, v38;
	v29 =	vld [tilespmem:s1+$0x60]  }
0x45f: {  	_ = 	snop  }
0x460: {  	v2 =	vcvt.f32.s32 v27;
	v22 =	vadd.f32 v22, v37  }
0x461: {  	vm2 =	vgt.s32 v36, $0x0;
	v3 =	vmul.f32 v3, v32  }
0x462: {  	v25 =	vmin.u32 v25, $0x9;
	vm3 =	vgt.s32 v2, $0x0;
	v22 =	vadd.f32 v28, v22  }
0x463: {  	v10 =	vmul.f32 v10, v1;
	v41 =	vld.idx.msk [tilespmem:v35+s21+$0x0], $0xffff;
	v45 =	vcvt.f32.s32 v34;
	v2 =	vnsel vm3, $0x0, v2  }
0x464: {  	v1 =	vmul.f32 v21, v1;
	v2 =	vmin.u32 v2, $0x9;
	v3 =	vadd.f32 v3, v22  }
0x465: {  	v43 =	vld.idx.msk [tilespmem:v26+s21+$0x0], $0xffff;
	v47 =	vmul.f32 v17, v17;
	v48 =	vnsel vm1, $0x0, v19;
	v9 =	vnsel vm0, $0x0, v9  }
0x466: {  	v8 =	vmul.f32 v8, v8;
	v46 =	vmul.f32 v33, v31;
	v3 =	vadd.f32 v12, v3  }
0x467: {  	v42 =	vnsel vm2, $0x0, v36;
	v17 =	vmin.u32 v48, $0x9;
	v1 =	vtrunc.f32 v1;
	v50 =	vld.idx.msk [tilespmem:v25+s21+$0x0], $0xffff  }
0x468: {  	v1 =	vcvt.f32.s32 v1;
	v49 =	vmul.f32 v20, v41;
	v3 =	vadd.f32 v46, v3  }
0x469: {  	v6 =	vmul.f32 v6, v6;
	v53 =	vmin.u32 v24, $0x9;
	v44 =	vmin.u32 v42, $0x9;
	v2 =	vld.idx.msk [tilespmem:v2+s21+$0x0], $0xffff  }
0x46a: {  	v51 =	vld.idx.msk [tilespmem:v30+s21+$0x0], $0xffff;
	vm14 =	vgt.s32 v1, $0x0;
	v12 =	vmul.f32 v47, v43;
	v3 =	vadd.f32 v49, v3  }
0x46b: {  	v10 =	vtrunc.f32 v10;
	vm13 =	vgt.s32 v45, $0x0;
	v1 =	vnsel vm14, $0x0, v1  }
0x46c: {  	v1 =	vmin.u32 v1, $0x9;
	v8 =	vmul.f32 v8, v50;
	v3 =	vadd.f32 v12, v3  }
0x46d: {  	v16 =	vmul.f32 v16, v16;
	v10 =	vcvt.f32.s32 v10;
	v52 =	vnsel vm13, $0x0, v45;
	v17 =	vld.idx.msk [tilespmem:v17+s21+$0x0], $0xffff  }
0x46e: {  	v5 =	vsub.f32 v29, v5;
	v2 =	vmul.f32 v6, v2;
	v3 =	vadd.f32 v8, v3  }
0x46f: {  	v55 =	vmin.u32 v52, $0x9;
	vm15 =	vgt.s32 v10, $0x0;
	v57 =	vmul.f32 v16, v51;
	v56 =	vld.idx.msk [tilespmem:v44+s21+$0x0], $0xffff  }
0x470: {  	v5 =	vmul.f32 v5, v5;
	v10 =	vnsel vm15, $0x0, v10;
	v2 =	vadd.f32 v2, v3  }
0x471: {  	v54 =	vmin.u32 v9, $0x9;
	v13 =	vsub.f32 v18, v13;
	v10 =	vmin.u32 v10, $0x9;
	v1 =	vld.idx.msk [tilespmem:v1+s21+$0x0], $0xffff  }
0x472: {  	v5 =	vmul.f32 v5, v17;
	v3 =	vmul.f32 v23, v23;
	v2 =	vadd.f32 v57, v2  }
0x473: {  	v58 =	vld.idx.msk [tilespmem:v53+s21+$0x0], $0xffff  }
0x474: {  	v59 =	vmul.f32 v13, v13;
	v3 =	vmul.f32 v3, v56;
	v2 =	vadd.f32 v5, v2  }
0x475: {  	v7 =	vsub.f32 v15, v7;
	v8 =	vld.idx.msk [tilespmem:v55+s21+$0x0], $0xffff  }
0x476: {  	v60 =	vmul.f32 v11, v11;
	v6 =	vld.idx.msk [tilespmem:v54+s21+$0x0], $0xffff;
	v1 =	vmul.f32 v59, v1;
	v2 =	vadd.f32 v3, v2  }
0x477: {  	v3 =	vld.idx.msk [tilespmem:v10+s21+$0x0], $0xffff  }
0x478: {  	v61 =	vmul.f32 v7, v7;
	v62 =	vmul.f32 v60, v58;
	v1 =	vadd.f32 v1, v2;
	_ =	sdelay $0x1  }
0x479: {  	v2 =	vmul.f32 v61, v8;
	v1 =	vadd.f32 v62, v1  }
0x47a: {  	v4 =	vmul.f32 v4, v4  }
0x47b: {  	v63 =	vmul.f32 v0, v6;
	v3 =	vmul.f32 v14, v3;
	v1 =	vadd.f32 v2, v1;
	_ =	sdelay $0x1  }
0x47c: {  	v2 =	vmul.f32 v63, v4;
	v1 =	vadd.f32 v3, v1;
	_ =	sdelay $0x1  }
0x47d: {  	s0 =	sadd.s32 $0x1, s0;
	v1 =	vadd.f32 v2, v1  }
0x47e: {  	p0 =	sne.s32 s0, s20  }
.Ltmp7:
0x47f: {  	s1 =	simm.s32 $0x8100;
	[tilespmem:$0x8100] =	vst v1;
	(pc) =	sbr.rel @p0 .LBB2_1-.Ltmp7, $4  }
0x480: {  	[hbm4b:s19+s3] =	stream.linear.scatter [tilespmem:s1], [sflag:$0x5], $0x80, $0x38;
	[tilespmem:$0x8180] =	vst v63  }
0x481: {  	_ =	swait.ge [sflag:s22], $0x80  }
0x482: {  	[sflag:s22] =	ssyncset.done $0x0  }
0x483: {  	[sflag:s22] =	ssyncadd.s32 $0xFFFFFF80  }
0x484: {  	_ =	sfence.sel $0x180000  }
0x485: {  	[bflag:$0x0] =	sbarrier.arrive $0xFFFF  }
0x486: {  	_ =	strace $0x90000047  }
0x487: {  	s0 =	stileid.u32;
	[bflag:$0x2] =	sbarrier.arrive $0xFFFF  }
0x488: {  	p0 =	sne.s32 s0, $0x0;
	s0 =	rddreg [dreg:$0x2]  }
0x489: {  	s0 =	sadd.s32 @!p0 $0x100000, s0  }
0x48a: {  	[sflag:s0] =	ssyncadd.tile.s32 @!p0 $0x1;
	_ =	shalt  }
.Lfunc_end2:
_tile_overlayer_lowered:
.L_overlay_start_2:
0x48b: {  	(tag) =	ssettag $0x2  }
0x48c: {  	s0 =	rddreg [dreg:$0x0];
	s2 =	stileid.u32  }
0x48d: {  	s1 =	rddreg [dreg:$0x1];
	p0 =	sne.s32 s2, $0x0  }
0x48e: {  	s3 =	rddreg [dreg:$0x2];
	[bflag:$0x3] =	sbarrier.arrive $0xFFFF;
	s2 =	simm.s32 @!p0 $0x1C05  }
0x48f: {  	[timem:s3], [sflag:s2] =	dma.local @!p0 [hbm:s0], s1  }
0x490: {  	s0 =	simm.s32 @!p0 $0x5  }
0x491: {  	_ =	swait.ge @!p0 [sflag:s0], s1  }
0x492: {  	s1 =	ssub.s32 @!p0 $0x0, s1;
	[sflag:s0] =	ssyncset.done @!p0 $0x0  }
0x493: {  	[sflag:s0] =	ssyncadd.s32 @!p0 s1  }
0x494: {  	[bflag:$0x3] =	sbarrier.arrive $0xFFFF  }
0x495: {  	_ =	shalt  }

</sc_bundles>
